<compile_context>
chip_gen: v7x
topology: tpu7x:2x2x1
jax: 0.10.2.dev20260603
libtpu: 0.0.44.dev20260713+nightly
codegen_flags: <defaults>
</compile_context>

<pallas_src>
import jax
import jax.numpy as jnp
from jax import lax
from jax.experimental import pallas as pl
from jax.experimental.pallas import tpu as pltpu
from jax.experimental.pallas import tpu_sc as plsc

_TAU = 0.001
_NBB = 8
_GBLK = 4
_GPW = 16
_CH = 32
_NPN8 = 8


def _sc_body(x_hbm, wn_hbm, o_hbm, p_v, x_v, o_v):
    cid = lax.axis_index("c")
    sid = lax.axis_index("s")
    wid = sid * 2 + cid
    gb = lax.rem(wid, _GBLK) * _GPW
    rpw = x_hbm.shape[0] // _NBB
    rb = (wid // _GBLK) * rpw

    pltpu.sync_copy(wn_hbm.at[:, pl.ds(gb, _GPW)], p_v)

    def smax_g(g, carry):
        for n in range(8):
            vs = [p_v[n, g, pl.ds(i * 16, 16)] for i in range(16)]
            m = vs[0]
            for i in range(1, 16):
                m = jnp.maximum(m, vs[i])
            es = [jnp.exp((vs[i] - m) * (1.0 / _TAU)) for i in range(16)]
            s = es[0]
            for i in range(1, 16):
                s = s + es[i]
            r = 1.0 / s
            for i in range(16):
                p_v[n, g, pl.ds(i * 16, 16)] = es[i] * r
        return carry
    lax.fori_loop(0, _GPW, smax_g, 0)

    def chunk(ch, carry):
        row0 = rb + ch * _CH
        pltpu.sync_copy(x_hbm.at[pl.ds(row0, _CH), pl.ds(gb * 16, _GPW * 16)],
                        x_v)

        def g_body(g, carry2):
            for nq in range(4):
                pv = [[p_v[2 * nq + h, g, pl.ds(i * 16, 16)] for i in range(16)]
                      for h in range(2)]

                def b_body(b, carry3):
                    xv = x_v[b, pl.ds(g * 16, 16)]
                    xs = [xv[i] for i in range(16)]
                    for h in range(2):
                        acc = pv[h][0] * xs[0]
                        for i in range(1, 16):
                            acc = acc + pv[h][i] * xs[i]
                        o_v[2 * nq + h, b, pl.ds(g * 16, 16)] = acc
                    return carry3
                lax.fori_loop(0, _CH, b_body, 0)
            return carry2
        lax.fori_loop(0, _GPW, g_body, 0)

        for n in range(8):
            pltpu.sync_copy(
                o_v.at[n],
                o_hbm.at[pl.ds(row0, _CH), n, pl.ds(gb * 16, _GPW * 16)])
        return carry
    lax.fori_loop(0, x_hbm.shape[0] // _NBB // _CH, chunk, 0)


def kernel(x, W):
    B = x.shape[0]
    wn = jnp.transpose(W, (2, 0, 3, 1)).reshape(_NPN8, 64, 256)
    mesh = plsc.VectorSubcoreMesh(core_axis_name="c", subcore_axis_name="s",
                                  num_cores=2, num_subcores=16)
    out3 = pl.kernel(
        _sc_body,
        out_type=jax.ShapeDtypeStruct((B, 8, 1024), jnp.float32),
        mesh=mesh,
        scratch_types=[
            pltpu.VMEM((8, _GPW, 256), jnp.float32),
            pltpu.VMEM((_CH, _GPW * 16), jnp.float32),
            pltpu.VMEM((8, _CH, _GPW * 16), jnp.float32),
        ],
    )(x, wn)
    return jnp.transpose(out3, (0, 2, 1))

# --- scband reference (transcript-rebuilt; emitter-appended) ---
"""Pipeline reference for scband-grouped-mapping-module-35270271435287 (READ-ONLY COPY).

The authoritative reference and input builder live on the scoring server;
editing this copy changes nothing except your own understanding.
"""

import jax, jax.numpy as jnp
import numpy as np

INPUT_SIZE = 1024
OUTPUT_SIZE = 1024
N_PER_NODE = 8
NUM_GROUPS = 64
TAU = 0.001
BATCH = 4096
GROUP_SIZE = INPUT_SIZE // NUM_GROUPS  # 16 (overlap=0.0)
NODES_PER_GROUP = (OUTPUT_SIZE + NUM_GROUPS - 1) // NUM_GROUPS  # 16


def setup_inputs(seed: int = 0) -> dict:
    key = jax.random.key(seed)
    kx, kw = jax.random.split(key)
    x = jax.random.normal(kx, (BATCH, INPUT_SIZE), dtype=jnp.float32)
    # xavier_uniform on each (NODES_PER_GROUP, N_PER_NODE, GROUP_SIZE) weight,
    # torch fan_in = N_PER_NODE * GROUP_SIZE, fan_out = NODES_PER_GROUP * GROUP_SIZE
    fan_in = N_PER_NODE * GROUP_SIZE
    fan_out = NODES_PER_GROUP * GROUP_SIZE
    bound = float(np.sqrt(6.0 / (fan_in + fan_out)))
    # all groups have identical shapes (overlap=0, input_size divisible by num_groups),
    # so the ParameterList is materialized as one stacked tensor
    W = jax.random.uniform(kw, (NUM_GROUPS, NODES_PER_GROUP, N_PER_NODE, GROUP_SIZE),
                           minval=-bound, maxval=bound, dtype=jnp.float32) + 0.1
    return {"x": x, "W": W}


def reference(x, W):
    # training-mode forward (module default): soft selection via low-temperature softmax
    weights = jax.nn.softmax(W / TAU, axis=-1)  # [G, Ng, n, gs]
    xg = x.reshape(x.shape[0], NUM_GROUPS, GROUP_SIZE)  # [B, G, gs]
    out = jnp.einsum('bgi,goni->bgon', xg, weights)  # [B, G, Ng, n]
    return out.reshape(x.shape[0], OUTPUT_SIZE, N_PER_NODE)

if __name__ == "__main__":
    import jax
    _d = setup_inputs()
    print(jax.jit(kernel)(*tuple(_d.values())))

</pallas_src>

<mosaic_0001>
#map = affine_map<(d0, d1) -> (0, 0)>
#map1 = affine_map<(d0, d1) -> (0, 0, 0)>
module attributes {stable_mosaic.version = 14 : i64} {
  func.func @_sc_body(%arg0: i32, %arg1: i32, %arg2: memref<4096x1024xf32, #tpu.memory_space<hbm>>, %arg3: memref<8x64x256xf32, #tpu.memory_space<hbm>>, %arg4: memref<4096x8x1024xf32, #tpu.memory_space<hbm>>, %arg5: memref<8x16x256xf32, #tpu.memory_space<vmem>>, %arg6: memref<32x256xf32, #tpu.memory_space<vmem>>, %arg7: memref<8x32x256xf32, #tpu.memory_space<vmem>>) attributes {dimension_semantics = [#tpu.dimension_semantics<core_parallel>, #tpu.dimension_semantics<subcore_parallel>], iteration_bounds = array<i64: 2, 16>, scalar_prefetch = 0 : i64, scratch_operands = 3 : i64, tpu.core_type = #tpu.core_type<sc_vector_subcore>, window_params = [{transform_indices = #map}, {transform_indices = #map1}, {transform_indices = #map1}]} {
    %mul3A = arith.constant 2 : i32
    %mul3A_0 = arith.muli %arg1, %mul3A : i32
    %add3A = arith.addi %mul3A_0, %arg0 : i32
    %rem3A = arith.constant 4 : i32
    %rem3A_1 = arith.remsi %add3A, %rem3A : i32
    %mul3A_2 = arith.constant 16 : i32
    %mul3A_3 = arith.muli %rem3A_1, %mul3A_2 : i32
    %jit3A = arith.constant 4 : i32
    %div3A = arith.divsi %add3A, %jit3A : i32
    %sign3A = arith.constant 0 : i32
    %sign3A_4 = arith.cmpi sgt, %add3A, %sign3A : i32
    %sign3A_5 = arith.extui %sign3A_4 : i1 to i32
    %sign3A_6 = arith.constant 0 : i32
    %sign3A_7 = arith.cmpi slt, %add3A, %sign3A_6 : i32
    %sign3A_8 = arith.extui %sign3A_7 : i1 to i32
    %sign3A_9 = arith.subi %sign3A_5, %sign3A_8 : i32
    %sign3A_10 = arith.constant 0 : i32
    %sign3A_11 = arith.cmpi sgt, %jit3A, %sign3A_10 : i32
    %sign3A_12 = arith.extui %sign3A_11 : i1 to i32
    %sign3A_13 = arith.constant 0 : i32
    %sign3A_14 = arith.cmpi slt, %jit3A, %sign3A_13 : i32
    %sign3A_15 = arith.extui %sign3A_14 : i1 to i32
    %sign3A_16 = arith.subi %sign3A_12, %sign3A_15 : i32
    %ne3A = arith.cmpi ne, %sign3A_9, %sign3A_16 : i32
    %rem3A_17 = arith.remsi %add3A, %jit3A : i32
    %ne3A_18 = arith.constant 0 : i32
    %ne3A_19 = arith.cmpi ne, %rem3A_17, %ne3A_18 : i32
    %and3A = arith.andi %ne3A, %ne3A_19 : i1
    %sub3A = arith.constant 1 : i32
    %sub3A_20 = arith.subi %div3A, %sub3A : i32
    %select_n3A = arith.select %and3A, %sub3A_20, %div3A : i32
    %mul3A_21 = arith.constant 512 : i32
    %mul3A_22 = arith.muli %select_n3A, %mul3A_21 : i32
    "tpu.region"() ({
      %run_scoped3A = tpu.sem_alloc : memref<!tpu.dma_semaphore, #tpu.memory_space<semaphore_mem>>
      %dma_start3A = arith.constant 0 : i32
      %dma_start3A_34 = arith.constant 0 : i32
      %dma_start3A_35 = tpu.memref_slice %arg3[%dma_start3A, %mul3A_3, %dma_start3A_34] : memref<8x64x256xf32, #tpu.memory_space<hbm>> -> memref<8x16x256xf32, #tpu.memory_space<hbm>>
      %dma_start3A_36 = arith.constant 0 : i32
      %dma_start3A_37 = arith.constant 0 : i32
      %dma_start3A_38 = tpu.memref_slice %arg3[%dma_start3A_36, %mul3A_3, %dma_start3A_37] : memref<8x64x256xf32, #tpu.memory_space<hbm>> -> memref<8x16x256xf32, #tpu.memory_space<hbm>>
      tpu.enqueue_dma source(%dma_start3A_38 : memref<8x16x256xf32, #tpu.memory_space<hbm>>) target(%arg5 : memref<8x16x256xf32, #tpu.memory_space<vmem>>) target_semaphore(%run_scoped3A : memref<!tpu.dma_semaphore, #tpu.memory_space<semaphore_mem>>)
      %dma_wait3A = arith.constant 0 : i32
      %dma_wait3A_39 = arith.constant 0 : i32
      %dma_wait3A_40 = tpu.memref_slice %arg3[%dma_wait3A, %mul3A_3, %dma_wait3A_39] : memref<8x64x256xf32, #tpu.memory_space<hbm>> -> memref<8x16x256xf32, #tpu.memory_space<hbm>>
      %dma_wait3A_41 = arith.constant 0 : i32
      %dma_wait3A_42 = arith.constant 0 : i32
      %dma_wait3A_43 = tpu.memref_slice %arg3[%dma_wait3A_41, %mul3A_3, %dma_wait3A_42] : memref<8x64x256xf32, #tpu.memory_space<hbm>> -> memref<8x16x256xf32, #tpu.memory_space<hbm>>
      tpu.wait_dma2 semaphore(%run_scoped3A : memref<!tpu.dma_semaphore, #tpu.memory_space<semaphore_mem>>) src(%dma_wait3A_43 : memref<8x16x256xf32, #tpu.memory_space<hbm>>) dst(%arg5 : memref<8x16x256xf32, #tpu.memory_space<vmem>>)
      tpu.yield
    }) : () -> ()
    %scan3A = arith.constant 0 : i32
    %scan3A_23 = arith.constant 0 : i32
    %scan3A_24 = arith.constant 16 : i32
    %scan3A_25 = arith.addi %scan3A_23, %scan3A_24 : i32
    %scan3A_26 = arith.constant 1 : i32
    scf.for %scan3A_34 = %scan3A_23 to %scan3A_25 step %scan3A_26  : i32 {
      %get3A = arith.constant 0 : i32
      %get3A_35 = arith.index_cast %get3A : i32 to index
      %get3A_36 = arith.index_cast %scan3A_34 : i32 to index
      %get3A_37 = arith.constant 0 : index
      %get3A_38 = tpu.vector_load %arg5[%get3A_35, %get3A_36, %get3A_37] {strides = array<i32>} : memref<8x16x256xf32, #tpu.memory_space<vmem>>, vector<1x1x16xf32>,
      %get3A_39 = vector.shape_cast %get3A_38 : vector<1x1x16xf32> to vector<16xf32>
      %get3A_40 = arith.constant 0 : i32
      %get3A_41 = arith.index_cast %get3A_40 : i32 to index
      %get3A_42 = arith.index_cast %scan3A_34 : i32 to index
      %get3A_43 = arith.constant 16 : index
      %get3A_44 = tpu.vector_load %arg5[%get3A_41, %get3A_42, %get3A_43] {strides = array<i32>} : memref<8x16x256xf32, #tpu.memory_space<vmem>>, vector<1x1x16xf32>,
      %get3A_45 = vector.shape_cast %get3A_44 : vector<1x1x16xf32> to vector<16xf32>
      %get3A_46 = arith.constant 0 : i32
      %get3A_47 = arith.index_cast %get3A_46 : i32 to index
      %get3A_48 = arith.index_cast %scan3A_34 : i32 to index
      %get3A_49 = arith.constant 32 : index
      %get3A_50 = tpu.vector_load %arg5[%get3A_47, %get3A_48, %get3A_49] {strides = array<i32>} : memref<8x16x256xf32, #tpu.memory_space<vmem>>, vector<1x1x16xf32>,
      %get3A_51 = vector.shape_cast %get3A_50 : vector<1x1x16xf32> to vector<16xf32>
      %get3A_52 = arith.constant 0 : i32
      %get3A_53 = arith.index_cast %get3A_52 : i32 to index
      %get3A_54 = arith.index_cast %scan3A_34 : i32 to index
      %get3A_55 = arith.constant 48 : index
      %get3A_56 = tpu.vector_load %arg5[%get3A_53, %get3A_54, %get3A_55] {strides = array<i32>} : memref<8x16x256xf32, #tpu.memory_space<vmem>>, vector<1x1x16xf32>,
      %get3A_57 = vector.shape_cast %get3A_56 : vector<1x1x16xf32> to vector<16xf32>
      %get3A_58 = arith.constant 0 : i32
      %get3A_59 = arith.index_cast %get3A_58 : i32 to index
      %get3A_60 = arith.index_cast %scan3A_34 : i32 to index
      %get3A_61 = arith.constant 64 : index
      %get3A_62 = tpu.vector_load %arg5[%get3A_59, %get3A_60, %get3A_61] {strides = array<i32>} : memref<8x16x256xf32, #tpu.memory_space<vmem>>, vector<1x1x16xf32>,
      %get3A_63 = vector.shape_cast %get3A_62 : vector<1x1x16xf32> to vector<16xf32>
      %get3A_64 = arith.constant 0 : i32
      %get3A_65 = arith.index_cast %get3A_64 : i32 to index
      %get3A_66 = arith.index_cast %scan3A_34 : i32 to index
      %get3A_67 = arith.constant 80 : index
      %get3A_68 = tpu.vector_load %arg5[%get3A_65, %get3A_66, %get3A_67] {strides = array<i32>} : memref<8x16x256xf32, #tpu.memory_space<vmem>>, vector<1x1x16xf32>,
      %get3A_69 = vector.shape_cast %get3A_68 : vector<1x1x16xf32> to vector<16xf32>
      %get3A_70 = arith.constant 0 : i32
      %get3A_71 = arith.index_cast %get3A_70 : i32 to index
      %get3A_72 = arith.index_cast %scan3A_34 : i32 to index
      %get3A_73 = arith.constant 96 : index
      %get3A_74 = tpu.vector_load %arg5[%get3A_71, %get3A_72, %get3A_73] {strides = array<i32>} : memref<8x16x256xf32, #tpu.memory_space<vmem>>, vector<1x1x16xf32>,
      %get3A_75 = vector.shape_cast %get3A_74 : vector<1x1x16xf32> to vector<16xf32>
      %get3A_76 = arith.constant 0 : i32
      %get3A_77 = arith.index_cast %get3A_76 : i32 to index
      %get3A_78 = arith.index_cast %scan3A_34 : i32 to index
      %get3A_79 = arith.constant 112 : index
      %get3A_80 = tpu.vector_load %arg5[%get3A_77, %get3A_78, %get3A_79] {strides = array<i32>} : memref<8x16x256xf32, #tpu.memory_space<vmem>>, vector<1x1x16xf32>,
      %get3A_81 = vector.shape_cast %get3A_80 : vector<1x1x16xf32> to vector<16xf32>
      %get3A_82 = arith.constant 0 : i32
      %get3A_83 = arith.index_cast %get3A_82 : i32 to index
      %get3A_84 = arith.index_cast %scan3A_34 : i32 to index
      %get3A_85 = arith.constant 128 : index
      %get3A_86 = tpu.vector_load %arg5[%get3A_83, %get3A_84, %get3A_85] {strides = array<i32>} : memref<8x16x256xf32, #tpu.memory_space<vmem>>, vector<1x1x16xf32>,
      %get3A_87 = vector.shape_cast %get3A_86 : vector<1x1x16xf32> to vector<16xf32>
      %get3A_88 = arith.constant 0 : i32
      %get3A_89 = arith.index_cast %get3A_88 : i32 to index
      %get3A_90 = arith.index_cast %scan3A_34 : i32 to index
      %get3A_91 = arith.constant 144 : index
      %get3A_92 = tpu.vector_load %arg5[%get3A_89, %get3A_90, %get3A_91] {strides = array<i32>} : memref<8x16x256xf32, #tpu.memory_space<vmem>>, vector<1x1x16xf32>,
      %get3A_93 = vector.shape_cast %get3A_92 : vector<1x1x16xf32> to vector<16xf32>
      %get3A_94 = arith.constant 0 : i32
      %get3A_95 = arith.index_cast %get3A_94 : i32 to index
      %get3A_96 = arith.index_cast %scan3A_34 : i32 to index
      %get3A_97 = arith.constant 160 : index
      %get3A_98 = tpu.vector_load %arg5[%get3A_95, %get3A_96, %get3A_97] {strides = array<i32>} : memref<8x16x256xf32, #tpu.memory_space<vmem>>, vector<1x1x16xf32>,
      %get3A_99 = vector.shape_cast %get3A_98 : vector<1x1x16xf32> to vector<16xf32>
      %get3A_100 = arith.constant 0 : i32
      %get3A_101 = arith.index_cast %get3A_100 : i32 to index
      %get3A_102 = arith.index_cast %scan3A_34 : i32 to index
      %get3A_103 = arith.constant 176 : index
      %get3A_104 = tpu.vector_load %arg5[%get3A_101, %get3A_102, %get3A_103] {strides = array<i32>} : memref<8x16x256xf32, #tpu.memory_space<vmem>>, vector<1x1x16xf32>,
      %get3A_105 = vector.shape_cast %get3A_104 : vector<1x1x16xf32> to vector<16xf32>
      %get3A_106 = arith.constant 0 : i32
      %get3A_107 = arith.index_cast %get3A_106 : i32 to index
      %get3A_108 = arith.index_cast %scan3A_34 : i32 to index
      %get3A_109 = arith.constant 192 : index
      %get3A_110 = tpu.vector_load %arg5[%get3A_107, %get3A_108, %get3A_109] {strides = array<i32>} : memref<8x16x256xf32, #tpu.memory_space<vmem>>, vector<1x1x16xf32>,
      %get3A_111 = vector.shape_cast %get3A_110 : vector<1x1x16xf32> to vector<16xf32>
      %get3A_112 = arith.constant 0 : i32
      %get3A_113 = arith.index_cast %get3A_112 : i32 to index
      %get3A_114 = arith.index_cast %scan3A_34 : i32 to index
      %get3A_115 = arith.constant 208 : index
      %get3A_116 = tpu.vector_load %arg5[%get3A_113, %get3A_114, %get3A_115] {strides = array<i32>} : memref<8x16x256xf32, #tpu.memory_space<vmem>>, vector<1x1x16xf32>,
      %get3A_117 = vector.shape_cast %get3A_116 : vector<1x1x16xf32> to vector<16xf32>
      %get3A_118 = arith.constant 0 : i32
      %get3A_119 = arith.index_cast %get3A_118 : i32 to index
      %get3A_120 = arith.index_cast %scan3A_34 : i32 to index
      %get3A_121 = arith.constant 224 : index
      %get3A_122 = tpu.vector_load %arg5[%get3A_119, %get3A_120, %get3A_121] {strides = array<i32>} : memref<8x16x256xf32, #tpu.memory_space<vmem>>, vector<1x1x16xf32>,
      %get3A_123 = vector.shape_cast %get3A_122 : vector<1x1x16xf32> to vector<16xf32>
      %get3A_124 = arith.constant 0 : i32
      %get3A_125 = arith.index_cast %get3A_124 : i32 to index
      %get3A_126 = arith.index_cast %scan3A_34 : i32 to index
      %get3A_127 = arith.constant 240 : index
      %get3A_128 = tpu.vector_load %arg5[%get3A_125, %get3A_126, %get3A_127] {strides = array<i32>} : memref<8x16x256xf32, #tpu.memory_space<vmem>>, vector<1x1x16xf32>,
      %get3A_129 = vector.shape_cast %get3A_128 : vector<1x1x16xf32> to vector<16xf32>
      %max3A = arith.maximumf %get3A_39, %get3A_45 : vector<16xf32>
      %max3A_130 = arith.maximumf %max3A, %get3A_51 : vector<16xf32>
      %max3A_131 = arith.maximumf %max3A_130, %get3A_57 : vector<16xf32>
      %max3A_132 = arith.maximumf %max3A_131, %get3A_63 : vector<16xf32>
      %max3A_133 = arith.maximumf %max3A_132, %get3A_69 : vector<16xf32>
      %max3A_134 = arith.maximumf %max3A_133, %get3A_75 : vector<16xf32>
      %max3A_135 = arith.maximumf %max3A_134, %get3A_81 : vector<16xf32>
      %max3A_136 = arith.maximumf %max3A_135, %get3A_87 : vector<16xf32>
      %max3A_137 = arith.maximumf %max3A_136, %get3A_93 : vector<16xf32>
      %max3A_138 = arith.maximumf %max3A_137, %get3A_99 : vector<16xf32>
      %max3A_139 = arith.maximumf %max3A_138, %get3A_105 : vector<16xf32>
      %max3A_140 = arith.maximumf %max3A_139, %get3A_111 : vector<16xf32>
      %max3A_141 = arith.maximumf %max3A_140, %get3A_117 : vector<16xf32>
      %max3A_142 = arith.maximumf %max3A_141, %get3A_123 : vector<16xf32>
      %max3A_143 = arith.maximumf %max3A_142, %get3A_129 : vector<16xf32>
      %sub3A_144 = arith.subf %get3A_39, %max3A_143 : vector<16xf32>
      %mul3A_145 = arith.constant 1.000000e+03 : f32
      %mul3A_146 = vector.broadcast %mul3A_145 : f32 to vector<16xf32>
      %mul3A_147 = arith.mulf %sub3A_144, %mul3A_146 : vector<16xf32>
      %exp3A = math.exp %mul3A_147 : vector<16xf32>
      %sub3A_148 = arith.subf %get3A_45, %max3A_143 : vector<16xf32>
      %mul3A_149 = arith.constant 1.000000e+03 : f32
      %mul3A_150 = vector.broadcast %mul3A_149 : f32 to vector<16xf32>
      %mul3A_151 = arith.mulf %sub3A_148, %mul3A_150 : vector<16xf32>
      %exp3A_152 = math.exp %mul3A_151 : vector<16xf32>
      %sub3A_153 = arith.subf %get3A_51, %max3A_143 : vector<16xf32>
      %mul3A_154 = arith.constant 1.000000e+03 : f32
      %mul3A_155 = vector.broadcast %mul3A_154 : f32 to vector<16xf32>
      %mul3A_156 = arith.mulf %sub3A_153, %mul3A_155 : vector<16xf32>
      %exp3A_157 = math.exp %mul3A_156 : vector<16xf32>
      %sub3A_158 = arith.subf %get3A_57, %max3A_143 : vector<16xf32>
      %mul3A_159 = arith.constant 1.000000e+03 : f32
      %mul3A_160 = vector.broadcast %mul3A_159 : f32 to vector<16xf32>
      %mul3A_161 = arith.mulf %sub3A_158, %mul3A_160 : vector<16xf32>
      %exp3A_162 = math.exp %mul3A_161 : vector<16xf32>
      %sub3A_163 = arith.subf %get3A_63, %max3A_143 : vector<16xf32>
      %mul3A_164 = arith.constant 1.000000e+03 : f32
      %mul3A_165 = vector.broadcast %mul3A_164 : f32 to vector<16xf32>
      %mul3A_166 = arith.mulf %sub3A_163, %mul3A_165 : vector<16xf32>
      %exp3A_167 = math.exp %mul3A_166 : vector<16xf32>
      %sub3A_168 = arith.subf %get3A_69, %max3A_143 : vector<16xf32>
      %mul3A_169 = arith.constant 1.000000e+03 : f32
      %mul3A_170 = vector.broadcast %mul3A_169 : f32 to vector<16xf32>
      %mul3A_171 = arith.mulf %sub3A_168, %mul3A_170 : vector<16xf32>
      %exp3A_172 = math.exp %mul3A_171 : vector<16xf32>
      %sub3A_173 = arith.subf %get3A_75, %max3A_143 : vector<16xf32>
      %mul3A_174 = arith.constant 1.000000e+03 : f32
      %mul3A_175 = vector.broadcast %mul3A_174 : f32 to vector<16xf32>
      %mul3A_176 = arith.mulf %sub3A_173, %mul3A_175 : vector<16xf32>
      %exp3A_177 = math.exp %mul3A_176 : vector<16xf32>
      %sub3A_178 = arith.subf %get3A_81, %max3A_143 : vector<16xf32>
      %mul3A_179 = arith.constant 1.000000e+03 : f32
      %mul3A_180 = vector.broadcast %mul3A_179 : f32 to vector<16xf32>
      %mul3A_181 = arith.mulf %sub3A_178, %mul3A_180 : vector<16xf32>
      %exp3A_182 = math.exp %mul3A_181 : vector<16xf32>
      %sub3A_183 = arith.subf %get3A_87, %max3A_143 : vector<16xf32>
      %mul3A_184 = arith.constant 1.000000e+03 : f32
      %mul3A_185 = vector.broadcast %mul3A_184 : f32 to vector<16xf32>
      %mul3A_186 = arith.mulf %sub3A_183, %mul3A_185 : vector<16xf32>
      %exp3A_187 = math.exp %mul3A_186 : vector<16xf32>
      %sub3A_188 = arith.subf %get3A_93, %max3A_143 : vector<16xf32>
      %mul3A_189 = arith.constant 1.000000e+03 : f32
      %mul3A_190 = vector.broadcast %mul3A_189 : f32 to vector<16xf32>
      %mul3A_191 = arith.mulf %sub3A_188, %mul3A_190 : vector<16xf32>
      %exp3A_192 = math.exp %mul3A_191 : vector<16xf32>
      %sub3A_193 = arith.subf %get3A_99, %max3A_143 : vector<16xf32>
      %mul3A_194 = arith.constant 1.000000e+03 : f32
      %mul3A_195 = vector.broadcast %mul3A_194 : f32 to vector<16xf32>
      %mul3A_196 = arith.mulf %sub3A_193, %mul3A_195 : vector<16xf32>
      %exp3A_197 = math.exp %mul3A_196 : vector<16xf32>
      %sub3A_198 = arith.subf %get3A_105, %max3A_143 : vector<16xf32>
      %mul3A_199 = arith.constant 1.000000e+03 : f32
      %mul3A_200 = vector.broadcast %mul3A_199 : f32 to vector<16xf32>
      %mul3A_201 = arith.mulf %sub3A_198, %mul3A_200 : vector<16xf32>
      %exp3A_202 = math.exp %mul3A_201 : vector<16xf32>
      %sub3A_203 = arith.subf %get3A_111, %max3A_143 : vector<16xf32>
      %mul3A_204 = arith.constant 1.000000e+03 : f32
      %mul3A_205 = vector.broadcast %mul3A_204 : f32 to vector<16xf32>
      %mul3A_206 = arith.mulf %sub3A_203, %mul3A_205 : vector<16xf32>
      %exp3A_207 = math.exp %mul3A_206 : vector<16xf32>
      %sub3A_208 = arith.subf %get3A_117, %max3A_143 : vector<16xf32>
      %mul3A_209 = arith.constant 1.000000e+03 : f32
      %mul3A_210 = vector.broadcast %mul3A_209 : f32 to vector<16xf32>
      %mul3A_211 = arith.mulf %sub3A_208, %mul3A_210 : vector<16xf32>
      %exp3A_212 = math.exp %mul3A_211 : vector<16xf32>
      %sub3A_213 = arith.subf %get3A_123, %max3A_143 : vector<16xf32>
      %mul3A_214 = arith.constant 1.000000e+03 : f32
      %mul3A_215 = vector.broadcast %mul3A_214 : f32 to vector<16xf32>
      %mul3A_216 = arith.mulf %sub3A_213, %mul3A_215 : vector<16xf32>
      %exp3A_217 = math.exp %mul3A_216 : vector<16xf32>
      %sub3A_218 = arith.subf %get3A_129, %max3A_143 : vector<16xf32>
      %mul3A_219 = arith.constant 1.000000e+03 : f32
      %mul3A_220 = vector.broadcast %mul3A_219 : f32 to vector<16xf32>
      %mul3A_221 = arith.mulf %sub3A_218, %mul3A_220 : vector<16xf32>
      %exp3A_222 = math.exp %mul3A_221 : vector<16xf32>
      %add3A_223 = arith.addf %exp3A, %exp3A_152 : vector<16xf32>
      %add3A_224 = arith.addf %add3A_223, %exp3A_157 : vector<16xf32>
      %add3A_225 = arith.addf %add3A_224, %exp3A_162 : vector<16xf32>
      %add3A_226 = arith.addf %add3A_225, %exp3A_167 : vector<16xf32>
      %add3A_227 = arith.addf %add3A_226, %exp3A_172 : vector<16xf32>
      %add3A_228 = arith.addf %add3A_227, %exp3A_177 : vector<16xf32>
      %add3A_229 = arith.addf %add3A_228, %exp3A_182 : vector<16xf32>
      %add3A_230 = arith.addf %add3A_229, %exp3A_187 : vector<16xf32>
      %add3A_231 = arith.addf %add3A_230, %exp3A_192 : vector<16xf32>
      %add3A_232 = arith.addf %add3A_231, %exp3A_197 : vector<16xf32>
      %add3A_233 = arith.addf %add3A_232, %exp3A_202 : vector<16xf32>
      %add3A_234 = arith.addf %add3A_233, %exp3A_207 : vector<16xf32>
      %add3A_235 = arith.addf %add3A_234, %exp3A_212 : vector<16xf32>
      %add3A_236 = arith.addf %add3A_235, %exp3A_217 : vector<16xf32>
      %add3A_237 = arith.addf %add3A_236, %exp3A_222 : vector<16xf32>
      %div3A_238 = arith.constant 1.000000e+00 : f32
      %div3A_239 = vector.broadcast %div3A_238 : f32 to vector<16xf32>
      %div3A_240 = arith.divf %div3A_239, %add3A_237 : vector<16xf32>
      %mul3A_241 = arith.mulf %exp3A, %div3A_240 : vector<16xf32>
      %swap3A = arith.constant 0 : i32
      %swap3A_242 = arith.index_cast %swap3A : i32 to index
      %swap3A_243 = arith.index_cast %scan3A_34 : i32 to index
      %swap3A_244 = arith.constant 0 : index
      %swap3A_245 = tpu.vector_load %arg5[%swap3A_242, %swap3A_243, %swap3A_244] {strides = array<i32>} : memref<8x16x256xf32, #tpu.memory_space<vmem>>, vector<1x1x16xf32>,
      %swap3A_246 = vector.shape_cast %swap3A_245 : vector<1x1x16xf32> to vector<16xf32>
      %swap3A_247 = vector.shape_cast %mul3A_241 : vector<16xf32> to vector<1x1x16xf32>
      tpu.vector_store %arg5[%swap3A_242, %swap3A_243, %swap3A_244], %swap3A_247 {strides = array<i32>} : memref<8x16x256xf32, #tpu.memory_space<vmem>>, vector<1x1x16xf32>,
      %mul3A_248 = arith.mulf %exp3A_152, %div3A_240 : vector<16xf32>
      %swap3A_249 = arith.constant 0 : i32
      %swap3A_250 = arith.index_cast %swap3A_249 : i32 to index
      %swap3A_251 = arith.index_cast %scan3A_34 : i32 to index
      %swap3A_252 = arith.constant 16 : index
      %swap3A_253 = tpu.vector_load %arg5[%swap3A_250, %swap3A_251, %swap3A_252] {strides = array<i32>} : memref<8x16x256xf32, #tpu.memory_space<vmem>>, vector<1x1x16xf32>,
      %swap3A_254 = vector.shape_cast %swap3A_253 : vector<1x1x16xf32> to vector<16xf32>
      %swap3A_255 = vector.shape_cast %mul3A_248 : vector<16xf32> to vector<1x1x16xf32>
      tpu.vector_store %arg5[%swap3A_250, %swap3A_251, %swap3A_252], %swap3A_255 {strides = array<i32>} : memref<8x16x256xf32, #tpu.memory_space<vmem>>, vector<1x1x16xf32>,
      %mul3A_256 = arith.mulf %exp3A_157, %div3A_240 : vector<16xf32>
      %swap3A_257 = arith.constant 0 : i32
      %swap3A_258 = arith.index_cast %swap3A_257 : i32 to index
      %swap3A_259 = arith.index_cast %scan3A_34 : i32 to index
      %swap3A_260 = arith.constant 32 : index
      %swap3A_261 = tpu.vector_load %arg5[%swap3A_258, %swap3A_259, %swap3A_260] {strides = array<i32>} : memref<8x16x256xf32, #tpu.memory_space<vmem>>, vector<1x1x16xf32>,
      %swap3A_262 = vector.shape_cast %swap3A_261 : vector<1x1x16xf32> to vector<16xf32>
      %swap3A_263 = vector.shape_cast %mul3A_256 : vector<16xf32> to vector<1x1x16xf32>
      tpu.vector_store %arg5[%swap3A_258, %swap3A_259, %swap3A_260], %swap3A_263 {strides = array<i32>} : memref<8x16x256xf32, #tpu.memory_space<vmem>>, vector<1x1x16xf32>,
      %mul3A_264 = arith.mulf %exp3A_162, %div3A_240 : vector<16xf32>
      %swap3A_265 = arith.constant 0 : i32
      %swap3A_266 = arith.index_cast %swap3A_265 : i32 to index
      %swap3A_267 = arith.index_cast %scan3A_34 : i32 to index
      %swap3A_268 = arith.constant 48 : index
      %swap3A_269 = tpu.vector_load %arg5[%swap3A_266, %swap3A_267, %swap3A_268] {strides = array<i32>} : memref<8x16x256xf32, #tpu.memory_space<vmem>>, vector<1x1x16xf32>,
      %swap3A_270 = vector.shape_cast %swap3A_269 : vector<1x1x16xf32> to vector<16xf32>
      %swap3A_271 = vector.shape_cast %mul3A_264 : vector<16xf32> to vector<1x1x16xf32>
      tpu.vector_store %arg5[%swap3A_266, %swap3A_267, %swap3A_268], %swap3A_271 {strides = array<i32>} : memref<8x16x256xf32, #tpu.memory_space<vmem>>, vector<1x1x16xf32>,
      %mul3A_272 = arith.mulf %exp3A_167, %div3A_240 : vector<16xf32>
      %swap3A_273 = arith.constant 0 : i32
      %swap3A_274 = arith.index_cast %swap3A_273 : i32 to index
      %swap3A_275 = arith.index_cast %scan3A_34 : i32 to index
      %swap3A_276 = arith.constant 64 : index
      %swap3A_277 = tpu.vector_load %arg5[%swap3A_274, %swap3A_275, %swap3A_276] {strides = array<i32>} : memref<8x16x256xf32, #tpu.memory_space<vmem>>, vector<1x1x16xf32>,
      %swap3A_278 = vector.shape_cast %swap3A_277 : vector<1x1x16xf32> to vector<16xf32>
      %swap3A_279 = vector.shape_cast %mul3A_272 : vector<16xf32> to vector<1x1x16xf32>
      tpu.vector_store %arg5[%swap3A_274, %swap3A_275, %swap3A_276], %swap3A_279 {strides = array<i32>} : memref<8x16x256xf32, #tpu.memory_space<vmem>>, vector<1x1x16xf32>,
      %mul3A_280 = arith.mulf %exp3A_172, %div3A_240 : vector<16xf32>
      %swap3A_281 = arith.constant 0 : i32
      %swap3A_282 = arith.index_cast %swap3A_281 : i32 to index
      %swap3A_283 = arith.index_cast %scan3A_34 : i32 to index
      %swap3A_284 = arith.constant 80 : index
      %swap3A_285 = tpu.vector_load %arg5[%swap3A_282, %swap3A_283, %swap3A_284] {strides = array<i32>} : memref<8x16x256xf32, #tpu.memory_space<vmem>>, vector<1x1x16xf32>,
      %swap3A_286 = vector.shape_cast %swap3A_285 : vector<1x1x16xf32> to vector<16xf32>
      %swap3A_287 = vector.shape_cast %mul3A_280 : vector<16xf32> to vector<1x1x16xf32>
      tpu.vector_store %arg5[%swap3A_282, %swap3A_283, %swap3A_284], %swap3A_287 {strides = array<i32>} : memref<8x16x256xf32, #tpu.memory_space<vmem>>, vector<1x1x16xf32>,
      %mul3A_288 = arith.mulf %exp3A_177, %div3A_240 : vector<16xf32>
      %swap3A_289 = arith.constant 0 : i32
      %swap3A_290 = arith.index_cast %swap3A_289 : i32 to index
      %swap3A_291 = arith.index_cast %scan3A_34 : i32 to index
      %swap3A_292 = arith.constant 96 : index
      %swap3A_293 = tpu.vector_load %arg5[%swap3A_290, %swap3A_291, %swap3A_292] {strides = array<i32>} : memref<8x16x256xf32, #tpu.memory_space<vmem>>, vector<1x1x16xf32>,
      %swap3A_294 = vector.shape_cast %swap3A_293 : vector<1x1x16xf32> to vector<16xf32>
      %swap3A_295 = vector.shape_cast %mul3A_288 : vector<16xf32> to vector<1x1x16xf32>
      tpu.vector_store %arg5[%swap3A_290, %swap3A_291, %swap3A_292], %swap3A_295 {strides = array<i32>} : memref<8x16x256xf32, #tpu.memory_space<vmem>>, vector<1x1x16xf32>,
      %mul3A_296 = arith.mulf %exp3A_182, %div3A_240 : vector<16xf32>
      %swap3A_297 = arith.constant 0 : i32
      %swap3A_298 = arith.index_cast %swap3A_297 : i32 to index
      %swap3A_299 = arith.index_cast %scan3A_34 : i32 to index
      %swap3A_300 = arith.constant 112 : index
      %swap3A_301 = tpu.vector_load %arg5[%swap3A_298, %swap3A_299, %swap3A_300] {strides = array<i32>} : memref<8x16x256xf32, #tpu.memory_space<vmem>>, vector<1x1x16xf32>,
      %swap3A_302 = vector.shape_cast %swap3A_301 : vector<1x1x16xf32> to vector<16xf32>
      %swap3A_303 = vector.shape_cast %mul3A_296 : vector<16xf32> to vector<1x1x16xf32>
      tpu.vector_store %arg5[%swap3A_298, %swap3A_299, %swap3A_300], %swap3A_303 {strides = array<i32>} : memref<8x16x256xf32, #tpu.memory_space<vmem>>, vector<1x1x16xf32>,
      %mul3A_304 = arith.mulf %exp3A_187, %div3A_240 : vector<16xf32>
      %swap3A_305 = arith.constant 0 : i32
      %swap3A_306 = arith.index_cast %swap3A_305 : i32 to index
      %swap3A_307 = arith.index_cast %scan3A_34 : i32 to index
      %swap3A_308 = arith.constant 128 : index
      %swap3A_309 = tpu.vector_load %arg5[%swap3A_306, %swap3A_307, %swap3A_308] {strides = array<i32>} : memref<8x16x256xf32, #tpu.memory_space<vmem>>, vector<1x1x16xf32>,
      %swap3A_310 = vector.shape_cast %swap3A_309 : vector<1x1x16xf32> to vector<16xf32>
      %swap3A_311 = vector.shape_cast %mul3A_304 : vector<16xf32> to vector<1x1x16xf32>
      tpu.vector_store %arg5[%swap3A_306, %swap3A_307, %swap3A_308], %swap3A_311 {strides = array<i32>} : memref<8x16x256xf32, #tpu.memory_space<vmem>>, vector<1x1x16xf32>,
      %mul3A_312 = arith.mulf %exp3A_192, %div3A_240 : vector<16xf32>
      %swap3A_313 = arith.constant 0 : i32
      %swap3A_314 = arith.index_cast %swap3A_313 : i32 to index
      %swap3A_315 = arith.index_cast %scan3A_34 : i32 to index
      %swap3A_316 = arith.constant 144 : index
      %swap3A_317 = tpu.vector_load %arg5[%swap3A_314, %swap3A_315, %swap3A_316] {strides = array<i32>} : memref<8x16x256xf32, #tpu.memory_space<vmem>>, vector<1x1x16xf32>,
      %swap3A_318 = vector.shape_cast %swap3A_317 : vector<1x1x16xf32> to vector<16xf32>
      %swap3A_319 = vector.shape_cast %mul3A_312 : vector<16xf32> to vector<1x1x16xf32>
      tpu.vector_store %arg5[%swap3A_314, %swap3A_315, %swap3A_316], %swap3A_319 {strides = array<i32>} : memref<8x16x256xf32, #tpu.memory_space<vmem>>, vector<1x1x16xf32>,
      %mul3A_320 = arith.mulf %exp3A_197, %div3A_240 : vector<16xf32>
      %swap3A_321 = arith.constant 0 : i32
      %swap3A_322 = arith.index_cast %swap3A_321 : i32 to index
      %swap3A_323 = arith.index_cast %scan3A_34 : i32 to index
      %swap3A_324 = arith.constant 160 : index
      %swap3A_325 = tpu.vector_load %arg5[%swap3A_322, %swap3A_323, %swap3A_324] {strides = array<i32>} : memref<8x16x256xf32, #tpu.memory_space<vmem>>, vector<1x1x16xf32>,
      %swap3A_326 = vector.shape_cast %swap3A_325 : vector<1x1x16xf32> to vector<16xf32>
      %swap3A_327 = vector.shape_cast %mul3A_320 : vector<16xf32> to vector<1x1x16xf32>
      tpu.vector_store %arg5[%swap3A_322, %swap3A_323, %swap3A_324], %swap3A_327 {strides = array<i32>} : memref<8x16x256xf32, #tpu.memory_space<vmem>>, vector<1x1x16xf32>,
      %mul3A_328 = arith.mulf %exp3A_202, %div3A_240 : vector<16xf32>
      %swap3A_329 = arith.constant 0 : i32
      %swap3A_330 = arith.index_cast %swap3A_329 : i32 to index
      %swap3A_331 = arith.index_cast %scan3A_34 : i32 to index
      %swap3A_332 = arith.constant 176 : index
      %swap3A_333 = tpu.vector_load %arg5[%swap3A_330, %swap3A_331, %swap3A_332] {strides = array<i32>} : memref<8x16x256xf32, #tpu.memory_space<vmem>>, vector<1x1x16xf32>,
      %swap3A_334 = vector.shape_cast %swap3A_333 : vector<1x1x16xf32> to vector<16xf32>
      %swap3A_335 = vector.shape_cast %mul3A_328 : vector<16xf32> to vector<1x1x16xf32>
      tpu.vector_store %arg5[%swap3A_330, %swap3A_331, %swap3A_332], %swap3A_335 {strides = array<i32>} : memref<8x16x256xf32, #tpu.memory_space<vmem>>, vector<1x1x16xf32>,
      %mul3A_336 = arith.mulf %exp3A_207, %div3A_240 : vector<16xf32>
      %swap3A_337 = arith.constant 0 : i32
      %swap3A_338 = arith.index_cast %swap3A_337 : i32 to index
      %swap3A_339 = arith.index_cast %scan3A_34 : i32 to index
      %swap3A_340 = arith.constant 192 : index
      %swap3A_341 = tpu.vector_load %arg5[%swap3A_338, %swap3A_339, %swap3A_340] {strides = array<i32>} : memref<8x16x256xf32, #tpu.memory_space<vmem>>, vector<1x1x16xf32>,
      %swap3A_342 = vector.shape_cast %swap3A_341 : vector<1x1x16xf32> to vector<16xf32>
      %swap3A_343 = vector.shape_cast %mul3A_336 : vector<16xf32> to vector<1x1x16xf32>
      tpu.vector_store %arg5[%swap3A_338, %swap3A_339, %swap3A_340], %swap3A_343 {strides = array<i32>} : memref<8x16x256xf32, #tpu.memory_space<vmem>>, vector<1x1x16xf32>,
      %mul3A_344 = arith.mulf %exp3A_212, %div3A_240 : vector<16xf32>
      %swap3A_345 = arith.constant 0 : i32
      %swap3A_346 = arith.index_cast %swap3A_345 : i32 to index
      %swap3A_347 = arith.index_cast %scan3A_34 : i32 to index
      %swap3A_348 = arith.constant 208 : index
      %swap3A_349 = tpu.vector_load %arg5[%swap3A_346, %swap3A_347, %swap3A_348] {strides = array<i32>} : memref<8x16x256xf32, #tpu.memory_space<vmem>>, vector<1x1x16xf32>,
      %swap3A_350 = vector.shape_cast %swap3A_349 : vector<1x1x16xf32> to vector<16xf32>
      %swap3A_351 = vector.shape_cast %mul3A_344 : vector<16xf32> to vector<1x1x16xf32>
      tpu.vector_store %arg5[%swap3A_346, %swap3A_347, %swap3A_348], %swap3A_351 {strides = array<i32>} : memref<8x16x256xf32, #tpu.memory_space<vmem>>, vector<1x1x16xf32>,
      %mul3A_352 = arith.mulf %exp3A_217, %div3A_240 : vector<16xf32>
      %swap3A_353 = arith.constant 0 : i32
      %swap3A_354 = arith.index_cast %swap3A_353 : i32 to index
      %swap3A_355 = arith.index_cast %scan3A_34 : i32 to index
      %swap3A_356 = arith.constant 224 : index
      %swap3A_357 = tpu.vector_load %arg5[%swap3A_354, %swap3A_355, %swap3A_356] {strides = array<i32>} : memref<8x16x256xf32, #tpu.memory_space<vmem>>, vector<1x1x16xf32>,
      %swap3A_358 = vector.shape_cast %swap3A_357 : vector<1x1x16xf32> to vector<16xf32>
      %swap3A_359 = vector.shape_cast %mul3A_352 : vector<16xf32> to vector<1x1x16xf32>
      tpu.vector_store %arg5[%swap3A_354, %swap3A_355, %swap3A_356], %swap3A_359 {strides = array<i32>} : memref<8x16x256xf32, #tpu.memory_space<vmem>>, vector<1x1x16xf32>,
      %mul3A_360 = arith.mulf %exp3A_222, %div3A_240 : vector<16xf32>
      %swap3A_361 = arith.constant 0 : i32
      %swap3A_362 = arith.index_cast %swap3A_361 : i32 to index
      %swap3A_363 = arith.index_cast %scan3A_34 : i32 to index
      %swap3A_364 = arith.constant 240 : index
      %swap3A_365 = tpu.vector_load %arg5[%swap3A_362, %swap3A_363, %swap3A_364] {strides = array<i32>} : memref<8x16x256xf32, #tpu.memory_space<vmem>>, vector<1x1x16xf32>,
      %swap3A_366 = vector.shape_cast %swap3A_365 : vector<1x1x16xf32> to vector<16xf32>
      %swap3A_367 = vector.shape_cast %mul3A_360 : vector<16xf32> to vector<1x1x16xf32>
      tpu.vector_store %arg5[%swap3A_362, %swap3A_363, %swap3A_364], %swap3A_367 {strides = array<i32>} : memref<8x16x256xf32, #tpu.memory_space<vmem>>, vector<1x1x16xf32>,
      %get3A_368 = arith.constant 1 : i32
      %get3A_369 = arith.index_cast %get3A_368 : i32 to index
      %get3A_370 = arith.index_cast %scan3A_34 : i32 to index
      %get3A_371 = arith.constant 0 : index
      %get3A_372 = tpu.vector_load %arg5[%get3A_369, %get3A_370, %get3A_371] {strides = array<i32>} : memref<8x16x256xf32, #tpu.memory_space<vmem>>, vector<1x1x16xf32>,
      %get3A_373 = vector.shape_cast %get3A_372 : vector<1x1x16xf32> to vector<16xf32>
      %get3A_374 = arith.constant 1 : i32
      %get3A_375 = arith.index_cast %get3A_374 : i32 to index
      %get3A_376 = arith.index_cast %scan3A_34 : i32 to index
      %get3A_377 = arith.constant 16 : index
      %get3A_378 = tpu.vector_load %arg5[%get3A_375, %get3A_376, %get3A_377] {strides = array<i32>} : memref<8x16x256xf32, #tpu.memory_space<vmem>>, vector<1x1x16xf32>,
      %get3A_379 = vector.shape_cast %get3A_378 : vector<1x1x16xf32> to vector<16xf32>
      %get3A_380 = arith.constant 1 : i32
      %get3A_381 = arith.index_cast %get3A_380 : i32 to index
      %get3A_382 = arith.index_cast %scan3A_34 : i32 to index
      %get3A_383 = arith.constant 32 : index
      %get3A_384 = tpu.vector_load %arg5[%get3A_381, %get3A_382, %get3A_383] {strides = array<i32>} : memref<8x16x256xf32, #tpu.memory_space<vmem>>, vector<1x1x16xf32>,
      %get3A_385 = vector.shape_cast %get3A_384 : vector<1x1x16xf32> to vector<16xf32>
      %get3A_386 = arith.constant 1 : i32
      %get3A_387 = arith.index_cast %get3A_386 : i32 to index
      %get3A_388 = arith.index_cast %scan3A_34 : i32 to index
      %get3A_389 = arith.constant 48 : index
      %get3A_390 = tpu.vector_load %arg5[%get3A_387, %get3A_388, %get3A_389] {strides = array<i32>} : memref<8x16x256xf32, #tpu.memory_space<vmem>>, vector<1x1x16xf32>,
      %get3A_391 = vector.shape_cast %get3A_390 : vector<1x1x16xf32> to vector<16xf32>
      %get3A_392 = arith.constant 1 : i32
      %get3A_393 = arith.index_cast %get3A_392 : i32 to index
      %get3A_394 = arith.index_cast %scan3A_34 : i32 to index
      %get3A_395 = arith.constant 64 : index
      %get3A_396 = tpu.vector_load %arg5[%get3A_393, %get3A_394, %get3A_395] {strides = array<i32>} : memref<8x16x256xf32, #tpu.memory_space<vmem>>, vector<1x1x16xf32>,
      %get3A_397 = vector.shape_cast %get3A_396 : vector<1x1x16xf32> to vector<16xf32>
      %get3A_398 = arith.constant 1 : i32
      %get3A_399 = arith.index_cast %get3A_398 : i32 to index
      %get3A_400 = arith.index_cast %scan3A_34 : i32 to index
      %get3A_401 = arith.constant 80 : index
      %get3A_402 = tpu.vector_load %arg5[%get3A_399, %get3A_400, %get3A_401] {strides = array<i32>} : memref<8x16x256xf32, #tpu.memory_space<vmem>>, vector<1x1x16xf32>,
      %get3A_403 = vector.shape_cast %get3A_402 : vector<1x1x16xf32> to vector<16xf32>
      %get3A_404 = arith.constant 1 : i32
      %get3A_405 = arith.index_cast %get3A_404 : i32 to index
      %get3A_406 = arith.index_cast %scan3A_34 : i32 to index
      %get3A_407 = arith.constant 96 : index
      %get3A_408 = tpu.vector_load %arg5[%get3A_405, %get3A_406, %get3A_407] {strides = array<i32>} : memref<8x16x256xf32, #tpu.memory_space<vmem>>, vector<1x1x16xf32>,
      %get3A_409 = vector.shape_cast %get3A_408 : vector<1x1x16xf32> to vector<16xf32>
      %get3A_410 = arith.constant 1 : i32
      %get3A_411 = arith.index_cast %get3A_410 : i32 to index
      %get3A_412 = arith.index_cast %scan3A_34 : i32 to index
      %get3A_413 = arith.constant 112 : index
      %get3A_414 = tpu.vector_load %arg5[%get3A_411, %get3A_412, %get3A_413] {strides = array<i32>} : memref<8x16x256xf32, #tpu.memory_space<vmem>>, vector<1x1x16xf32>,
      %get3A_415 = vector.shape_cast %get3A_414 : vector<1x1x16xf32> to vector<16xf32>
      %get3A_416 = arith.constant 1 : i32
      %get3A_417 = arith.index_cast %get3A_416 : i32 to index
      %get3A_418 = arith.index_cast %scan3A_34 : i32 to index
      %get3A_419 = arith.constant 128 : index
      %get3A_420 = tpu.vector_load %arg5[%get3A_417, %get3A_418, %get3A_419] {strides = array<i32>} : memref<8x16x256xf32, #tpu.memory_space<vmem>>, vector<1x1x16xf32>,
      %get3A_421 = vector.shape_cast %get3A_420 : vector<1x1x16xf32> to vector<16xf32>
      %get3A_422 = arith.constant 1 : i32
      %get3A_423 = arith.index_cast %get3A_422 : i32 to index
      %get3A_424 = arith.index_cast %scan3A_34 : i32 to index
      %get3A_425 = arith.constant 144 : index
      %get3A_426 = tpu.vector_load %arg5[%get3A_423, %get3A_424, %get3A_425] {strides = array<i32>} : memref<8x16x256xf32, #tpu.memory_space<vmem>>, vector<1x1x16xf32>,
      %get3A_427 = vector.shape_cast %get3A_426 : vector<1x1x16xf32> to vector<16xf32>
      %get3A_428 = arith.constant 1 : i32
      %get3A_429 = arith.index_cast %get3A_428 : i32 to index
      %get3A_430 = arith.index_cast %scan3A_34 : i32 to index
      %get3A_431 = arith.constant 160 : index
      %get3A_432 = tpu.vector_load %arg5[%get3A_429, %get3A_430, %get3A_431] {strides = array<i32>} : memref<8x16x256xf32, #tpu.memory_space<vmem>>, vector<1x1x16xf32>,
      %get3A_433 = vector.shape_cast %get3A_432 : vector<1x1x16xf32> to vector<16xf32>
      %get3A_434 = arith.constant 1 : i32
      %get3A_435 = arith.index_cast %get3A_434 : i32 to index
      %get3A_436 = arith.index_cast %scan3A_34 : i32 to index
      %get3A_437 = arith.constant 176 : index
      %get3A_438 = tpu.vector_load %arg5[%get3A_435, %get3A_436, %get3A_437] {strides = array<i32>} : memref<8x16x256xf32, #tpu.memory_space<vmem>>, vector<1x1x16xf32>,
      %get3A_439 = vector.shape_cast %get3A_438 : vector<1x1x16xf32> to vector<16xf32>
      %get3A_440 = arith.constant 1 : i32
      %get3A_441 = arith.index_cast %get3A_440 : i32 to index
      %get3A_442 = arith.index_cast %scan3A_34 : i32 to index
      %get3A_443 = arith.constant 192 : index
      %get3A_444 = tpu.vector_load %arg5[%get3A_441, %get3A_442, %get3A_443] {strides = array<i32>} : memref<8x16x256xf32, #tpu.memory_space<vmem>>, vector<1x1x16xf32>,
      %get3A_445 = vector.shape_cast %get3A_444 : vector<1x1x16xf32> to vector<16xf32>
      %get3A_446 = arith.constant 1 : i32
      %get3A_447 = arith.index_cast %get3A_446 : i32 to index
      %get3A_448 = arith.index_cast %scan3A_34 : i32 to index
      %get3A_449 = arith.constant 208 : index
      %get3A_450 = tpu.vector_load %arg5[%get3A_447, %get3A_448, %get3A_449] {strides = array<i32>} : memref<8x16x256xf32, #tpu.memory_space<vmem>>, vector<1x1x16xf32>,
      %get3A_451 = vector.shape_cast %get3A_450 : vector<1x1x16xf32> to vector<16xf32>
      %get3A_452 = arith.constant 1 : i32
      %get3A_453 = arith.index_cast %get3A_452 : i32 to index
      %get3A_454 = arith.index_cast %scan3A_34 : i32 to index
      %get3A_455 = arith.constant 224 : index
      %get3A_456 = tpu.vector_load %arg5[%get3A_453, %get3A_454, %get3A_455] {strides = array<i32>} : memref<8x16x256xf32, #tpu.memory_space<vmem>>, vector<1x1x16xf32>,
      %get3A_457 = vector.shape_cast %get3A_456 : vector<1x1x16xf32> to vector<16xf32>
      %get3A_458 = arith.constant 1 : i32
      %get3A_459 = arith.index_cast %get3A_458 : i32 to index
      %get3A_460 = arith.index_cast %scan3A_34 : i32 to index
      %get3A_461 = arith.constant 240 : index
      %get3A_462 = tpu.vector_load %arg5[%get3A_459, %get3A_460, %get3A_461] {strides = array<i32>} : memref<8x16x256xf32, #tpu.memory_space<vmem>>, vector<1x1x16xf32>,
      %get3A_463 = vector.shape_cast %get3A_462 : vector<1x1x16xf32> to vector<16xf32>
      %max3A_464 = arith.maximumf %get3A_373, %get3A_379 : vector<16xf32>
      %max3A_465 = arith.maximumf %max3A_464, %get3A_385 : vector<16xf32>
      %max3A_466 = arith.maximumf %max3A_465, %get3A_391 : vector<16xf32>
      %max3A_467 = arith.maximumf %max3A_466, %get3A_397 : vector<16xf32>
      %max3A_468 = arith.maximumf %max3A_467, %get3A_403 : vector<16xf32>
      %max3A_469 = arith.maximumf %max3A_468, %get3A_409 : vector<16xf32>
      %max3A_470 = arith.maximumf %max3A_469, %get3A_415 : vector<16xf32>
      %max3A_471 = arith.maximumf %max3A_470, %get3A_421 : vector<16xf32>
      %max3A_472 = arith.maximumf %max3A_471, %get3A_427 : vector<16xf32>
      %max3A_473 = arith.maximumf %max3A_472, %get3A_433 : vector<16xf32>
      %max3A_474 = arith.maximumf %max3A_473, %get3A_439 : vector<16xf32>
      %max3A_475 = arith.maximumf %max3A_474, %get3A_445 : vector<16xf32>
      %max3A_476 = arith.maximumf %max3A_475, %get3A_451 : vector<16xf32>
      %max3A_477 = arith.maximumf %max3A_476, %get3A_457 : vector<16xf32>
      %max3A_478 = arith.maximumf %max3A_477, %get3A_463 : vector<16xf32>
      %sub3A_479 = arith.subf %get3A_373, %max3A_478 : vector<16xf32>
      %mul3A_480 = arith.constant 1.000000e+03 : f32
      %mul3A_481 = vector.broadcast %mul3A_480 : f32 to vector<16xf32>
      %mul3A_482 = arith.mulf %sub3A_479, %mul3A_481 : vector<16xf32>
      %exp3A_483 = math.exp %mul3A_482 : vector<16xf32>
      %sub3A_484 = arith.subf %get3A_379, %max3A_478 : vector<16xf32>
      %mul3A_485 = arith.constant 1.000000e+03 : f32
      %mul3A_486 = vector.broadcast %mul3A_485 : f32 to vector<16xf32>
      %mul3A_487 = arith.mulf %sub3A_484, %mul3A_486 : vector<16xf32>
      %exp3A_488 = math.exp %mul3A_487 : vector<16xf32>
      %sub3A_489 = arith.subf %get3A_385, %max3A_478 : vector<16xf32>
      %mul3A_490 = arith.constant 1.000000e+03 : f32
      %mul3A_491 = vector.broadcast %mul3A_490 : f32 to vector<16xf32>
      %mul3A_492 = arith.mulf %sub3A_489, %mul3A_491 : vector<16xf32>
      %exp3A_493 = math.exp %mul3A_492 : vector<16xf32>
      %sub3A_494 = arith.subf %get3A_391, %max3A_478 : vector<16xf32>
      %mul3A_495 = arith.constant 1.000000e+03 : f32
      %mul3A_496 = vector.broadcast %mul3A_495 : f32 to vector<16xf32>
      %mul3A_497 = arith.mulf %sub3A_494, %mul3A_496 : vector<16xf32>
      %exp3A_498 = math.exp %mul3A_497 : vector<16xf32>
      %sub3A_499 = arith.subf %get3A_397, %max3A_478 : vector<16xf32>
      %mul3A_500 = arith.constant 1.000000e+03 : f32
      %mul3A_501 = vector.broadcast %mul3A_500 : f32 to vector<16xf32>
      %mul3A_502 = arith.mulf %sub3A_499, %mul3A_501 : vector<16xf32>
      %exp3A_503 = math.exp %mul3A_502 : vector<16xf32>
      %sub3A_504 = arith.subf %get3A_403, %max3A_478 : vector<16xf32>
      %mul3A_505 = arith.constant 1.000000e+03 : f32
      %mul3A_506 = vector.broadcast %mul3A_505 : f32 to vector<16xf32>
      %mul3A_507 = arith.mulf %sub3A_504, %mul3A_506 : vector<16xf32>
      %exp3A_508 = math.exp %mul3A_507 : vector<16xf32>
      %sub3A_509 = arith.subf %get3A_409, %max3A_478 : vector<16xf32>
      %mul3A_510 = arith.constant 1.000000e+03 : f32
      %mul3A_511 = vector.broadcast %mul3A_510 : f32 to vector<16xf32>
      %mul3A_512 = arith.mulf %sub3A_509, %mul3A_511 : vector<16xf32>
      %exp3A_513 = math.exp %mul3A_512 : vector<16xf32>
      %sub3A_514 = arith.subf %get3A_415, %max3A_478 : vector<16xf32>
      %mul3A_515 = arith.constant 1.000000e+03 : f32
      %mul3A_516 = vector.broadcast %mul3A_515 : f32 to vector<16xf32>
      %mul3A_517 = arith.mulf %sub3A_514, %mul3A_516 : vector<16xf32>
      %exp3A_518 = math.exp %mul3A_517 : vector<16xf32>
      %sub3A_519 = arith.subf %get3A_421, %max3A_478 : vector<16xf32>
      %mul3A_520 = arith.constant 1.000000e+03 : f32
      %mul3A_521 = vector.broadcast %mul3A_520 : f32 to vector<16xf32>
      %mul3A_522 = arith.mulf %sub3A_519, %mul3A_521 : vector<16xf32>
      %exp3A_523 = math.exp %mul3A_522 : vector<16xf32>
      %sub3A_524 = arith.subf %get3A_427, %max3A_478 : vector<16xf32>
      %mul3A_525 = arith.constant 1.000000e+03 : f32
      %mul3A_526 = vector.broadcast %mul3A_525 : f32 to vector<16xf32>
      %mul3A_527 = arith.mulf %sub3A_524, %mul3A_526 : vector<16xf32>
      %exp3A_528 = math.exp %mul3A_527 : vector<16xf32>
      %sub3A_529 = arith.subf %get3A_433, %max3A_478 : vector<16xf32>
      %mul3A_530 = arith.constant 1.000000e+03 : f32
      %mul3A_531 = vector.broadcast %mul3A_530 : f32 to vector<16xf32>
      %mul3A_532 = arith.mulf %sub3A_529, %mul3A_531 : vector<16xf32>
      %exp3A_533 = math.exp %mul3A_532 : vector<16xf32>
      %sub3A_534 = arith.subf %get3A_439, %max3A_478 : vector<16xf32>
      %mul3A_535 = arith.constant 1.000000e+03 : f32
      %mul3A_536 = vector.broadcast %mul3A_535 : f32 to vector<16xf32>
      %mul3A_537 = arith.mulf %sub3A_534, %mul3A_536 : vector<16xf32>
      %exp3A_538 = math.exp %mul3A_537 : vector<16xf32>
      %sub3A_539 = arith.subf %get3A_445, %max3A_478 : vector<16xf32>
      %mul3A_540 = arith.constant 1.000000e+03 : f32
      %mul3A_541 = vector.broadcast %mul3A_540 : f32 to vector<16xf32>
      %mul3A_542 = arith.mulf %sub3A_539, %mul3A_541 : vector<16xf32>
      %exp3A_543 = math.exp %mul3A_542 : vector<16xf32>
      %sub3A_544 = arith.subf %get3A_451, %max3A_478 : vector<16xf32>
      %mul3A_545 = arith.constant 1.000000e+03 : f32
      %mul3A_546 = vector.broadcast %mul3A_545 : f32 to vector<16xf32>
      %mul3A_547 = arith.mulf %sub3A_544, %mul3A_546 : vector<16xf32>
      %exp3A_548 = math.exp %mul3A_547 : vector<16xf32>
      %sub3A_549 = arith.subf %get3A_457, %max3A_478 : vector<16xf32>
      %mul3A_550 = arith.constant 1.000000e+03 : f32
      %mul3A_551 = vector.broadcast %mul3A_550 : f32 to vector<16xf32>
      %mul3A_552 = arith.mulf %sub3A_549, %mul3A_551 : vector<16xf32>
      %exp3A_553 = math.exp %mul3A_552 : vector<16xf32>
      %sub3A_554 = arith.subf %get3A_463, %max3A_478 : vector<16xf32>
      %mul3A_555 = arith.constant 1.000000e+03 : f32
      %mul3A_556 = vector.broadcast %mul3A_555 : f32 to vector<16xf32>
      %mul3A_557 = arith.mulf %sub3A_554, %mul3A_556 : vector<16xf32>
      %exp3A_558 = math.exp %mul3A_557 : vector<16xf32>
      %add3A_559 = arith.addf %exp3A_483, %exp3A_488 : vector<16xf32>
      %add3A_560 = arith.addf %add3A_559, %exp3A_493 : vector<16xf32>
      %add3A_561 = arith.addf %add3A_560, %exp3A_498 : vector<16xf32>
      %add3A_562 = arith.addf %add3A_561, %exp3A_503 : vector<16xf32>
      %add3A_563 = arith.addf %add3A_562, %exp3A_508 : vector<16xf32>
      %add3A_564 = arith.addf %add3A_563, %exp3A_513 : vector<16xf32>
      %add3A_565 = arith.addf %add3A_564, %exp3A_518 : vector<16xf32>
      %add3A_566 = arith.addf %add3A_565, %exp3A_523 : vector<16xf32>
      %add3A_567 = arith.addf %add3A_566, %exp3A_528 : vector<16xf32>
      %add3A_568 = arith.addf %add3A_567, %exp3A_533 : vector<16xf32>
      %add3A_569 = arith.addf %add3A_568, %exp3A_538 : vector<16xf32>
      %add3A_570 = arith.addf %add3A_569, %exp3A_543 : vector<16xf32>
      %add3A_571 = arith.addf %add3A_570, %exp3A_548 : vector<16xf32>
      %add3A_572 = arith.addf %add3A_571, %exp3A_553 : vector<16xf32>
      %add3A_573 = arith.addf %add3A_572, %exp3A_558 : vector<16xf32>
      %div3A_574 = arith.constant 1.000000e+00 : f32
      %div3A_575 = vector.broadcast %div3A_574 : f32 to vector<16xf32>
      %div3A_576 = arith.divf %div3A_575, %add3A_573 : vector<16xf32>
      %mul3A_577 = arith.mulf %exp3A_483, %div3A_576 : vector<16xf32>
      %swap3A_578 = arith.constant 1 : i32
      %swap3A_579 = arith.index_cast %swap3A_578 : i32 to index
      %swap3A_580 = arith.index_cast %scan3A_34 : i32 to index
      %swap3A_581 = arith.constant 0 : index
      %swap3A_582 = tpu.vector_load %arg5[%swap3A_579, %swap3A_580, %swap3A_581] {strides = array<i32>} : memref<8x16x256xf32, #tpu.memory_space<vmem>>, vector<1x1x16xf32>,
      %swap3A_583 = vector.shape_cast %swap3A_582 : vector<1x1x16xf32> to vector<16xf32>
      %swap3A_584 = vector.shape_cast %mul3A_577 : vector<16xf32> to vector<1x1x16xf32>
      tpu.vector_store %arg5[%swap3A_579, %swap3A_580, %swap3A_581], %swap3A_584 {strides = array<i32>} : memref<8x16x256xf32, #tpu.memory_space<vmem>>, vector<1x1x16xf32>,
      %mul3A_585 = arith.mulf %exp3A_488, %div3A_576 : vector<16xf32>
      %swap3A_586 = arith.constant 1 : i32
      %swap3A_587 = arith.index_cast %swap3A_586 : i32 to index
      %swap3A_588 = arith.index_cast %scan3A_34 : i32 to index
      %swap3A_589 = arith.constant 16 : index
      %swap3A_590 = tpu.vector_load %arg5[%swap3A_587, %swap3A_588, %swap3A_589] {strides = array<i32>} : memref<8x16x256xf32, #tpu.memory_space<vmem>>, vector<1x1x16xf32>,
      %swap3A_591 = vector.shape_cast %swap3A_590 : vector<1x1x16xf32> to vector<16xf32>
      %swap3A_592 = vector.shape_cast %mul3A_585 : vector<16xf32> to vector<1x1x16xf32>
      tpu.vector_store %arg5[%swap3A_587, %swap3A_588, %swap3A_589], %swap3A_592 {strides = array<i32>} : memref<8x16x256xf32, #tpu.memory_space<vmem>>, vector<1x1x16xf32>,
      %mul3A_593 = arith.mulf %exp3A_493, %div3A_576 : vector<16xf32>
      %swap3A_594 = arith.constant 1 : i32
      %swap3A_595 = arith.index_cast %swap3A_594 : i32 to index
      %swap3A_596 = arith.index_cast %scan3A_34 : i32 to index
      %swap3A_597 = arith.constant 32 : index
      %swap3A_598 = tpu.vector_load %arg5[%swap3A_595, %swap3A_596, %swap3A_597] {strides = array<i32>} : memref<8x16x256xf32, #tpu.memory_space<vmem>>, vector<1x1x16xf32>,
      %swap3A_599 = vector.shape_cast %swap3A_598 : vector<1x1x16xf32> to vector<16xf32>
      %swap3A_600 = vector.shape_cast %mul3A_593 : vector<16xf32> to vector<1x1x16xf32>
      tpu.vector_store %arg5[%swap3A_595, %swap3A_596, %swap3A_597], %swap3A_600 {strides = array<i32>} : memref<8x16x256xf32, #tpu.memory_space<vmem>>, vector<1x1x16xf32>,
      %mul3A_601 = arith.mulf %exp3A_498, %div3A_576 : vector<16xf32>
      %swap3A_602 = arith.constant 1 : i32
      %swap3A_603 = arith.index_cast %swap3A_602 : i32 to index
      %swap3A_604 = arith.index_cast %scan3A_34 : i32 to index
      %swap3A_605 = arith.constant 48 : index
      %swap3A_606 = tpu.vector_load %arg5[%swap3A_603, %swap3A_604, %swap3A_605] {strides = array<i32>} : memref<8x16x256xf32, #tpu.memory_space<vmem>>, vector<1x1x16xf32>,
      %swap3A_607 = vector.shape_cast %swap3A_606 : vector<1x1x16xf32> to vector<16xf32>
      %swap3A_608 = vector.shape_cast %mul3A_601 : vector<16xf32> to vector<1x1x16xf32>
      tpu.vector_store %arg5[%swap3A_603, %swap3A_604, %swap3A_605], %swap3A_608 {strides = array<i32>} : memref<8x16x256xf32, #tpu.memory_space<vmem>>, vector<1x1x16xf32>,
      %mul3A_609 = arith.mulf %exp3A_503, %div3A_576 : vector<16xf32>
      %swap3A_610 = arith.constant 1 : i32
      %swap3A_611 = arith.index_cast %swap3A_610 : i32 to index
      %swap3A_612 = arith.index_cast %scan3A_34 : i32 to index
      %swap3A_613 = arith.constant 64 : index
      %swap3A_614 = tpu.vector_load %arg5[%swap3A_611, %swap3A_612, %swap3A_613] {strides = array<i32>} : memref<8x16x256xf32, #tpu.memory_space<vmem>>, vector<1x1x16xf32>,
      %swap3A_615 = vector.shape_cast %swap3A_614 : vector<1x1x16xf32> to vector<16xf32>
      %swap3A_616 = vector.shape_cast %mul3A_609 : vector<16xf32> to vector<1x1x16xf32>
      tpu.vector_store %arg5[%swap3A_611, %swap3A_612, %swap3A_613], %swap3A_616 {strides = array<i32>} : memref<8x16x256xf32, #tpu.memory_space<vmem>>, vector<1x1x16xf32>,
      %mul3A_617 = arith.mulf %exp3A_508, %div3A_576 : vector<16xf32>
      %swap3A_618 = arith.constant 1 : i32
      %swap3A_619 = arith.index_cast %swap3A_618 : i32 to index
      %swap3A_620 = arith.index_cast %scan3A_34 : i32 to index
      %swap3A_621 = arith.constant 80 : index
      %swap3A_622 = tpu.vector_load %arg5[%swap3A_619, %swap3A_620, %swap3A_621] {strides = array<i32>} : memref<8x16x256xf32, #tpu.memory_space<vmem>>, vector<1x1x16xf32>,
      %swap3A_623 = vector.shape_cast %swap3A_622 : vector<1x1x16xf32> to vector<16xf32>
      %swap3A_624 = vector.shape_cast %mul3A_617 : vector<16xf32> to vector<1x1x16xf32>
      tpu.vector_store %arg5[%swap3A_619, %swap3A_620, %swap3A_621], %swap3A_624 {strides = array<i32>} : memref<8x16x256xf32, #tpu.memory_space<vmem>>, vector<1x1x16xf32>,
      %mul3A_625 = arith.mulf %exp3A_513, %div3A_576 : vector<16xf32>
      %swap3A_626 = arith.constant 1 : i32
      %swap3A_627 = arith.index_cast %swap3A_626 : i32 to index
      %swap3A_628 = arith.index_cast %scan3A_34 : i32 to index
      %swap3A_629 = arith.constant 96 : index
      %swap3A_630 = tpu.vector_load %arg5[%swap3A_627, %swap3A_628, %swap3A_629] {strides = array<i32>} : memref<8x16x256xf32, #tpu.memory_space<vmem>>, vector<1x1x16xf32>,
      %swap3A_631 = vector.shape_cast %swap3A_630 : vector<1x1x16xf32> to vector<16xf32>
      %swap3A_632 = vector.shape_cast %mul3A_625 : vector<16xf32> to vector<1x1x16xf32>
      tpu.vector_store %arg5[%swap3A_627, %swap3A_628, %swap3A_629], %swap3A_632 {strides = array<i32>} : memref<8x16x256xf32, #tpu.memory_space<vmem>>, vector<1x1x16xf32>,
      %mul3A_633 = arith.mulf %exp3A_518, %div3A_576 : vector<16xf32>
      %swap3A_634 = arith.constant 1 : i32
      %swap3A_635 = arith.index_cast %swap3A_634 : i32 to index
      %swap3A_636 = arith.index_cast %scan3A_34 : i32 to index
      %swap3A_637 = arith.constant 112 : index
      %swap3A_638 = tpu.vector_load %arg5[%swap3A_635, %swap3A_636, %swap3A_637] {strides = array<i32>} : memref<8x16x256xf32, #tpu.memory_space<vmem>>, vector<1x1x16xf32>,
      %swap3A_639 = vector.shape_cast %swap3A_638 : vector<1x1x16xf32> to vector<16xf32>
      %swap3A_640 = vector.shape_cast %mul3A_633 : vector<16xf32> to vector<1x1x16xf32>
      tpu.vector_store %arg5[%swap3A_635, %swap3A_636, %swap3A_637], %swap3A_640 {strides = array<i32>} : memref<8x16x256xf32, #tpu.memory_space<vmem>>, vector<1x1x16xf32>,
      %mul3A_641 = arith.mulf %exp3A_523, %div3A_576 : vector<16xf32>
      %swap3A_642 = arith.constant 1 : i32
      %swap3A_643 = arith.index_cast %swap3A_642 : i32 to index
      %swap3A_644 = arith.index_cast %scan3A_34 : i32 to index
      %swap3A_645 = arith.constant 128 : index
      %swap3A_646 = tpu.vector_load %arg5[%swap3A_643, %swap3A_644, %swap3A_645] {strides = array<i32>} : memref<8x16x256xf32, #tpu.memory_space<vmem>>, vector<1x1x16xf32>,
      %swap3A_647 = vector.shape_cast %swap3A_646 : vector<1x1x16xf32> to vector<16xf32>
      %swap3A_648 = vector.shape_cast %mul3A_641 : vector<16xf32> to vector<1x1x16xf32>
      tpu.vector_store %arg5[%swap3A_643, %swap3A_644, %swap3A_645], %swap3A_648 {strides = array<i32>} : memref<8x16x256xf32, #tpu.memory_space<vmem>>, vector<1x1x16xf32>,
      %mul3A_649 = arith.mulf %exp3A_528, %div3A_576 : vector<16xf32>
      %swap3A_650 = arith.constant 1 : i32
      %swap3A_651 = arith.index_cast %swap3A_650 : i32 to index
      %swap3A_652 = arith.index_cast %scan3A_34 : i32 to index
      %swap3A_653 = arith.constant 144 : index
      %swap3A_654 = tpu.vector_load %arg5[%swap3A_651, %swap3A_652, %swap3A_653] {strides = array<i32>} : memref<8x16x256xf32, #tpu.memory_space<vmem>>, vector<1x1x16xf32>,
      %swap3A_655 = vector.shape_cast %swap3A_654 : vector<1x1x16xf32> to vector<16xf32>
      %swap3A_656 = vector.shape_cast %mul3A_649 : vector<16xf32> to vector<1x1x16xf32>
      tpu.vector_store %arg5[%swap3A_651, %swap3A_652, %swap3A_653], %swap3A_656 {strides = array<i32>} : memref<8x16x256xf32, #tpu.memory_space<vmem>>, vector<1x1x16xf32>,
      %mul3A_657 = arith.mulf %exp3A_533, %div3A_576 : vector<16xf32>
      %swap3A_658 = arith.constant 1 : i32
      %swap3A_659 = arith.index_cast %swap3A_658 : i32 to index
      %swap3A_660 = arith.index_cast %scan3A_34 : i32 to index
      %swap3A_661 = arith.constant 160 : index
      %swap3A_662 = tpu.vector_load %arg5[%swap3A_659, %swap3A_660, %swap3A_661] {strides = array<i32>} : memref<8x16x256xf32, #tpu.memory_space<vmem>>, vector<1x1x16xf32>,
      %swap3A_663 = vector.shape_cast %swap3A_662 : vector<1x1x16xf32> to vector<16xf32>
      %swap3A_664 = vector.shape_cast %mul3A_657 : vector<16xf32> to vector<1x1x16xf32>
      tpu.vector_store %arg5[%swap3A_659, %swap3A_660, %swap3A_661], %swap3A_664 {strides = array<i32>} : memref<8x16x256xf32, #tpu.memory_space<vmem>>, vector<1x1x16xf32>,
      %mul3A_665 = arith.mulf %exp3A_538, %div3A_576 : vector<16xf32>
      %swap3A_666 = arith.constant 1 : i32
      %swap3A_667 = arith.index_cast %swap3A_666 : i32 to index
      %swap3A_668 = arith.index_cast %scan3A_34 : i32 to index
      %swap3A_669 = arith.constant 176 : index
      %swap3A_670 = tpu.vector_load %arg5[%swap3A_667, %swap3A_668, %swap3A_669] {strides = array<i32>} : memref<8x16x256xf32, #tpu.memory_space<vmem>>, vector<1x1x16xf32>,
      %swap3A_671 = vector.shape_cast %swap3A_670 : vector<1x1x16xf32> to vector<16xf32>
      %swap3A_672 = vector.shape_cast %mul3A_665 : vector<16xf32> to vector<1x1x16xf32>
      tpu.vector_store %arg5[%swap3A_667, %swap3A_668, %swap3A_669], %swap3A_672 {strides = array<i32>} : memref<8x16x256xf32, #tpu.memory_space<vmem>>, vector<1x1x16xf32>,
      %mul3A_673 = arith.mulf %exp3A_543, %div3A_576 : vector<16xf32>
      %swap3A_674 = arith.constant 1 : i32
      %swap3A_675 = arith.index_cast %swap3A_674 : i32 to index
      %swap3A_676 = arith.index_cast %scan3A_34 : i32 to index
      %swap3A_677 = arith.constant 192 : index
      %swap3A_678 = tpu.vector_load %arg5[%swap3A_675, %swap3A_676, %swap3A_677] {strides = array<i32>} : memref<8x16x256xf32, #tpu.memory_space<vmem>>, vector<1x1x16xf32>,
      %swap3A_679 = vector.shape_cast %swap3A_678 : vector<1x1x16xf32> to vector<16xf32>
      %swap3A_680 = vector.shape_cast %mul3A_673 : vector<16xf32> to vector<1x1x16xf32>
      tpu.vector_store %arg5[%swap3A_675, %swap3A_676, %swap3A_677], %swap3A_680 {strides = array<i32>} : memref<8x16x256xf32, #tpu.memory_space<vmem>>, vector<1x1x16xf32>,
      %mul3A_681 = arith.mulf %exp3A_548, %div3A_576 : vector<16xf32>
      %swap3A_682 = arith.constant 1 : i32
      %swap3A_683 = arith.index_cast %swap3A_682 : i32 to index
      %swap3A_684 = arith.index_cast %scan3A_34 : i32 to index
      %swap3A_685 = arith.constant 208 : index
      %swap3A_686 = tpu.vector_load %arg5[%swap3A_683, %swap3A_684, %swap3A_685] {strides = array<i32>} : memref<8x16x256xf32, #tpu.memory_space<vmem>>, vector<1x1x16xf32>,
      %swap3A_687 = vector.shape_cast %swap3A_686 : vector<1x1x16xf32> to vector<16xf32>
      %swap3A_688 = vector.shape_cast %mul3A_681 : vector<16xf32> to vector<1x1x16xf32>
      tpu.vector_store %arg5[%swap3A_683, %swap3A_684, %swap3A_685], %swap3A_688 {strides = array<i32>} : memref<8x16x256xf32, #tpu.memory_space<vmem>>, vector<1x1x16xf32>,
      %mul3A_689 = arith.mulf %exp3A_553, %div3A_576 : vector<16xf32>
      %swap3A_690 = arith.constant 1 : i32
      %swap3A_691 = arith.index_cast %swap3A_690 : i32 to index
      %swap3A_692 = arith.index_cast %scan3A_34 : i32 to index
      %swap3A_693 = arith.constant 224 : index
      %swap3A_694 = tpu.vector_load %arg5[%swap3A_691, %swap3A_692, %swap3A_693] {strides = array<i32>} : memref<8x16x256xf32, #tpu.memory_space<vmem>>, vector<1x1x16xf32>,
      %swap3A_695 = vector.shape_cast %swap3A_694 : vector<1x1x16xf32> to vector<16xf32>
      %swap3A_696 = vector.shape_cast %mul3A_689 : vector<16xf32> to vector<1x1x16xf32>
      tpu.vector_store %arg5[%swap3A_691, %swap3A_692, %swap3A_693], %swap3A_696 {strides = array<i32>} : memref<8x16x256xf32, #tpu.memory_space<vmem>>, vector<1x1x16xf32>,
      %mul3A_697 = arith.mulf %exp3A_558, %div3A_576 : vector<16xf32>
      %swap3A_698 = arith.constant 1 : i32
      %swap3A_699 = arith.index_cast %swap3A_698 : i32 to index
      %swap3A_700 = arith.index_cast %scan3A_34 : i32 to index
      %swap3A_701 = arith.constant 240 : index
      %swap3A_702 = tpu.vector_load %arg5[%swap3A_699, %swap3A_700, %swap3A_701] {strides = array<i32>} : memref<8x16x256xf32, #tpu.memory_space<vmem>>, vector<1x1x16xf32>,
      %swap3A_703 = vector.shape_cast %swap3A_702 : vector<1x1x16xf32> to vector<16xf32>
      %swap3A_704 = vector.shape_cast %mul3A_697 : vector<16xf32> to vector<1x1x16xf32>
      tpu.vector_store %arg5[%swap3A_699, %swap3A_700, %swap3A_701], %swap3A_704 {strides = array<i32>} : memref<8x16x256xf32, #tpu.memory_space<vmem>>, vector<1x1x16xf32>,
      %get3A_705 = arith.constant 2 : i32
      %get3A_706 = arith.index_cast %get3A_705 : i32 to index
      %get3A_707 = arith.index_cast %scan3A_34 : i32 to index
      %get3A_708 = arith.constant 0 : index
      %get3A_709 = tpu.vector_load %arg5[%get3A_706, %get3A_707, %get3A_708] {strides = array<i32>} : memref<8x16x256xf32, #tpu.memory_space<vmem>>, vector<1x1x16xf32>,
      %get3A_710 = vector.shape_cast %get3A_709 : vector<1x1x16xf32> to vector<16xf32>
      %get3A_711 = arith.constant 2 : i32
      %get3A_712 = arith.index_cast %get3A_711 : i32 to index
      %get3A_713 = arith.index_cast %scan3A_34 : i32 to index
      %get3A_714 = arith.constant 16 : index
      %get3A_715 = tpu.vector_load %arg5[%get3A_712, %get3A_713, %get3A_714] {strides = array<i32>} : memref<8x16x256xf32, #tpu.memory_space<vmem>>, vector<1x1x16xf32>,
      %get3A_716 = vector.shape_cast %get3A_715 : vector<1x1x16xf32> to vector<16xf32>
      %get3A_717 = arith.constant 2 : i32
      %get3A_718 = arith.index_cast %get3A_717 : i32 to index
      %get3A_719 = arith.index_cast %scan3A_34 : i32 to index
      %get3A_720 = arith.constant 32 : index
      %get3A_721 = tpu.vector_load %arg5[%get3A_718, %get3A_719, %get3A_720] {strides = array<i32>} : memref<8x16x256xf32, #tpu.memory_space<vmem>>, vector<1x1x16xf32>,
      %get3A_722 = vector.shape_cast %get3A_721 : vector<1x1x16xf32> to vector<16xf32>
      %get3A_723 = arith.constant 2 : i32
      %get3A_724 = arith.index_cast %get3A_723 : i32 to index
      %get3A_725 = arith.index_cast %scan3A_34 : i32 to index
      %get3A_726 = arith.constant 48 : index
      %get3A_727 = tpu.vector_load %arg5[%get3A_724, %get3A_725, %get3A_726] {strides = array<i32>} : memref<8x16x256xf32, #tpu.memory_space<vmem>>, vector<1x1x16xf32>,
      %get3A_728 = vector.shape_cast %get3A_727 : vector<1x1x16xf32> to vector<16xf32>
      %get3A_729 = arith.constant 2 : i32
      %get3A_730 = arith.index_cast %get3A_729 : i32 to index
      %get3A_731 = arith.index_cast %scan3A_34 : i32 to index
      %get3A_732 = arith.constant 64 : index
      %get3A_733 = tpu.vector_load %arg5[%get3A_730, %get3A_731, %get3A_732] {strides = array<i32>} : memref<8x16x256xf32, #tpu.memory_space<vmem>>, vector<1x1x16xf32>,
      %get3A_734 = vector.shape_cast %get3A_733 : vector<1x1x16xf32> to vector<16xf32>
      %get3A_735 = arith.constant 2 : i32
      %get3A_736 = arith.index_cast %get3A_735 : i32 to index
      %get3A_737 = arith.index_cast %scan3A_34 : i32 to index
      %get3A_738 = arith.constant 80 : index
      %get3A_739 = tpu.vector_load %arg5[%get3A_736, %get3A_737, %get3A_738] {strides = array<i32>} : memref<8x16x256xf32, #tpu.memory_space<vmem>>, vector<1x1x16xf32>,
      %get3A_740 = vector.shape_cast %get3A_739 : vector<1x1x16xf32> to vector<16xf32>
      %get3A_741 = arith.constant 2 : i32
      %get3A_742 = arith.index_cast %get3A_741 : i32 to index
      %get3A_743 = arith.index_cast %scan3A_34 : i32 to index
      %get3A_744 = arith.constant 96 : index
      %get3A_745 = tpu.vector_load %arg5[%get3A_742, %get3A_743, %get3A_744] {strides = array<i32>} : memref<8x16x256xf32, #tpu.memory_space<vmem>>, vector<1x1x16xf32>,
      %get3A_746 = vector.shape_cast %get3A_745 : vector<1x1x16xf32> to vector<16xf32>
      %get3A_747 = arith.constant 2 : i32
      %get3A_748 = arith.index_cast %get3A_747 : i32 to index
      %get3A_749 = arith.index_cast %scan3A_34 : i32 to index
      %get3A_750 = arith.constant 112 : index
      %get3A_751 = tpu.vector_load %arg5[%get3A_748, %get3A_749, %get3A_750] {strides = array<i32>} : memref<8x16x256xf32, #tpu.memory_space<vmem>>, vector<1x1x16xf32>,
      %get3A_752 = vector.shape_cast %get3A_751 : vector<1x1x16xf32> to vector<16xf32>
      %get3A_753 = arith.constant 2 : i32
      %get3A_754 = arith.index_cast %get3A_753 : i32 to index
      %get3A_755 = arith.index_cast %scan3A_34 : i32 to index
      %get3A_756 = arith.constant 128 : index
      %get3A_757 = tpu.vector_load %arg5[%get3A_754, %get3A_755, %get3A_756] {strides = array<i32>} : memref<8x16x256xf32, #tpu.memory_space<vmem>>, vector<1x1x16xf32>,
      %get3A_758 = vector.shape_cast %get3A_757 : vector<1x1x16xf32> to vector<16xf32>
      %get3A_759 = arith.constant 2 : i32
      %get3A_760 = arith.index_cast %get3A_759 : i32 to index
      %get3A_761 = arith.index_cast %scan3A_34 : i32 to index
      %get3A_762 = arith.constant 144 : index
      %get3A_763 = tpu.vector_load %arg5[%get3A_760, %get3A_761, %get3A_762] {strides = array<i32>} : memref<8x16x256xf32, #tpu.memory_space<vmem>>, vector<1x1x16xf32>,
      %get3A_764 = vector.shape_cast %get3A_763 : vector<1x1x16xf32> to vector<16xf32>
      %get3A_765 = arith.constant 2 : i32
      %get3A_766 = arith.index_cast %get3A_765 : i32 to index
      %get3A_767 = arith.index_cast %scan3A_34 : i32 to index
      %get3A_768 = arith.constant 160 : index
      %get3A_769 = tpu.vector_load %arg5[%get3A_766, %get3A_767, %get3A_768] {strides = array<i32>} : memref<8x16x256xf32, #tpu.memory_space<vmem>>, vector<1x1x16xf32>,
      %get3A_770 = vector.shape_cast %get3A_769 : vector<1x1x16xf32> to vector<16xf32>
      %get3A_771 = arith.constant 2 : i32
      %get3A_772 = arith.index_cast %get3A_771 : i32 to index
      %get3A_773 = arith.index_cast %scan3A_34 : i32 to index
      %get3A_774 = arith.constant 176 : index
      %get3A_775 = tpu.vector_load %arg5[%get3A_772, %get3A_773, %get3A_774] {strides = array<i32>} : memref<8x16x256xf32, #tpu.memory_space<vmem>>, vector<1x1x16xf32>,
      %get3A_776 = vector.shape_cast %get3A_775 : vector<1x1x16xf32> to vector<16xf32>
      %get3A_777 = arith.constant 2 : i32
      %get3A_778 = arith.index_cast %get3A_777 : i32 to index
      %get3A_779 = arith.index_cast %scan3A_34 : i32 to index
      %get3A_780 = arith.constant 192 : index
      %get3A_781 = tpu.vector_load %arg5[%get3A_778, %get3A_779, %get3A_780] {strides = array<i32>} : memref<8x16x256xf32, #tpu.memory_space<vmem>>, vector<1x1x16xf32>,
      %get3A_782 = vector.shape_cast %get3A_781 : vector<1x1x16xf32> to vector<16xf32>
      %get3A_783 = arith.constant 2 : i32
      %get3A_784 = arith.index_cast %get3A_783 : i32 to index
      %get3A_785 = arith.index_cast %scan3A_34 : i32 to index
      %get3A_786 = arith.constant 208 : index
      %get3A_787 = tpu.vector_load %arg5[%get3A_784, %get3A_785, %get3A_786] {strides = array<i32>} : memref<8x16x256xf32, #tpu.memory_space<vmem>>, vector<1x1x16xf32>,
      %get3A_788 = vector.shape_cast %get3A_787 : vector<1x1x16xf32> to vector<16xf32>
      %get3A_789 = arith.constant 2 : i32
      %get3A_790 = arith.index_cast %get3A_789 : i32 to index
      %get3A_791 = arith.index_cast %scan3A_34 : i32 to index
      %get3A_792 = arith.constant 224 : index
      %get3A_793 = tpu.vector_load %arg5[%get3A_790, %get3A_791, %get3A_792] {strides = array<i32>} : memref<8x16x256xf32, #tpu.memory_space<vmem>>, vector<1x1x16xf32>,
      %get3A_794 = vector.shape_cast %get3A_793 : vector<1x1x16xf32> to vector<16xf32>
      %get3A_795 = arith.constant 2 : i32
      %get3A_796 = arith.index_cast %get3A_795 : i32 to index
      %get3A_797 = arith.index_cast %scan3A_34 : i32 to index
      %get3A_798 = arith.constant 240 : index
      %get3A_799 = tpu.vector_load %arg5[%get3A_796, %get3A_797, %get3A_798] {strides = array<i32>} : memref<8x16x256xf32, #tpu.memory_space<vmem>>, vector<1x1x16xf32>,
      %get3A_800 = vector.shape_cast %get3A_799 : vector<1x1x16xf32> to vector<16xf32>
      %max3A_801 = arith.maximumf %get3A_710, %get3A_716 : vector<16xf32>
      %max3A_802 = arith.maximumf %max3A_801, %get3A_722 : vector<16xf32>
      %max3A_803 = arith.maximumf %max3A_802, %get3A_728 : vector<16xf32>
      %max3A_804 = arith.maximumf %max3A_803, %get3A_734 : vector<16xf32>
      %max3A_805 = arith.maximumf %max3A_804, %get3A_740 : vector<16xf32>
      %max3A_806 = arith.maximumf %max3A_805, %get3A_746 : vector<16xf32>
      %max3A_807 = arith.maximumf %max3A_806, %get3A_752 : vector<16xf32>
      %max3A_808 = arith.maximumf %max3A_807, %get3A_758 : vector<16xf32>
      %max3A_809 = arith.maximumf %max3A_808, %get3A_764 : vector<16xf32>
      %max3A_810 = arith.maximumf %max3A_809, %get3A_770 : vector<16xf32>
      %max3A_811 = arith.maximumf %max3A_810, %get3A_776 : vector<16xf32>
      %max3A_812 = arith.maximumf %max3A_811, %get3A_782 : vector<16xf32>
      %max3A_813 = arith.maximumf %max3A_812, %get3A_788 : vector<16xf32>
      %max3A_814 = arith.maximumf %max3A_813, %get3A_794 : vector<16xf32>
      %max3A_815 = arith.maximumf %max3A_814, %get3A_800 : vector<16xf32>
      %sub3A_816 = arith.subf %get3A_710, %max3A_815 : vector<16xf32>
      %mul3A_817 = arith.constant 1.000000e+03 : f32
      %mul3A_818 = vector.broadcast %mul3A_817 : f32 to vector<16xf32>
      %mul3A_819 = arith.mulf %sub3A_816, %mul3A_818 : vector<16xf32>
      %exp3A_820 = math.exp %mul3A_819 : vector<16xf32>
      %sub3A_821 = arith.subf %get3A_716, %max3A_815 : vector<16xf32>
      %mul3A_822 = arith.constant 1.000000e+03 : f32
      %mul3A_823 = vector.broadcast %mul3A_822 : f32 to vector<16xf32>
      %mul3A_824 = arith.mulf %sub3A_821, %mul3A_823 : vector<16xf32>
      %exp3A_825 = math.exp %mul3A_824 : vector<16xf32>
      %sub3A_826 = arith.subf %get3A_722, %max3A_815 : vector<16xf32>
      %mul3A_827 = arith.constant 1.000000e+03 : f32
      %mul3A_828 = vector.broadcast %mul3A_827 : f32 to vector<16xf32>
      %mul3A_829 = arith.mulf %sub3A_826, %mul3A_828 : vector<16xf32>
      %exp3A_830 = math.exp %mul3A_829 : vector<16xf32>
      %sub3A_831 = arith.subf %get3A_728, %max3A_815 : vector<16xf32>
      %mul3A_832 = arith.constant 1.000000e+03 : f32
      %mul3A_833 = vector.broadcast %mul3A_832 : f32 to vector<16xf32>
      %mul3A_834 = arith.mulf %sub3A_831, %mul3A_833 : vector<16xf32>
      %exp3A_835 = math.exp %mul3A_834 : vector<16xf32>
      %sub3A_836 = arith.subf %get3A_734, %max3A_815 : vector<16xf32>
      %mul3A_837 = arith.constant 1.000000e+03 : f32
      %mul3A_838 = vector.broadcast %mul3A_837 : f32 to vector<16xf32>
      %mul3A_839 = arith.mulf %sub3A_836, %mul3A_838 : vector<16xf32>
      %exp3A_840 = math.exp %mul3A_839 : vector<16xf32>
      %sub3A_841 = arith.subf %get3A_740, %max3A_815 : vector<16xf32>
      %mul3A_842 = arith.constant 1.000000e+03 : f32
      %mul3A_843 = vector.broadcast %mul3A_842 : f32 to vector<16xf32>
      %mul3A_844 = arith.mulf %sub3A_841, %mul3A_843 : vector<16xf32>
      %exp3A_845 = math.exp %mul3A_844 : vector<16xf32>
      %sub3A_846 = arith.subf %get3A_746, %max3A_815 : vector<16xf32>
      %mul3A_847 = arith.constant 1.000000e+03 : f32
      %mul3A_848 = vector.broadcast %mul3A_847 : f32 to vector<16xf32>
      %mul3A_849 = arith.mulf %sub3A_846, %mul3A_848 : vector<16xf32>
      %exp3A_850 = math.exp %mul3A_849 : vector<16xf32>
      %sub3A_851 = arith.subf %get3A_752, %max3A_815 : vector<16xf32>
      %mul3A_852 = arith.constant 1.000000e+03 : f32
      %mul3A_853 = vector.broadcast %mul3A_852 : f32 to vector<16xf32>
      %mul3A_854 = arith.mulf %sub3A_851, %mul3A_853 : vector<16xf32>
      %exp3A_855 = math.exp %mul3A_854 : vector<16xf32>
      %sub3A_856 = arith.subf %get3A_758, %max3A_815 : vector<16xf32>
      %mul3A_857 = arith.constant 1.000000e+03 : f32
      %mul3A_858 = vector.broadcast %mul3A_857 : f32 to vector<16xf32>
      %mul3A_859 = arith.mulf %sub3A_856, %mul3A_858 : vector<16xf32>
      %exp3A_860 = math.exp %mul3A_859 : vector<16xf32>
      %sub3A_861 = arith.subf %get3A_764, %max3A_815 : vector<16xf32>
      %mul3A_862 = arith.constant 1.000000e+03 : f32
      %mul3A_863 = vector.broadcast %mul3A_862 : f32 to vector<16xf32>
      %mul3A_864 = arith.mulf %sub3A_861, %mul3A_863 : vector<16xf32>
      %exp3A_865 = math.exp %mul3A_864 : vector<16xf32>
      %sub3A_866 = arith.subf %get3A_770, %max3A_815 : vector<16xf32>
      %mul3A_867 = arith.constant 1.000000e+03 : f32
      %mul3A_868 = vector.broadcast %mul3A_867 : f32 to vector<16xf32>
      %mul3A_869 = arith.mulf %sub3A_866, %mul3A_868 : vector<16xf32>
      %exp3A_870 = math.exp %mul3A_869 : vector<16xf32>
      %sub3A_871 = arith.subf %get3A_776, %max3A_815 : vector<16xf32>
      %mul3A_872 = arith.constant 1.000000e+03 : f32
      %mul3A_873 = vector.broadcast %mul3A_872 : f32 to vector<16xf32>
      %mul3A_874 = arith.mulf %sub3A_871, %mul3A_873 : vector<16xf32>
      %exp3A_875 = math.exp %mul3A_874 : vector<16xf32>
      %sub3A_876 = arith.subf %get3A_782, %max3A_815 : vector<16xf32>
      %mul3A_877 = arith.constant 1.000000e+03 : f32
      %mul3A_878 = vector.broadcast %mul3A_877 : f32 to vector<16xf32>
      %mul3A_879 = arith.mulf %sub3A_876, %mul3A_878 : vector<16xf32>
      %exp3A_880 = math.exp %mul3A_879 : vector<16xf32>
      %sub3A_881 = arith.subf %get3A_788, %max3A_815 : vector<16xf32>
      %mul3A_882 = arith.constant 1.000000e+03 : f32
      %mul3A_883 = vector.broadcast %mul3A_882 : f32 to vector<16xf32>
      %mul3A_884 = arith.mulf %sub3A_881, %mul3A_883 : vector<16xf32>
      %exp3A_885 = math.exp %mul3A_884 : vector<16xf32>
      %sub3A_886 = arith.subf %get3A_794, %max3A_815 : vector<16xf32>
      %mul3A_887 = arith.constant 1.000000e+03 : f32
      %mul3A_888 = vector.broadcast %mul3A_887 : f32 to vector<16xf32>
      %mul3A_889 = arith.mulf %sub3A_886, %mul3A_888 : vector<16xf32>
      %exp3A_890 = math.exp %mul3A_889 : vector<16xf32>
      %sub3A_891 = arith.subf %get3A_800, %max3A_815 : vector<16xf32>
      %mul3A_892 = arith.constant 1.000000e+03 : f32
      %mul3A_893 = vector.broadcast %mul3A_892 : f32 to vector<16xf32>
      %mul3A_894 = arith.mulf %sub3A_891, %mul3A_893 : vector<16xf32>
      %exp3A_895 = math.exp %mul3A_894 : vector<16xf32>
      %add3A_896 = arith.addf %exp3A_820, %exp3A_825 : vector<16xf32>
      %add3A_897 = arith.addf %add3A_896, %exp3A_830 : vector<16xf32>
      %add3A_898 = arith.addf %add3A_897, %exp3A_835 : vector<16xf32>
      %add3A_899 = arith.addf %add3A_898, %exp3A_840 : vector<16xf32>
      %add3A_900 = arith.addf %add3A_899, %exp3A_845 : vector<16xf32>
      %add3A_901 = arith.addf %add3A_900, %exp3A_850 : vector<16xf32>
      %add3A_902 = arith.addf %add3A_901, %exp3A_855 : vector<16xf32>
      %add3A_903 = arith.addf %add3A_902, %exp3A_860 : vector<16xf32>
      %add3A_904 = arith.addf %add3A_903, %exp3A_865 : vector<16xf32>
      %add3A_905 = arith.addf %add3A_904, %exp3A_870 : vector<16xf32>
      %add3A_906 = arith.addf %add3A_905, %exp3A_875 : vector<16xf32>
      %add3A_907 = arith.addf %add3A_906, %exp3A_880 : vector<16xf32>
      %add3A_908 = arith.addf %add3A_907, %exp3A_885 : vector<16xf32>
      %add3A_909 = arith.addf %add3A_908, %exp3A_890 : vector<16xf32>
      %add3A_910 = arith.addf %add3A_909, %exp3A_895 : vector<16xf32>
      %div3A_911 = arith.constant 1.000000e+00 : f32
      %div3A_912 = vector.broadcast %div3A_911 : f32 to vector<16xf32>
      %div3A_913 = arith.divf %div3A_912, %add3A_910 : vector<16xf32>
      %mul3A_914 = arith.mulf %exp3A_820, %div3A_913 : vector<16xf32>
      %swap3A_915 = arith.constant 2 : i32
      %swap3A_916 = arith.index_cast %swap3A_915 : i32 to index
      %swap3A_917 = arith.index_cast %scan3A_34 : i32 to index
      %swap3A_918 = arith.constant 0 : index
      %swap3A_919 = tpu.vector_load %arg5[%swap3A_916, %swap3A_917, %swap3A_918] {strides = array<i32>} : memref<8x16x256xf32, #tpu.memory_space<vmem>>, vector<1x1x16xf32>,
      %swap3A_920 = vector.shape_cast %swap3A_919 : vector<1x1x16xf32> to vector<16xf32>
      %swap3A_921 = vector.shape_cast %mul3A_914 : vector<16xf32> to vector<1x1x16xf32>
      tpu.vector_store %arg5[%swap3A_916, %swap3A_917, %swap3A_918], %swap3A_921 {strides = array<i32>} : memref<8x16x256xf32, #tpu.memory_space<vmem>>, vector<1x1x16xf32>,
      %mul3A_922 = arith.mulf %exp3A_825, %div3A_913 : vector<16xf32>
      %swap3A_923 = arith.constant 2 : i32
      %swap3A_924 = arith.index_cast %swap3A_923 : i32 to index
      %swap3A_925 = arith.index_cast %scan3A_34 : i32 to index
      %swap3A_926 = arith.constant 16 : index
      %swap3A_927 = tpu.vector_load %arg5[%swap3A_924, %swap3A_925, %swap3A_926] {strides = array<i32>} : memref<8x16x256xf32, #tpu.memory_space<vmem>>, vector<1x1x16xf32>,
      %swap3A_928 = vector.shape_cast %swap3A_927 : vector<1x1x16xf32> to vector<16xf32>
      %swap3A_929 = vector.shape_cast %mul3A_922 : vector<16xf32> to vector<1x1x16xf32>
      tpu.vector_store %arg5[%swap3A_924, %swap3A_925, %swap3A_926], %swap3A_929 {strides = array<i32>} : memref<8x16x256xf32, #tpu.memory_space<vmem>>, vector<1x1x16xf32>,
      %mul3A_930 = arith.mulf %exp3A_830, %div3A_913 : vector<16xf32>
      %swap3A_931 = arith.constant 2 : i32
      %swap3A_932 = arith.index_cast %swap3A_931 : i32 to index
      %swap3A_933 = arith.index_cast %scan3A_34 : i32 to index
      %swap3A_934 = arith.constant 32 : index
      %swap3A_935 = tpu.vector_load %arg5[%swap3A_932, %swap3A_933, %swap3A_934] {strides = array<i32>} : memref<8x16x256xf32, #tpu.memory_space<vmem>>, vector<1x1x16xf32>,
      %swap3A_936 = vector.shape_cast %swap3A_935 : vector<1x1x16xf32> to vector<16xf32>
      %swap3A_937 = vector.shape_cast %mul3A_930 : vector<16xf32> to vector<1x1x16xf32>
      tpu.vector_store %arg5[%swap3A_932, %swap3A_933, %swap3A_934], %swap3A_937 {strides = array<i32>} : memref<8x16x256xf32, #tpu.memory_space<vmem>>, vector<1x1x16xf32>,
      %mul3A_938 = arith.mulf %exp3A_835, %div3A_913 : vector<16xf32>
      %swap3A_939 = arith.constant 2 : i32
      %swap3A_940 = arith.index_cast %swap3A_939 : i32 to index
      %swap3A_941 = arith.index_cast %scan3A_34 : i32 to index
      %swap3A_942 = arith.constant 48 : index
      %swap3A_943 = tpu.vector_load %arg5[%swap3A_940, %swap3A_941, %swap3A_942] {strides = array<i32>} : memref<8x16x256xf32, #tpu.memory_space<vmem>>, vector<1x1x16xf32>,
      %swap3A_944 = vector.shape_cast %swap3A_943 : vector<1x1x16xf32> to vector<16xf32>
      %swap3A_945 = vector.shape_cast %mul3A_938 : vector<16xf32> to vector<1x1x16xf32>
      tpu.vector_store %arg5[%swap3A_940, %swap3A_941, %swap3A_942], %swap3A_945 {strides = array<i32>} : memref<8x16x256xf32, #tpu.memory_space<vmem>>, vector<1x1x16xf32>,
      %mul3A_946 = arith.mulf %exp3A_840, %div3A_913 : vector<16xf32>
      %swap3A_947 = arith.constant 2 : i32
      %swap3A_948 = arith.index_cast %swap3A_947 : i32 to index
      %swap3A_949 = arith.index_cast %scan3A_34 : i32 to index
      %swap3A_950 = arith.constant 64 : index
      %swap3A_951 = tpu.vector_load %arg5[%swap3A_948, %swap3A_949, %swap3A_950] {strides = array<i32>} : memref<8x16x256xf32, #tpu.memory_space<vmem>>, vector<1x1x16xf32>,
      %swap3A_952 = vector.shape_cast %swap3A_951 : vector<1x1x16xf32> to vector<16xf32>
      %swap3A_953 = vector.shape_cast %mul3A_946 : vector<16xf32> to vector<1x1x16xf32>
      tpu.vector_store %arg5[%swap3A_948, %swap3A_949, %swap3A_950], %swap3A_953 {strides = array<i32>} : memref<8x16x256xf32, #tpu.memory_space<vmem>>, vector<1x1x16xf32>,
      %mul3A_954 = arith.mulf %exp3A_845, %div3A_913 : vector<16xf32>
      %swap3A_955 = arith.constant 2 : i32
      %swap3A_956 = arith.index_cast %swap3A_955 : i32 to index
      %swap3A_957 = arith.index_cast %scan3A_34 : i32 to index
      %swap3A_958 = arith.constant 80 : index
      %swap3A_959 = tpu.vector_load %arg5[%swap3A_956, %swap3A_957, %swap3A_958] {strides = array<i32>} : memref<8x16x256xf32, #tpu.memory_space<vmem>>, vector<1x1x16xf32>,
      %swap3A_960 = vector.shape_cast %swap3A_959 : vector<1x1x16xf32> to vector<16xf32>
      %swap3A_961 = vector.shape_cast %mul3A_954 : vector<16xf32> to vector<1x1x16xf32>
      tpu.vector_store %arg5[%swap3A_956, %swap3A_957, %swap3A_958], %swap3A_961 {strides = array<i32>} : memref<8x16x256xf32, #tpu.memory_space<vmem>>, vector<1x1x16xf32>,
      %mul3A_962 = arith.mulf %exp3A_850, %div3A_913 : vector<16xf32>
      %swap3A_963 = arith.constant 2 : i32
      %swap3A_964 = arith.index_cast %swap3A_963 : i32 to index
      %swap3A_965 = arith.index_cast %scan3A_34 : i32 to index
      %swap3A_966 = arith.constant 96 : index
      %swap3A_967 = tpu.vector_load %arg5[%swap3A_964, %swap3A_965, %swap3A_966] {strides = array<i32>} : memref<8x16x256xf32, #tpu.memory_space<vmem>>, vector<1x1x16xf32>,
      %swap3A_968 = vector.shape_cast %swap3A_967 : vector<1x1x16xf32> to vector<16xf32>
      %swap3A_969 = vector.shape_cast %mul3A_962 : vector<16xf32> to vector<1x1x16xf32>
      tpu.vector_store %arg5[%swap3A_964, %swap3A_965, %swap3A_966], %swap3A_969 {strides = array<i32>} : memref<8x16x256xf32, #tpu.memory_space<vmem>>, vector<1x1x16xf32>,
      %mul3A_970 = arith.mulf %exp3A_855, %div3A_913 : vector<16xf32>
      %swap3A_971 = arith.constant 2 : i32
      %swap3A_972 = arith.index_cast %swap3A_971 : i32 to index
      %swap3A_973 = arith.index_cast %scan3A_34 : i32 to index
      %swap3A_974 = arith.constant 112 : index
      %swap3A_975 = tpu.vector_load %arg5[%swap3A_972, %swap3A_973, %swap3A_974] {strides = array<i32>} : memref<8x16x256xf32, #tpu.memory_space<vmem>>, vector<1x1x16xf32>,
      %swap3A_976 = vector.shape_cast %swap3A_975 : vector<1x1x16xf32> to vector<16xf32>
      %swap3A_977 = vector.shape_cast %mul3A_970 : vector<16xf32> to vector<1x1x16xf32>
      tpu.vector_store %arg5[%swap3A_972, %swap3A_973, %swap3A_974], %swap3A_977 {strides = array<i32>} : memref<8x16x256xf32, #tpu.memory_space<vmem>>, vector<1x1x16xf32>,
      %mul3A_978 = arith.mulf %exp3A_860, %div3A_913 : vector<16xf32>
      %swap3A_979 = arith.constant 2 : i32
      %swap3A_980 = arith.index_cast %swap3A_979 : i32 to index
      %swap3A_981 = arith.index_cast %scan3A_34 : i32 to index
      %swap3A_982 = arith.constant 128 : index
      %swap3A_983 = tpu.vector_load %arg5[%swap3A_980, %swap3A_981, %swap3A_982] {strides = array<i32>} : memref<8x16x256xf32, #tpu.memory_space<vmem>>, vector<1x1x16xf32>,
      %swap3A_984 = vector.shape_cast %swap3A_983 : vector<1x1x16xf32> to vector<16xf32>
      %swap3A_985 = vector.shape_cast %mul3A_978 : vector<16xf32> to vector<1x1x16xf32>
      tpu.vector_store %arg5[%swap3A_980, %swap3A_981, %swap3A_982], %swap3A_985 {strides = array<i32>} : memref<8x16x256xf32, #tpu.memory_space<vmem>>, vector<1x1x16xf32>,
      %mul3A_986 = arith.mulf %exp3A_865, %div3A_913 : vector<16xf32>
      %swap3A_987 = arith.constant 2 : i32
      %swap3A_988 = arith.index_cast %swap3A_987 : i32 to index
      %swap3A_989 = arith.index_cast %scan3A_34 : i32 to index
      %swap3A_990 = arith.constant 144 : index
      %swap3A_991 = tpu.vector_load %arg5[%swap3A_988, %swap3A_989, %swap3A_990] {strides = array<i32>} : memref<8x16x256xf32, #tpu.memory_space<vmem>>, vector<1x1x16xf32>,
      %swap3A_992 = vector.shape_cast %swap3A_991 : vector<1x1x16xf32> to vector<16xf32>
      %swap3A_993 = vector.shape_cast %mul3A_986 : vector<16xf32> to vector<1x1x16xf32>
      tpu.vector_store %arg5[%swap3A_988, %swap3A_989, %swap3A_990], %swap3A_993 {strides = array<i32>} : memref<8x16x256xf32, #tpu.memory_space<vmem>>, vector<1x1x16xf32>,
      %mul3A_994 = arith.mulf %exp3A_870, %div3A_913 : vector<16xf32>
      %swap3A_995 = arith.constant 2 : i32
      %swap3A_996 = arith.index_cast %swap3A_995 : i32 to index
      %swap3A_997 = arith.index_cast %scan3A_34 : i32 to index
      %swap3A_998 = arith.constant 160 : index
      %swap3A_999 = tpu.vector_load %arg5[%swap3A_996, %swap3A_997, %swap3A_998] {strides = array<i32>} : memref<8x16x256xf32, #tpu.memory_space<vmem>>, vector<1x1x16xf32>,
      %swap3A_1000 = vector.shape_cast %swap3A_999 : vector<1x1x16xf32> to vector<16xf32>
      %swap3A_1001 = vector.shape_cast %mul3A_994 : vector<16xf32> to vector<1x1x16xf32>
      tpu.vector_store %arg5[%swap3A_996, %swap3A_997, %swap3A_998], %swap3A_1001 {strides = array<i32>} : memref<8x16x256xf32, #tpu.memory_space<vmem>>, vector<1x1x16xf32>,
      %mul3A_1002 = arith.mulf %exp3A_875, %div3A_913 : vector<16xf32>
      %swap3A_1003 = arith.constant 2 : i32
      %swap3A_1004 = arith.index_cast %swap3A_1003 : i32 to index
      %swap3A_1005 = arith.index_cast %scan3A_34 : i32 to index
      %swap3A_1006 = arith.constant 176 : index
      %swap3A_1007 = tpu.vector_load %arg5[%swap3A_1004, %swap3A_1005, %swap3A_1006] {strides = array<i32>} : memref<8x16x256xf32, #tpu.memory_space<vmem>>, vector<1x1x16xf32>,
      %swap3A_1008 = vector.shape_cast %swap3A_1007 : vector<1x1x16xf32> to vector<16xf32>
      %swap3A_1009 = vector.shape_cast %mul3A_1002 : vector<16xf32> to vector<1x1x16xf32>
      tpu.vector_store %arg5[%swap3A_1004, %swap3A_1005, %swap3A_1006], %swap3A_1009 {strides = array<i32>} : memref<8x16x256xf32, #tpu.memory_space<vmem>>, vector<1x1x16xf32>,
      %mul3A_1010 = arith.mulf %exp3A_880, %div3A_913 : vector<16xf32>
      %swap3A_1011 = arith.constant 2 : i32
      %swap3A_1012 = arith.index_cast %swap3A_1011 : i32 to index
      %swap3A_1013 = arith.index_cast %scan3A_34 : i32 to index
      %swap3A_1014 = arith.constant 192 : index
      %swap3A_1015 = tpu.vector_load %arg5[%swap3A_1012, %swap3A_1013, %swap3A_1014] {strides = array<i32>} : memref<8x16x256xf32, #tpu.memory_space<vmem>>, vector<1x1x16xf32>,
      %swap3A_1016 = vector.shape_cast %swap3A_1015 : vector<1x1x16xf32> to vector<16xf32>
      %swap3A_1017 = vector.shape_cast %mul3A_1010 : vector<16xf32> to vector<1x1x16xf32>
      tpu.vector_store %arg5[%swap3A_1012, %swap3A_1013, %swap3A_1014], %swap3A_1017 {strides = array<i32>} : memref<8x16x256xf32, #tpu.memory_space<vmem>>, vector<1x1x16xf32>,
      %mul3A_1018 = arith.mulf %exp3A_885, %div3A_913 : vector<16xf32>
      %swap3A_1019 = arith.constant 2 : i32
      %swap3A_1020 = arith.index_cast %swap3A_1019 : i32 to index
      %swap3A_1021 = arith.index_cast %scan3A_34 : i32 to index
      %swap3A_1022 = arith.constant 208 : index
      %swap3A_1023 = tpu.vector_load %arg5[%swap3A_1020, %swap3A_1021, %swap3A_1022] {strides = array<i32>} : memref<8x16x256xf32, #tpu.memory_space<vmem>>, vector<1x1x16xf32>,
      %swap3A_1024 = vector.shape_cast %swap3A_1023 : vector<1x1x16xf32> to vector<16xf32>
      %swap3A_1025 = vector.shape_cast %mul3A_1018 : vector<16xf32> to vector<1x1x16xf32>
      tpu.vector_store %arg5[%swap3A_1020, %swap3A_1021, %swap3A_1022], %swap3A_1025 {strides = array<i32>} : memref<8x16x256xf32, #tpu.memory_space<vmem>>, vector<1x1x16xf32>,
      %mul3A_1026 = arith.mulf %exp3A_890, %div3A_913 : vector<16xf32>
      %swap3A_1027 = arith.constant 2 : i32
      %swap3A_1028 = arith.index_cast %swap3A_1027 : i32 to index
      %swap3A_1029 = arith.index_cast %scan3A_34 : i32 to index
      %swap3A_1030 = arith.constant 224 : index
      %swap3A_1031 = tpu.vector_load %arg5[%swap3A_1028, %swap3A_1029, %swap3A_1030] {strides = array<i32>} : memref<8x16x256xf32, #tpu.memory_space<vmem>>, vector<1x1x16xf32>,
      %swap3A_1032 = vector.shape_cast %swap3A_1031 : vector<1x1x16xf32> to vector<16xf32>
      %swap3A_1033 = vector.shape_cast %mul3A_1026 : vector<16xf32> to vector<1x1x16xf32>
      tpu.vector_store %arg5[%swap3A_1028, %swap3A_1029, %swap3A_1030], %swap3A_1033 {strides = array<i32>} : memref<8x16x256xf32, #tpu.memory_space<vmem>>, vector<1x1x16xf32>,
      %mul3A_1034 = arith.mulf %exp3A_895, %div3A_913 : vector<16xf32>
      %swap3A_1035 = arith.constant 2 : i32
      %swap3A_1036 = arith.index_cast %swap3A_1035 : i32 to index
      %swap3A_1037 = arith.index_cast %scan3A_34 : i32 to index
      %swap3A_1038 = arith.constant 240 : index
      %swap3A_1039 = tpu.vector_load %arg5[%swap3A_1036, %swap3A_1037, %swap3A_1038] {strides = array<i32>} : memref<8x16x256xf32, #tpu.memory_space<vmem>>, vector<1x1x16xf32>,
      %swap3A_1040 = vector.shape_cast %swap3A_1039 : vector<1x1x16xf32> to vector<16xf32>
      %swap3A_1041 = vector.shape_cast %mul3A_1034 : vector<16xf32> to vector<1x1x16xf32>
      tpu.vector_store %arg5[%swap3A_1036, %swap3A_1037, %swap3A_1038], %swap3A_1041 {strides = array<i32>} : memref<8x16x256xf32, #tpu.memory_space<vmem>>, vector<1x1x16xf32>,
      %get3A_1042 = arith.constant 3 : i32
      %get3A_1043 = arith.index_cast %get3A_1042 : i32 to index
      %get3A_1044 = arith.index_cast %scan3A_34 : i32 to index
      %get3A_1045 = arith.constant 0 : index
      %get3A_1046 = tpu.vector_load %arg5[%get3A_1043, %get3A_1044, %get3A_1045] {strides = array<i32>} : memref<8x16x256xf32, #tpu.memory_space<vmem>>, vector<1x1x16xf32>,
      %get3A_1047 = vector.shape_cast %get3A_1046 : vector<1x1x16xf32> to vector<16xf32>
      %get3A_1048 = arith.constant 3 : i32
      %get3A_1049 = arith.index_cast %get3A_1048 : i32 to index
      %get3A_1050 = arith.index_cast %scan3A_34 : i32 to index
      %get3A_1051 = arith.constant 16 : index
      %get3A_1052 = tpu.vector_load %arg5[%get3A_1049, %get3A_1050, %get3A_1051] {strides = array<i32>} : memref<8x16x256xf32, #tpu.memory_space<vmem>>, vector<1x1x16xf32>,
      %get3A_1053 = vector.shape_cast %get3A_1052 : vector<1x1x16xf32> to vector<16xf32>
      %get3A_1054 = arith.constant 3 : i32
      %get3A_1055 = arith.index_cast %get3A_1054 : i32 to index
      %get3A_1056 = arith.index_cast %scan3A_34 : i32 to index
      %get3A_1057 = arith.constant 32 : index
      %get3A_1058 = tpu.vector_load %arg5[%get3A_1055, %get3A_1056, %get3A_1057] {strides = array<i32>} : memref<8x16x256xf32, #tpu.memory_space<vmem>>, vector<1x1x16xf32>,
      %get3A_1059 = vector.shape_cast %get3A_1058 : vector<1x1x16xf32> to vector<16xf32>
      %get3A_1060 = arith.constant 3 : i32
      %get3A_1061 = arith.index_cast %get3A_1060 : i32 to index
      %get3A_1062 = arith.index_cast %scan3A_34 : i32 to index
      %get3A_1063 = arith.constant 48 : index
      %get3A_1064 = tpu.vector_load %arg5[%get3A_1061, %get3A_1062, %get3A_1063] {strides = array<i32>} : memref<8x16x256xf32, #tpu.memory_space<vmem>>, vector<1x1x16xf32>,
      %get3A_1065 = vector.shape_cast %get3A_1064 : vector<1x1x16xf32> to vector<16xf32>
      %get3A_1066 = arith.constant 3 : i32
      %get3A_1067 = arith.index_cast %get3A_1066 : i32 to index
      %get3A_1068 = arith.index_cast %scan3A_34 : i32 to index
      %get3A_1069 = arith.constant 64 : index
      %get3A_1070 = tpu.vector_load %arg5[%get3A_1067, %get3A_1068, %get3A_1069] {strides = array<i32>} : memref<8x16x256xf32, #tpu.memory_space<vmem>>, vector<1x1x16xf32>,
      %get3A_1071 = vector.shape_cast %get3A_1070 : vector<1x1x16xf32> to vector<16xf32>
      %get3A_1072 = arith.constant 3 : i32
      %get3A_1073 = arith.index_cast %get3A_1072 : i32 to index
      %get3A_1074 = arith.index_cast %scan3A_34 : i32 to index
      %get3A_1075 = arith.constant 80 : index
      %get3A_1076 = tpu.vector_load %arg5[%get3A_1073, %get3A_1074, %get3A_1075] {strides = array<i32>} : memref<8x16x256xf32, #tpu.memory_space<vmem>>, vector<1x1x16xf32>,
      %get3A_1077 = vector.shape_cast %get3A_1076 : vector<1x1x16xf32> to vector<16xf32>
      %get3A_1078 = arith.constant 3 : i32
      %get3A_1079 = arith.index_cast %get3A_1078 : i32 to index
      %get3A_1080 = arith.index_cast %scan3A_34 : i32 to index
      %get3A_1081 = arith.constant 96 : index
      %get3A_1082 = tpu.vector_load %arg5[%get3A_1079, %get3A_1080, %get3A_1081] {strides = array<i32>} : memref<8x16x256xf32, #tpu.memory_space<vmem>>, vector<1x1x16xf32>,
      %get3A_1083 = vector.shape_cast %get3A_1082 : vector<1x1x16xf32> to vector<16xf32>
      %get3A_1084 = arith.constant 3 : i32
      %get3A_1085 = arith.index_cast %get3A_1084 : i32 to index
      %get3A_1086 = arith.index_cast %scan3A_34 : i32 to index
      %get3A_1087 = arith.constant 112 : index
      %get3A_1088 = tpu.vector_load %arg5[%get3A_1085, %get3A_1086, %get3A_1087] {strides = array<i32>} : memref<8x16x256xf32, #tpu.memory_space<vmem>>, vector<1x1x16xf32>,
      %get3A_1089 = vector.shape_cast %get3A_1088 : vector<1x1x16xf32> to vector<16xf32>
      %get3A_1090 = arith.constant 3 : i32
      %get3A_1091 = arith.index_cast %get3A_1090 : i32 to index
      %get3A_1092 = arith.index_cast %scan3A_34 : i32 to index
      %get3A_1093 = arith.constant 128 : index
      %get3A_1094 = tpu.vector_load %arg5[%get3A_1091, %get3A_1092, %get3A_1093] {strides = array<i32>} : memref<8x16x256xf32, #tpu.memory_space<vmem>>, vector<1x1x16xf32>,
      %get3A_1095 = vector.shape_cast %get3A_1094 : vector<1x1x16xf32> to vector<16xf32>
      %get3A_1096 = arith.constant 3 : i32
      %get3A_1097 = arith.index_cast %get3A_1096 : i32 to index
      %get3A_1098 = arith.index_cast %scan3A_34 : i32 to index
      %get3A_1099 = arith.constant 144 : index
      %get3A_1100 = tpu.vector_load %arg5[%get3A_1097, %get3A_1098, %get3A_1099] {strides = array<i32>} : memref<8x16x256xf32, #tpu.memory_space<vmem>>, vector<1x1x16xf32>,
      %get3A_1101 = vector.shape_cast %get3A_1100 : vector<1x1x16xf32> to vector<16xf32>
      %get3A_1102 = arith.constant 3 : i32
      %get3A_1103 = arith.index_cast %get3A_1102 : i32 to index
      %get3A_1104 = arith.index_cast %scan3A_34 : i32 to index
      %get3A_1105 = arith.constant 160 : index
      %get3A_1106 = tpu.vector_load %arg5[%get3A_1103, %get3A_1104, %get3A_1105] {strides = array<i32>} : memref<8x16x256xf32, #tpu.memory_space<vmem>>, vector<1x1x16xf32>,
      %get3A_1107 = vector.shape_cast %get3A_1106 : vector<1x1x16xf32> to vector<16xf32>
      %get3A_1108 = arith.constant 3 : i32
      %get3A_1109 = arith.index_cast %get3A_1108 : i32 to index
      %get3A_1110 = arith.index_cast %scan3A_34 : i32 to index
      %get3A_1111 = arith.constant 176 : index
      %get3A_1112 = tpu.vector_load %arg5[%get3A_1109, %get3A_1110, %get3A_1111] {strides = array<i32>} : memref<8x16x256xf32, #tpu.memory_space<vmem>>, vector<1x1x16xf32>,
      %get3A_1113 = vector.shape_cast %get3A_1112 : vector<1x1x16xf32> to vector<16xf32>
      %get3A_1114 = arith.constant 3 : i32
      %get3A_1115 = arith.index_cast %get3A_1114 : i32 to index
      %get3A_1116 = arith.index_cast %scan3A_34 : i32 to index
      %get3A_1117 = arith.constant 192 : index
      %get3A_1118 = tpu.vector_load %arg5[%get3A_1115, %get3A_1116, %get3A_1117] {strides = array<i32>} : memref<8x16x256xf32, #tpu.memory_space<vmem>>, vector<1x1x16xf32>,
      %get3A_1119 = vector.shape_cast %get3A_1118 : vector<1x1x16xf32> to vector<16xf32>
      %get3A_1120 = arith.constant 3 : i32
      %get3A_1121 = arith.index_cast %get3A_1120 : i32 to index
      %get3A_1122 = arith.index_cast %scan3A_34 : i32 to index
      %get3A_1123 = arith.constant 208 : index
      %get3A_1124 = tpu.vector_load %arg5[%get3A_1121, %get3A_1122, %get3A_1123] {strides = array<i32>} : memref<8x16x256xf32, #tpu.memory_space<vmem>>, vector<1x1x16xf32>,
      %get3A_1125 = vector.shape_cast %get3A_1124 : vector<1x1x16xf32> to vector<16xf32>
      %get3A_1126 = arith.constant 3 : i32
      %get3A_1127 = arith.index_cast %get3A_1126 : i32 to index
      %get3A_1128 = arith.index_cast %scan3A_34 : i32 to index
      %get3A_1129 = arith.constant 224 : index
      %get3A_1130 = tpu.vector_load %arg5[%get3A_1127, %get3A_1128, %get3A_1129] {strides = array<i32>} : memref<8x16x256xf32, #tpu.memory_space<vmem>>, vector<1x1x16xf32>,
      %get3A_1131 = vector.shape_cast %get3A_1130 : vector<1x1x16xf32> to vector<16xf32>
      %get3A_1132 = arith.constant 3 : i32
      %get3A_1133 = arith.index_cast %get3A_1132 : i32 to index
      %get3A_1134 = arith.index_cast %scan3A_34 : i32 to index
      %get3A_1135 = arith.constant 240 : index
      %get3A_1136 = tpu.vector_load %arg5[%get3A_1133, %get3A_1134, %get3A_1135] {strides = array<i32>} : memref<8x16x256xf32, #tpu.memory_space<vmem>>, vector<1x1x16xf32>,
      %get3A_1137 = vector.shape_cast %get3A_1136 : vector<1x1x16xf32> to vector<16xf32>
      %max3A_1138 = arith.maximumf %get3A_1047, %get3A_1053 : vector<16xf32>
      %max3A_1139 = arith.maximumf %max3A_1138, %get3A_1059 : vector<16xf32>
      %max3A_1140 = arith.maximumf %max3A_1139, %get3A_1065 : vector<16xf32>
      %max3A_1141 = arith.maximumf %max3A_1140, %get3A_1071 : vector<16xf32>
      %max3A_1142 = arith.maximumf %max3A_1141, %get3A_1077 : vector<16xf32>
      %max3A_1143 = arith.maximumf %max3A_1142, %get3A_1083 : vector<16xf32>
      %max3A_1144 = arith.maximumf %max3A_1143, %get3A_1089 : vector<16xf32>
      %max3A_1145 = arith.maximumf %max3A_1144, %get3A_1095 : vector<16xf32>
      %max3A_1146 = arith.maximumf %max3A_1145, %get3A_1101 : vector<16xf32>
      %max3A_1147 = arith.maximumf %max3A_1146, %get3A_1107 : vector<16xf32>
      %max3A_1148 = arith.maximumf %max3A_1147, %get3A_1113 : vector<16xf32>
      %max3A_1149 = arith.maximumf %max3A_1148, %get3A_1119 : vector<16xf32>
      %max3A_1150 = arith.maximumf %max3A_1149, %get3A_1125 : vector<16xf32>
      %max3A_1151 = arith.maximumf %max3A_1150, %get3A_1131 : vector<16xf32>
      %max3A_1152 = arith.maximumf %max3A_1151, %get3A_1137 : vector<16xf32>
      %sub3A_1153 = arith.subf %get3A_1047, %max3A_1152 : vector<16xf32>
      %mul3A_1154 = arith.constant 1.000000e+03 : f32
      %mul3A_1155 = vector.broadcast %mul3A_1154 : f32 to vector<16xf32>
      %mul3A_1156 = arith.mulf %sub3A_1153, %mul3A_1155 : vector<16xf32>
      %exp3A_1157 = math.exp %mul3A_1156 : vector<16xf32>
      %sub3A_1158 = arith.subf %get3A_1053, %max3A_1152 : vector<16xf32>
      %mul3A_1159 = arith.constant 1.000000e+03 : f32
      %mul3A_1160 = vector.broadcast %mul3A_1159 : f32 to vector<16xf32>
      %mul3A_1161 = arith.mulf %sub3A_1158, %mul3A_1160 : vector<16xf32>
      %exp3A_1162 = math.exp %mul3A_1161 : vector<16xf32>
      %sub3A_1163 = arith.subf %get3A_1059, %max3A_1152 : vector<16xf32>
      %mul3A_1164 = arith.constant 1.000000e+03 : f32
      %mul3A_1165 = vector.broadcast %mul3A_1164 : f32 to vector<16xf32>
      %mul3A_1166 = arith.mulf %sub3A_1163, %mul3A_1165 : vector<16xf32>
      %exp3A_1167 = math.exp %mul3A_1166 : vector<16xf32>
      %sub3A_1168 = arith.subf %get3A_1065, %max3A_1152 : vector<16xf32>
      %mul3A_1169 = arith.constant 1.000000e+03 : f32
      %mul3A_1170 = vector.broadcast %mul3A_1169 : f32 to vector<16xf32>
      %mul3A_1171 = arith.mulf %sub3A_1168, %mul3A_1170 : vector<16xf32>
      %exp3A_1172 = math.exp %mul3A_1171 : vector<16xf32>
      %sub3A_1173 = arith.subf %get3A_1071, %max3A_1152 : vector<16xf32>
      %mul3A_1174 = arith.constant 1.000000e+03 : f32
      %mul3A_1175 = vector.broadcast %mul3A_1174 : f32 to vector<16xf32>
      %mul3A_1176 = arith.mulf %sub3A_1173, %mul3A_1175 : vector<16xf32>
      %exp3A_1177 = math.exp %mul3A_1176 : vector<16xf32>
      %sub3A_1178 = arith.subf %get3A_1077, %max3A_1152 : vector<16xf32>
      %mul3A_1179 = arith.constant 1.000000e+03 : f32
      %mul3A_1180 = vector.broadcast %mul3A_1179 : f32 to vector<16xf32>
      %mul3A_1181 = arith.mulf %sub3A_1178, %mul3A_1180 : vector<16xf32>
      %exp3A_1182 = math.exp %mul3A_1181 : vector<16xf32>
      %sub3A_1183 = arith.subf %get3A_1083, %max3A_1152 : vector<16xf32>
      %mul3A_1184 = arith.constant 1.000000e+03 : f32
      %mul3A_1185 = vector.broadcast %mul3A_1184 : f32 to vector<16xf32>
      %mul3A_1186 = arith.mulf %sub3A_1183, %mul3A_1185 : vector<16xf32>
      %exp3A_1187 = math.exp %mul3A_1186 : vector<16xf32>
      %sub3A_1188 = arith.subf %get3A_1089, %max3A_1152 : vector<16xf32>
      %mul3A_1189 = arith.constant 1.000000e+03 : f32
      %mul3A_1190 = vector.broadcast %mul3A_1189 : f32 to vector<16xf32>
      %mul3A_1191 = arith.mulf %sub3A_1188, %mul3A_1190 : vector<16xf32>
      %exp3A_1192 = math.exp %mul3A_1191 : vector<16xf32>
      %sub3A_1193 = arith.subf %get3A_1095, %max3A_1152 : vector<16xf32>
      %mul3A_1194 = arith.constant 1.000000e+03 : f32
      %mul3A_1195 = vector.broadcast %mul3A_1194 : f32 to vector<16xf32>
      %mul3A_1196 = arith.mulf %sub3A_1193, %mul3A_1195 : vector<16xf32>
      %exp3A_1197 = math.exp %mul3A_1196 : vector<16xf32>
      %sub3A_1198 = arith.subf %get3A_1101, %max3A_1152 : vector<16xf32>
      %mul3A_1199 = arith.constant 1.000000e+03 : f32
      %mul3A_1200 = vector.broadcast %mul3A_1199 : f32 to vector<16xf32>
      %mul3A_1201 = arith.mulf %sub3A_1198, %mul3A_1200 : vector<16xf32>
      %exp3A_1202 = math.exp %mul3A_1201 : vector<16xf32>
      %sub3A_1203 = arith.subf %get3A_1107, %max3A_1152 : vector<16xf32>
      %mul3A_1204 = arith.constant 1.000000e+03 : f32
      %mul3A_1205 = vector.broadcast %mul3A_1204 : f32 to vector<16xf32>
      %mul3A_1206 = arith.mulf %sub3A_1203, %mul3A_1205 : vector<16xf32>
      %exp3A_1207 = math.exp %mul3A_1206 : vector<16xf32>
      %sub3A_1208 = arith.subf %get3A_1113, %max3A_1152 : vector<16xf32>
      %mul3A_1209 = arith.constant 1.000000e+03 : f32
      %mul3A_1210 = vector.broadcast %mul3A_1209 : f32 to vector<16xf32>
      %mul3A_1211 = arith.mulf %sub3A_1208, %mul3A_1210 : vector<16xf32>
      %exp3A_1212 = math.exp %mul3A_1211 : vector<16xf32>
      %sub3A_1213 = arith.subf %get3A_1119, %max3A_1152 : vector<16xf32>
      %mul3A_1214 = arith.constant 1.000000e+03 : f32
      %mul3A_1215 = vector.broadcast %mul3A_1214 : f32 to vector<16xf32>
      %mul3A_1216 = arith.mulf %sub3A_1213, %mul3A_1215 : vector<16xf32>
      %exp3A_1217 = math.exp %mul3A_1216 : vector<16xf32>
      %sub3A_1218 = arith.subf %get3A_1125, %max3A_1152 : vector<16xf32>
      %mul3A_1219 = arith.constant 1.000000e+03 : f32
      %mul3A_1220 = vector.broadcast %mul3A_1219 : f32 to vector<16xf32>
      %mul3A_1221 = arith.mulf %sub3A_1218, %mul3A_1220 : vector<16xf32>
      %exp3A_1222 = math.exp %mul3A_1221 : vector<16xf32>
      %sub3A_1223 = arith.subf %get3A_1131, %max3A_1152 : vector<16xf32>
      %mul3A_1224 = arith.constant 1.000000e+03 : f32
      %mul3A_1225 = vector.broadcast %mul3A_1224 : f32 to vector<16xf32>
      %mul3A_1226 = arith.mulf %sub3A_1223, %mul3A_1225 : vector<16xf32>
      %exp3A_1227 = math.exp %mul3A_1226 : vector<16xf32>
      %sub3A_1228 = arith.subf %get3A_1137, %max3A_1152 : vector<16xf32>
      %mul3A_1229 = arith.constant 1.000000e+03 : f32
      %mul3A_1230 = vector.broadcast %mul3A_1229 : f32 to vector<16xf32>
      %mul3A_1231 = arith.mulf %sub3A_1228, %mul3A_1230 : vector<16xf32>
      %exp3A_1232 = math.exp %mul3A_1231 : vector<16xf32>
      %add3A_1233 = arith.addf %exp3A_1157, %exp3A_1162 : vector<16xf32>
      %add3A_1234 = arith.addf %add3A_1233, %exp3A_1167 : vector<16xf32>
      %add3A_1235 = arith.addf %add3A_1234, %exp3A_1172 : vector<16xf32>
      %add3A_1236 = arith.addf %add3A_1235, %exp3A_1177 : vector<16xf32>
      %add3A_1237 = arith.addf %add3A_1236, %exp3A_1182 : vector<16xf32>
      %add3A_1238 = arith.addf %add3A_1237, %exp3A_1187 : vector<16xf32>
      %add3A_1239 = arith.addf %add3A_1238, %exp3A_1192 : vector<16xf32>
      %add3A_1240 = arith.addf %add3A_1239, %exp3A_1197 : vector<16xf32>
      %add3A_1241 = arith.addf %add3A_1240, %exp3A_1202 : vector<16xf32>
      %add3A_1242 = arith.addf %add3A_1241, %exp3A_1207 : vector<16xf32>
      %add3A_1243 = arith.addf %add3A_1242, %exp3A_1212 : vector<16xf32>
      %add3A_1244 = arith.addf %add3A_1243, %exp3A_1217 : vector<16xf32>
      %add3A_1245 = arith.addf %add3A_1244, %exp3A_1222 : vector<16xf32>
      %add3A_1246 = arith.addf %add3A_1245, %exp3A_1227 : vector<16xf32>
      %add3A_1247 = arith.addf %add3A_1246, %exp3A_1232 : vector<16xf32>
      %div3A_1248 = arith.constant 1.000000e+00 : f32
      %div3A_1249 = vector.broadcast %div3A_1248 : f32 to vector<16xf32>
      %div3A_1250 = arith.divf %div3A_1249, %add3A_1247 : vector<16xf32>
      %mul3A_1251 = arith.mulf %exp3A_1157, %div3A_1250 : vector<16xf32>
      %swap3A_1252 = arith.constant 3 : i32
      %swap3A_1253 = arith.index_cast %swap3A_1252 : i32 to index
      %swap3A_1254 = arith.index_cast %scan3A_34 : i32 to index
      %swap3A_1255 = arith.constant 0 : index
      %swap3A_1256 = tpu.vector_load %arg5[%swap3A_1253, %swap3A_1254, %swap3A_1255] {strides = array<i32>} : memref<8x16x256xf32, #tpu.memory_space<vmem>>, vector<1x1x16xf32>,
      %swap3A_1257 = vector.shape_cast %swap3A_1256 : vector<1x1x16xf32> to vector<16xf32>
      %swap3A_1258 = vector.shape_cast %mul3A_1251 : vector<16xf32> to vector<1x1x16xf32>
      tpu.vector_store %arg5[%swap3A_1253, %swap3A_1254, %swap3A_1255], %swap3A_1258 {strides = array<i32>} : memref<8x16x256xf32, #tpu.memory_space<vmem>>, vector<1x1x16xf32>,
      %mul3A_1259 = arith.mulf %exp3A_1162, %div3A_1250 : vector<16xf32>
      %swap3A_1260 = arith.constant 3 : i32
      %swap3A_1261 = arith.index_cast %swap3A_1260 : i32 to index
      %swap3A_1262 = arith.index_cast %scan3A_34 : i32 to index
      %swap3A_1263 = arith.constant 16 : index
      %swap3A_1264 = tpu.vector_load %arg5[%swap3A_1261, %swap3A_1262, %swap3A_1263] {strides = array<i32>} : memref<8x16x256xf32, #tpu.memory_space<vmem>>, vector<1x1x16xf32>,
      %swap3A_1265 = vector.shape_cast %swap3A_1264 : vector<1x1x16xf32> to vector<16xf32>
      %swap3A_1266 = vector.shape_cast %mul3A_1259 : vector<16xf32> to vector<1x1x16xf32>
      tpu.vector_store %arg5[%swap3A_1261, %swap3A_1262, %swap3A_1263], %swap3A_1266 {strides = array<i32>} : memref<8x16x256xf32, #tpu.memory_space<vmem>>, vector<1x1x16xf32>,
      %mul3A_1267 = arith.mulf %exp3A_1167, %div3A_1250 : vector<16xf32>
      %swap3A_1268 = arith.constant 3 : i32
      %swap3A_1269 = arith.index_cast %swap3A_1268 : i32 to index
      %swap3A_1270 = arith.index_cast %scan3A_34 : i32 to index
      %swap3A_1271 = arith.constant 32 : index
      %swap3A_1272 = tpu.vector_load %arg5[%swap3A_1269, %swap3A_1270, %swap3A_1271] {strides = array<i32>} : memref<8x16x256xf32, #tpu.memory_space<vmem>>, vector<1x1x16xf32>,
      %swap3A_1273 = vector.shape_cast %swap3A_1272 : vector<1x1x16xf32> to vector<16xf32>
      %swap3A_1274 = vector.shape_cast %mul3A_1267 : vector<16xf32> to vector<1x1x16xf32>
      tpu.vector_store %arg5[%swap3A_1269, %swap3A_1270, %swap3A_1271], %swap3A_1274 {strides = array<i32>} : memref<8x16x256xf32, #tpu.memory_space<vmem>>, vector<1x1x16xf32>,
      %mul3A_1275 = arith.mulf %exp3A_1172, %div3A_1250 : vector<16xf32>
      %swap3A_1276 = arith.constant 3 : i32
      %swap3A_1277 = arith.index_cast %swap3A_1276 : i32 to index
      %swap3A_1278 = arith.index_cast %scan3A_34 : i32 to index
      %swap3A_1279 = arith.constant 48 : index
      %swap3A_1280 = tpu.vector_load %arg5[%swap3A_1277, %swap3A_1278, %swap3A_1279] {strides = array<i32>} : memref<8x16x256xf32, #tpu.memory_space<vmem>>, vector<1x1x16xf32>,
      %swap3A_1281 = vector.shape_cast %swap3A_1280 : vector<1x1x16xf32> to vector<16xf32>
      %swap3A_1282 = vector.shape_cast %mul3A_1275 : vector<16xf32> to vector<1x1x16xf32>
      tpu.vector_store %arg5[%swap3A_1277, %swap3A_1278, %swap3A_1279], %swap3A_1282 {strides = array<i32>} : memref<8x16x256xf32, #tpu.memory_space<vmem>>, vector<1x1x16xf32>,
      %mul3A_1283 = arith.mulf %exp3A_1177, %div3A_1250 : vector<16xf32>
      %swap3A_1284 = arith.constant 3 : i32
      %swap3A_1285 = arith.index_cast %swap3A_1284 : i32 to index
      %swap3A_1286 = arith.index_cast %scan3A_34 : i32 to index
      %swap3A_1287 = arith.constant 64 : index
      %swap3A_1288 = tpu.vector_load %arg5[%swap3A_1285, %swap3A_1286, %swap3A_1287] {strides = array<i32>} : memref<8x16x256xf32, #tpu.memory_space<vmem>>, vector<1x1x16xf32>,
      %swap3A_1289 = vector.shape_cast %swap3A_1288 : vector<1x1x16xf32> to vector<16xf32>
      %swap3A_1290 = vector.shape_cast %mul3A_1283 : vector<16xf32> to vector<1x1x16xf32>
      tpu.vector_store %arg5[%swap3A_1285, %swap3A_1286, %swap3A_1287], %swap3A_1290 {strides = array<i32>} : memref<8x16x256xf32, #tpu.memory_space<vmem>>, vector<1x1x16xf32>,
      %mul3A_1291 = arith.mulf %exp3A_1182, %div3A_1250 : vector<16xf32>
      %swap3A_1292 = arith.constant 3 : i32
      %swap3A_1293 = arith.index_cast %swap3A_1292 : i32 to index
      %swap3A_1294 = arith.index_cast %scan3A_34 : i32 to index
      %swap3A_1295 = arith.constant 80 : index
      %swap3A_1296 = tpu.vector_load %arg5[%swap3A_1293, %swap3A_1294, %swap3A_1295] {strides = array<i32>} : memref<8x16x256xf32, #tpu.memory_space<vmem>>, vector<1x1x16xf32>,
      %swap3A_1297 = vector.shape_cast %swap3A_1296 : vector<1x1x16xf32> to vector<16xf32>
      %swap3A_1298 = vector.shape_cast %mul3A_1291 : vector<16xf32> to vector<1x1x16xf32>
      tpu.vector_store %arg5[%swap3A_1293, %swap3A_1294, %swap3A_1295], %swap3A_1298 {strides = array<i32>} : memref<8x16x256xf32, #tpu.memory_space<vmem>>, vector<1x1x16xf32>,
      %mul3A_1299 = arith.mulf %exp3A_1187, %div3A_1250 : vector<16xf32>
      %swap3A_1300 = arith.constant 3 : i32
      %swap3A_1301 = arith.index_cast %swap3A_1300 : i32 to index
      %swap3A_1302 = arith.index_cast %scan3A_34 : i32 to index
      %swap3A_1303 = arith.constant 96 : index
      %swap3A_1304 = tpu.vector_load %arg5[%swap3A_1301, %swap3A_1302, %swap3A_1303] {strides = array<i32>} : memref<8x16x256xf32, #tpu.memory_space<vmem>>, vector<1x1x16xf32>,
      %swap3A_1305 = vector.shape_cast %swap3A_1304 : vector<1x1x16xf32> to vector<16xf32>
      %swap3A_1306 = vector.shape_cast %mul3A_1299 : vector<16xf32> to vector<1x1x16xf32>
      tpu.vector_store %arg5[%swap3A_1301, %swap3A_1302, %swap3A_1303], %swap3A_1306 {strides = array<i32>} : memref<8x16x256xf32, #tpu.memory_space<vmem>>, vector<1x1x16xf32>,
      %mul3A_1307 = arith.mulf %exp3A_1192, %div3A_1250 : vector<16xf32>
      %swap3A_1308 = arith.constant 3 : i32
      %swap3A_1309 = arith.index_cast %swap3A_1308 : i32 to index
      %swap3A_1310 = arith.index_cast %scan3A_34 : i32 to index
      %swap3A_1311 = arith.constant 112 : index
      %swap3A_1312 = tpu.vector_load %arg5[%swap3A_1309, %swap3A_1310, %swap3A_1311] {strides = array<i32>} : memref<8x16x256xf32, #tpu.memory_space<vmem>>, vector<1x1x16xf32>,
      %swap3A_1313 = vector.shape_cast %swap3A_1312 : vector<1x1x16xf32> to vector<16xf32>
      %swap3A_1314 = vector.shape_cast %mul3A_1307 : vector<16xf32> to vector<1x1x16xf32>
      tpu.vector_store %arg5[%swap3A_1309, %swap3A_1310, %swap3A_1311], %swap3A_1314 {strides = array<i32>} : memref<8x16x256xf32, #tpu.memory_space<vmem>>, vector<1x1x16xf32>,
      %mul3A_1315 = arith.mulf %exp3A_1197, %div3A_1250 : vector<16xf32>
      %swap3A_1316 = arith.constant 3 : i32
      %swap3A_1317 = arith.index_cast %swap3A_1316 : i32 to index
      %swap3A_1318 = arith.index_cast %scan3A_34 : i32 to index
      %swap3A_1319 = arith.constant 128 : index
      %swap3A_1320 = tpu.vector_load %arg5[%swap3A_1317, %swap3A_1318, %swap3A_1319] {strides = array<i32>} : memref<8x16x256xf32, #tpu.memory_space<vmem>>, vector<1x1x16xf32>,
      %swap3A_1321 = vector.shape_cast %swap3A_1320 : vector<1x1x16xf32> to vector<16xf32>
      %swap3A_1322 = vector.shape_cast %mul3A_1315 : vector<16xf32> to vector<1x1x16xf32>
      tpu.vector_store %arg5[%swap3A_1317, %swap3A_1318, %swap3A_1319], %swap3A_1322 {strides = array<i32>} : memref<8x16x256xf32, #tpu.memory_space<vmem>>, vector<1x1x16xf32>,
      %mul3A_1323 = arith.mulf %exp3A_1202, %div3A_1250 : vector<16xf32>
      %swap3A_1324 = arith.constant 3 : i32
      %swap3A_1325 = arith.index_cast %swap3A_1324 : i32 to index
      %swap3A_1326 = arith.index_cast %scan3A_34 : i32 to index
      %swap3A_1327 = arith.constant 144 : index
      %swap3A_1328 = tpu.vector_load %arg5[%swap3A_1325, %swap3A_1326, %swap3A_1327] {strides = array<i32>} : memref<8x16x256xf32, #tpu.memory_space<vmem>>, vector<1x1x16xf32>,
      %swap3A_1329 = vector.shape_cast %swap3A_1328 : vector<1x1x16xf32> to vector<16xf32>
      %swap3A_1330 = vector.shape_cast %mul3A_1323 : vector<16xf32> to vector<1x1x16xf32>
      tpu.vector_store %arg5[%swap3A_1325, %swap3A_1326, %swap3A_1327], %swap3A_1330 {strides = array<i32>} : memref<8x16x256xf32, #tpu.memory_space<vmem>>, vector<1x1x16xf32>,
      %mul3A_1331 = arith.mulf %exp3A_1207, %div3A_1250 : vector<16xf32>
      %swap3A_1332 = arith.constant 3 : i32
      %swap3A_1333 = arith.index_cast %swap3A_1332 : i32 to index
      %swap3A_1334 = arith.index_cast %scan3A_34 : i32 to index
      %swap3A_1335 = arith.constant 160 : index
      %swap3A_1336 = tpu.vector_load %arg5[%swap3A_1333, %swap3A_1334, %swap3A_1335] {strides = array<i32>} : memref<8x16x256xf32, #tpu.memory_space<vmem>>, vector<1x1x16xf32>,
      %swap3A_1337 = vector.shape_cast %swap3A_1336 : vector<1x1x16xf32> to vector<16xf32>
      %swap3A_1338 = vector.shape_cast %mul3A_1331 : vector<16xf32> to vector<1x1x16xf32>
      tpu.vector_store %arg5[%swap3A_1333, %swap3A_1334, %swap3A_1335], %swap3A_1338 {strides = array<i32>} : memref<8x16x256xf32, #tpu.memory_space<vmem>>, vector<1x1x16xf32>,
      %mul3A_1339 = arith.mulf %exp3A_1212, %div3A_1250 : vector<16xf32>
      %swap3A_1340 = arith.constant 3 : i32
      %swap3A_1341 = arith.index_cast %swap3A_1340 : i32 to index
      %swap3A_1342 = arith.index_cast %scan3A_34 : i32 to index
      %swap3A_1343 = arith.constant 176 : index
      %swap3A_1344 = tpu.vector_load %arg5[%swap3A_1341, %swap3A_1342, %swap3A_1343] {strides = array<i32>} : memref<8x16x256xf32, #tpu.memory_space<vmem>>, vector<1x1x16xf32>,
      %swap3A_1345 = vector.shape_cast %swap3A_1344 : vector<1x1x16xf32> to vector<16xf32>
      %swap3A_1346 = vector.shape_cast %mul3A_1339 : vector<16xf32> to vector<1x1x16xf32>
      tpu.vector_store %arg5[%swap3A_1341, %swap3A_1342, %swap3A_1343], %swap3A_1346 {strides = array<i32>} : memref<8x16x256xf32, #tpu.memory_space<vmem>>, vector<1x1x16xf32>,
      %mul3A_1347 = arith.mulf %exp3A_1217, %div3A_1250 : vector<16xf32>
      %swap3A_1348 = arith.constant 3 : i32
      %swap3A_1349 = arith.index_cast %swap3A_1348 : i32 to index
      %swap3A_1350 = arith.index_cast %scan3A_34 : i32 to index
      %swap3A_1351 = arith.constant 192 : index
      %swap3A_1352 = tpu.vector_load %arg5[%swap3A_1349, %swap3A_1350, %swap3A_1351] {strides = array<i32>} : memref<8x16x256xf32, #tpu.memory_space<vmem>>, vector<1x1x16xf32>,
      %swap3A_1353 = vector.shape_cast %swap3A_1352 : vector<1x1x16xf32> to vector<16xf32>
      %swap3A_1354 = vector.shape_cast %mul3A_1347 : vector<16xf32> to vector<1x1x16xf32>
      tpu.vector_store %arg5[%swap3A_1349, %swap3A_1350, %swap3A_1351], %swap3A_1354 {strides = array<i32>} : memref<8x16x256xf32, #tpu.memory_space<vmem>>, vector<1x1x16xf32>,
      %mul3A_1355 = arith.mulf %exp3A_1222, %div3A_1250 : vector<16xf32>
      %swap3A_1356 = arith.constant 3 : i32
      %swap3A_1357 = arith.index_cast %swap3A_1356 : i32 to index
      %swap3A_1358 = arith.index_cast %scan3A_34 : i32 to index
      %swap3A_1359 = arith.constant 208 : index
      %swap3A_1360 = tpu.vector_load %arg5[%swap3A_1357, %swap3A_1358, %swap3A_1359] {strides = array<i32>} : memref<8x16x256xf32, #tpu.memory_space<vmem>>, vector<1x1x16xf32>,
      %swap3A_1361 = vector.shape_cast %swap3A_1360 : vector<1x1x16xf32> to vector<16xf32>
      %swap3A_1362 = vector.shape_cast %mul3A_1355 : vector<16xf32> to vector<1x1x16xf32>
      tpu.vector_store %arg5[%swap3A_1357, %swap3A_1358, %swap3A_1359], %swap3A_1362 {strides = array<i32>} : memref<8x16x256xf32, #tpu.memory_space<vmem>>, vector<1x1x16xf32>,
      %mul3A_1363 = arith.mulf %exp3A_1227, %div3A_1250 : vector<16xf32>
      %swap3A_1364 = arith.constant 3 : i32
      %swap3A_1365 = arith.index_cast %swap3A_1364 : i32 to index
      %swap3A_1366 = arith.index_cast %scan3A_34 : i32 to index
      %swap3A_1367 = arith.constant 224 : index
      %swap3A_1368 = tpu.vector_load %arg5[%swap3A_1365, %swap3A_1366, %swap3A_1367] {strides = array<i32>} : memref<8x16x256xf32, #tpu.memory_space<vmem>>, vector<1x1x16xf32>,
      %swap3A_1369 = vector.shape_cast %swap3A_1368 : vector<1x1x16xf32> to vector<16xf32>
      %swap3A_1370 = vector.shape_cast %mul3A_1363 : vector<16xf32> to vector<1x1x16xf32>
      tpu.vector_store %arg5[%swap3A_1365, %swap3A_1366, %swap3A_1367], %swap3A_1370 {strides = array<i32>} : memref<8x16x256xf32, #tpu.memory_space<vmem>>, vector<1x1x16xf32>,
      %mul3A_1371 = arith.mulf %exp3A_1232, %div3A_1250 : vector<16xf32>
      %swap3A_1372 = arith.constant 3 : i32
      %swap3A_1373 = arith.index_cast %swap3A_1372 : i32 to index
      %swap3A_1374 = arith.index_cast %scan3A_34 : i32 to index
      %swap3A_1375 = arith.constant 240 : index
      %swap3A_1376 = tpu.vector_load %arg5[%swap3A_1373, %swap3A_1374, %swap3A_1375] {strides = array<i32>} : memref<8x16x256xf32, #tpu.memory_space<vmem>>, vector<1x1x16xf32>,
      %swap3A_1377 = vector.shape_cast %swap3A_1376 : vector<1x1x16xf32> to vector<16xf32>
      %swap3A_1378 = vector.shape_cast %mul3A_1371 : vector<16xf32> to vector<1x1x16xf32>
      tpu.vector_store %arg5[%swap3A_1373, %swap3A_1374, %swap3A_1375], %swap3A_1378 {strides = array<i32>} : memref<8x16x256xf32, #tpu.memory_space<vmem>>, vector<1x1x16xf32>,
      %get3A_1379 = arith.constant 4 : i32
      %get3A_1380 = arith.index_cast %get3A_1379 : i32 to index
      %get3A_1381 = arith.index_cast %scan3A_34 : i32 to index
      %get3A_1382 = arith.constant 0 : index
      %get3A_1383 = tpu.vector_load %arg5[%get3A_1380, %get3A_1381, %get3A_1382] {strides = array<i32>} : memref<8x16x256xf32, #tpu.memory_space<vmem>>, vector<1x1x16xf32>,
      %get3A_1384 = vector.shape_cast %get3A_1383 : vector<1x1x16xf32> to vector<16xf32>
      %get3A_1385 = arith.constant 4 : i32
      %get3A_1386 = arith.index_cast %get3A_1385 : i32 to index
      %get3A_1387 = arith.index_cast %scan3A_34 : i32 to index
      %get3A_1388 = arith.constant 16 : index
      %get3A_1389 = tpu.vector_load %arg5[%get3A_1386, %get3A_1387, %get3A_1388] {strides = array<i32>} : memref<8x16x256xf32, #tpu.memory_space<vmem>>, vector<1x1x16xf32>,
      %get3A_1390 = vector.shape_cast %get3A_1389 : vector<1x1x16xf32> to vector<16xf32>
      %get3A_1391 = arith.constant 4 : i32
      %get3A_1392 = arith.index_cast %get3A_1391 : i32 to index
      %get3A_1393 = arith.index_cast %scan3A_34 : i32 to index
      %get3A_1394 = arith.constant 32 : index
      %get3A_1395 = tpu.vector_load %arg5[%get3A_1392, %get3A_1393, %get3A_1394] {strides = array<i32>} : memref<8x16x256xf32, #tpu.memory_space<vmem>>, vector<1x1x16xf32>,
      %get3A_1396 = vector.shape_cast %get3A_1395 : vector<1x1x16xf32> to vector<16xf32>
      %get3A_1397 = arith.constant 4 : i32
      %get3A_1398 = arith.index_cast %get3A_1397 : i32 to index
      %get3A_1399 = arith.index_cast %scan3A_34 : i32 to index
      %get3A_1400 = arith.constant 48 : index
      %get3A_1401 = tpu.vector_load %arg5[%get3A_1398, %get3A_1399, %get3A_1400] {strides = array<i32>} : memref<8x16x256xf32, #tpu.memory_space<vmem>>, vector<1x1x16xf32>,
      %get3A_1402 = vector.shape_cast %get3A_1401 : vector<1x1x16xf32> to vector<16xf32>
      %get3A_1403 = arith.constant 4 : i32
      %get3A_1404 = arith.index_cast %get3A_1403 : i32 to index
      %get3A_1405 = arith.index_cast %scan3A_34 : i32 to index
      %get3A_1406 = arith.constant 64 : index
      %get3A_1407 = tpu.vector_load %arg5[%get3A_1404, %get3A_1405, %get3A_1406] {strides = array<i32>} : memref<8x16x256xf32, #tpu.memory_space<vmem>>, vector<1x1x16xf32>,
      %get3A_1408 = vector.shape_cast %get3A_1407 : vector<1x1x16xf32> to vector<16xf32>
      %get3A_1409 = arith.constant 4 : i32
      %get3A_1410 = arith.index_cast %get3A_1409 : i32 to index
      %get3A_1411 = arith.index_cast %scan3A_34 : i32 to index
      %get3A_1412 = arith.constant 80 : index
      %get3A_1413 = tpu.vector_load %arg5[%get3A_1410, %get3A_1411, %get3A_1412] {strides = array<i32>} : memref<8x16x256xf32, #tpu.memory_space<vmem>>, vector<1x1x16xf32>,
      %get3A_1414 = vector.shape_cast %get3A_1413 : vector<1x1x16xf32> to vector<16xf32>
      %get3A_1415 = arith.constant 4 : i32
      %get3A_1416 = arith.index_cast %get3A_1415 : i32 to index
      %get3A_1417 = arith.index_cast %scan3A_34 : i32 to index
      %get3A_1418 = arith.constant 96 : index
      %get3A_1419 = tpu.vector_load %arg5[%get3A_1416, %get3A_1417, %get3A_1418] {strides = array<i32>} : memref<8x16x256xf32, #tpu.memory_space<vmem>>, vector<1x1x16xf32>,
      %get3A_1420 = vector.shape_cast %get3A_1419 : vector<1x1x16xf32> to vector<16xf32>
      %get3A_1421 = arith.constant 4 : i32
      %get3A_1422 = arith.index_cast %get3A_1421 : i32 to index
      %get3A_1423 = arith.index_cast %scan3A_34 : i32 to index
      %get3A_1424 = arith.constant 112 : index
      %get3A_1425 = tpu.vector_load %arg5[%get3A_1422, %get3A_1423, %get3A_1424] {strides = array<i32>} : memref<8x16x256xf32, #tpu.memory_space<vmem>>, vector<1x1x16xf32>,
      %get3A_1426 = vector.shape_cast %get3A_1425 : vector<1x1x16xf32> to vector<16xf32>
      %get3A_1427 = arith.constant 4 : i32
      %get3A_1428 = arith.index_cast %get3A_1427 : i32 to index
      %get3A_1429 = arith.index_cast %scan3A_34 : i32 to index
      %get3A_1430 = arith.constant 128 : index
      %get3A_1431 = tpu.vector_load %arg5[%get3A_1428, %get3A_1429, %get3A_1430] {strides = array<i32>} : memref<8x16x256xf32, #tpu.memory_space<vmem>>, vector<1x1x16xf32>,
      %get3A_1432 = vector.shape_cast %get3A_1431 : vector<1x1x16xf32> to vector<16xf32>
      %get3A_1433 = arith.constant 4 : i32
      %get3A_1434 = arith.index_cast %get3A_1433 : i32 to index
      %get3A_1435 = arith.index_cast %scan3A_34 : i32 to index
      %get3A_1436 = arith.constant 144 : index
      %get3A_1437 = tpu.vector_load %arg5[%get3A_1434, %get3A_1435, %get3A_1436] {strides = array<i32>} : memref<8x16x256xf32, #tpu.memory_space<vmem>>, vector<1x1x16xf32>,
      %get3A_1438 = vector.shape_cast %get3A_1437 : vector<1x1x16xf32> to vector<16xf32>
      %get3A_1439 = arith.constant 4 : i32
      %get3A_1440 = arith.index_cast %get3A_1439 : i32 to index
      %get3A_1441 = arith.index_cast %scan3A_34 : i32 to index
      %get3A_1442 = arith.constant 160 : index
      %get3A_1443 = tpu.vector_load %arg5[%get3A_1440, %get3A_1441, %get3A_1442] {strides = array<i32>} : memref<8x16x256xf32, #tpu.memory_space<vmem>>, vector<1x1x16xf32>,
      %get3A_1444 = vector.shape_cast %get3A_1443 : vector<1x1x16xf32> to vector<16xf32>
      %get3A_1445 = arith.constant 4 : i32
      %get3A_1446 = arith.index_cast %get3A_1445 : i32 to index
      %get3A_1447 = arith.index_cast %scan3A_34 : i32 to index
      %get3A_1448 = arith.constant 176 : index
      %get3A_1449 = tpu.vector_load %arg5[%get3A_1446, %get3A_1447, %get3A_1448] {strides = array<i32>} : memref<8x16x256xf32, #tpu.memory_space<vmem>>, vector<1x1x16xf32>,
      %get3A_1450 = vector.shape_cast %get3A_1449 : vector<1x1x16xf32> to vector<16xf32>
      %get3A_1451 = arith.constant 4 : i32
      %get3A_1452 = arith.index_cast %get3A_1451 : i32 to index
      %get3A_1453 = arith.index_cast %scan3A_34 : i32 to index
      %get3A_1454 = arith.constant 192 : index
      %get3A_1455 = tpu.vector_load %arg5[%get3A_1452, %get3A_1453, %get3A_1454] {strides = array<i32>} : memref<8x16x256xf32, #tpu.memory_space<vmem>>, vector<1x1x16xf32>,
      %get3A_1456 = vector.shape_cast %get3A_1455 : vector<1x1x16xf32> to vector<16xf32>
      %get3A_1457 = arith.constant 4 : i32
      %get3A_1458 = arith.index_cast %get3A_1457 : i32 to index
      %get3A_1459 = arith.index_cast %scan3A_34 : i32 to index
      %get3A_1460 = arith.constant 208 : index
      %get3A_1461 = tpu.vector_load %arg5[%get3A_1458, %get3A_1459, %get3A_1460] {strides = array<i32>} : memref<8x16x256xf32, #tpu.memory_space<vmem>>, vector<1x1x16xf32>,
      %get3A_1462 = vector.shape_cast %get3A_1461 : vector<1x1x16xf32> to vector<16xf32>
      %get3A_1463 = arith.constant 4 : i32
      %get3A_1464 = arith.index_cast %get3A_1463 : i32 to index
      %get3A_1465 = arith.index_cast %scan3A_34 : i32 to index
      %get3A_1466 = arith.constant 224 : index
      %get3A_1467 = tpu.vector_load %arg5[%get3A_1464, %get3A_1465, %get3A_1466] {strides = array<i32>} : memref<8x16x256xf32, #tpu.memory_space<vmem>>, vector<1x1x16xf32>,
      %get3A_1468 = vector.shape_cast %get3A_1467 : vector<1x1x16xf32> to vector<16xf32>
      %get3A_1469 = arith.constant 4 : i32
      %get3A_1470 = arith.index_cast %get3A_1469 : i32 to index
      %get3A_1471 = arith.index_cast %scan3A_34 : i32 to index
      %get3A_1472 = arith.constant 240 : index
      %get3A_1473 = tpu.vector_load %arg5[%get3A_1470, %get3A_1471, %get3A_1472] {strides = array<i32>} : memref<8x16x256xf32, #tpu.memory_space<vmem>>, vector<1x1x16xf32>,
      %get3A_1474 = vector.shape_cast %get3A_1473 : vector<1x1x16xf32> to vector<16xf32>
      %max3A_1475 = arith.maximumf %get3A_1384, %get3A_1390 : vector<16xf32>
      %max3A_1476 = arith.maximumf %max3A_1475, %get3A_1396 : vector<16xf32>
      %max3A_1477 = arith.maximumf %max3A_1476, %get3A_1402 : vector<16xf32>
      %max3A_1478 = arith.maximumf %max3A_1477, %get3A_1408 : vector<16xf32>
      %max3A_1479 = arith.maximumf %max3A_1478, %get3A_1414 : vector<16xf32>
      %max3A_1480 = arith.maximumf %max3A_1479, %get3A_1420 : vector<16xf32>
      %max3A_1481 = arith.maximumf %max3A_1480, %get3A_1426 : vector<16xf32>
      %max3A_1482 = arith.maximumf %max3A_1481, %get3A_1432 : vector<16xf32>
      %max3A_1483 = arith.maximumf %max3A_1482, %get3A_1438 : vector<16xf32>
      %max3A_1484 = arith.maximumf %max3A_1483, %get3A_1444 : vector<16xf32>
      %max3A_1485 = arith.maximumf %max3A_1484, %get3A_1450 : vector<16xf32>
      %max3A_1486 = arith.maximumf %max3A_1485, %get3A_1456 : vector<16xf32>
      %max3A_1487 = arith.maximumf %max3A_1486, %get3A_1462 : vector<16xf32>
      %max3A_1488 = arith.maximumf %max3A_1487, %get3A_1468 : vector<16xf32>
      %max3A_1489 = arith.maximumf %max3A_1488, %get3A_1474 : vector<16xf32>
      %sub3A_1490 = arith.subf %get3A_1384, %max3A_1489 : vector<16xf32>
      %mul3A_1491 = arith.constant 1.000000e+03 : f32
      %mul3A_1492 = vector.broadcast %mul3A_1491 : f32 to vector<16xf32>
      %mul3A_1493 = arith.mulf %sub3A_1490, %mul3A_1492 : vector<16xf32>
      %exp3A_1494 = math.exp %mul3A_1493 : vector<16xf32>
      %sub3A_1495 = arith.subf %get3A_1390, %max3A_1489 : vector<16xf32>
      %mul3A_1496 = arith.constant 1.000000e+03 : f32
      %mul3A_1497 = vector.broadcast %mul3A_1496 : f32 to vector<16xf32>
      %mul3A_1498 = arith.mulf %sub3A_1495, %mul3A_1497 : vector<16xf32>
      %exp3A_1499 = math.exp %mul3A_1498 : vector<16xf32>
      %sub3A_1500 = arith.subf %get3A_1396, %max3A_1489 : vector<16xf32>
      %mul3A_1501 = arith.constant 1.000000e+03 : f32
      %mul3A_1502 = vector.broadcast %mul3A_1501 : f32 to vector<16xf32>
      %mul3A_1503 = arith.mulf %sub3A_1500, %mul3A_1502 : vector<16xf32>
      %exp3A_1504 = math.exp %mul3A_1503 : vector<16xf32>
      %sub3A_1505 = arith.subf %get3A_1402, %max3A_1489 : vector<16xf32>
      %mul3A_1506 = arith.constant 1.000000e+03 : f32
      %mul3A_1507 = vector.broadcast %mul3A_1506 : f32 to vector<16xf32>
      %mul3A_1508 = arith.mulf %sub3A_1505, %mul3A_1507 : vector<16xf32>
      %exp3A_1509 = math.exp %mul3A_1508 : vector<16xf32>
      %sub3A_1510 = arith.subf %get3A_1408, %max3A_1489 : vector<16xf32>
      %mul3A_1511 = arith.constant 1.000000e+03 : f32
      %mul3A_1512 = vector.broadcast %mul3A_1511 : f32 to vector<16xf32>
      %mul3A_1513 = arith.mulf %sub3A_1510, %mul3A_1512 : vector<16xf32>
      %exp3A_1514 = math.exp %mul3A_1513 : vector<16xf32>
      %sub3A_1515 = arith.subf %get3A_1414, %max3A_1489 : vector<16xf32>
      %mul3A_1516 = arith.constant 1.000000e+03 : f32
      %mul3A_1517 = vector.broadcast %mul3A_1516 : f32 to vector<16xf32>
      %mul3A_1518 = arith.mulf %sub3A_1515, %mul3A_1517 : vector<16xf32>
      %exp3A_1519 = math.exp %mul3A_1518 : vector<16xf32>
      %sub3A_1520 = arith.subf %get3A_1420, %max3A_1489 : vector<16xf32>
      %mul3A_1521 = arith.constant 1.000000e+03 : f32
      %mul3A_1522 = vector.broadcast %mul3A_1521 : f32 to vector<16xf32>
      %mul3A_1523 = arith.mulf %sub3A_1520, %mul3A_1522 : vector<16xf32>
      %exp3A_1524 = math.exp %mul3A_1523 : vector<16xf32>
      %sub3A_1525 = arith.subf %get3A_1426, %max3A_1489 : vector<16xf32>
      %mul3A_1526 = arith.constant 1.000000e+03 : f32
      %mul3A_1527 = vector.broadcast %mul3A_1526 : f32 to vector<16xf32>
      %mul3A_1528 = arith.mulf %sub3A_1525, %mul3A_1527 : vector<16xf32>
      %exp3A_1529 = math.exp %mul3A_1528 : vector<16xf32>
      %sub3A_1530 = arith.subf %get3A_1432, %max3A_1489 : vector<16xf32>
      %mul3A_1531 = arith.constant 1.000000e+03 : f32
      %mul3A_1532 = vector.broadcast %mul3A_1531 : f32 to vector<16xf32>
      %mul3A_1533 = arith.mulf %sub3A_1530, %mul3A_1532 : vector<16xf32>
      %exp3A_1534 = math.exp %mul3A_1533 : vector<16xf32>
      %sub3A_1535 = arith.subf %get3A_1438, %max3A_1489 : vector<16xf32>
      %mul3A_1536 = arith.constant 1.000000e+03 : f32
      %mul3A_1537 = vector.broadcast %mul3A_1536 : f32 to vector<16xf32>
      %mul3A_1538 = arith.mulf %sub3A_1535, %mul3A_1537 : vector<16xf32>
      %exp3A_1539 = math.exp %mul3A_1538 : vector<16xf32>
      %sub3A_1540 = arith.subf %get3A_1444, %max3A_1489 : vector<16xf32>
      %mul3A_1541 = arith.constant 1.000000e+03 : f32
      %mul3A_1542 = vector.broadcast %mul3A_1541 : f32 to vector<16xf32>
      %mul3A_1543 = arith.mulf %sub3A_1540, %mul3A_1542 : vector<16xf32>
      %exp3A_1544 = math.exp %mul3A_1543 : vector<16xf32>
      %sub3A_1545 = arith.subf %get3A_1450, %max3A_1489 : vector<16xf32>
      %mul3A_1546 = arith.constant 1.000000e+03 : f32
      %mul3A_1547 = vector.broadcast %mul3A_1546 : f32 to vector<16xf32>
      %mul3A_1548 = arith.mulf %sub3A_1545, %mul3A_1547 : vector<16xf32>
      %exp3A_1549 = math.exp %mul3A_1548 : vector<16xf32>
      %sub3A_1550 = arith.subf %get3A_1456, %max3A_1489 : vector<16xf32>
      %mul3A_1551 = arith.constant 1.000000e+03 : f32
      %mul3A_1552 = vector.broadcast %mul3A_1551 : f32 to vector<16xf32>
      %mul3A_1553 = arith.mulf %sub3A_1550, %mul3A_1552 : vector<16xf32>
      %exp3A_1554 = math.exp %mul3A_1553 : vector<16xf32>
      %sub3A_1555 = arith.subf %get3A_1462, %max3A_1489 : vector<16xf32>
      %mul3A_1556 = arith.constant 1.000000e+03 : f32
      %mul3A_1557 = vector.broadcast %mul3A_1556 : f32 to vector<16xf32>
      %mul3A_1558 = arith.mulf %sub3A_1555, %mul3A_1557 : vector<16xf32>
      %exp3A_1559 = math.exp %mul3A_1558 : vector<16xf32>
      %sub3A_1560 = arith.subf %get3A_1468, %max3A_1489 : vector<16xf32>
      %mul3A_1561 = arith.constant 1.000000e+03 : f32
      %mul3A_1562 = vector.broadcast %mul3A_1561 : f32 to vector<16xf32>
      %mul3A_1563 = arith.mulf %sub3A_1560, %mul3A_1562 : vector<16xf32>
      %exp3A_1564 = math.exp %mul3A_1563 : vector<16xf32>
      %sub3A_1565 = arith.subf %get3A_1474, %max3A_1489 : vector<16xf32>
      %mul3A_1566 = arith.constant 1.000000e+03 : f32
      %mul3A_1567 = vector.broadcast %mul3A_1566 : f32 to vector<16xf32>
      %mul3A_1568 = arith.mulf %sub3A_1565, %mul3A_1567 : vector<16xf32>
      %exp3A_1569 = math.exp %mul3A_1568 : vector<16xf32>
      %add3A_1570 = arith.addf %exp3A_1494, %exp3A_1499 : vector<16xf32>
      %add3A_1571 = arith.addf %add3A_1570, %exp3A_1504 : vector<16xf32>
      %add3A_1572 = arith.addf %add3A_1571, %exp3A_1509 : vector<16xf32>
      %add3A_1573 = arith.addf %add3A_1572, %exp3A_1514 : vector<16xf32>
      %add3A_1574 = arith.addf %add3A_1573, %exp3A_1519 : vector<16xf32>
      %add3A_1575 = arith.addf %add3A_1574, %exp3A_1524 : vector<16xf32>
      %add3A_1576 = arith.addf %add3A_1575, %exp3A_1529 : vector<16xf32>
      %add3A_1577 = arith.addf %add3A_1576, %exp3A_1534 : vector<16xf32>
      %add3A_1578 = arith.addf %add3A_1577, %exp3A_1539 : vector<16xf32>
      %add3A_1579 = arith.addf %add3A_1578, %exp3A_1544 : vector<16xf32>
      %add3A_1580 = arith.addf %add3A_1579, %exp3A_1549 : vector<16xf32>
      %add3A_1581 = arith.addf %add3A_1580, %exp3A_1554 : vector<16xf32>
      %add3A_1582 = arith.addf %add3A_1581, %exp3A_1559 : vector<16xf32>
      %add3A_1583 = arith.addf %add3A_1582, %exp3A_1564 : vector<16xf32>
      %add3A_1584 = arith.addf %add3A_1583, %exp3A_1569 : vector<16xf32>
      %div3A_1585 = arith.constant 1.000000e+00 : f32
      %div3A_1586 = vector.broadcast %div3A_1585 : f32 to vector<16xf32>
      %div3A_1587 = arith.divf %div3A_1586, %add3A_1584 : vector<16xf32>
      %mul3A_1588 = arith.mulf %exp3A_1494, %div3A_1587 : vector<16xf32>
      %swap3A_1589 = arith.constant 4 : i32
      %swap3A_1590 = arith.index_cast %swap3A_1589 : i32 to index
      %swap3A_1591 = arith.index_cast %scan3A_34 : i32 to index
      %swap3A_1592 = arith.constant 0 : index
      %swap3A_1593 = tpu.vector_load %arg5[%swap3A_1590, %swap3A_1591, %swap3A_1592] {strides = array<i32>} : memref<8x16x256xf32, #tpu.memory_space<vmem>>, vector<1x1x16xf32>,
      %swap3A_1594 = vector.shape_cast %swap3A_1593 : vector<1x1x16xf32> to vector<16xf32>
      %swap3A_1595 = vector.shape_cast %mul3A_1588 : vector<16xf32> to vector<1x1x16xf32>
      tpu.vector_store %arg5[%swap3A_1590, %swap3A_1591, %swap3A_1592], %swap3A_1595 {strides = array<i32>} : memref<8x16x256xf32, #tpu.memory_space<vmem>>, vector<1x1x16xf32>,
      %mul3A_1596 = arith.mulf %exp3A_1499, %div3A_1587 : vector<16xf32>
      %swap3A_1597 = arith.constant 4 : i32
      %swap3A_1598 = arith.index_cast %swap3A_1597 : i32 to index
      %swap3A_1599 = arith.index_cast %scan3A_34 : i32 to index
      %swap3A_1600 = arith.constant 16 : index
      %swap3A_1601 = tpu.vector_load %arg5[%swap3A_1598, %swap3A_1599, %swap3A_1600] {strides = array<i32>} : memref<8x16x256xf32, #tpu.memory_space<vmem>>, vector<1x1x16xf32>,
      %swap3A_1602 = vector.shape_cast %swap3A_1601 : vector<1x1x16xf32> to vector<16xf32>
      %swap3A_1603 = vector.shape_cast %mul3A_1596 : vector<16xf32> to vector<1x1x16xf32>
      tpu.vector_store %arg5[%swap3A_1598, %swap3A_1599, %swap3A_1600], %swap3A_1603 {strides = array<i32>} : memref<8x16x256xf32, #tpu.memory_space<vmem>>, vector<1x1x16xf32>,
      %mul3A_1604 = arith.mulf %exp3A_1504, %div3A_1587 : vector<16xf32>
      %swap3A_1605 = arith.constant 4 : i32
      %swap3A_1606 = arith.index_cast %swap3A_1605 : i32 to index
      %swap3A_1607 = arith.index_cast %scan3A_34 : i32 to index
      %swap3A_1608 = arith.constant 32 : index
      %swap3A_1609 = tpu.vector_load %arg5[%swap3A_1606, %swap3A_1607, %swap3A_1608] {strides = array<i32>} : memref<8x16x256xf32, #tpu.memory_space<vmem>>, vector<1x1x16xf32>,
      %swap3A_1610 = vector.shape_cast %swap3A_1609 : vector<1x1x16xf32> to vector<16xf32>
      %swap3A_1611 = vector.shape_cast %mul3A_1604 : vector<16xf32> to vector<1x1x16xf32>
      tpu.vector_store %arg5[%swap3A_1606, %swap3A_1607, %swap3A_1608], %swap3A_1611 {strides = array<i32>} : memref<8x16x256xf32, #tpu.memory_space<vmem>>, vector<1x1x16xf32>,
      %mul3A_1612 = arith.mulf %exp3A_1509, %div3A_1587 : vector<16xf32>
      %swap3A_1613 = arith.constant 4 : i32
      %swap3A_1614 = arith.index_cast %swap3A_1613 : i32 to index
      %swap3A_1615 = arith.index_cast %scan3A_34 : i32 to index
      %swap3A_1616 = arith.constant 48 : index
      %swap3A_1617 = tpu.vector_load %arg5[%swap3A_1614, %swap3A_1615, %swap3A_1616] {strides = array<i32>} : memref<8x16x256xf32, #tpu.memory_space<vmem>>, vector<1x1x16xf32>,
      %swap3A_1618 = vector.shape_cast %swap3A_1617 : vector<1x1x16xf32> to vector<16xf32>
      %swap3A_1619 = vector.shape_cast %mul3A_1612 : vector<16xf32> to vector<1x1x16xf32>
      tpu.vector_store %arg5[%swap3A_1614, %swap3A_1615, %swap3A_1616], %swap3A_1619 {strides = array<i32>} : memref<8x16x256xf32, #tpu.memory_space<vmem>>, vector<1x1x16xf32>,
      %mul3A_1620 = arith.mulf %exp3A_1514, %div3A_1587 : vector<16xf32>
      %swap3A_1621 = arith.constant 4 : i32
      %swap3A_1622 = arith.index_cast %swap3A_1621 : i32 to index
      %swap3A_1623 = arith.index_cast %scan3A_34 : i32 to index
      %swap3A_1624 = arith.constant 64 : index
      %swap3A_1625 = tpu.vector_load %arg5[%swap3A_1622, %swap3A_1623, %swap3A_1624] {strides = array<i32>} : memref<8x16x256xf32, #tpu.memory_space<vmem>>, vector<1x1x16xf32>,
      %swap3A_1626 = vector.shape_cast %swap3A_1625 : vector<1x1x16xf32> to vector<16xf32>
      %swap3A_1627 = vector.shape_cast %mul3A_1620 : vector<16xf32> to vector<1x1x16xf32>
      tpu.vector_store %arg5[%swap3A_1622, %swap3A_1623, %swap3A_1624], %swap3A_1627 {strides = array<i32>} : memref<8x16x256xf32, #tpu.memory_space<vmem>>, vector<1x1x16xf32>,
      %mul3A_1628 = arith.mulf %exp3A_1519, %div3A_1587 : vector<16xf32>
      %swap3A_1629 = arith.constant 4 : i32
      %swap3A_1630 = arith.index_cast %swap3A_1629 : i32 to index
      %swap3A_1631 = arith.index_cast %scan3A_34 : i32 to index
      %swap3A_1632 = arith.constant 80 : index
      %swap3A_1633 = tpu.vector_load %arg5[%swap3A_1630, %swap3A_1631, %swap3A_1632] {strides = array<i32>} : memref<8x16x256xf32, #tpu.memory_space<vmem>>, vector<1x1x16xf32>,
      %swap3A_1634 = vector.shape_cast %swap3A_1633 : vector<1x1x16xf32> to vector<16xf32>
      %swap3A_1635 = vector.shape_cast %mul3A_1628 : vector<16xf32> to vector<1x1x16xf32>
      tpu.vector_store %arg5[%swap3A_1630, %swap3A_1631, %swap3A_1632], %swap3A_1635 {strides = array<i32>} : memref<8x16x256xf32, #tpu.memory_space<vmem>>, vector<1x1x16xf32>,
      %mul3A_1636 = arith.mulf %exp3A_1524, %div3A_1587 : vector<16xf32>
      %swap3A_1637 = arith.constant 4 : i32
      %swap3A_1638 = arith.index_cast %swap3A_1637 : i32 to index
      %swap3A_1639 = arith.index_cast %scan3A_34 : i32 to index
      %swap3A_1640 = arith.constant 96 : index
      %swap3A_1641 = tpu.vector_load %arg5[%swap3A_1638, %swap3A_1639, %swap3A_1640] {strides = array<i32>} : memref<8x16x256xf32, #tpu.memory_space<vmem>>, vector<1x1x16xf32>,
      %swap3A_1642 = vector.shape_cast %swap3A_1641 : vector<1x1x16xf32> to vector<16xf32>
      %swap3A_1643 = vector.shape_cast %mul3A_1636 : vector<16xf32> to vector<1x1x16xf32>
      tpu.vector_store %arg5[%swap3A_1638, %swap3A_1639, %swap3A_1640], %swap3A_1643 {strides = array<i32>} : memref<8x16x256xf32, #tpu.memory_space<vmem>>, vector<1x1x16xf32>,
      %mul3A_1644 = arith.mulf %exp3A_1529, %div3A_1587 : vector<16xf32>
      %swap3A_1645 = arith.constant 4 : i32
      %swap3A_1646 = arith.index_cast %swap3A_1645 : i32 to index
      %swap3A_1647 = arith.index_cast %scan3A_34 : i32 to index
      %swap3A_1648 = arith.constant 112 : index
      %swap3A_1649 = tpu.vector_load %arg5[%swap3A_1646, %swap3A_1647, %swap3A_1648] {strides = array<i32>} : memref<8x16x256xf32, #tpu.memory_space<vmem>>, vector<1x1x16xf32>,
      %swap3A_1650 = vector.shape_cast %swap3A_1649 : vector<1x1x16xf32> to vector<16xf32>
      %swap3A_1651 = vector.shape_cast %mul3A_1644 : vector<16xf32> to vector<1x1x16xf32>
      tpu.vector_store %arg5[%swap3A_1646, %swap3A_1647, %swap3A_1648], %swap3A_1651 {strides = array<i32>} : memref<8x16x256xf32, #tpu.memory_space<vmem>>, vector<1x1x16xf32>,
      %mul3A_1652 = arith.mulf %exp3A_1534, %div3A_1587 : vector<16xf32>
      %swap3A_1653 = arith.constant 4 : i32
      %swap3A_1654 = arith.index_cast %swap3A_1653 : i32 to index
      %swap3A_1655 = arith.index_cast %scan3A_34 : i32 to index
      %swap3A_1656 = arith.constant 128 : index
      %swap3A_1657 = tpu.vector_load %arg5[%swap3A_1654, %swap3A_1655, %swap3A_1656] {strides = array<i32>} : memref<8x16x256xf32, #tpu.memory_space<vmem>>, vector<1x1x16xf32>,
      %swap3A_1658 = vector.shape_cast %swap3A_1657 : vector<1x1x16xf32> to vector<16xf32>
      %swap3A_1659 = vector.shape_cast %mul3A_1652 : vector<16xf32> to vector<1x1x16xf32>
      tpu.vector_store %arg5[%swap3A_1654, %swap3A_1655, %swap3A_1656], %swap3A_1659 {strides = array<i32>} : memref<8x16x256xf32, #tpu.memory_space<vmem>>, vector<1x1x16xf32>,
      %mul3A_1660 = arith.mulf %exp3A_1539, %div3A_1587 : vector<16xf32>
      %swap3A_1661 = arith.constant 4 : i32
      %swap3A_1662 = arith.index_cast %swap3A_1661 : i32 to index
      %swap3A_1663 = arith.index_cast %scan3A_34 : i32 to index
      %swap3A_1664 = arith.constant 144 : index
      %swap3A_1665 = tpu.vector_load %arg5[%swap3A_1662, %swap3A_1663, %swap3A_1664] {strides = array<i32>} : memref<8x16x256xf32, #tpu.memory_space<vmem>>, vector<1x1x16xf32>,
      %swap3A_1666 = vector.shape_cast %swap3A_1665 : vector<1x1x16xf32> to vector<16xf32>
      %swap3A_1667 = vector.shape_cast %mul3A_1660 : vector<16xf32> to vector<1x1x16xf32>
      tpu.vector_store %arg5[%swap3A_1662, %swap3A_1663, %swap3A_1664], %swap3A_1667 {strides = array<i32>} : memref<8x16x256xf32, #tpu.memory_space<vmem>>, vector<1x1x16xf32>,
      %mul3A_1668 = arith.mulf %exp3A_1544, %div3A_1587 : vector<16xf32>
      %swap3A_1669 = arith.constant 4 : i32
      %swap3A_1670 = arith.index_cast %swap3A_1669 : i32 to index
      %swap3A_1671 = arith.index_cast %scan3A_34 : i32 to index
      %swap3A_1672 = arith.constant 160 : index
      %swap3A_1673 = tpu.vector_load %arg5[%swap3A_1670, %swap3A_1671, %swap3A_1672] {strides = array<i32>} : memref<8x16x256xf32, #tpu.memory_space<vmem>>, vector<1x1x16xf32>,
      %swap3A_1674 = vector.shape_cast %swap3A_1673 : vector<1x1x16xf32> to vector<16xf32>
      %swap3A_1675 = vector.shape_cast %mul3A_1668 : vector<16xf32> to vector<1x1x16xf32>
      tpu.vector_store %arg5[%swap3A_1670, %swap3A_1671, %swap3A_1672], %swap3A_1675 {strides = array<i32>} : memref<8x16x256xf32, #tpu.memory_space<vmem>>, vector<1x1x16xf32>,
      %mul3A_1676 = arith.mulf %exp3A_1549, %div3A_1587 : vector<16xf32>
      %swap3A_1677 = arith.constant 4 : i32
      %swap3A_1678 = arith.index_cast %swap3A_1677 : i32 to index
      %swap3A_1679 = arith.index_cast %scan3A_34 : i32 to index
      %swap3A_1680 = arith.constant 176 : index
      %swap3A_1681 = tpu.vector_load %arg5[%swap3A_1678, %swap3A_1679, %swap3A_1680] {strides = array<i32>} : memref<8x16x256xf32, #tpu.memory_space<vmem>>, vector<1x1x16xf32>,
      %swap3A_1682 = vector.shape_cast %swap3A_1681 : vector<1x1x16xf32> to vector<16xf32>
      %swap3A_1683 = vector.shape_cast %mul3A_1676 : vector<16xf32> to vector<1x1x16xf32>
      tpu.vector_store %arg5[%swap3A_1678, %swap3A_1679, %swap3A_1680], %swap3A_1683 {strides = array<i32>} : memref<8x16x256xf32, #tpu.memory_space<vmem>>, vector<1x1x16xf32>,
      %mul3A_1684 = arith.mulf %exp3A_1554, %div3A_1587 : vector<16xf32>
      %swap3A_1685 = arith.constant 4 : i32
      %swap3A_1686 = arith.index_cast %swap3A_1685 : i32 to index
      %swap3A_1687 = arith.index_cast %scan3A_34 : i32 to index
      %swap3A_1688 = arith.constant 192 : index
      %swap3A_1689 = tpu.vector_load %arg5[%swap3A_1686, %swap3A_1687, %swap3A_1688] {strides = array<i32>} : memref<8x16x256xf32, #tpu.memory_space<vmem>>, vector<1x1x16xf32>,
      %swap3A_1690 = vector.shape_cast %swap3A_1689 : vector<1x1x16xf32> to vector<16xf32>
      %swap3A_1691 = vector.shape_cast %mul3A_1684 : vector<16xf32> to vector<1x1x16xf32>
      tpu.vector_store %arg5[%swap3A_1686, %swap3A_1687, %swap3A_1688], %swap3A_1691 {strides = array<i32>} : memref<8x16x256xf32, #tpu.memory_space<vmem>>, vector<1x1x16xf32>,
      %mul3A_1692 = arith.mulf %exp3A_1559, %div3A_1587 : vector<16xf32>
      %swap3A_1693 = arith.constant 4 : i32
      %swap3A_1694 = arith.index_cast %swap3A_1693 : i32 to index
      %swap3A_1695 = arith.index_cast %scan3A_34 : i32 to index
      %swap3A_1696 = arith.constant 208 : index
      %swap3A_1697 = tpu.vector_load %arg5[%swap3A_1694, %swap3A_1695, %swap3A_1696] {strides = array<i32>} : memref<8x16x256xf32, #tpu.memory_space<vmem>>, vector<1x1x16xf32>,
      %swap3A_1698 = vector.shape_cast %swap3A_1697 : vector<1x1x16xf32> to vector<16xf32>
      %swap3A_1699 = vector.shape_cast %mul3A_1692 : vector<16xf32> to vector<1x1x16xf32>
      tpu.vector_store %arg5[%swap3A_1694, %swap3A_1695, %swap3A_1696], %swap3A_1699 {strides = array<i32>} : memref<8x16x256xf32, #tpu.memory_space<vmem>>, vector<1x1x16xf32>,
      %mul3A_1700 = arith.mulf %exp3A_1564, %div3A_1587 : vector<16xf32>
      %swap3A_1701 = arith.constant 4 : i32
      %swap3A_1702 = arith.index_cast %swap3A_1701 : i32 to index
      %swap3A_1703 = arith.index_cast %scan3A_34 : i32 to index
      %swap3A_1704 = arith.constant 224 : index
      %swap3A_1705 = tpu.vector_load %arg5[%swap3A_1702, %swap3A_1703, %swap3A_1704] {strides = array<i32>} : memref<8x16x256xf32, #tpu.memory_space<vmem>>, vector<1x1x16xf32>,
      %swap3A_1706 = vector.shape_cast %swap3A_1705 : vector<1x1x16xf32> to vector<16xf32>
      %swap3A_1707 = vector.shape_cast %mul3A_1700 : vector<16xf32> to vector<1x1x16xf32>
      tpu.vector_store %arg5[%swap3A_1702, %swap3A_1703, %swap3A_1704], %swap3A_1707 {strides = array<i32>} : memref<8x16x256xf32, #tpu.memory_space<vmem>>, vector<1x1x16xf32>,
      %mul3A_1708 = arith.mulf %exp3A_1569, %div3A_1587 : vector<16xf32>
      %swap3A_1709 = arith.constant 4 : i32
      %swap3A_1710 = arith.index_cast %swap3A_1709 : i32 to index
      %swap3A_1711 = arith.index_cast %scan3A_34 : i32 to index
      %swap3A_1712 = arith.constant 240 : index
      %swap3A_1713 = tpu.vector_load %arg5[%swap3A_1710, %swap3A_1711, %swap3A_1712] {strides = array<i32>} : memref<8x16x256xf32, #tpu.memory_space<vmem>>, vector<1x1x16xf32>,
      %swap3A_1714 = vector.shape_cast %swap3A_1713 : vector<1x1x16xf32> to vector<16xf32>
      %swap3A_1715 = vector.shape_cast %mul3A_1708 : vector<16xf32> to vector<1x1x16xf32>
      tpu.vector_store %arg5[%swap3A_1710, %swap3A_1711, %swap3A_1712], %swap3A_1715 {strides = array<i32>} : memref<8x16x256xf32, #tpu.memory_space<vmem>>, vector<1x1x16xf32>,
      %get3A_1716 = arith.constant 5 : i32
      %get3A_1717 = arith.index_cast %get3A_1716 : i32 to index
      %get3A_1718 = arith.index_cast %scan3A_34 : i32 to index
      %get3A_1719 = arith.constant 0 : index
      %get3A_1720 = tpu.vector_load %arg5[%get3A_1717, %get3A_1718, %get3A_1719] {strides = array<i32>} : memref<8x16x256xf32, #tpu.memory_space<vmem>>, vector<1x1x16xf32>,
      %get3A_1721 = vector.shape_cast %get3A_1720 : vector<1x1x16xf32> to vector<16xf32>
      %get3A_1722 = arith.constant 5 : i32
      %get3A_1723 = arith.index_cast %get3A_1722 : i32 to index
      %get3A_1724 = arith.index_cast %scan3A_34 : i32 to index
      %get3A_1725 = arith.constant 16 : index
      %get3A_1726 = tpu.vector_load %arg5[%get3A_1723, %get3A_1724, %get3A_1725] {strides = array<i32>} : memref<8x16x256xf32, #tpu.memory_space<vmem>>, vector<1x1x16xf32>,
      %get3A_1727 = vector.shape_cast %get3A_1726 : vector<1x1x16xf32> to vector<16xf32>
      %get3A_1728 = arith.constant 5 : i32
      %get3A_1729 = arith.index_cast %get3A_1728 : i32 to index
      %get3A_1730 = arith.index_cast %scan3A_34 : i32 to index
      %get3A_1731 = arith.constant 32 : index
      %get3A_1732 = tpu.vector_load %arg5[%get3A_1729, %get3A_1730, %get3A_1731] {strides = array<i32>} : memref<8x16x256xf32, #tpu.memory_space<vmem>>, vector<1x1x16xf32>,
      %get3A_1733 = vector.shape_cast %get3A_1732 : vector<1x1x16xf32> to vector<16xf32>
      %get3A_1734 = arith.constant 5 : i32
      %get3A_1735 = arith.index_cast %get3A_1734 : i32 to index
      %get3A_1736 = arith.index_cast %scan3A_34 : i32 to index
      %get3A_1737 = arith.constant 48 : index
      %get3A_1738 = tpu.vector_load %arg5[%get3A_1735, %get3A_1736, %get3A_1737] {strides = array<i32>} : memref<8x16x256xf32, #tpu.memory_space<vmem>>, vector<1x1x16xf32>,
      %get3A_1739 = vector.shape_cast %get3A_1738 : vector<1x1x16xf32> to vector<16xf32>
      %get3A_1740 = arith.constant 5 : i32
      %get3A_1741 = arith.index_cast %get3A_1740 : i32 to index
      %get3A_1742 = arith.index_cast %scan3A_34 : i32 to index
      %get3A_1743 = arith.constant 64 : index
      %get3A_1744 = tpu.vector_load %arg5[%get3A_1741, %get3A_1742, %get3A_1743] {strides = array<i32>} : memref<8x16x256xf32, #tpu.memory_space<vmem>>, vector<1x1x16xf32>,
      %get3A_1745 = vector.shape_cast %get3A_1744 : vector<1x1x16xf32> to vector<16xf32>
      %get3A_1746 = arith.constant 5 : i32
      %get3A_1747 = arith.index_cast %get3A_1746 : i32 to index
      %get3A_1748 = arith.index_cast %scan3A_34 : i32 to index
      %get3A_1749 = arith.constant 80 : index
      %get3A_1750 = tpu.vector_load %arg5[%get3A_1747, %get3A_1748, %get3A_1749] {strides = array<i32>} : memref<8x16x256xf32, #tpu.memory_space<vmem>>, vector<1x1x16xf32>,
      %get3A_1751 = vector.shape_cast %get3A_1750 : vector<1x1x16xf32> to vector<16xf32>
      %get3A_1752 = arith.constant 5 : i32
      %get3A_1753 = arith.index_cast %get3A_1752 : i32 to index
      %get3A_1754 = arith.index_cast %scan3A_34 : i32 to index
      %get3A_1755 = arith.constant 96 : index
      %get3A_1756 = tpu.vector_load %arg5[%get3A_1753, %get3A_1754, %get3A_1755] {strides = array<i32>} : memref<8x16x256xf32, #tpu.memory_space<vmem>>, vector<1x1x16xf32>,
      %get3A_1757 = vector.shape_cast %get3A_1756 : vector<1x1x16xf32> to vector<16xf32>
      %get3A_1758 = arith.constant 5 : i32
      %get3A_1759 = arith.index_cast %get3A_1758 : i32 to index
      %get3A_1760 = arith.index_cast %scan3A_34 : i32 to index
      %get3A_1761 = arith.constant 112 : index
      %get3A_1762 = tpu.vector_load %arg5[%get3A_1759, %get3A_1760, %get3A_1761] {strides = array<i32>} : memref<8x16x256xf32, #tpu.memory_space<vmem>>, vector<1x1x16xf32>,
      %get3A_1763 = vector.shape_cast %get3A_1762 : vector<1x1x16xf32> to vector<16xf32>
      %get3A_1764 = arith.constant 5 : i32
      %get3A_1765 = arith.index_cast %get3A_1764 : i32 to index
      %get3A_1766 = arith.index_cast %scan3A_34 : i32 to index
      %get3A_1767 = arith.constant 128 : index
      %get3A_1768 = tpu.vector_load %arg5[%get3A_1765, %get3A_1766, %get3A_1767] {strides = array<i32>} : memref<8x16x256xf32, #tpu.memory_space<vmem>>, vector<1x1x16xf32>,
      %get3A_1769 = vector.shape_cast %get3A_1768 : vector<1x1x16xf32> to vector<16xf32>
      %get3A_1770 = arith.constant 5 : i32
      %get3A_1771 = arith.index_cast %get3A_1770 : i32 to index
      %get3A_1772 = arith.index_cast %scan3A_34 : i32 to index
      %get3A_1773 = arith.constant 144 : index
      %get3A_1774 = tpu.vector_load %arg5[%get3A_1771, %get3A_1772, %get3A_1773] {strides = array<i32>} : memref<8x16x256xf32, #tpu.memory_space<vmem>>, vector<1x1x16xf32>,
      %get3A_1775 = vector.shape_cast %get3A_1774 : vector<1x1x16xf32> to vector<16xf32>
      %get3A_1776 = arith.constant 5 : i32
      %get3A_1777 = arith.index_cast %get3A_1776 : i32 to index
      %get3A_1778 = arith.index_cast %scan3A_34 : i32 to index
      %get3A_1779 = arith.constant 160 : index
      %get3A_1780 = tpu.vector_load %arg5[%get3A_1777, %get3A_1778, %get3A_1779] {strides = array<i32>} : memref<8x16x256xf32, #tpu.memory_space<vmem>>, vector<1x1x16xf32>,
      %get3A_1781 = vector.shape_cast %get3A_1780 : vector<1x1x16xf32> to vector<16xf32>
      %get3A_1782 = arith.constant 5 : i32
      %get3A_1783 = arith.index_cast %get3A_1782 : i32 to index
      %get3A_1784 = arith.index_cast %scan3A_34 : i32 to index
      %get3A_1785 = arith.constant 176 : index
      %get3A_1786 = tpu.vector_load %arg5[%get3A_1783, %get3A_1784, %get3A_1785] {strides = array<i32>} : memref<8x16x256xf32, #tpu.memory_space<vmem>>, vector<1x1x16xf32>,
      %get3A_1787 = vector.shape_cast %get3A_1786 : vector<1x1x16xf32> to vector<16xf32>
      %get3A_1788 = arith.constant 5 : i32
      %get3A_1789 = arith.index_cast %get3A_1788 : i32 to index
      %get3A_1790 = arith.index_cast %scan3A_34 : i32 to index
      %get3A_1791 = arith.constant 192 : index
      %get3A_1792 = tpu.vector_load %arg5[%get3A_1789, %get3A_1790, %get3A_1791] {strides = array<i32>} : memref<8x16x256xf32, #tpu.memory_space<vmem>>, vector<1x1x16xf32>,
      %get3A_1793 = vector.shape_cast %get3A_1792 : vector<1x1x16xf32> to vector<16xf32>
      %get3A_1794 = arith.constant 5 : i32
      %get3A_1795 = arith.index_cast %get3A_1794 : i32 to index
      %get3A_1796 = arith.index_cast %scan3A_34 : i32 to index
      %get3A_1797 = arith.constant 208 : index
      %get3A_1798 = tpu.vector_load %arg5[%get3A_1795, %get3A_1796, %get3A_1797] {strides = array<i32>} : memref<8x16x256xf32, #tpu.memory_space<vmem>>, vector<1x1x16xf32>,
      %get3A_1799 = vector.shape_cast %get3A_1798 : vector<1x1x16xf32> to vector<16xf32>
      %get3A_1800 = arith.constant 5 : i32
      %get3A_1801 = arith.index_cast %get3A_1800 : i32 to index
      %get3A_1802 = arith.index_cast %scan3A_34 : i32 to index
      %get3A_1803 = arith.constant 224 : index
      %get3A_1804 = tpu.vector_load %arg5[%get3A_1801, %get3A_1802, %get3A_1803] {strides = array<i32>} : memref<8x16x256xf32, #tpu.memory_space<vmem>>, vector<1x1x16xf32>,
      %get3A_1805 = vector.shape_cast %get3A_1804 : vector<1x1x16xf32> to vector<16xf32>
      %get3A_1806 = arith.constant 5 : i32
      %get3A_1807 = arith.index_cast %get3A_1806 : i32 to index
      %get3A_1808 = arith.index_cast %scan3A_34 : i32 to index
      %get3A_1809 = arith.constant 240 : index
      %get3A_1810 = tpu.vector_load %arg5[%get3A_1807, %get3A_1808, %get3A_1809] {strides = array<i32>} : memref<8x16x256xf32, #tpu.memory_space<vmem>>, vector<1x1x16xf32>,
      %get3A_1811 = vector.shape_cast %get3A_1810 : vector<1x1x16xf32> to vector<16xf32>
      %max3A_1812 = arith.maximumf %get3A_1721, %get3A_1727 : vector<16xf32>
      %max3A_1813 = arith.maximumf %max3A_1812, %get3A_1733 : vector<16xf32>
      %max3A_1814 = arith.maximumf %max3A_1813, %get3A_1739 : vector<16xf32>
      %max3A_1815 = arith.maximumf %max3A_1814, %get3A_1745 : vector<16xf32>
      %max3A_1816 = arith.maximumf %max3A_1815, %get3A_1751 : vector<16xf32>
      %max3A_1817 = arith.maximumf %max3A_1816, %get3A_1757 : vector<16xf32>
      %max3A_1818 = arith.maximumf %max3A_1817, %get3A_1763 : vector<16xf32>
      %max3A_1819 = arith.maximumf %max3A_1818, %get3A_1769 : vector<16xf32>
      %max3A_1820 = arith.maximumf %max3A_1819, %get3A_1775 : vector<16xf32>
      %max3A_1821 = arith.maximumf %max3A_1820, %get3A_1781 : vector<16xf32>
      %max3A_1822 = arith.maximumf %max3A_1821, %get3A_1787 : vector<16xf32>
      %max3A_1823 = arith.maximumf %max3A_1822, %get3A_1793 : vector<16xf32>
      %max3A_1824 = arith.maximumf %max3A_1823, %get3A_1799 : vector<16xf32>
      %max3A_1825 = arith.maximumf %max3A_1824, %get3A_1805 : vector<16xf32>
      %max3A_1826 = arith.maximumf %max3A_1825, %get3A_1811 : vector<16xf32>
      %sub3A_1827 = arith.subf %get3A_1721, %max3A_1826 : vector<16xf32>
      %mul3A_1828 = arith.constant 1.000000e+03 : f32
      %mul3A_1829 = vector.broadcast %mul3A_1828 : f32 to vector<16xf32>
      %mul3A_1830 = arith.mulf %sub3A_1827, %mul3A_1829 : vector<16xf32>
      %exp3A_1831 = math.exp %mul3A_1830 : vector<16xf32>
      %sub3A_1832 = arith.subf %get3A_1727, %max3A_1826 : vector<16xf32>
      %mul3A_1833 = arith.constant 1.000000e+03 : f32
      %mul3A_1834 = vector.broadcast %mul3A_1833 : f32 to vector<16xf32>
      %mul3A_1835 = arith.mulf %sub3A_1832, %mul3A_1834 : vector<16xf32>
      %exp3A_1836 = math.exp %mul3A_1835 : vector<16xf32>
      %sub3A_1837 = arith.subf %get3A_1733, %max3A_1826 : vector<16xf32>
      %mul3A_1838 = arith.constant 1.000000e+03 : f32
      %mul3A_1839 = vector.broadcast %mul3A_1838 : f32 to vector<16xf32>
      %mul3A_1840 = arith.mulf %sub3A_1837, %mul3A_1839 : vector<16xf32>
      %exp3A_1841 = math.exp %mul3A_1840 : vector<16xf32>
      %sub3A_1842 = arith.subf %get3A_1739, %max3A_1826 : vector<16xf32>
      %mul3A_1843 = arith.constant 1.000000e+03 : f32
      %mul3A_1844 = vector.broadcast %mul3A_1843 : f32 to vector<16xf32>
      %mul3A_1845 = arith.mulf %sub3A_1842, %mul3A_1844 : vector<16xf32>
      %exp3A_1846 = math.exp %mul3A_1845 : vector<16xf32>
      %sub3A_1847 = arith.subf %get3A_1745, %max3A_1826 : vector<16xf32>
      %mul3A_1848 = arith.constant 1.000000e+03 : f32
      %mul3A_1849 = vector.broadcast %mul3A_1848 : f32 to vector<16xf32>
      %mul3A_1850 = arith.mulf %sub3A_1847, %mul3A_1849 : vector<16xf32>
      %exp3A_1851 = math.exp %mul3A_1850 : vector<16xf32>
      %sub3A_1852 = arith.subf %get3A_1751, %max3A_1826 : vector<16xf32>
      %mul3A_1853 = arith.constant 1.000000e+03 : f32
      %mul3A_1854 = vector.broadcast %mul3A_1853 : f32 to vector<16xf32>
      %mul3A_1855 = arith.mulf %sub3A_1852, %mul3A_1854 : vector<16xf32>
      %exp3A_1856 = math.exp %mul3A_1855 : vector<16xf32>
      %sub3A_1857 = arith.subf %get3A_1757, %max3A_1826 : vector<16xf32>
      %mul3A_1858 = arith.constant 1.000000e+03 : f32
      %mul3A_1859 = vector.broadcast %mul3A_1858 : f32 to vector<16xf32>
      %mul3A_1860 = arith.mulf %sub3A_1857, %mul3A_1859 : vector<16xf32>
      %exp3A_1861 = math.exp %mul3A_1860 : vector<16xf32>
      %sub3A_1862 = arith.subf %get3A_1763, %max3A_1826 : vector<16xf32>
      %mul3A_1863 = arith.constant 1.000000e+03 : f32
      %mul3A_1864 = vector.broadcast %mul3A_1863 : f32 to vector<16xf32>
      %mul3A_1865 = arith.mulf %sub3A_1862, %mul3A_1864 : vector<16xf32>
      %exp3A_1866 = math.exp %mul3A_1865 : vector<16xf32>
      %sub3A_1867 = arith.subf %get3A_1769, %max3A_1826 : vector<16xf32>
      %mul3A_1868 = arith.constant 1.000000e+03 : f32
      %mul3A_1869 = vector.broadcast %mul3A_1868 : f32 to vector<16xf32>
      %mul3A_1870 = arith.mulf %sub3A_1867, %mul3A_1869 : vector<16xf32>
      %exp3A_1871 = math.exp %mul3A_1870 : vector<16xf32>
      %sub3A_1872 = arith.subf %get3A_1775, %max3A_1826 : vector<16xf32>
      %mul3A_1873 = arith.constant 1.000000e+03 : f32
      %mul3A_1874 = vector.broadcast %mul3A_1873 : f32 to vector<16xf32>
      %mul3A_1875 = arith.mulf %sub3A_1872, %mul3A_1874 : vector<16xf32>
      %exp3A_1876 = math.exp %mul3A_1875 : vector<16xf32>
      %sub3A_1877 = arith.subf %get3A_1781, %max3A_1826 : vector<16xf32>
      %mul3A_1878 = arith.constant 1.000000e+03 : f32
      %mul3A_1879 = vector.broadcast %mul3A_1878 : f32 to vector<16xf32>
      %mul3A_1880 = arith.mulf %sub3A_1877, %mul3A_1879 : vector<16xf32>
      %exp3A_1881 = math.exp %mul3A_1880 : vector<16xf32>
      %sub3A_1882 = arith.subf %get3A_1787, %max3A_1826 : vector<16xf32>
      %mul3A_1883 = arith.constant 1.000000e+03 : f32
      %mul3A_1884 = vector.broadcast %mul3A_1883 : f32 to vector<16xf32>
      %mul3A_1885 = arith.mulf %sub3A_1882, %mul3A_1884 : vector<16xf32>
      %exp3A_1886 = math.exp %mul3A_1885 : vector<16xf32>
      %sub3A_1887 = arith.subf %get3A_1793, %max3A_1826 : vector<16xf32>
      %mul3A_1888 = arith.constant 1.000000e+03 : f32
      %mul3A_1889 = vector.broadcast %mul3A_1888 : f32 to vector<16xf32>
      %mul3A_1890 = arith.mulf %sub3A_1887, %mul3A_1889 : vector<16xf32>
      %exp3A_1891 = math.exp %mul3A_1890 : vector<16xf32>
      %sub3A_1892 = arith.subf %get3A_1799, %max3A_1826 : vector<16xf32>
      %mul3A_1893 = arith.constant 1.000000e+03 : f32
      %mul3A_1894 = vector.broadcast %mul3A_1893 : f32 to vector<16xf32>
      %mul3A_1895 = arith.mulf %sub3A_1892, %mul3A_1894 : vector<16xf32>
      %exp3A_1896 = math.exp %mul3A_1895 : vector<16xf32>
      %sub3A_1897 = arith.subf %get3A_1805, %max3A_1826 : vector<16xf32>
      %mul3A_1898 = arith.constant 1.000000e+03 : f32
      %mul3A_1899 = vector.broadcast %mul3A_1898 : f32 to vector<16xf32>
      %mul3A_1900 = arith.mulf %sub3A_1897, %mul3A_1899 : vector<16xf32>
      %exp3A_1901 = math.exp %mul3A_1900 : vector<16xf32>
      %sub3A_1902 = arith.subf %get3A_1811, %max3A_1826 : vector<16xf32>
      %mul3A_1903 = arith.constant 1.000000e+03 : f32
      %mul3A_1904 = vector.broadcast %mul3A_1903 : f32 to vector<16xf32>
      %mul3A_1905 = arith.mulf %sub3A_1902, %mul3A_1904 : vector<16xf32>
      %exp3A_1906 = math.exp %mul3A_1905 : vector<16xf32>
      %add3A_1907 = arith.addf %exp3A_1831, %exp3A_1836 : vector<16xf32>
      %add3A_1908 = arith.addf %add3A_1907, %exp3A_1841 : vector<16xf32>
      %add3A_1909 = arith.addf %add3A_1908, %exp3A_1846 : vector<16xf32>
      %add3A_1910 = arith.addf %add3A_1909, %exp3A_1851 : vector<16xf32>
      %add3A_1911 = arith.addf %add3A_1910, %exp3A_1856 : vector<16xf32>
      %add3A_1912 = arith.addf %add3A_1911, %exp3A_1861 : vector<16xf32>
      %add3A_1913 = arith.addf %add3A_1912, %exp3A_1866 : vector<16xf32>
      %add3A_1914 = arith.addf %add3A_1913, %exp3A_1871 : vector<16xf32>
      %add3A_1915 = arith.addf %add3A_1914, %exp3A_1876 : vector<16xf32>
      %add3A_1916 = arith.addf %add3A_1915, %exp3A_1881 : vector<16xf32>
      %add3A_1917 = arith.addf %add3A_1916, %exp3A_1886 : vector<16xf32>
      %add3A_1918 = arith.addf %add3A_1917, %exp3A_1891 : vector<16xf32>
      %add3A_1919 = arith.addf %add3A_1918, %exp3A_1896 : vector<16xf32>
      %add3A_1920 = arith.addf %add3A_1919, %exp3A_1901 : vector<16xf32>
      %add3A_1921 = arith.addf %add3A_1920, %exp3A_1906 : vector<16xf32>
      %div3A_1922 = arith.constant 1.000000e+00 : f32
      %div3A_1923 = vector.broadcast %div3A_1922 : f32 to vector<16xf32>
      %div3A_1924 = arith.divf %div3A_1923, %add3A_1921 : vector<16xf32>
      %mul3A_1925 = arith.mulf %exp3A_1831, %div3A_1924 : vector<16xf32>
      %swap3A_1926 = arith.constant 5 : i32
      %swap3A_1927 = arith.index_cast %swap3A_1926 : i32 to index
      %swap3A_1928 = arith.index_cast %scan3A_34 : i32 to index
      %swap3A_1929 = arith.constant 0 : index
      %swap3A_1930 = tpu.vector_load %arg5[%swap3A_1927, %swap3A_1928, %swap3A_1929] {strides = array<i32>} : memref<8x16x256xf32, #tpu.memory_space<vmem>>, vector<1x1x16xf32>,
      %swap3A_1931 = vector.shape_cast %swap3A_1930 : vector<1x1x16xf32> to vector<16xf32>
      %swap3A_1932 = vector.shape_cast %mul3A_1925 : vector<16xf32> to vector<1x1x16xf32>
      tpu.vector_store %arg5[%swap3A_1927, %swap3A_1928, %swap3A_1929], %swap3A_1932 {strides = array<i32>} : memref<8x16x256xf32, #tpu.memory_space<vmem>>, vector<1x1x16xf32>,
      %mul3A_1933 = arith.mulf %exp3A_1836, %div3A_1924 : vector<16xf32>
      %swap3A_1934 = arith.constant 5 : i32
      %swap3A_1935 = arith.index_cast %swap3A_1934 : i32 to index
      %swap3A_1936 = arith.index_cast %scan3A_34 : i32 to index
      %swap3A_1937 = arith.constant 16 : index
      %swap3A_1938 = tpu.vector_load %arg5[%swap3A_1935, %swap3A_1936, %swap3A_1937] {strides = array<i32>} : memref<8x16x256xf32, #tpu.memory_space<vmem>>, vector<1x1x16xf32>,
      %swap3A_1939 = vector.shape_cast %swap3A_1938 : vector<1x1x16xf32> to vector<16xf32>
      %swap3A_1940 = vector.shape_cast %mul3A_1933 : vector<16xf32> to vector<1x1x16xf32>
      tpu.vector_store %arg5[%swap3A_1935, %swap3A_1936, %swap3A_1937], %swap3A_1940 {strides = array<i32>} : memref<8x16x256xf32, #tpu.memory_space<vmem>>, vector<1x1x16xf32>,
      %mul3A_1941 = arith.mulf %exp3A_1841, %div3A_1924 : vector<16xf32>
      %swap3A_1942 = arith.constant 5 : i32
      %swap3A_1943 = arith.index_cast %swap3A_1942 : i32 to index
      %swap3A_1944 = arith.index_cast %scan3A_34 : i32 to index
      %swap3A_1945 = arith.constant 32 : index
      %swap3A_1946 = tpu.vector_load %arg5[%swap3A_1943, %swap3A_1944, %swap3A_1945] {strides = array<i32>} : memref<8x16x256xf32, #tpu.memory_space<vmem>>, vector<1x1x16xf32>,
      %swap3A_1947 = vector.shape_cast %swap3A_1946 : vector<1x1x16xf32> to vector<16xf32>
      %swap3A_1948 = vector.shape_cast %mul3A_1941 : vector<16xf32> to vector<1x1x16xf32>
      tpu.vector_store %arg5[%swap3A_1943, %swap3A_1944, %swap3A_1945], %swap3A_1948 {strides = array<i32>} : memref<8x16x256xf32, #tpu.memory_space<vmem>>, vector<1x1x16xf32>,
      %mul3A_1949 = arith.mulf %exp3A_1846, %div3A_1924 : vector<16xf32>
      %swap3A_1950 = arith.constant 5 : i32
      %swap3A_1951 = arith.index_cast %swap3A_1950 : i32 to index
      %swap3A_1952 = arith.index_cast %scan3A_34 : i32 to index
      %swap3A_1953 = arith.constant 48 : index
      %swap3A_1954 = tpu.vector_load %arg5[%swap3A_1951, %swap3A_1952, %swap3A_1953] {strides = array<i32>} : memref<8x16x256xf32, #tpu.memory_space<vmem>>, vector<1x1x16xf32>,
      %swap3A_1955 = vector.shape_cast %swap3A_1954 : vector<1x1x16xf32> to vector<16xf32>
      %swap3A_1956 = vector.shape_cast %mul3A_1949 : vector<16xf32> to vector<1x1x16xf32>
      tpu.vector_store %arg5[%swap3A_1951, %swap3A_1952, %swap3A_1953], %swap3A_1956 {strides = array<i32>} : memref<8x16x256xf32, #tpu.memory_space<vmem>>, vector<1x1x16xf32>,
      %mul3A_1957 = arith.mulf %exp3A_1851, %div3A_1924 : vector<16xf32>
      %swap3A_1958 = arith.constant 5 : i32
      %swap3A_1959 = arith.index_cast %swap3A_1958 : i32 to index
      %swap3A_1960 = arith.index_cast %scan3A_34 : i32 to index
      %swap3A_1961 = arith.constant 64 : index
      %swap3A_1962 = tpu.vector_load %arg5[%swap3A_1959, %swap3A_1960, %swap3A_1961] {strides = array<i32>} : memref<8x16x256xf32, #tpu.memory_space<vmem>>, vector<1x1x16xf32>,
      %swap3A_1963 = vector.shape_cast %swap3A_1962 : vector<1x1x16xf32> to vector<16xf32>
      %swap3A_1964 = vector.shape_cast %mul3A_1957 : vector<16xf32> to vector<1x1x16xf32>
      tpu.vector_store %arg5[%swap3A_1959, %swap3A_1960, %swap3A_1961], %swap3A_1964 {strides = array<i32>} : memref<8x16x256xf32, #tpu.memory_space<vmem>>, vector<1x1x16xf32>,
      %mul3A_1965 = arith.mulf %exp3A_1856, %div3A_1924 : vector<16xf32>
      %swap3A_1966 = arith.constant 5 : i32
      %swap3A_1967 = arith.index_cast %swap3A_1966 : i32 to index
      %swap3A_1968 = arith.index_cast %scan3A_34 : i32 to index
      %swap3A_1969 = arith.constant 80 : index
      %swap3A_1970 = tpu.vector_load %arg5[%swap3A_1967, %swap3A_1968, %swap3A_1969] {strides = array<i32>} : memref<8x16x256xf32, #tpu.memory_space<vmem>>, vector<1x1x16xf32>,
      %swap3A_1971 = vector.shape_cast %swap3A_1970 : vector<1x1x16xf32> to vector<16xf32>
      %swap3A_1972 = vector.shape_cast %mul3A_1965 : vector<16xf32> to vector<1x1x16xf32>
      tpu.vector_store %arg5[%swap3A_1967, %swap3A_1968, %swap3A_1969], %swap3A_1972 {strides = array<i32>} : memref<8x16x256xf32, #tpu.memory_space<vmem>>, vector<1x1x16xf32>,
      %mul3A_1973 = arith.mulf %exp3A_1861, %div3A_1924 : vector<16xf32>
      %swap3A_1974 = arith.constant 5 : i32
      %swap3A_1975 = arith.index_cast %swap3A_1974 : i32 to index
      %swap3A_1976 = arith.index_cast %scan3A_34 : i32 to index
      %swap3A_1977 = arith.constant 96 : index
      %swap3A_1978 = tpu.vector_load %arg5[%swap3A_1975, %swap3A_1976, %swap3A_1977] {strides = array<i32>} : memref<8x16x256xf32, #tpu.memory_space<vmem>>, vector<1x1x16xf32>,
      %swap3A_1979 = vector.shape_cast %swap3A_1978 : vector<1x1x16xf32> to vector<16xf32>
      %swap3A_1980 = vector.shape_cast %mul3A_1973 : vector<16xf32> to vector<1x1x16xf32>
      tpu.vector_store %arg5[%swap3A_1975, %swap3A_1976, %swap3A_1977], %swap3A_1980 {strides = array<i32>} : memref<8x16x256xf32, #tpu.memory_space<vmem>>, vector<1x1x16xf32>,
      %mul3A_1981 = arith.mulf %exp3A_1866, %div3A_1924 : vector<16xf32>
      %swap3A_1982 = arith.constant 5 : i32
      %swap3A_1983 = arith.index_cast %swap3A_1982 : i32 to index
      %swap3A_1984 = arith.index_cast %scan3A_34 : i32 to index
      %swap3A_1985 = arith.constant 112 : index
      %swap3A_1986 = tpu.vector_load %arg5[%swap3A_1983, %swap3A_1984, %swap3A_1985] {strides = array<i32>} : memref<8x16x256xf32, #tpu.memory_space<vmem>>, vector<1x1x16xf32>,
      %swap3A_1987 = vector.shape_cast %swap3A_1986 : vector<1x1x16xf32> to vector<16xf32>
      %swap3A_1988 = vector.shape_cast %mul3A_1981 : vector<16xf32> to vector<1x1x16xf32>
      tpu.vector_store %arg5[%swap3A_1983, %swap3A_1984, %swap3A_1985], %swap3A_1988 {strides = array<i32>} : memref<8x16x256xf32, #tpu.memory_space<vmem>>, vector<1x1x16xf32>,
      %mul3A_1989 = arith.mulf %exp3A_1871, %div3A_1924 : vector<16xf32>
      %swap3A_1990 = arith.constant 5 : i32
      %swap3A_1991 = arith.index_cast %swap3A_1990 : i32 to index
      %swap3A_1992 = arith.index_cast %scan3A_34 : i32 to index
      %swap3A_1993 = arith.constant 128 : index
      %swap3A_1994 = tpu.vector_load %arg5[%swap3A_1991, %swap3A_1992, %swap3A_1993] {strides = array<i32>} : memref<8x16x256xf32, #tpu.memory_space<vmem>>, vector<1x1x16xf32>,
      %swap3A_1995 = vector.shape_cast %swap3A_1994 : vector<1x1x16xf32> to vector<16xf32>
      %swap3A_1996 = vector.shape_cast %mul3A_1989 : vector<16xf32> to vector<1x1x16xf32>
      tpu.vector_store %arg5[%swap3A_1991, %swap3A_1992, %swap3A_1993], %swap3A_1996 {strides = array<i32>} : memref<8x16x256xf32, #tpu.memory_space<vmem>>, vector<1x1x16xf32>,
      %mul3A_1997 = arith.mulf %exp3A_1876, %div3A_1924 : vector<16xf32>
      %swap3A_1998 = arith.constant 5 : i32
      %swap3A_1999 = arith.index_cast %swap3A_1998 : i32 to index
      %swap3A_2000 = arith.index_cast %scan3A_34 : i32 to index
      %swap3A_2001 = arith.constant 144 : index
      %swap3A_2002 = tpu.vector_load %arg5[%swap3A_1999, %swap3A_2000, %swap3A_2001] {strides = array<i32>} : memref<8x16x256xf32, #tpu.memory_space<vmem>>, vector<1x1x16xf32>,
      %swap3A_2003 = vector.shape_cast %swap3A_2002 : vector<1x1x16xf32> to vector<16xf32>
      %swap3A_2004 = vector.shape_cast %mul3A_1997 : vector<16xf32> to vector<1x1x16xf32>
      tpu.vector_store %arg5[%swap3A_1999, %swap3A_2000, %swap3A_2001], %swap3A_2004 {strides = array<i32>} : memref<8x16x256xf32, #tpu.memory_space<vmem>>, vector<1x1x16xf32>,
      %mul3A_2005 = arith.mulf %exp3A_1881, %div3A_1924 : vector<16xf32>
      %swap3A_2006 = arith.constant 5 : i32
      %swap3A_2007 = arith.index_cast %swap3A_2006 : i32 to index
      %swap3A_2008 = arith.index_cast %scan3A_34 : i32 to index
      %swap3A_2009 = arith.constant 160 : index
      %swap3A_2010 = tpu.vector_load %arg5[%swap3A_2007, %swap3A_2008, %swap3A_2009] {strides = array<i32>} : memref<8x16x256xf32, #tpu.memory_space<vmem>>, vector<1x1x16xf32>,
      %swap3A_2011 = vector.shape_cast %swap3A_2010 : vector<1x1x16xf32> to vector<16xf32>
      %swap3A_2012 = vector.shape_cast %mul3A_2005 : vector<16xf32> to vector<1x1x16xf32>
      tpu.vector_store %arg5[%swap3A_2007, %swap3A_2008, %swap3A_2009], %swap3A_2012 {strides = array<i32>} : memref<8x16x256xf32, #tpu.memory_space<vmem>>, vector<1x1x16xf32>,
      %mul3A_2013 = arith.mulf %exp3A_1886, %div3A_1924 : vector<16xf32>
      %swap3A_2014 = arith.constant 5 : i32
      %swap3A_2015 = arith.index_cast %swap3A_2014 : i32 to index
      %swap3A_2016 = arith.index_cast %scan3A_34 : i32 to index
      %swap3A_2017 = arith.constant 176 : index
      %swap3A_2018 = tpu.vector_load %arg5[%swap3A_2015, %swap3A_2016, %swap3A_2017] {strides = array<i32>} : memref<8x16x256xf32, #tpu.memory_space<vmem>>, vector<1x1x16xf32>,
      %swap3A_2019 = vector.shape_cast %swap3A_2018 : vector<1x1x16xf32> to vector<16xf32>
      %swap3A_2020 = vector.shape_cast %mul3A_2013 : vector<16xf32> to vector<1x1x16xf32>
      tpu.vector_store %arg5[%swap3A_2015, %swap3A_2016, %swap3A_2017], %swap3A_2020 {strides = array<i32>} : memref<8x16x256xf32, #tpu.memory_space<vmem>>, vector<1x1x16xf32>,
      %mul3A_2021 = arith.mulf %exp3A_1891, %div3A_1924 : vector<16xf32>
      %swap3A_2022 = arith.constant 5 : i32
      %swap3A_2023 = arith.index_cast %swap3A_2022 : i32 to index
      %swap3A_2024 = arith.index_cast %scan3A_34 : i32 to index
      %swap3A_2025 = arith.constant 192 : index
      %swap3A_2026 = tpu.vector_load %arg5[%swap3A_2023, %swap3A_2024, %swap3A_2025] {strides = array<i32>} : memref<8x16x256xf32, #tpu.memory_space<vmem>>, vector<1x1x16xf32>,
      %swap3A_2027 = vector.shape_cast %swap3A_2026 : vector<1x1x16xf32> to vector<16xf32>
      %swap3A_2028 = vector.shape_cast %mul3A_2021 : vector<16xf32> to vector<1x1x16xf32>
      tpu.vector_store %arg5[%swap3A_2023, %swap3A_2024, %swap3A_2025], %swap3A_2028 {strides = array<i32>} : memref<8x16x256xf32, #tpu.memory_space<vmem>>, vector<1x1x16xf32>,
      %mul3A_2029 = arith.mulf %exp3A_1896, %div3A_1924 : vector<16xf32>
      %swap3A_2030 = arith.constant 5 : i32
      %swap3A_2031 = arith.index_cast %swap3A_2030 : i32 to index
      %swap3A_2032 = arith.index_cast %scan3A_34 : i32 to index
      %swap3A_2033 = arith.constant 208 : index
      %swap3A_2034 = tpu.vector_load %arg5[%swap3A_2031, %swap3A_2032, %swap3A_2033] {strides = array<i32>} : memref<8x16x256xf32, #tpu.memory_space<vmem>>, vector<1x1x16xf32>,
      %swap3A_2035 = vector.shape_cast %swap3A_2034 : vector<1x1x16xf32> to vector<16xf32>
      %swap3A_2036 = vector.shape_cast %mul3A_2029 : vector<16xf32> to vector<1x1x16xf32>
      tpu.vector_store %arg5[%swap3A_2031, %swap3A_2032, %swap3A_2033], %swap3A_2036 {strides = array<i32>} : memref<8x16x256xf32, #tpu.memory_space<vmem>>, vector<1x1x16xf32>,
      %mul3A_2037 = arith.mulf %exp3A_1901, %div3A_1924 : vector<16xf32>
      %swap3A_2038 = arith.constant 5 : i32
      %swap3A_2039 = arith.index_cast %swap3A_2038 : i32 to index
      %swap3A_2040 = arith.index_cast %scan3A_34 : i32 to index
      %swap3A_2041 = arith.constant 224 : index
      %swap3A_2042 = tpu.vector_load %arg5[%swap3A_2039, %swap3A_2040, %swap3A_2041] {strides = array<i32>} : memref<8x16x256xf32, #tpu.memory_space<vmem>>, vector<1x1x16xf32>,
      %swap3A_2043 = vector.shape_cast %swap3A_2042 : vector<1x1x16xf32> to vector<16xf32>
      %swap3A_2044 = vector.shape_cast %mul3A_2037 : vector<16xf32> to vector<1x1x16xf32>
      tpu.vector_store %arg5[%swap3A_2039, %swap3A_2040, %swap3A_2041], %swap3A_2044 {strides = array<i32>} : memref<8x16x256xf32, #tpu.memory_space<vmem>>, vector<1x1x16xf32>,
      %mul3A_2045 = arith.mulf %exp3A_1906, %div3A_1924 : vector<16xf32>
      %swap3A_2046 = arith.constant 5 : i32
      %swap3A_2047 = arith.index_cast %swap3A_2046 : i32 to index
      %swap3A_2048 = arith.index_cast %scan3A_34 : i32 to index
      %swap3A_2049 = arith.constant 240 : index
      %swap3A_2050 = tpu.vector_load %arg5[%swap3A_2047, %swap3A_2048, %swap3A_2049] {strides = array<i32>} : memref<8x16x256xf32, #tpu.memory_space<vmem>>, vector<1x1x16xf32>,
      %swap3A_2051 = vector.shape_cast %swap3A_2050 : vector<1x1x16xf32> to vector<16xf32>
      %swap3A_2052 = vector.shape_cast %mul3A_2045 : vector<16xf32> to vector<1x1x16xf32>
      tpu.vector_store %arg5[%swap3A_2047, %swap3A_2048, %swap3A_2049], %swap3A_2052 {strides = array<i32>} : memref<8x16x256xf32, #tpu.memory_space<vmem>>, vector<1x1x16xf32>,
      %get3A_2053 = arith.constant 6 : i32
      %get3A_2054 = arith.index_cast %get3A_2053 : i32 to index
      %get3A_2055 = arith.index_cast %scan3A_34 : i32 to index
      %get3A_2056 = arith.constant 0 : index
      %get3A_2057 = tpu.vector_load %arg5[%get3A_2054, %get3A_2055, %get3A_2056] {strides = array<i32>} : memref<8x16x256xf32, #tpu.memory_space<vmem>>, vector<1x1x16xf32>,
      %get3A_2058 = vector.shape_cast %get3A_2057 : vector<1x1x16xf32> to vector<16xf32>
      %get3A_2059 = arith.constant 6 : i32
      %get3A_2060 = arith.index_cast %get3A_2059 : i32 to index
      %get3A_2061 = arith.index_cast %scan3A_34 : i32 to index
      %get3A_2062 = arith.constant 16 : index
      %get3A_2063 = tpu.vector_load %arg5[%get3A_2060, %get3A_2061, %get3A_2062] {strides = array<i32>} : memref<8x16x256xf32, #tpu.memory_space<vmem>>, vector<1x1x16xf32>,
      %get3A_2064 = vector.shape_cast %get3A_2063 : vector<1x1x16xf32> to vector<16xf32>
      %get3A_2065 = arith.constant 6 : i32
      %get3A_2066 = arith.index_cast %get3A_2065 : i32 to index
      %get3A_2067 = arith.index_cast %scan3A_34 : i32 to index
      %get3A_2068 = arith.constant 32 : index
      %get3A_2069 = tpu.vector_load %arg5[%get3A_2066, %get3A_2067, %get3A_2068] {strides = array<i32>} : memref<8x16x256xf32, #tpu.memory_space<vmem>>, vector<1x1x16xf32>,
      %get3A_2070 = vector.shape_cast %get3A_2069 : vector<1x1x16xf32> to vector<16xf32>
      %get3A_2071 = arith.constant 6 : i32
      %get3A_2072 = arith.index_cast %get3A_2071 : i32 to index
      %get3A_2073 = arith.index_cast %scan3A_34 : i32 to index
      %get3A_2074 = arith.constant 48 : index
      %get3A_2075 = tpu.vector_load %arg5[%get3A_2072, %get3A_2073, %get3A_2074] {strides = array<i32>} : memref<8x16x256xf32, #tpu.memory_space<vmem>>, vector<1x1x16xf32>,
      %get3A_2076 = vector.shape_cast %get3A_2075 : vector<1x1x16xf32> to vector<16xf32>
      %get3A_2077 = arith.constant 6 : i32
      %get3A_2078 = arith.index_cast %get3A_2077 : i32 to index
      %get3A_2079 = arith.index_cast %scan3A_34 : i32 to index
      %get3A_2080 = arith.constant 64 : index
      %get3A_2081 = tpu.vector_load %arg5[%get3A_2078, %get3A_2079, %get3A_2080] {strides = array<i32>} : memref<8x16x256xf32, #tpu.memory_space<vmem>>, vector<1x1x16xf32>,
      %get3A_2082 = vector.shape_cast %get3A_2081 : vector<1x1x16xf32> to vector<16xf32>
      %get3A_2083 = arith.constant 6 : i32
      %get3A_2084 = arith.index_cast %get3A_2083 : i32 to index
      %get3A_2085 = arith.index_cast %scan3A_34 : i32 to index
      %get3A_2086 = arith.constant 80 : index
      %get3A_2087 = tpu.vector_load %arg5[%get3A_2084, %get3A_2085, %get3A_2086] {strides = array<i32>} : memref<8x16x256xf32, #tpu.memory_space<vmem>>, vector<1x1x16xf32>,
      %get3A_2088 = vector.shape_cast %get3A_2087 : vector<1x1x16xf32> to vector<16xf32>
      %get3A_2089 = arith.constant 6 : i32
      %get3A_2090 = arith.index_cast %get3A_2089 : i32 to index
      %get3A_2091 = arith.index_cast %scan3A_34 : i32 to index
      %get3A_2092 = arith.constant 96 : index
      %get3A_2093 = tpu.vector_load %arg5[%get3A_2090, %get3A_2091, %get3A_2092] {strides = array<i32>} : memref<8x16x256xf32, #tpu.memory_space<vmem>>, vector<1x1x16xf32>,
      %get3A_2094 = vector.shape_cast %get3A_2093 : vector<1x1x16xf32> to vector<16xf32>
      %get3A_2095 = arith.constant 6 : i32
      %get3A_2096 = arith.index_cast %get3A_2095 : i32 to index
      %get3A_2097 = arith.index_cast %scan3A_34 : i32 to index
      %get3A_2098 = arith.constant 112 : index
      %get3A_2099 = tpu.vector_load %arg5[%get3A_2096, %get3A_2097, %get3A_2098] {strides = array<i32>} : memref<8x16x256xf32, #tpu.memory_space<vmem>>, vector<1x1x16xf32>,
      %get3A_2100 = vector.shape_cast %get3A_2099 : vector<1x1x16xf32> to vector<16xf32>
      %get3A_2101 = arith.constant 6 : i32
      %get3A_2102 = arith.index_cast %get3A_2101 : i32 to index
      %get3A_2103 = arith.index_cast %scan3A_34 : i32 to index
      %get3A_2104 = arith.constant 128 : index
      %get3A_2105 = tpu.vector_load %arg5[%get3A_2102, %get3A_2103, %get3A_2104] {strides = array<i32>} : memref<8x16x256xf32, #tpu.memory_space<vmem>>, vector<1x1x16xf32>,
      %get3A_2106 = vector.shape_cast %get3A_2105 : vector<1x1x16xf32> to vector<16xf32>
      %get3A_2107 = arith.constant 6 : i32
      %get3A_2108 = arith.index_cast %get3A_2107 : i32 to index
      %get3A_2109 = arith.index_cast %scan3A_34 : i32 to index
      %get3A_2110 = arith.constant 144 : index
      %get3A_2111 = tpu.vector_load %arg5[%get3A_2108, %get3A_2109, %get3A_2110] {strides = array<i32>} : memref<8x16x256xf32, #tpu.memory_space<vmem>>, vector<1x1x16xf32>,
      %get3A_2112 = vector.shape_cast %get3A_2111 : vector<1x1x16xf32> to vector<16xf32>
      %get3A_2113 = arith.constant 6 : i32
      %get3A_2114 = arith.index_cast %get3A_2113 : i32 to index
      %get3A_2115 = arith.index_cast %scan3A_34 : i32 to index
      %get3A_2116 = arith.constant 160 : index
      %get3A_2117 = tpu.vector_load %arg5[%get3A_2114, %get3A_2115, %get3A_2116] {strides = array<i32>} : memref<8x16x256xf32, #tpu.memory_space<vmem>>, vector<1x1x16xf32>,
      %get3A_2118 = vector.shape_cast %get3A_2117 : vector<1x1x16xf32> to vector<16xf32>
      %get3A_2119 = arith.constant 6 : i32
      %get3A_2120 = arith.index_cast %get3A_2119 : i32 to index
      %get3A_2121 = arith.index_cast %scan3A_34 : i32 to index
      %get3A_2122 = arith.constant 176 : index
      %get3A_2123 = tpu.vector_load %arg5[%get3A_2120, %get3A_2121, %get3A_2122] {strides = array<i32>} : memref<8x16x256xf32, #tpu.memory_space<vmem>>, vector<1x1x16xf32>,
      %get3A_2124 = vector.shape_cast %get3A_2123 : vector<1x1x16xf32> to vector<16xf32>
      %get3A_2125 = arith.constant 6 : i32
      %get3A_2126 = arith.index_cast %get3A_2125 : i32 to index
      %get3A_2127 = arith.index_cast %scan3A_34 : i32 to index
      %get3A_2128 = arith.constant 192 : index
      %get3A_2129 = tpu.vector_load %arg5[%get3A_2126, %get3A_2127, %get3A_2128] {strides = array<i32>} : memref<8x16x256xf32, #tpu.memory_space<vmem>>, vector<1x1x16xf32>,
      %get3A_2130 = vector.shape_cast %get3A_2129 : vector<1x1x16xf32> to vector<16xf32>
      %get3A_2131 = arith.constant 6 : i32
      %get3A_2132 = arith.index_cast %get3A_2131 : i32 to index
      %get3A_2133 = arith.index_cast %scan3A_34 : i32 to index
      %get3A_2134 = arith.constant 208 : index
      %get3A_2135 = tpu.vector_load %arg5[%get3A_2132, %get3A_2133, %get3A_2134] {strides = array<i32>} : memref<8x16x256xf32, #tpu.memory_space<vmem>>, vector<1x1x16xf32>,
      %get3A_2136 = vector.shape_cast %get3A_2135 : vector<1x1x16xf32> to vector<16xf32>
      %get3A_2137 = arith.constant 6 : i32
      %get3A_2138 = arith.index_cast %get3A_2137 : i32 to index
      %get3A_2139 = arith.index_cast %scan3A_34 : i32 to index
      %get3A_2140 = arith.constant 224 : index
      %get3A_2141 = tpu.vector_load %arg5[%get3A_2138, %get3A_2139, %get3A_2140] {strides = array<i32>} : memref<8x16x256xf32, #tpu.memory_space<vmem>>, vector<1x1x16xf32>,
      %get3A_2142 = vector.shape_cast %get3A_2141 : vector<1x1x16xf32> to vector<16xf32>
      %get3A_2143 = arith.constant 6 : i32
      %get3A_2144 = arith.index_cast %get3A_2143 : i32 to index
      %get3A_2145 = arith.index_cast %scan3A_34 : i32 to index
      %get3A_2146 = arith.constant 240 : index
      %get3A_2147 = tpu.vector_load %arg5[%get3A_2144, %get3A_2145, %get3A_2146] {strides = array<i32>} : memref<8x16x256xf32, #tpu.memory_space<vmem>>, vector<1x1x16xf32>,
      %get3A_2148 = vector.shape_cast %get3A_2147 : vector<1x1x16xf32> to vector<16xf32>
      %max3A_2149 = arith.maximumf %get3A_2058, %get3A_2064 : vector<16xf32>
      %max3A_2150 = arith.maximumf %max3A_2149, %get3A_2070 : vector<16xf32>
      %max3A_2151 = arith.maximumf %max3A_2150, %get3A_2076 : vector<16xf32>
      %max3A_2152 = arith.maximumf %max3A_2151, %get3A_2082 : vector<16xf32>
      %max3A_2153 = arith.maximumf %max3A_2152, %get3A_2088 : vector<16xf32>
      %max3A_2154 = arith.maximumf %max3A_2153, %get3A_2094 : vector<16xf32>
      %max3A_2155 = arith.maximumf %max3A_2154, %get3A_2100 : vector<16xf32>
      %max3A_2156 = arith.maximumf %max3A_2155, %get3A_2106 : vector<16xf32>
      %max3A_2157 = arith.maximumf %max3A_2156, %get3A_2112 : vector<16xf32>
      %max3A_2158 = arith.maximumf %max3A_2157, %get3A_2118 : vector<16xf32>
      %max3A_2159 = arith.maximumf %max3A_2158, %get3A_2124 : vector<16xf32>
      %max3A_2160 = arith.maximumf %max3A_2159, %get3A_2130 : vector<16xf32>
      %max3A_2161 = arith.maximumf %max3A_2160, %get3A_2136 : vector<16xf32>
      %max3A_2162 = arith.maximumf %max3A_2161, %get3A_2142 : vector<16xf32>
      %max3A_2163 = arith.maximumf %max3A_2162, %get3A_2148 : vector<16xf32>
      %sub3A_2164 = arith.subf %get3A_2058, %max3A_2163 : vector<16xf32>
      %mul3A_2165 = arith.constant 1.000000e+03 : f32
      %mul3A_2166 = vector.broadcast %mul3A_2165 : f32 to vector<16xf32>
      %mul3A_2167 = arith.mulf %sub3A_2164, %mul3A_2166 : vector<16xf32>
      %exp3A_2168 = math.exp %mul3A_2167 : vector<16xf32>
      %sub3A_2169 = arith.subf %get3A_2064, %max3A_2163 : vector<16xf32>
      %mul3A_2170 = arith.constant 1.000000e+03 : f32
      %mul3A_2171 = vector.broadcast %mul3A_2170 : f32 to vector<16xf32>
      %mul3A_2172 = arith.mulf %sub3A_2169, %mul3A_2171 : vector<16xf32>
      %exp3A_2173 = math.exp %mul3A_2172 : vector<16xf32>
      %sub3A_2174 = arith.subf %get3A_2070, %max3A_2163 : vector<16xf32>
      %mul3A_2175 = arith.constant 1.000000e+03 : f32
      %mul3A_2176 = vector.broadcast %mul3A_2175 : f32 to vector<16xf32>
      %mul3A_2177 = arith.mulf %sub3A_2174, %mul3A_2176 : vector<16xf32>
      %exp3A_2178 = math.exp %mul3A_2177 : vector<16xf32>
      %sub3A_2179 = arith.subf %get3A_2076, %max3A_2163 : vector<16xf32>
      %mul3A_2180 = arith.constant 1.000000e+03 : f32
      %mul3A_2181 = vector.broadcast %mul3A_2180 : f32 to vector<16xf32>
      %mul3A_2182 = arith.mulf %sub3A_2179, %mul3A_2181 : vector<16xf32>
      %exp3A_2183 = math.exp %mul3A_2182 : vector<16xf32>
      %sub3A_2184 = arith.subf %get3A_2082, %max3A_2163 : vector<16xf32>
      %mul3A_2185 = arith.constant 1.000000e+03 : f32
      %mul3A_2186 = vector.broadcast %mul3A_2185 : f32 to vector<16xf32>
      %mul3A_2187 = arith.mulf %sub3A_2184, %mul3A_2186 : vector<16xf32>
      %exp3A_2188 = math.exp %mul3A_2187 : vector<16xf32>
      %sub3A_2189 = arith.subf %get3A_2088, %max3A_2163 : vector<16xf32>
      %mul3A_2190 = arith.constant 1.000000e+03 : f32
      %mul3A_2191 = vector.broadcast %mul3A_2190 : f32 to vector<16xf32>
      %mul3A_2192 = arith.mulf %sub3A_2189, %mul3A_2191 : vector<16xf32>
      %exp3A_2193 = math.exp %mul3A_2192 : vector<16xf32>
      %sub3A_2194 = arith.subf %get3A_2094, %max3A_2163 : vector<16xf32>
      %mul3A_2195 = arith.constant 1.000000e+03 : f32
      %mul3A_2196 = vector.broadcast %mul3A_2195 : f32 to vector<16xf32>
      %mul3A_2197 = arith.mulf %sub3A_2194, %mul3A_2196 : vector<16xf32>
      %exp3A_2198 = math.exp %mul3A_2197 : vector<16xf32>
      %sub3A_2199 = arith.subf %get3A_2100, %max3A_2163 : vector<16xf32>
      %mul3A_2200 = arith.constant 1.000000e+03 : f32
      %mul3A_2201 = vector.broadcast %mul3A_2200 : f32 to vector<16xf32>
      %mul3A_2202 = arith.mulf %sub3A_2199, %mul3A_2201 : vector<16xf32>
      %exp3A_2203 = math.exp %mul3A_2202 : vector<16xf32>
      %sub3A_2204 = arith.subf %get3A_2106, %max3A_2163 : vector<16xf32>
      %mul3A_2205 = arith.constant 1.000000e+03 : f32
      %mul3A_2206 = vector.broadcast %mul3A_2205 : f32 to vector<16xf32>
      %mul3A_2207 = arith.mulf %sub3A_2204, %mul3A_2206 : vector<16xf32>
      %exp3A_2208 = math.exp %mul3A_2207 : vector<16xf32>
      %sub3A_2209 = arith.subf %get3A_2112, %max3A_2163 : vector<16xf32>
      %mul3A_2210 = arith.constant 1.000000e+03 : f32
      %mul3A_2211 = vector.broadcast %mul3A_2210 : f32 to vector<16xf32>
      %mul3A_2212 = arith.mulf %sub3A_2209, %mul3A_2211 : vector<16xf32>
      %exp3A_2213 = math.exp %mul3A_2212 : vector<16xf32>
      %sub3A_2214 = arith.subf %get3A_2118, %max3A_2163 : vector<16xf32>
      %mul3A_2215 = arith.constant 1.000000e+03 : f32
      %mul3A_2216 = vector.broadcast %mul3A_2215 : f32 to vector<16xf32>
      %mul3A_2217 = arith.mulf %sub3A_2214, %mul3A_2216 : vector<16xf32>
      %exp3A_2218 = math.exp %mul3A_2217 : vector<16xf32>
      %sub3A_2219 = arith.subf %get3A_2124, %max3A_2163 : vector<16xf32>
      %mul3A_2220 = arith.constant 1.000000e+03 : f32
      %mul3A_2221 = vector.broadcast %mul3A_2220 : f32 to vector<16xf32>
      %mul3A_2222 = arith.mulf %sub3A_2219, %mul3A_2221 : vector<16xf32>
      %exp3A_2223 = math.exp %mul3A_2222 : vector<16xf32>
      %sub3A_2224 = arith.subf %get3A_2130, %max3A_2163 : vector<16xf32>
      %mul3A_2225 = arith.constant 1.000000e+03 : f32
      %mul3A_2226 = vector.broadcast %mul3A_2225 : f32 to vector<16xf32>
      %mul3A_2227 = arith.mulf %sub3A_2224, %mul3A_2226 : vector<16xf32>
      %exp3A_2228 = math.exp %mul3A_2227 : vector<16xf32>
      %sub3A_2229 = arith.subf %get3A_2136, %max3A_2163 : vector<16xf32>
      %mul3A_2230 = arith.constant 1.000000e+03 : f32
      %mul3A_2231 = vector.broadcast %mul3A_2230 : f32 to vector<16xf32>
      %mul3A_2232 = arith.mulf %sub3A_2229, %mul3A_2231 : vector<16xf32>
      %exp3A_2233 = math.exp %mul3A_2232 : vector<16xf32>
      %sub3A_2234 = arith.subf %get3A_2142, %max3A_2163 : vector<16xf32>
      %mul3A_2235 = arith.constant 1.000000e+03 : f32
      %mul3A_2236 = vector.broadcast %mul3A_2235 : f32 to vector<16xf32>
      %mul3A_2237 = arith.mulf %sub3A_2234, %mul3A_2236 : vector<16xf32>
      %exp3A_2238 = math.exp %mul3A_2237 : vector<16xf32>
      %sub3A_2239 = arith.subf %get3A_2148, %max3A_2163 : vector<16xf32>
      %mul3A_2240 = arith.constant 1.000000e+03 : f32
      %mul3A_2241 = vector.broadcast %mul3A_2240 : f32 to vector<16xf32>
      %mul3A_2242 = arith.mulf %sub3A_2239, %mul3A_2241 : vector<16xf32>
      %exp3A_2243 = math.exp %mul3A_2242 : vector<16xf32>
      %add3A_2244 = arith.addf %exp3A_2168, %exp3A_2173 : vector<16xf32>
      %add3A_2245 = arith.addf %add3A_2244, %exp3A_2178 : vector<16xf32>
      %add3A_2246 = arith.addf %add3A_2245, %exp3A_2183 : vector<16xf32>
      %add3A_2247 = arith.addf %add3A_2246, %exp3A_2188 : vector<16xf32>
      %add3A_2248 = arith.addf %add3A_2247, %exp3A_2193 : vector<16xf32>
      %add3A_2249 = arith.addf %add3A_2248, %exp3A_2198 : vector<16xf32>
      %add3A_2250 = arith.addf %add3A_2249, %exp3A_2203 : vector<16xf32>
      %add3A_2251 = arith.addf %add3A_2250, %exp3A_2208 : vector<16xf32>
      %add3A_2252 = arith.addf %add3A_2251, %exp3A_2213 : vector<16xf32>
      %add3A_2253 = arith.addf %add3A_2252, %exp3A_2218 : vector<16xf32>
      %add3A_2254 = arith.addf %add3A_2253, %exp3A_2223 : vector<16xf32>
      %add3A_2255 = arith.addf %add3A_2254, %exp3A_2228 : vector<16xf32>
      %add3A_2256 = arith.addf %add3A_2255, %exp3A_2233 : vector<16xf32>
      %add3A_2257 = arith.addf %add3A_2256, %exp3A_2238 : vector<16xf32>
      %add3A_2258 = arith.addf %add3A_2257, %exp3A_2243 : vector<16xf32>
      %div3A_2259 = arith.constant 1.000000e+00 : f32
      %div3A_2260 = vector.broadcast %div3A_2259 : f32 to vector<16xf32>
      %div3A_2261 = arith.divf %div3A_2260, %add3A_2258 : vector<16xf32>
      %mul3A_2262 = arith.mulf %exp3A_2168, %div3A_2261 : vector<16xf32>
      %swap3A_2263 = arith.constant 6 : i32
      %swap3A_2264 = arith.index_cast %swap3A_2263 : i32 to index
      %swap3A_2265 = arith.index_cast %scan3A_34 : i32 to index
      %swap3A_2266 = arith.constant 0 : index
      %swap3A_2267 = tpu.vector_load %arg5[%swap3A_2264, %swap3A_2265, %swap3A_2266] {strides = array<i32>} : memref<8x16x256xf32, #tpu.memory_space<vmem>>, vector<1x1x16xf32>,
      %swap3A_2268 = vector.shape_cast %swap3A_2267 : vector<1x1x16xf32> to vector<16xf32>
      %swap3A_2269 = vector.shape_cast %mul3A_2262 : vector<16xf32> to vector<1x1x16xf32>
      tpu.vector_store %arg5[%swap3A_2264, %swap3A_2265, %swap3A_2266], %swap3A_2269 {strides = array<i32>} : memref<8x16x256xf32, #tpu.memory_space<vmem>>, vector<1x1x16xf32>,
      %mul3A_2270 = arith.mulf %exp3A_2173, %div3A_2261 : vector<16xf32>
      %swap3A_2271 = arith.constant 6 : i32
      %swap3A_2272 = arith.index_cast %swap3A_2271 : i32 to index
      %swap3A_2273 = arith.index_cast %scan3A_34 : i32 to index
      %swap3A_2274 = arith.constant 16 : index
      %swap3A_2275 = tpu.vector_load %arg5[%swap3A_2272, %swap3A_2273, %swap3A_2274] {strides = array<i32>} : memref<8x16x256xf32, #tpu.memory_space<vmem>>, vector<1x1x16xf32>,
      %swap3A_2276 = vector.shape_cast %swap3A_2275 : vector<1x1x16xf32> to vector<16xf32>
      %swap3A_2277 = vector.shape_cast %mul3A_2270 : vector<16xf32> to vector<1x1x16xf32>
      tpu.vector_store %arg5[%swap3A_2272, %swap3A_2273, %swap3A_2274], %swap3A_2277 {strides = array<i32>} : memref<8x16x256xf32, #tpu.memory_space<vmem>>, vector<1x1x16xf32>,
      %mul3A_2278 = arith.mulf %exp3A_2178, %div3A_2261 : vector<16xf32>
      %swap3A_2279 = arith.constant 6 : i32
      %swap3A_2280 = arith.index_cast %swap3A_2279 : i32 to index
      %swap3A_2281 = arith.index_cast %scan3A_34 : i32 to index
      %swap3A_2282 = arith.constant 32 : index
      %swap3A_2283 = tpu.vector_load %arg5[%swap3A_2280, %swap3A_2281, %swap3A_2282] {strides = array<i32>} : memref<8x16x256xf32, #tpu.memory_space<vmem>>, vector<1x1x16xf32>,
      %swap3A_2284 = vector.shape_cast %swap3A_2283 : vector<1x1x16xf32> to vector<16xf32>
      %swap3A_2285 = vector.shape_cast %mul3A_2278 : vector<16xf32> to vector<1x1x16xf32>
      tpu.vector_store %arg5[%swap3A_2280, %swap3A_2281, %swap3A_2282], %swap3A_2285 {strides = array<i32>} : memref<8x16x256xf32, #tpu.memory_space<vmem>>, vector<1x1x16xf32>,
      %mul3A_2286 = arith.mulf %exp3A_2183, %div3A_2261 : vector<16xf32>
      %swap3A_2287 = arith.constant 6 : i32
      %swap3A_2288 = arith.index_cast %swap3A_2287 : i32 to index
      %swap3A_2289 = arith.index_cast %scan3A_34 : i32 to index
      %swap3A_2290 = arith.constant 48 : index
      %swap3A_2291 = tpu.vector_load %arg5[%swap3A_2288, %swap3A_2289, %swap3A_2290] {strides = array<i32>} : memref<8x16x256xf32, #tpu.memory_space<vmem>>, vector<1x1x16xf32>,
      %swap3A_2292 = vector.shape_cast %swap3A_2291 : vector<1x1x16xf32> to vector<16xf32>
      %swap3A_2293 = vector.shape_cast %mul3A_2286 : vector<16xf32> to vector<1x1x16xf32>
      tpu.vector_store %arg5[%swap3A_2288, %swap3A_2289, %swap3A_2290], %swap3A_2293 {strides = array<i32>} : memref<8x16x256xf32, #tpu.memory_space<vmem>>, vector<1x1x16xf32>,
      %mul3A_2294 = arith.mulf %exp3A_2188, %div3A_2261 : vector<16xf32>
      %swap3A_2295 = arith.constant 6 : i32
      %swap3A_2296 = arith.index_cast %swap3A_2295 : i32 to index
      %swap3A_2297 = arith.index_cast %scan3A_34 : i32 to index
      %swap3A_2298 = arith.constant 64 : index
      %swap3A_2299 = tpu.vector_load %arg5[%swap3A_2296, %swap3A_2297, %swap3A_2298] {strides = array<i32>} : memref<8x16x256xf32, #tpu.memory_space<vmem>>, vector<1x1x16xf32>,
      %swap3A_2300 = vector.shape_cast %swap3A_2299 : vector<1x1x16xf32> to vector<16xf32>
      %swap3A_2301 = vector.shape_cast %mul3A_2294 : vector<16xf32> to vector<1x1x16xf32>
      tpu.vector_store %arg5[%swap3A_2296, %swap3A_2297, %swap3A_2298], %swap3A_2301 {strides = array<i32>} : memref<8x16x256xf32, #tpu.memory_space<vmem>>, vector<1x1x16xf32>,
      %mul3A_2302 = arith.mulf %exp3A_2193, %div3A_2261 : vector<16xf32>
      %swap3A_2303 = arith.constant 6 : i32
      %swap3A_2304 = arith.index_cast %swap3A_2303 : i32 to index
      %swap3A_2305 = arith.index_cast %scan3A_34 : i32 to index
      %swap3A_2306 = arith.constant 80 : index
      %swap3A_2307 = tpu.vector_load %arg5[%swap3A_2304, %swap3A_2305, %swap3A_2306] {strides = array<i32>} : memref<8x16x256xf32, #tpu.memory_space<vmem>>, vector<1x1x16xf32>,
      %swap3A_2308 = vector.shape_cast %swap3A_2307 : vector<1x1x16xf32> to vector<16xf32>
      %swap3A_2309 = vector.shape_cast %mul3A_2302 : vector<16xf32> to vector<1x1x16xf32>
      tpu.vector_store %arg5[%swap3A_2304, %swap3A_2305, %swap3A_2306], %swap3A_2309 {strides = array<i32>} : memref<8x16x256xf32, #tpu.memory_space<vmem>>, vector<1x1x16xf32>,
      %mul3A_2310 = arith.mulf %exp3A_2198, %div3A_2261 : vector<16xf32>
      %swap3A_2311 = arith.constant 6 : i32
      %swap3A_2312 = arith.index_cast %swap3A_2311 : i32 to index
      %swap3A_2313 = arith.index_cast %scan3A_34 : i32 to index
      %swap3A_2314 = arith.constant 96 : index
      %swap3A_2315 = tpu.vector_load %arg5[%swap3A_2312, %swap3A_2313, %swap3A_2314] {strides = array<i32>} : memref<8x16x256xf32, #tpu.memory_space<vmem>>, vector<1x1x16xf32>,
      %swap3A_2316 = vector.shape_cast %swap3A_2315 : vector<1x1x16xf32> to vector<16xf32>
      %swap3A_2317 = vector.shape_cast %mul3A_2310 : vector<16xf32> to vector<1x1x16xf32>
      tpu.vector_store %arg5[%swap3A_2312, %swap3A_2313, %swap3A_2314], %swap3A_2317 {strides = array<i32>} : memref<8x16x256xf32, #tpu.memory_space<vmem>>, vector<1x1x16xf32>,
      %mul3A_2318 = arith.mulf %exp3A_2203, %div3A_2261 : vector<16xf32>
      %swap3A_2319 = arith.constant 6 : i32
      %swap3A_2320 = arith.index_cast %swap3A_2319 : i32 to index
      %swap3A_2321 = arith.index_cast %scan3A_34 : i32 to index
      %swap3A_2322 = arith.constant 112 : index
      %swap3A_2323 = tpu.vector_load %arg5[%swap3A_2320, %swap3A_2321, %swap3A_2322] {strides = array<i32>} : memref<8x16x256xf32, #tpu.memory_space<vmem>>, vector<1x1x16xf32>,
      %swap3A_2324 = vector.shape_cast %swap3A_2323 : vector<1x1x16xf32> to vector<16xf32>
      %swap3A_2325 = vector.shape_cast %mul3A_2318 : vector<16xf32> to vector<1x1x16xf32>
      tpu.vector_store %arg5[%swap3A_2320, %swap3A_2321, %swap3A_2322], %swap3A_2325 {strides = array<i32>} : memref<8x16x256xf32, #tpu.memory_space<vmem>>, vector<1x1x16xf32>,
      %mul3A_2326 = arith.mulf %exp3A_2208, %div3A_2261 : vector<16xf32>
      %swap3A_2327 = arith.constant 6 : i32
      %swap3A_2328 = arith.index_cast %swap3A_2327 : i32 to index
      %swap3A_2329 = arith.index_cast %scan3A_34 : i32 to index
      %swap3A_2330 = arith.constant 128 : index
      %swap3A_2331 = tpu.vector_load %arg5[%swap3A_2328, %swap3A_2329, %swap3A_2330] {strides = array<i32>} : memref<8x16x256xf32, #tpu.memory_space<vmem>>, vector<1x1x16xf32>,
      %swap3A_2332 = vector.shape_cast %swap3A_2331 : vector<1x1x16xf32> to vector<16xf32>
      %swap3A_2333 = vector.shape_cast %mul3A_2326 : vector<16xf32> to vector<1x1x16xf32>
      tpu.vector_store %arg5[%swap3A_2328, %swap3A_2329, %swap3A_2330], %swap3A_2333 {strides = array<i32>} : memref<8x16x256xf32, #tpu.memory_space<vmem>>, vector<1x1x16xf32>,
      %mul3A_2334 = arith.mulf %exp3A_2213, %div3A_2261 : vector<16xf32>
      %swap3A_2335 = arith.constant 6 : i32
      %swap3A_2336 = arith.index_cast %swap3A_2335 : i32 to index
      %swap3A_2337 = arith.index_cast %scan3A_34 : i32 to index
      %swap3A_2338 = arith.constant 144 : index
      %swap3A_2339 = tpu.vector_load %arg5[%swap3A_2336, %swap3A_2337, %swap3A_2338] {strides = array<i32>} : memref<8x16x256xf32, #tpu.memory_space<vmem>>, vector<1x1x16xf32>,
      %swap3A_2340 = vector.shape_cast %swap3A_2339 : vector<1x1x16xf32> to vector<16xf32>
      %swap3A_2341 = vector.shape_cast %mul3A_2334 : vector<16xf32> to vector<1x1x16xf32>
      tpu.vector_store %arg5[%swap3A_2336, %swap3A_2337, %swap3A_2338], %swap3A_2341 {strides = array<i32>} : memref<8x16x256xf32, #tpu.memory_space<vmem>>, vector<1x1x16xf32>,
      %mul3A_2342 = arith.mulf %exp3A_2218, %div3A_2261 : vector<16xf32>
      %swap3A_2343 = arith.constant 6 : i32
      %swap3A_2344 = arith.index_cast %swap3A_2343 : i32 to index
      %swap3A_2345 = arith.index_cast %scan3A_34 : i32 to index
      %swap3A_2346 = arith.constant 160 : index
      %swap3A_2347 = tpu.vector_load %arg5[%swap3A_2344, %swap3A_2345, %swap3A_2346] {strides = array<i32>} : memref<8x16x256xf32, #tpu.memory_space<vmem>>, vector<1x1x16xf32>,
      %swap3A_2348 = vector.shape_cast %swap3A_2347 : vector<1x1x16xf32> to vector<16xf32>
      %swap3A_2349 = vector.shape_cast %mul3A_2342 : vector<16xf32> to vector<1x1x16xf32>
      tpu.vector_store %arg5[%swap3A_2344, %swap3A_2345, %swap3A_2346], %swap3A_2349 {strides = array<i32>} : memref<8x16x256xf32, #tpu.memory_space<vmem>>, vector<1x1x16xf32>,
      %mul3A_2350 = arith.mulf %exp3A_2223, %div3A_2261 : vector<16xf32>
      %swap3A_2351 = arith.constant 6 : i32
      %swap3A_2352 = arith.index_cast %swap3A_2351 : i32 to index
      %swap3A_2353 = arith.index_cast %scan3A_34 : i32 to index
      %swap3A_2354 = arith.constant 176 : index
      %swap3A_2355 = tpu.vector_load %arg5[%swap3A_2352, %swap3A_2353, %swap3A_2354] {strides = array<i32>} : memref<8x16x256xf32, #tpu.memory_space<vmem>>, vector<1x1x16xf32>,
      %swap3A_2356 = vector.shape_cast %swap3A_2355 : vector<1x1x16xf32> to vector<16xf32>
      %swap3A_2357 = vector.shape_cast %mul3A_2350 : vector<16xf32> to vector<1x1x16xf32>
      tpu.vector_store %arg5[%swap3A_2352, %swap3A_2353, %swap3A_2354], %swap3A_2357 {strides = array<i32>} : memref<8x16x256xf32, #tpu.memory_space<vmem>>, vector<1x1x16xf32>,
      %mul3A_2358 = arith.mulf %exp3A_2228, %div3A_2261 : vector<16xf32>
      %swap3A_2359 = arith.constant 6 : i32
      %swap3A_2360 = arith.index_cast %swap3A_2359 : i32 to index
      %swap3A_2361 = arith.index_cast %scan3A_34 : i32 to index
      %swap3A_2362 = arith.constant 192 : index
      %swap3A_2363 = tpu.vector_load %arg5[%swap3A_2360, %swap3A_2361, %swap3A_2362] {strides = array<i32>} : memref<8x16x256xf32, #tpu.memory_space<vmem>>, vector<1x1x16xf32>,
      %swap3A_2364 = vector.shape_cast %swap3A_2363 : vector<1x1x16xf32> to vector<16xf32>
      %swap3A_2365 = vector.shape_cast %mul3A_2358 : vector<16xf32> to vector<1x1x16xf32>
      tpu.vector_store %arg5[%swap3A_2360, %swap3A_2361, %swap3A_2362], %swap3A_2365 {strides = array<i32>} : memref<8x16x256xf32, #tpu.memory_space<vmem>>, vector<1x1x16xf32>,
      %mul3A_2366 = arith.mulf %exp3A_2233, %div3A_2261 : vector<16xf32>
      %swap3A_2367 = arith.constant 6 : i32
      %swap3A_2368 = arith.index_cast %swap3A_2367 : i32 to index
      %swap3A_2369 = arith.index_cast %scan3A_34 : i32 to index
      %swap3A_2370 = arith.constant 208 : index
      %swap3A_2371 = tpu.vector_load %arg5[%swap3A_2368, %swap3A_2369, %swap3A_2370] {strides = array<i32>} : memref<8x16x256xf32, #tpu.memory_space<vmem>>, vector<1x1x16xf32>,
      %swap3A_2372 = vector.shape_cast %swap3A_2371 : vector<1x1x16xf32> to vector<16xf32>
      %swap3A_2373 = vector.shape_cast %mul3A_2366 : vector<16xf32> to vector<1x1x16xf32>
      tpu.vector_store %arg5[%swap3A_2368, %swap3A_2369, %swap3A_2370], %swap3A_2373 {strides = array<i32>} : memref<8x16x256xf32, #tpu.memory_space<vmem>>, vector<1x1x16xf32>,
      %mul3A_2374 = arith.mulf %exp3A_2238, %div3A_2261 : vector<16xf32>
      %swap3A_2375 = arith.constant 6 : i32
      %swap3A_2376 = arith.index_cast %swap3A_2375 : i32 to index
      %swap3A_2377 = arith.index_cast %scan3A_34 : i32 to index
      %swap3A_2378 = arith.constant 224 : index
      %swap3A_2379 = tpu.vector_load %arg5[%swap3A_2376, %swap3A_2377, %swap3A_2378] {strides = array<i32>} : memref<8x16x256xf32, #tpu.memory_space<vmem>>, vector<1x1x16xf32>,
      %swap3A_2380 = vector.shape_cast %swap3A_2379 : vector<1x1x16xf32> to vector<16xf32>
      %swap3A_2381 = vector.shape_cast %mul3A_2374 : vector<16xf32> to vector<1x1x16xf32>
      tpu.vector_store %arg5[%swap3A_2376, %swap3A_2377, %swap3A_2378], %swap3A_2381 {strides = array<i32>} : memref<8x16x256xf32, #tpu.memory_space<vmem>>, vector<1x1x16xf32>,
      %mul3A_2382 = arith.mulf %exp3A_2243, %div3A_2261 : vector<16xf32>
      %swap3A_2383 = arith.constant 6 : i32
      %swap3A_2384 = arith.index_cast %swap3A_2383 : i32 to index
      %swap3A_2385 = arith.index_cast %scan3A_34 : i32 to index
      %swap3A_2386 = arith.constant 240 : index
      %swap3A_2387 = tpu.vector_load %arg5[%swap3A_2384, %swap3A_2385, %swap3A_2386] {strides = array<i32>} : memref<8x16x256xf32, #tpu.memory_space<vmem>>, vector<1x1x16xf32>,
      %swap3A_2388 = vector.shape_cast %swap3A_2387 : vector<1x1x16xf32> to vector<16xf32>
      %swap3A_2389 = vector.shape_cast %mul3A_2382 : vector<16xf32> to vector<1x1x16xf32>
      tpu.vector_store %arg5[%swap3A_2384, %swap3A_2385, %swap3A_2386], %swap3A_2389 {strides = array<i32>} : memref<8x16x256xf32, #tpu.memory_space<vmem>>, vector<1x1x16xf32>,
      %get3A_2390 = arith.constant 7 : i32
      %get3A_2391 = arith.index_cast %get3A_2390 : i32 to index
      %get3A_2392 = arith.index_cast %scan3A_34 : i32 to index
      %get3A_2393 = arith.constant 0 : index
      %get3A_2394 = tpu.vector_load %arg5[%get3A_2391, %get3A_2392, %get3A_2393] {strides = array<i32>} : memref<8x16x256xf32, #tpu.memory_space<vmem>>, vector<1x1x16xf32>,
      %get3A_2395 = vector.shape_cast %get3A_2394 : vector<1x1x16xf32> to vector<16xf32>
      %get3A_2396 = arith.constant 7 : i32
      %get3A_2397 = arith.index_cast %get3A_2396 : i32 to index
      %get3A_2398 = arith.index_cast %scan3A_34 : i32 to index
      %get3A_2399 = arith.constant 16 : index
      %get3A_2400 = tpu.vector_load %arg5[%get3A_2397, %get3A_2398, %get3A_2399] {strides = array<i32>} : memref<8x16x256xf32, #tpu.memory_space<vmem>>, vector<1x1x16xf32>,
      %get3A_2401 = vector.shape_cast %get3A_2400 : vector<1x1x16xf32> to vector<16xf32>
      %get3A_2402 = arith.constant 7 : i32
      %get3A_2403 = arith.index_cast %get3A_2402 : i32 to index
      %get3A_2404 = arith.index_cast %scan3A_34 : i32 to index
      %get3A_2405 = arith.constant 32 : index
      %get3A_2406 = tpu.vector_load %arg5[%get3A_2403, %get3A_2404, %get3A_2405] {strides = array<i32>} : memref<8x16x256xf32, #tpu.memory_space<vmem>>, vector<1x1x16xf32>,
      %get3A_2407 = vector.shape_cast %get3A_2406 : vector<1x1x16xf32> to vector<16xf32>
      %get3A_2408 = arith.constant 7 : i32
      %get3A_2409 = arith.index_cast %get3A_2408 : i32 to index
      %get3A_2410 = arith.index_cast %scan3A_34 : i32 to index
      %get3A_2411 = arith.constant 48 : index
      %get3A_2412 = tpu.vector_load %arg5[%get3A_2409, %get3A_2410, %get3A_2411] {strides = array<i32>} : memref<8x16x256xf32, #tpu.memory_space<vmem>>, vector<1x1x16xf32>,
      %get3A_2413 = vector.shape_cast %get3A_2412 : vector<1x1x16xf32> to vector<16xf32>
      %get3A_2414 = arith.constant 7 : i32
      %get3A_2415 = arith.index_cast %get3A_2414 : i32 to index
      %get3A_2416 = arith.index_cast %scan3A_34 : i32 to index
      %get3A_2417 = arith.constant 64 : index
      %get3A_2418 = tpu.vector_load %arg5[%get3A_2415, %get3A_2416, %get3A_2417] {strides = array<i32>} : memref<8x16x256xf32, #tpu.memory_space<vmem>>, vector<1x1x16xf32>,
      %get3A_2419 = vector.shape_cast %get3A_2418 : vector<1x1x16xf32> to vector<16xf32>
      %get3A_2420 = arith.constant 7 : i32
      %get3A_2421 = arith.index_cast %get3A_2420 : i32 to index
      %get3A_2422 = arith.index_cast %scan3A_34 : i32 to index
      %get3A_2423 = arith.constant 80 : index
      %get3A_2424 = tpu.vector_load %arg5[%get3A_2421, %get3A_2422, %get3A_2423] {strides = array<i32>} : memref<8x16x256xf32, #tpu.memory_space<vmem>>, vector<1x1x16xf32>,
      %get3A_2425 = vector.shape_cast %get3A_2424 : vector<1x1x16xf32> to vector<16xf32>
      %get3A_2426 = arith.constant 7 : i32
      %get3A_2427 = arith.index_cast %get3A_2426 : i32 to index
      %get3A_2428 = arith.index_cast %scan3A_34 : i32 to index
      %get3A_2429 = arith.constant 96 : index
      %get3A_2430 = tpu.vector_load %arg5[%get3A_2427, %get3A_2428, %get3A_2429] {strides = array<i32>} : memref<8x16x256xf32, #tpu.memory_space<vmem>>, vector<1x1x16xf32>,
      %get3A_2431 = vector.shape_cast %get3A_2430 : vector<1x1x16xf32> to vector<16xf32>
      %get3A_2432 = arith.constant 7 : i32
      %get3A_2433 = arith.index_cast %get3A_2432 : i32 to index
      %get3A_2434 = arith.index_cast %scan3A_34 : i32 to index
      %get3A_2435 = arith.constant 112 : index
      %get3A_2436 = tpu.vector_load %arg5[%get3A_2433, %get3A_2434, %get3A_2435] {strides = array<i32>} : memref<8x16x256xf32, #tpu.memory_space<vmem>>, vector<1x1x16xf32>,
      %get3A_2437 = vector.shape_cast %get3A_2436 : vector<1x1x16xf32> to vector<16xf32>
      %get3A_2438 = arith.constant 7 : i32
      %get3A_2439 = arith.index_cast %get3A_2438 : i32 to index
      %get3A_2440 = arith.index_cast %scan3A_34 : i32 to index
      %get3A_2441 = arith.constant 128 : index
      %get3A_2442 = tpu.vector_load %arg5[%get3A_2439, %get3A_2440, %get3A_2441] {strides = array<i32>} : memref<8x16x256xf32, #tpu.memory_space<vmem>>, vector<1x1x16xf32>,
      %get3A_2443 = vector.shape_cast %get3A_2442 : vector<1x1x16xf32> to vector<16xf32>
      %get3A_2444 = arith.constant 7 : i32
      %get3A_2445 = arith.index_cast %get3A_2444 : i32 to index
      %get3A_2446 = arith.index_cast %scan3A_34 : i32 to index
      %get3A_2447 = arith.constant 144 : index
      %get3A_2448 = tpu.vector_load %arg5[%get3A_2445, %get3A_2446, %get3A_2447] {strides = array<i32>} : memref<8x16x256xf32, #tpu.memory_space<vmem>>, vector<1x1x16xf32>,
      %get3A_2449 = vector.shape_cast %get3A_2448 : vector<1x1x16xf32> to vector<16xf32>
      %get3A_2450 = arith.constant 7 : i32
      %get3A_2451 = arith.index_cast %get3A_2450 : i32 to index
      %get3A_2452 = arith.index_cast %scan3A_34 : i32 to index
      %get3A_2453 = arith.constant 160 : index
      %get3A_2454 = tpu.vector_load %arg5[%get3A_2451, %get3A_2452, %get3A_2453] {strides = array<i32>} : memref<8x16x256xf32, #tpu.memory_space<vmem>>, vector<1x1x16xf32>,
      %get3A_2455 = vector.shape_cast %get3A_2454 : vector<1x1x16xf32> to vector<16xf32>
      %get3A_2456 = arith.constant 7 : i32
      %get3A_2457 = arith.index_cast %get3A_2456 : i32 to index
      %get3A_2458 = arith.index_cast %scan3A_34 : i32 to index
      %get3A_2459 = arith.constant 176 : index
      %get3A_2460 = tpu.vector_load %arg5[%get3A_2457, %get3A_2458, %get3A_2459] {strides = array<i32>} : memref<8x16x256xf32, #tpu.memory_space<vmem>>, vector<1x1x16xf32>,
      %get3A_2461 = vector.shape_cast %get3A_2460 : vector<1x1x16xf32> to vector<16xf32>
      %get3A_2462 = arith.constant 7 : i32
      %get3A_2463 = arith.index_cast %get3A_2462 : i32 to index
      %get3A_2464 = arith.index_cast %scan3A_34 : i32 to index
      %get3A_2465 = arith.constant 192 : index
      %get3A_2466 = tpu.vector_load %arg5[%get3A_2463, %get3A_2464, %get3A_2465] {strides = array<i32>} : memref<8x16x256xf32, #tpu.memory_space<vmem>>, vector<1x1x16xf32>,
      %get3A_2467 = vector.shape_cast %get3A_2466 : vector<1x1x16xf32> to vector<16xf32>
      %get3A_2468 = arith.constant 7 : i32
      %get3A_2469 = arith.index_cast %get3A_2468 : i32 to index
      %get3A_2470 = arith.index_cast %scan3A_34 : i32 to index
      %get3A_2471 = arith.constant 208 : index
      %get3A_2472 = tpu.vector_load %arg5[%get3A_2469, %get3A_2470, %get3A_2471] {strides = array<i32>} : memref<8x16x256xf32, #tpu.memory_space<vmem>>, vector<1x1x16xf32>,
      %get3A_2473 = vector.shape_cast %get3A_2472 : vector<1x1x16xf32> to vector<16xf32>
      %get3A_2474 = arith.constant 7 : i32
      %get3A_2475 = arith.index_cast %get3A_2474 : i32 to index
      %get3A_2476 = arith.index_cast %scan3A_34 : i32 to index
      %get3A_2477 = arith.constant 224 : index
      %get3A_2478 = tpu.vector_load %arg5[%get3A_2475, %get3A_2476, %get3A_2477] {strides = array<i32>} : memref<8x16x256xf32, #tpu.memory_space<vmem>>, vector<1x1x16xf32>,
      %get3A_2479 = vector.shape_cast %get3A_2478 : vector<1x1x16xf32> to vector<16xf32>
      %get3A_2480 = arith.constant 7 : i32
      %get3A_2481 = arith.index_cast %get3A_2480 : i32 to index
      %get3A_2482 = arith.index_cast %scan3A_34 : i32 to index
      %get3A_2483 = arith.constant 240 : index
      %get3A_2484 = tpu.vector_load %arg5[%get3A_2481, %get3A_2482, %get3A_2483] {strides = array<i32>} : memref<8x16x256xf32, #tpu.memory_space<vmem>>, vector<1x1x16xf32>,
      %get3A_2485 = vector.shape_cast %get3A_2484 : vector<1x1x16xf32> to vector<16xf32>
      %max3A_2486 = arith.maximumf %get3A_2395, %get3A_2401 : vector<16xf32>
      %max3A_2487 = arith.maximumf %max3A_2486, %get3A_2407 : vector<16xf32>
      %max3A_2488 = arith.maximumf %max3A_2487, %get3A_2413 : vector<16xf32>
      %max3A_2489 = arith.maximumf %max3A_2488, %get3A_2419 : vector<16xf32>
      %max3A_2490 = arith.maximumf %max3A_2489, %get3A_2425 : vector<16xf32>
      %max3A_2491 = arith.maximumf %max3A_2490, %get3A_2431 : vector<16xf32>
      %max3A_2492 = arith.maximumf %max3A_2491, %get3A_2437 : vector<16xf32>
      %max3A_2493 = arith.maximumf %max3A_2492, %get3A_2443 : vector<16xf32>
      %max3A_2494 = arith.maximumf %max3A_2493, %get3A_2449 : vector<16xf32>
      %max3A_2495 = arith.maximumf %max3A_2494, %get3A_2455 : vector<16xf32>
      %max3A_2496 = arith.maximumf %max3A_2495, %get3A_2461 : vector<16xf32>
      %max3A_2497 = arith.maximumf %max3A_2496, %get3A_2467 : vector<16xf32>
      %max3A_2498 = arith.maximumf %max3A_2497, %get3A_2473 : vector<16xf32>
      %max3A_2499 = arith.maximumf %max3A_2498, %get3A_2479 : vector<16xf32>
      %max3A_2500 = arith.maximumf %max3A_2499, %get3A_2485 : vector<16xf32>
      %sub3A_2501 = arith.subf %get3A_2395, %max3A_2500 : vector<16xf32>
      %mul3A_2502 = arith.constant 1.000000e+03 : f32
      %mul3A_2503 = vector.broadcast %mul3A_2502 : f32 to vector<16xf32>
      %mul3A_2504 = arith.mulf %sub3A_2501, %mul3A_2503 : vector<16xf32>
      %exp3A_2505 = math.exp %mul3A_2504 : vector<16xf32>
      %sub3A_2506 = arith.subf %get3A_2401, %max3A_2500 : vector<16xf32>
      %mul3A_2507 = arith.constant 1.000000e+03 : f32
      %mul3A_2508 = vector.broadcast %mul3A_2507 : f32 to vector<16xf32>
      %mul3A_2509 = arith.mulf %sub3A_2506, %mul3A_2508 : vector<16xf32>
      %exp3A_2510 = math.exp %mul3A_2509 : vector<16xf32>
      %sub3A_2511 = arith.subf %get3A_2407, %max3A_2500 : vector<16xf32>
      %mul3A_2512 = arith.constant 1.000000e+03 : f32
      %mul3A_2513 = vector.broadcast %mul3A_2512 : f32 to vector<16xf32>
      %mul3A_2514 = arith.mulf %sub3A_2511, %mul3A_2513 : vector<16xf32>
      %exp3A_2515 = math.exp %mul3A_2514 : vector<16xf32>
      %sub3A_2516 = arith.subf %get3A_2413, %max3A_2500 : vector<16xf32>
      %mul3A_2517 = arith.constant 1.000000e+03 : f32
      %mul3A_2518 = vector.broadcast %mul3A_2517 : f32 to vector<16xf32>
      %mul3A_2519 = arith.mulf %sub3A_2516, %mul3A_2518 : vector<16xf32>
      %exp3A_2520 = math.exp %mul3A_2519 : vector<16xf32>
      %sub3A_2521 = arith.subf %get3A_2419, %max3A_2500 : vector<16xf32>
      %mul3A_2522 = arith.constant 1.000000e+03 : f32
      %mul3A_2523 = vector.broadcast %mul3A_2522 : f32 to vector<16xf32>
      %mul3A_2524 = arith.mulf %sub3A_2521, %mul3A_2523 : vector<16xf32>
      %exp3A_2525 = math.exp %mul3A_2524 : vector<16xf32>
      %sub3A_2526 = arith.subf %get3A_2425, %max3A_2500 : vector<16xf32>
      %mul3A_2527 = arith.constant 1.000000e+03 : f32
      %mul3A_2528 = vector.broadcast %mul3A_2527 : f32 to vector<16xf32>
      %mul3A_2529 = arith.mulf %sub3A_2526, %mul3A_2528 : vector<16xf32>
      %exp3A_2530 = math.exp %mul3A_2529 : vector<16xf32>
      %sub3A_2531 = arith.subf %get3A_2431, %max3A_2500 : vector<16xf32>
      %mul3A_2532 = arith.constant 1.000000e+03 : f32
      %mul3A_2533 = vector.broadcast %mul3A_2532 : f32 to vector<16xf32>
      %mul3A_2534 = arith.mulf %sub3A_2531, %mul3A_2533 : vector<16xf32>
      %exp3A_2535 = math.exp %mul3A_2534 : vector<16xf32>
      %sub3A_2536 = arith.subf %get3A_2437, %max3A_2500 : vector<16xf32>
      %mul3A_2537 = arith.constant 1.000000e+03 : f32
      %mul3A_2538 = vector.broadcast %mul3A_2537 : f32 to vector<16xf32>
      %mul3A_2539 = arith.mulf %sub3A_2536, %mul3A_2538 : vector<16xf32>
      %exp3A_2540 = math.exp %mul3A_2539 : vector<16xf32>
      %sub3A_2541 = arith.subf %get3A_2443, %max3A_2500 : vector<16xf32>
      %mul3A_2542 = arith.constant 1.000000e+03 : f32
      %mul3A_2543 = vector.broadcast %mul3A_2542 : f32 to vector<16xf32>
      %mul3A_2544 = arith.mulf %sub3A_2541, %mul3A_2543 : vector<16xf32>
      %exp3A_2545 = math.exp %mul3A_2544 : vector<16xf32>
      %sub3A_2546 = arith.subf %get3A_2449, %max3A_2500 : vector<16xf32>
      %mul3A_2547 = arith.constant 1.000000e+03 : f32
      %mul3A_2548 = vector.broadcast %mul3A_2547 : f32 to vector<16xf32>
      %mul3A_2549 = arith.mulf %sub3A_2546, %mul3A_2548 : vector<16xf32>
      %exp3A_2550 = math.exp %mul3A_2549 : vector<16xf32>
      %sub3A_2551 = arith.subf %get3A_2455, %max3A_2500 : vector<16xf32>
      %mul3A_2552 = arith.constant 1.000000e+03 : f32
      %mul3A_2553 = vector.broadcast %mul3A_2552 : f32 to vector<16xf32>
      %mul3A_2554 = arith.mulf %sub3A_2551, %mul3A_2553 : vector<16xf32>
      %exp3A_2555 = math.exp %mul3A_2554 : vector<16xf32>
      %sub3A_2556 = arith.subf %get3A_2461, %max3A_2500 : vector<16xf32>
      %mul3A_2557 = arith.constant 1.000000e+03 : f32
      %mul3A_2558 = vector.broadcast %mul3A_2557 : f32 to vector<16xf32>
      %mul3A_2559 = arith.mulf %sub3A_2556, %mul3A_2558 : vector<16xf32>
      %exp3A_2560 = math.exp %mul3A_2559 : vector<16xf32>
      %sub3A_2561 = arith.subf %get3A_2467, %max3A_2500 : vector<16xf32>
      %mul3A_2562 = arith.constant 1.000000e+03 : f32
      %mul3A_2563 = vector.broadcast %mul3A_2562 : f32 to vector<16xf32>
      %mul3A_2564 = arith.mulf %sub3A_2561, %mul3A_2563 : vector<16xf32>
      %exp3A_2565 = math.exp %mul3A_2564 : vector<16xf32>
      %sub3A_2566 = arith.subf %get3A_2473, %max3A_2500 : vector<16xf32>
      %mul3A_2567 = arith.constant 1.000000e+03 : f32
      %mul3A_2568 = vector.broadcast %mul3A_2567 : f32 to vector<16xf32>
      %mul3A_2569 = arith.mulf %sub3A_2566, %mul3A_2568 : vector<16xf32>
      %exp3A_2570 = math.exp %mul3A_2569 : vector<16xf32>
      %sub3A_2571 = arith.subf %get3A_2479, %max3A_2500 : vector<16xf32>
      %mul3A_2572 = arith.constant 1.000000e+03 : f32
      %mul3A_2573 = vector.broadcast %mul3A_2572 : f32 to vector<16xf32>
      %mul3A_2574 = arith.mulf %sub3A_2571, %mul3A_2573 : vector<16xf32>
      %exp3A_2575 = math.exp %mul3A_2574 : vector<16xf32>
      %sub3A_2576 = arith.subf %get3A_2485, %max3A_2500 : vector<16xf32>
      %mul3A_2577 = arith.constant 1.000000e+03 : f32
      %mul3A_2578 = vector.broadcast %mul3A_2577 : f32 to vector<16xf32>
      %mul3A_2579 = arith.mulf %sub3A_2576, %mul3A_2578 : vector<16xf32>
      %exp3A_2580 = math.exp %mul3A_2579 : vector<16xf32>
      %add3A_2581 = arith.addf %exp3A_2505, %exp3A_2510 : vector<16xf32>
      %add3A_2582 = arith.addf %add3A_2581, %exp3A_2515 : vector<16xf32>
      %add3A_2583 = arith.addf %add3A_2582, %exp3A_2520 : vector<16xf32>
      %add3A_2584 = arith.addf %add3A_2583, %exp3A_2525 : vector<16xf32>
      %add3A_2585 = arith.addf %add3A_2584, %exp3A_2530 : vector<16xf32>
      %add3A_2586 = arith.addf %add3A_2585, %exp3A_2535 : vector<16xf32>
      %add3A_2587 = arith.addf %add3A_2586, %exp3A_2540 : vector<16xf32>
      %add3A_2588 = arith.addf %add3A_2587, %exp3A_2545 : vector<16xf32>
      %add3A_2589 = arith.addf %add3A_2588, %exp3A_2550 : vector<16xf32>
      %add3A_2590 = arith.addf %add3A_2589, %exp3A_2555 : vector<16xf32>
      %add3A_2591 = arith.addf %add3A_2590, %exp3A_2560 : vector<16xf32>
      %add3A_2592 = arith.addf %add3A_2591, %exp3A_2565 : vector<16xf32>
      %add3A_2593 = arith.addf %add3A_2592, %exp3A_2570 : vector<16xf32>
      %add3A_2594 = arith.addf %add3A_2593, %exp3A_2575 : vector<16xf32>
      %add3A_2595 = arith.addf %add3A_2594, %exp3A_2580 : vector<16xf32>
      %div3A_2596 = arith.constant 1.000000e+00 : f32
      %div3A_2597 = vector.broadcast %div3A_2596 : f32 to vector<16xf32>
      %div3A_2598 = arith.divf %div3A_2597, %add3A_2595 : vector<16xf32>
      %mul3A_2599 = arith.mulf %exp3A_2505, %div3A_2598 : vector<16xf32>
      %swap3A_2600 = arith.constant 7 : i32
      %swap3A_2601 = arith.index_cast %swap3A_2600 : i32 to index
      %swap3A_2602 = arith.index_cast %scan3A_34 : i32 to index
      %swap3A_2603 = arith.constant 0 : index
      %swap3A_2604 = tpu.vector_load %arg5[%swap3A_2601, %swap3A_2602, %swap3A_2603] {strides = array<i32>} : memref<8x16x256xf32, #tpu.memory_space<vmem>>, vector<1x1x16xf32>,
      %swap3A_2605 = vector.shape_cast %swap3A_2604 : vector<1x1x16xf32> to vector<16xf32>
      %swap3A_2606 = vector.shape_cast %mul3A_2599 : vector<16xf32> to vector<1x1x16xf32>
      tpu.vector_store %arg5[%swap3A_2601, %swap3A_2602, %swap3A_2603], %swap3A_2606 {strides = array<i32>} : memref<8x16x256xf32, #tpu.memory_space<vmem>>, vector<1x1x16xf32>,
      %mul3A_2607 = arith.mulf %exp3A_2510, %div3A_2598 : vector<16xf32>
      %swap3A_2608 = arith.constant 7 : i32
      %swap3A_2609 = arith.index_cast %swap3A_2608 : i32 to index
      %swap3A_2610 = arith.index_cast %scan3A_34 : i32 to index
      %swap3A_2611 = arith.constant 16 : index
      %swap3A_2612 = tpu.vector_load %arg5[%swap3A_2609, %swap3A_2610, %swap3A_2611] {strides = array<i32>} : memref<8x16x256xf32, #tpu.memory_space<vmem>>, vector<1x1x16xf32>,
      %swap3A_2613 = vector.shape_cast %swap3A_2612 : vector<1x1x16xf32> to vector<16xf32>
      %swap3A_2614 = vector.shape_cast %mul3A_2607 : vector<16xf32> to vector<1x1x16xf32>
      tpu.vector_store %arg5[%swap3A_2609, %swap3A_2610, %swap3A_2611], %swap3A_2614 {strides = array<i32>} : memref<8x16x256xf32, #tpu.memory_space<vmem>>, vector<1x1x16xf32>,
      %mul3A_2615 = arith.mulf %exp3A_2515, %div3A_2598 : vector<16xf32>
      %swap3A_2616 = arith.constant 7 : i32
      %swap3A_2617 = arith.index_cast %swap3A_2616 : i32 to index
      %swap3A_2618 = arith.index_cast %scan3A_34 : i32 to index
      %swap3A_2619 = arith.constant 32 : index
      %swap3A_2620 = tpu.vector_load %arg5[%swap3A_2617, %swap3A_2618, %swap3A_2619] {strides = array<i32>} : memref<8x16x256xf32, #tpu.memory_space<vmem>>, vector<1x1x16xf32>,
      %swap3A_2621 = vector.shape_cast %swap3A_2620 : vector<1x1x16xf32> to vector<16xf32>
      %swap3A_2622 = vector.shape_cast %mul3A_2615 : vector<16xf32> to vector<1x1x16xf32>
      tpu.vector_store %arg5[%swap3A_2617, %swap3A_2618, %swap3A_2619], %swap3A_2622 {strides = array<i32>} : memref<8x16x256xf32, #tpu.memory_space<vmem>>, vector<1x1x16xf32>,
      %mul3A_2623 = arith.mulf %exp3A_2520, %div3A_2598 : vector<16xf32>
      %swap3A_2624 = arith.constant 7 : i32
      %swap3A_2625 = arith.index_cast %swap3A_2624 : i32 to index
      %swap3A_2626 = arith.index_cast %scan3A_34 : i32 to index
      %swap3A_2627 = arith.constant 48 : index
      %swap3A_2628 = tpu.vector_load %arg5[%swap3A_2625, %swap3A_2626, %swap3A_2627] {strides = array<i32>} : memref<8x16x256xf32, #tpu.memory_space<vmem>>, vector<1x1x16xf32>,
      %swap3A_2629 = vector.shape_cast %swap3A_2628 : vector<1x1x16xf32> to vector<16xf32>
      %swap3A_2630 = vector.shape_cast %mul3A_2623 : vector<16xf32> to vector<1x1x16xf32>
      tpu.vector_store %arg5[%swap3A_2625, %swap3A_2626, %swap3A_2627], %swap3A_2630 {strides = array<i32>} : memref<8x16x256xf32, #tpu.memory_space<vmem>>, vector<1x1x16xf32>,
      %mul3A_2631 = arith.mulf %exp3A_2525, %div3A_2598 : vector<16xf32>
      %swap3A_2632 = arith.constant 7 : i32
      %swap3A_2633 = arith.index_cast %swap3A_2632 : i32 to index
      %swap3A_2634 = arith.index_cast %scan3A_34 : i32 to index
      %swap3A_2635 = arith.constant 64 : index
      %swap3A_2636 = tpu.vector_load %arg5[%swap3A_2633, %swap3A_2634, %swap3A_2635] {strides = array<i32>} : memref<8x16x256xf32, #tpu.memory_space<vmem>>, vector<1x1x16xf32>,
      %swap3A_2637 = vector.shape_cast %swap3A_2636 : vector<1x1x16xf32> to vector<16xf32>
      %swap3A_2638 = vector.shape_cast %mul3A_2631 : vector<16xf32> to vector<1x1x16xf32>
      tpu.vector_store %arg5[%swap3A_2633, %swap3A_2634, %swap3A_2635], %swap3A_2638 {strides = array<i32>} : memref<8x16x256xf32, #tpu.memory_space<vmem>>, vector<1x1x16xf32>,
      %mul3A_2639 = arith.mulf %exp3A_2530, %div3A_2598 : vector<16xf32>
      %swap3A_2640 = arith.constant 7 : i32
      %swap3A_2641 = arith.index_cast %swap3A_2640 : i32 to index
      %swap3A_2642 = arith.index_cast %scan3A_34 : i32 to index
      %swap3A_2643 = arith.constant 80 : index
      %swap3A_2644 = tpu.vector_load %arg5[%swap3A_2641, %swap3A_2642, %swap3A_2643] {strides = array<i32>} : memref<8x16x256xf32, #tpu.memory_space<vmem>>, vector<1x1x16xf32>,
      %swap3A_2645 = vector.shape_cast %swap3A_2644 : vector<1x1x16xf32> to vector<16xf32>
      %swap3A_2646 = vector.shape_cast %mul3A_2639 : vector<16xf32> to vector<1x1x16xf32>
      tpu.vector_store %arg5[%swap3A_2641, %swap3A_2642, %swap3A_2643], %swap3A_2646 {strides = array<i32>} : memref<8x16x256xf32, #tpu.memory_space<vmem>>, vector<1x1x16xf32>,
      %mul3A_2647 = arith.mulf %exp3A_2535, %div3A_2598 : vector<16xf32>
      %swap3A_2648 = arith.constant 7 : i32
      %swap3A_2649 = arith.index_cast %swap3A_2648 : i32 to index
      %swap3A_2650 = arith.index_cast %scan3A_34 : i32 to index
      %swap3A_2651 = arith.constant 96 : index
      %swap3A_2652 = tpu.vector_load %arg5[%swap3A_2649, %swap3A_2650, %swap3A_2651] {strides = array<i32>} : memref<8x16x256xf32, #tpu.memory_space<vmem>>, vector<1x1x16xf32>,
      %swap3A_2653 = vector.shape_cast %swap3A_2652 : vector<1x1x16xf32> to vector<16xf32>
      %swap3A_2654 = vector.shape_cast %mul3A_2647 : vector<16xf32> to vector<1x1x16xf32>
      tpu.vector_store %arg5[%swap3A_2649, %swap3A_2650, %swap3A_2651], %swap3A_2654 {strides = array<i32>} : memref<8x16x256xf32, #tpu.memory_space<vmem>>, vector<1x1x16xf32>,
      %mul3A_2655 = arith.mulf %exp3A_2540, %div3A_2598 : vector<16xf32>
      %swap3A_2656 = arith.constant 7 : i32
      %swap3A_2657 = arith.index_cast %swap3A_2656 : i32 to index
      %swap3A_2658 = arith.index_cast %scan3A_34 : i32 to index
      %swap3A_2659 = arith.constant 112 : index
      %swap3A_2660 = tpu.vector_load %arg5[%swap3A_2657, %swap3A_2658, %swap3A_2659] {strides = array<i32>} : memref<8x16x256xf32, #tpu.memory_space<vmem>>, vector<1x1x16xf32>,
      %swap3A_2661 = vector.shape_cast %swap3A_2660 : vector<1x1x16xf32> to vector<16xf32>
      %swap3A_2662 = vector.shape_cast %mul3A_2655 : vector<16xf32> to vector<1x1x16xf32>
      tpu.vector_store %arg5[%swap3A_2657, %swap3A_2658, %swap3A_2659], %swap3A_2662 {strides = array<i32>} : memref<8x16x256xf32, #tpu.memory_space<vmem>>, vector<1x1x16xf32>,
      %mul3A_2663 = arith.mulf %exp3A_2545, %div3A_2598 : vector<16xf32>
      %swap3A_2664 = arith.constant 7 : i32
      %swap3A_2665 = arith.index_cast %swap3A_2664 : i32 to index
      %swap3A_2666 = arith.index_cast %scan3A_34 : i32 to index
      %swap3A_2667 = arith.constant 128 : index
      %swap3A_2668 = tpu.vector_load %arg5[%swap3A_2665, %swap3A_2666, %swap3A_2667] {strides = array<i32>} : memref<8x16x256xf32, #tpu.memory_space<vmem>>, vector<1x1x16xf32>,
      %swap3A_2669 = vector.shape_cast %swap3A_2668 : vector<1x1x16xf32> to vector<16xf32>
      %swap3A_2670 = vector.shape_cast %mul3A_2663 : vector<16xf32> to vector<1x1x16xf32>
      tpu.vector_store %arg5[%swap3A_2665, %swap3A_2666, %swap3A_2667], %swap3A_2670 {strides = array<i32>} : memref<8x16x256xf32, #tpu.memory_space<vmem>>, vector<1x1x16xf32>,
      %mul3A_2671 = arith.mulf %exp3A_2550, %div3A_2598 : vector<16xf32>
      %swap3A_2672 = arith.constant 7 : i32
      %swap3A_2673 = arith.index_cast %swap3A_2672 : i32 to index
      %swap3A_2674 = arith.index_cast %scan3A_34 : i32 to index
      %swap3A_2675 = arith.constant 144 : index
      %swap3A_2676 = tpu.vector_load %arg5[%swap3A_2673, %swap3A_2674, %swap3A_2675] {strides = array<i32>} : memref<8x16x256xf32, #tpu.memory_space<vmem>>, vector<1x1x16xf32>,
      %swap3A_2677 = vector.shape_cast %swap3A_2676 : vector<1x1x16xf32> to vector<16xf32>
      %swap3A_2678 = vector.shape_cast %mul3A_2671 : vector<16xf32> to vector<1x1x16xf32>
      tpu.vector_store %arg5[%swap3A_2673, %swap3A_2674, %swap3A_2675], %swap3A_2678 {strides = array<i32>} : memref<8x16x256xf32, #tpu.memory_space<vmem>>, vector<1x1x16xf32>,
      %mul3A_2679 = arith.mulf %exp3A_2555, %div3A_2598 : vector<16xf32>
      %swap3A_2680 = arith.constant 7 : i32
      %swap3A_2681 = arith.index_cast %swap3A_2680 : i32 to index
      %swap3A_2682 = arith.index_cast %scan3A_34 : i32 to index
      %swap3A_2683 = arith.constant 160 : index
      %swap3A_2684 = tpu.vector_load %arg5[%swap3A_2681, %swap3A_2682, %swap3A_2683] {strides = array<i32>} : memref<8x16x256xf32, #tpu.memory_space<vmem>>, vector<1x1x16xf32>,
      %swap3A_2685 = vector.shape_cast %swap3A_2684 : vector<1x1x16xf32> to vector<16xf32>
      %swap3A_2686 = vector.shape_cast %mul3A_2679 : vector<16xf32> to vector<1x1x16xf32>
      tpu.vector_store %arg5[%swap3A_2681, %swap3A_2682, %swap3A_2683], %swap3A_2686 {strides = array<i32>} : memref<8x16x256xf32, #tpu.memory_space<vmem>>, vector<1x1x16xf32>,
      %mul3A_2687 = arith.mulf %exp3A_2560, %div3A_2598 : vector<16xf32>
      %swap3A_2688 = arith.constant 7 : i32
      %swap3A_2689 = arith.index_cast %swap3A_2688 : i32 to index
      %swap3A_2690 = arith.index_cast %scan3A_34 : i32 to index
      %swap3A_2691 = arith.constant 176 : index
      %swap3A_2692 = tpu.vector_load %arg5[%swap3A_2689, %swap3A_2690, %swap3A_2691] {strides = array<i32>} : memref<8x16x256xf32, #tpu.memory_space<vmem>>, vector<1x1x16xf32>,
      %swap3A_2693 = vector.shape_cast %swap3A_2692 : vector<1x1x16xf32> to vector<16xf32>
      %swap3A_2694 = vector.shape_cast %mul3A_2687 : vector<16xf32> to vector<1x1x16xf32>
      tpu.vector_store %arg5[%swap3A_2689, %swap3A_2690, %swap3A_2691], %swap3A_2694 {strides = array<i32>} : memref<8x16x256xf32, #tpu.memory_space<vmem>>, vector<1x1x16xf32>,
      %mul3A_2695 = arith.mulf %exp3A_2565, %div3A_2598 : vector<16xf32>
      %swap3A_2696 = arith.constant 7 : i32
      %swap3A_2697 = arith.index_cast %swap3A_2696 : i32 to index
      %swap3A_2698 = arith.index_cast %scan3A_34 : i32 to index
      %swap3A_2699 = arith.constant 192 : index
      %swap3A_2700 = tpu.vector_load %arg5[%swap3A_2697, %swap3A_2698, %swap3A_2699] {strides = array<i32>} : memref<8x16x256xf32, #tpu.memory_space<vmem>>, vector<1x1x16xf32>,
      %swap3A_2701 = vector.shape_cast %swap3A_2700 : vector<1x1x16xf32> to vector<16xf32>
      %swap3A_2702 = vector.shape_cast %mul3A_2695 : vector<16xf32> to vector<1x1x16xf32>
      tpu.vector_store %arg5[%swap3A_2697, %swap3A_2698, %swap3A_2699], %swap3A_2702 {strides = array<i32>} : memref<8x16x256xf32, #tpu.memory_space<vmem>>, vector<1x1x16xf32>,
      %mul3A_2703 = arith.mulf %exp3A_2570, %div3A_2598 : vector<16xf32>
      %swap3A_2704 = arith.constant 7 : i32
      %swap3A_2705 = arith.index_cast %swap3A_2704 : i32 to index
      %swap3A_2706 = arith.index_cast %scan3A_34 : i32 to index
      %swap3A_2707 = arith.constant 208 : index
      %swap3A_2708 = tpu.vector_load %arg5[%swap3A_2705, %swap3A_2706, %swap3A_2707] {strides = array<i32>} : memref<8x16x256xf32, #tpu.memory_space<vmem>>, vector<1x1x16xf32>,
      %swap3A_2709 = vector.shape_cast %swap3A_2708 : vector<1x1x16xf32> to vector<16xf32>
      %swap3A_2710 = vector.shape_cast %mul3A_2703 : vector<16xf32> to vector<1x1x16xf32>
      tpu.vector_store %arg5[%swap3A_2705, %swap3A_2706, %swap3A_2707], %swap3A_2710 {strides = array<i32>} : memref<8x16x256xf32, #tpu.memory_space<vmem>>, vector<1x1x16xf32>,
      %mul3A_2711 = arith.mulf %exp3A_2575, %div3A_2598 : vector<16xf32>
      %swap3A_2712 = arith.constant 7 : i32
      %swap3A_2713 = arith.index_cast %swap3A_2712 : i32 to index
      %swap3A_2714 = arith.index_cast %scan3A_34 : i32 to index
      %swap3A_2715 = arith.constant 224 : index
      %swap3A_2716 = tpu.vector_load %arg5[%swap3A_2713, %swap3A_2714, %swap3A_2715] {strides = array<i32>} : memref<8x16x256xf32, #tpu.memory_space<vmem>>, vector<1x1x16xf32>,
      %swap3A_2717 = vector.shape_cast %swap3A_2716 : vector<1x1x16xf32> to vector<16xf32>
      %swap3A_2718 = vector.shape_cast %mul3A_2711 : vector<16xf32> to vector<1x1x16xf32>
      tpu.vector_store %arg5[%swap3A_2713, %swap3A_2714, %swap3A_2715], %swap3A_2718 {strides = array<i32>} : memref<8x16x256xf32, #tpu.memory_space<vmem>>, vector<1x1x16xf32>,
      %mul3A_2719 = arith.mulf %exp3A_2580, %div3A_2598 : vector<16xf32>
      %swap3A_2720 = arith.constant 7 : i32
      %swap3A_2721 = arith.index_cast %swap3A_2720 : i32 to index
      %swap3A_2722 = arith.index_cast %scan3A_34 : i32 to index
      %swap3A_2723 = arith.constant 240 : index
      %swap3A_2724 = tpu.vector_load %arg5[%swap3A_2721, %swap3A_2722, %swap3A_2723] {strides = array<i32>} : memref<8x16x256xf32, #tpu.memory_space<vmem>>, vector<1x1x16xf32>,
      %swap3A_2725 = vector.shape_cast %swap3A_2724 : vector<1x1x16xf32> to vector<16xf32>
      %swap3A_2726 = vector.shape_cast %mul3A_2719 : vector<16xf32> to vector<1x1x16xf32>
      tpu.vector_store %arg5[%swap3A_2721, %swap3A_2722, %swap3A_2723], %swap3A_2726 {strides = array<i32>} : memref<8x16x256xf32, #tpu.memory_space<vmem>>, vector<1x1x16xf32>,
    }
    %scan3A_27 = arith.constant 16 : i32
    %scan3A_28 = arith.constant 0 : i32
    %scan3A_29 = arith.constant 0 : i32
    %scan3A_30 = arith.constant 16 : i32
    %scan3A_31 = arith.addi %scan3A_29, %scan3A_30 : i32
    %scan3A_32 = arith.constant 1 : i32
    scf.for %scan3A_34 = %scan3A_29 to %scan3A_31 step %scan3A_32  : i32 {
      %mul3A_35 = arith.constant 32 : i32
      %mul3A_36 = arith.muli %scan3A_34, %mul3A_35 : i32
      %add3A_37 = arith.addi %mul3A_22, %mul3A_36 : i32
      %mul3A_38 = arith.constant 16 : i32
      %mul3A_39 = arith.muli %mul3A_3, %mul3A_38 : i32
      "tpu.region"() ({
        %run_scoped3A_77 = tpu.sem_alloc : memref<!tpu.dma_semaphore, #tpu.memory_space<semaphore_mem>>
        %dma_start3A = tpu.memref_slice %arg2[%add3A_37, %mul3A_39] : memref<4096x1024xf32, #tpu.memory_space<hbm>> -> memref<32x256xf32, #tpu.memory_space<hbm>>
        %dma_start3A_78 = tpu.memref_slice %arg2[%add3A_37, %mul3A_39] : memref<4096x1024xf32, #tpu.memory_space<hbm>> -> memref<32x256xf32, #tpu.memory_space<hbm>>
        tpu.enqueue_dma source(%dma_start3A_78 : memref<32x256xf32, #tpu.memory_space<hbm>>) target(%arg6 : memref<32x256xf32, #tpu.memory_space<vmem>>) target_semaphore(%run_scoped3A_77 : memref<!tpu.dma_semaphore, #tpu.memory_space<semaphore_mem>>)
        %dma_wait3A = tpu.memref_slice %arg2[%add3A_37, %mul3A_39] : memref<4096x1024xf32, #tpu.memory_space<hbm>> -> memref<32x256xf32, #tpu.memory_space<hbm>>
        %dma_wait3A_79 = tpu.memref_slice %arg2[%add3A_37, %mul3A_39] : memref<4096x1024xf32, #tpu.memory_space<hbm>> -> memref<32x256xf32, #tpu.memory_space<hbm>>
        tpu.wait_dma2 semaphore(%run_scoped3A_77 : memref<!tpu.dma_semaphore, #tpu.memory_space<semaphore_mem>>) src(%dma_wait3A_79 : memref<32x256xf32, #tpu.memory_space<hbm>>) dst(%arg6 : memref<32x256xf32, #tpu.memory_space<vmem>>)
        tpu.yield
      }) : () -> ()
      %scan3A_40 = arith.constant 0 : i32
      %scan3A_41 = arith.constant 0 : i32
      %scan3A_42 = arith.constant 16 : i32
      %scan3A_43 = arith.addi %scan3A_41, %scan3A_42 : i32
      %scan3A_44 = arith.constant 1 : i32
      scf.for %scan3A_77 = %scan3A_41 to %scan3A_43 step %scan3A_44  : i32 {
        %get3A = arith.constant 0 : i32
        %get3A_78 = arith.index_cast %get3A : i32 to index
        %get3A_79 = arith.index_cast %scan3A_77 : i32 to index
        %get3A_80 = arith.constant 0 : index
        %get3A_81 = tpu.vector_load %arg5[%get3A_78, %get3A_79, %get3A_80] {strides = array<i32>} : memref<8x16x256xf32, #tpu.memory_space<vmem>>, vector<1x1x16xf32>,
        %get3A_82 = vector.shape_cast %get3A_81 : vector<1x1x16xf32> to vector<16xf32>
        %get3A_83 = arith.constant 0 : i32
        %get3A_84 = arith.index_cast %get3A_83 : i32 to index
        %get3A_85 = arith.index_cast %scan3A_77 : i32 to index
        %get3A_86 = arith.constant 16 : index
        %get3A_87 = tpu.vector_load %arg5[%get3A_84, %get3A_85, %get3A_86] {strides = array<i32>} : memref<8x16x256xf32, #tpu.memory_space<vmem>>, vector<1x1x16xf32>,
        %get3A_88 = vector.shape_cast %get3A_87 : vector<1x1x16xf32> to vector<16xf32>
        %get3A_89 = arith.constant 0 : i32
        %get3A_90 = arith.index_cast %get3A_89 : i32 to index
        %get3A_91 = arith.index_cast %scan3A_77 : i32 to index
        %get3A_92 = arith.constant 32 : index
        %get3A_93 = tpu.vector_load %arg5[%get3A_90, %get3A_91, %get3A_92] {strides = array<i32>} : memref<8x16x256xf32, #tpu.memory_space<vmem>>, vector<1x1x16xf32>,
        %get3A_94 = vector.shape_cast %get3A_93 : vector<1x1x16xf32> to vector<16xf32>
        %get3A_95 = arith.constant 0 : i32
        %get3A_96 = arith.index_cast %get3A_95 : i32 to index
        %get3A_97 = arith.index_cast %scan3A_77 : i32 to index
        %get3A_98 = arith.constant 48 : index
        %get3A_99 = tpu.vector_load %arg5[%get3A_96, %get3A_97, %get3A_98] {strides = array<i32>} : memref<8x16x256xf32, #tpu.memory_space<vmem>>, vector<1x1x16xf32>,
        %get3A_100 = vector.shape_cast %get3A_99 : vector<1x1x16xf32> to vector<16xf32>
        %get3A_101 = arith.constant 0 : i32
        %get3A_102 = arith.index_cast %get3A_101 : i32 to index
        %get3A_103 = arith.index_cast %scan3A_77 : i32 to index
        %get3A_104 = arith.constant 64 : index
        %get3A_105 = tpu.vector_load %arg5[%get3A_102, %get3A_103, %get3A_104] {strides = array<i32>} : memref<8x16x256xf32, #tpu.memory_space<vmem>>, vector<1x1x16xf32>,
        %get3A_106 = vector.shape_cast %get3A_105 : vector<1x1x16xf32> to vector<16xf32>
        %get3A_107 = arith.constant 0 : i32
        %get3A_108 = arith.index_cast %get3A_107 : i32 to index
        %get3A_109 = arith.index_cast %scan3A_77 : i32 to index
        %get3A_110 = arith.constant 80 : index
        %get3A_111 = tpu.vector_load %arg5[%get3A_108, %get3A_109, %get3A_110] {strides = array<i32>} : memref<8x16x256xf32, #tpu.memory_space<vmem>>, vector<1x1x16xf32>,
        %get3A_112 = vector.shape_cast %get3A_111 : vector<1x1x16xf32> to vector<16xf32>
        %get3A_113 = arith.constant 0 : i32
        %get3A_114 = arith.index_cast %get3A_113 : i32 to index
        %get3A_115 = arith.index_cast %scan3A_77 : i32 to index
        %get3A_116 = arith.constant 96 : index
        %get3A_117 = tpu.vector_load %arg5[%get3A_114, %get3A_115, %get3A_116] {strides = array<i32>} : memref<8x16x256xf32, #tpu.memory_space<vmem>>, vector<1x1x16xf32>,
        %get3A_118 = vector.shape_cast %get3A_117 : vector<1x1x16xf32> to vector<16xf32>
        %get3A_119 = arith.constant 0 : i32
        %get3A_120 = arith.index_cast %get3A_119 : i32 to index
        %get3A_121 = arith.index_cast %scan3A_77 : i32 to index
        %get3A_122 = arith.constant 112 : index
        %get3A_123 = tpu.vector_load %arg5[%get3A_120, %get3A_121, %get3A_122] {strides = array<i32>} : memref<8x16x256xf32, #tpu.memory_space<vmem>>, vector<1x1x16xf32>,
        %get3A_124 = vector.shape_cast %get3A_123 : vector<1x1x16xf32> to vector<16xf32>
        %get3A_125 = arith.constant 0 : i32
        %get3A_126 = arith.index_cast %get3A_125 : i32 to index
        %get3A_127 = arith.index_cast %scan3A_77 : i32 to index
        %get3A_128 = arith.constant 128 : index
        %get3A_129 = tpu.vector_load %arg5[%get3A_126, %get3A_127, %get3A_128] {strides = array<i32>} : memref<8x16x256xf32, #tpu.memory_space<vmem>>, vector<1x1x16xf32>,
        %get3A_130 = vector.shape_cast %get3A_129 : vector<1x1x16xf32> to vector<16xf32>
        %get3A_131 = arith.constant 0 : i32
        %get3A_132 = arith.index_cast %get3A_131 : i32 to index
        %get3A_133 = arith.index_cast %scan3A_77 : i32 to index
        %get3A_134 = arith.constant 144 : index
        %get3A_135 = tpu.vector_load %arg5[%get3A_132, %get3A_133, %get3A_134] {strides = array<i32>} : memref<8x16x256xf32, #tpu.memory_space<vmem>>, vector<1x1x16xf32>,
        %get3A_136 = vector.shape_cast %get3A_135 : vector<1x1x16xf32> to vector<16xf32>
        %get3A_137 = arith.constant 0 : i32
        %get3A_138 = arith.index_cast %get3A_137 : i32 to index
        %get3A_139 = arith.index_cast %scan3A_77 : i32 to index
        %get3A_140 = arith.constant 160 : index
        %get3A_141 = tpu.vector_load %arg5[%get3A_138, %get3A_139, %get3A_140] {strides = array<i32>} : memref<8x16x256xf32, #tpu.memory_space<vmem>>, vector<1x1x16xf32>,
        %get3A_142 = vector.shape_cast %get3A_141 : vector<1x1x16xf32> to vector<16xf32>
        %get3A_143 = arith.constant 0 : i32
        %get3A_144 = arith.index_cast %get3A_143 : i32 to index
        %get3A_145 = arith.index_cast %scan3A_77 : i32 to index
        %get3A_146 = arith.constant 176 : index
        %get3A_147 = tpu.vector_load %arg5[%get3A_144, %get3A_145, %get3A_146] {strides = array<i32>} : memref<8x16x256xf32, #tpu.memory_space<vmem>>, vector<1x1x16xf32>,
        %get3A_148 = vector.shape_cast %get3A_147 : vector<1x1x16xf32> to vector<16xf32>
        %get3A_149 = arith.constant 0 : i32
        %get3A_150 = arith.index_cast %get3A_149 : i32 to index
        %get3A_151 = arith.index_cast %scan3A_77 : i32 to index
        %get3A_152 = arith.constant 192 : index
        %get3A_153 = tpu.vector_load %arg5[%get3A_150, %get3A_151, %get3A_152] {strides = array<i32>} : memref<8x16x256xf32, #tpu.memory_space<vmem>>, vector<1x1x16xf32>,
        %get3A_154 = vector.shape_cast %get3A_153 : vector<1x1x16xf32> to vector<16xf32>
        %get3A_155 = arith.constant 0 : i32
        %get3A_156 = arith.index_cast %get3A_155 : i32 to index
        %get3A_157 = arith.index_cast %scan3A_77 : i32 to index
        %get3A_158 = arith.constant 208 : index
        %get3A_159 = tpu.vector_load %arg5[%get3A_156, %get3A_157, %get3A_158] {strides = array<i32>} : memref<8x16x256xf32, #tpu.memory_space<vmem>>, vector<1x1x16xf32>,
        %get3A_160 = vector.shape_cast %get3A_159 : vector<1x1x16xf32> to vector<16xf32>
        %get3A_161 = arith.constant 0 : i32
        %get3A_162 = arith.index_cast %get3A_161 : i32 to index
        %get3A_163 = arith.index_cast %scan3A_77 : i32 to index
        %get3A_164 = arith.constant 224 : index
        %get3A_165 = tpu.vector_load %arg5[%get3A_162, %get3A_163, %get3A_164] {strides = array<i32>} : memref<8x16x256xf32, #tpu.memory_space<vmem>>, vector<1x1x16xf32>,
        %get3A_166 = vector.shape_cast %get3A_165 : vector<1x1x16xf32> to vector<16xf32>
        %get3A_167 = arith.constant 0 : i32
        %get3A_168 = arith.index_cast %get3A_167 : i32 to index
        %get3A_169 = arith.index_cast %scan3A_77 : i32 to index
        %get3A_170 = arith.constant 240 : index
        %get3A_171 = tpu.vector_load %arg5[%get3A_168, %get3A_169, %get3A_170] {strides = array<i32>} : memref<8x16x256xf32, #tpu.memory_space<vmem>>, vector<1x1x16xf32>,
        %get3A_172 = vector.shape_cast %get3A_171 : vector<1x1x16xf32> to vector<16xf32>
        %get3A_173 = arith.constant 1 : i32
        %get3A_174 = arith.index_cast %get3A_173 : i32 to index
        %get3A_175 = arith.index_cast %scan3A_77 : i32 to index
        %get3A_176 = arith.constant 0 : index
        %get3A_177 = tpu.vector_load %arg5[%get3A_174, %get3A_175, %get3A_176] {strides = array<i32>} : memref<8x16x256xf32, #tpu.memory_space<vmem>>, vector<1x1x16xf32>,
        %get3A_178 = vector.shape_cast %get3A_177 : vector<1x1x16xf32> to vector<16xf32>
        %get3A_179 = arith.constant 1 : i32
        %get3A_180 = arith.index_cast %get3A_179 : i32 to index
        %get3A_181 = arith.index_cast %scan3A_77 : i32 to index
        %get3A_182 = arith.constant 16 : index
        %get3A_183 = tpu.vector_load %arg5[%get3A_180, %get3A_181, %get3A_182] {strides = array<i32>} : memref<8x16x256xf32, #tpu.memory_space<vmem>>, vector<1x1x16xf32>,
        %get3A_184 = vector.shape_cast %get3A_183 : vector<1x1x16xf32> to vector<16xf32>
        %get3A_185 = arith.constant 1 : i32
        %get3A_186 = arith.index_cast %get3A_185 : i32 to index
        %get3A_187 = arith.index_cast %scan3A_77 : i32 to index
        %get3A_188 = arith.constant 32 : index
        %get3A_189 = tpu.vector_load %arg5[%get3A_186, %get3A_187, %get3A_188] {strides = array<i32>} : memref<8x16x256xf32, #tpu.memory_space<vmem>>, vector<1x1x16xf32>,
        %get3A_190 = vector.shape_cast %get3A_189 : vector<1x1x16xf32> to vector<16xf32>
        %get3A_191 = arith.constant 1 : i32
        %get3A_192 = arith.index_cast %get3A_191 : i32 to index
        %get3A_193 = arith.index_cast %scan3A_77 : i32 to index
        %get3A_194 = arith.constant 48 : index
        %get3A_195 = tpu.vector_load %arg5[%get3A_192, %get3A_193, %get3A_194] {strides = array<i32>} : memref<8x16x256xf32, #tpu.memory_space<vmem>>, vector<1x1x16xf32>,
        %get3A_196 = vector.shape_cast %get3A_195 : vector<1x1x16xf32> to vector<16xf32>
        %get3A_197 = arith.constant 1 : i32
        %get3A_198 = arith.index_cast %get3A_197 : i32 to index
        %get3A_199 = arith.index_cast %scan3A_77 : i32 to index
        %get3A_200 = arith.constant 64 : index
        %get3A_201 = tpu.vector_load %arg5[%get3A_198, %get3A_199, %get3A_200] {strides = array<i32>} : memref<8x16x256xf32, #tpu.memory_space<vmem>>, vector<1x1x16xf32>,
        %get3A_202 = vector.shape_cast %get3A_201 : vector<1x1x16xf32> to vector<16xf32>
        %get3A_203 = arith.constant 1 : i32
        %get3A_204 = arith.index_cast %get3A_203 : i32 to index
        %get3A_205 = arith.index_cast %scan3A_77 : i32 to index
        %get3A_206 = arith.constant 80 : index
        %get3A_207 = tpu.vector_load %arg5[%get3A_204, %get3A_205, %get3A_206] {strides = array<i32>} : memref<8x16x256xf32, #tpu.memory_space<vmem>>, vector<1x1x16xf32>,
        %get3A_208 = vector.shape_cast %get3A_207 : vector<1x1x16xf32> to vector<16xf32>
        %get3A_209 = arith.constant 1 : i32
        %get3A_210 = arith.index_cast %get3A_209 : i32 to index
        %get3A_211 = arith.index_cast %scan3A_77 : i32 to index
        %get3A_212 = arith.constant 96 : index
        %get3A_213 = tpu.vector_load %arg5[%get3A_210, %get3A_211, %get3A_212] {strides = array<i32>} : memref<8x16x256xf32, #tpu.memory_space<vmem>>, vector<1x1x16xf32>,
        %get3A_214 = vector.shape_cast %get3A_213 : vector<1x1x16xf32> to vector<16xf32>
        %get3A_215 = arith.constant 1 : i32
        %get3A_216 = arith.index_cast %get3A_215 : i32 to index
        %get3A_217 = arith.index_cast %scan3A_77 : i32 to index
        %get3A_218 = arith.constant 112 : index
        %get3A_219 = tpu.vector_load %arg5[%get3A_216, %get3A_217, %get3A_218] {strides = array<i32>} : memref<8x16x256xf32, #tpu.memory_space<vmem>>, vector<1x1x16xf32>,
        %get3A_220 = vector.shape_cast %get3A_219 : vector<1x1x16xf32> to vector<16xf32>
        %get3A_221 = arith.constant 1 : i32
        %get3A_222 = arith.index_cast %get3A_221 : i32 to index
        %get3A_223 = arith.index_cast %scan3A_77 : i32 to index
        %get3A_224 = arith.constant 128 : index
        %get3A_225 = tpu.vector_load %arg5[%get3A_222, %get3A_223, %get3A_224] {strides = array<i32>} : memref<8x16x256xf32, #tpu.memory_space<vmem>>, vector<1x1x16xf32>,
        %get3A_226 = vector.shape_cast %get3A_225 : vector<1x1x16xf32> to vector<16xf32>
        %get3A_227 = arith.constant 1 : i32
        %get3A_228 = arith.index_cast %get3A_227 : i32 to index
        %get3A_229 = arith.index_cast %scan3A_77 : i32 to index
        %get3A_230 = arith.constant 144 : index
        %get3A_231 = tpu.vector_load %arg5[%get3A_228, %get3A_229, %get3A_230] {strides = array<i32>} : memref<8x16x256xf32, #tpu.memory_space<vmem>>, vector<1x1x16xf32>,
        %get3A_232 = vector.shape_cast %get3A_231 : vector<1x1x16xf32> to vector<16xf32>
        %get3A_233 = arith.constant 1 : i32
        %get3A_234 = arith.index_cast %get3A_233 : i32 to index
        %get3A_235 = arith.index_cast %scan3A_77 : i32 to index
        %get3A_236 = arith.constant 160 : index
        %get3A_237 = tpu.vector_load %arg5[%get3A_234, %get3A_235, %get3A_236] {strides = array<i32>} : memref<8x16x256xf32, #tpu.memory_space<vmem>>, vector<1x1x16xf32>,
        %get3A_238 = vector.shape_cast %get3A_237 : vector<1x1x16xf32> to vector<16xf32>
        %get3A_239 = arith.constant 1 : i32
        %get3A_240 = arith.index_cast %get3A_239 : i32 to index
        %get3A_241 = arith.index_cast %scan3A_77 : i32 to index
        %get3A_242 = arith.constant 176 : index
        %get3A_243 = tpu.vector_load %arg5[%get3A_240, %get3A_241, %get3A_242] {strides = array<i32>} : memref<8x16x256xf32, #tpu.memory_space<vmem>>, vector<1x1x16xf32>,
        %get3A_244 = vector.shape_cast %get3A_243 : vector<1x1x16xf32> to vector<16xf32>
        %get3A_245 = arith.constant 1 : i32
        %get3A_246 = arith.index_cast %get3A_245 : i32 to index
        %get3A_247 = arith.index_cast %scan3A_77 : i32 to index
        %get3A_248 = arith.constant 192 : index
        %get3A_249 = tpu.vector_load %arg5[%get3A_246, %get3A_247, %get3A_248] {strides = array<i32>} : memref<8x16x256xf32, #tpu.memory_space<vmem>>, vector<1x1x16xf32>,
        %get3A_250 = vector.shape_cast %get3A_249 : vector<1x1x16xf32> to vector<16xf32>
        %get3A_251 = arith.constant 1 : i32
        %get3A_252 = arith.index_cast %get3A_251 : i32 to index
        %get3A_253 = arith.index_cast %scan3A_77 : i32 to index
        %get3A_254 = arith.constant 208 : index
        %get3A_255 = tpu.vector_load %arg5[%get3A_252, %get3A_253, %get3A_254] {strides = array<i32>} : memref<8x16x256xf32, #tpu.memory_space<vmem>>, vector<1x1x16xf32>,
        %get3A_256 = vector.shape_cast %get3A_255 : vector<1x1x16xf32> to vector<16xf32>
        %get3A_257 = arith.constant 1 : i32
        %get3A_258 = arith.index_cast %get3A_257 : i32 to index
        %get3A_259 = arith.index_cast %scan3A_77 : i32 to index
        %get3A_260 = arith.constant 224 : index
        %get3A_261 = tpu.vector_load %arg5[%get3A_258, %get3A_259, %get3A_260] {strides = array<i32>} : memref<8x16x256xf32, #tpu.memory_space<vmem>>, vector<1x1x16xf32>,
        %get3A_262 = vector.shape_cast %get3A_261 : vector<1x1x16xf32> to vector<16xf32>
        %get3A_263 = arith.constant 1 : i32
        %get3A_264 = arith.index_cast %get3A_263 : i32 to index
        %get3A_265 = arith.index_cast %scan3A_77 : i32 to index
        %get3A_266 = arith.constant 240 : index
        %get3A_267 = tpu.vector_load %arg5[%get3A_264, %get3A_265, %get3A_266] {strides = array<i32>} : memref<8x16x256xf32, #tpu.memory_space<vmem>>, vector<1x1x16xf32>,
        %get3A_268 = vector.shape_cast %get3A_267 : vector<1x1x16xf32> to vector<16xf32>
        %scan3A_269 = arith.constant 0 : i32
        %scan3A_270 = arith.constant 0 : i32
        %scan3A_271 = arith.constant 32 : i32
        %scan3A_272 = arith.addi %scan3A_270, %scan3A_271 : i32
        %scan3A_273 = arith.constant 1 : i32
        scf.for %scan3A_869 = %scan3A_270 to %scan3A_272 step %scan3A_273  : i32 {
          %mul3A_870 = arith.constant 16 : i32
          %mul3A_871 = arith.muli %scan3A_77, %mul3A_870 : i32
          %get3A_872 = arith.index_cast %scan3A_869 : i32 to index
          %get3A_873 = arith.index_cast %mul3A_871 : i32 to index
          %get3A_874 = tpu.vector_load %arg6[%get3A_872, %get3A_873] {strides = array<i32>} : memref<32x256xf32, #tpu.memory_space<vmem>>, vector<1x16xf32>,
          %get3A_875 = vector.shape_cast %get3A_874 : vector<1x16xf32> to vector<16xf32>
          %slice3A = vector.extract_strided_slice %get3A_875 {offsets = [0], sizes = [1], strides = [1]} : vector<16xf32> to vector<1xf32>
          %squeeze3A = vector.extract %slice3A[0] : f32 from vector<1xf32>
          %slice3A_876 = vector.extract_strided_slice %get3A_875 {offsets = [1], sizes = [1], strides = [1]} : vector<16xf32> to vector<1xf32>
          %squeeze3A_877 = vector.extract %slice3A_876[0] : f32 from vector<1xf32>
          %slice3A_878 = vector.extract_strided_slice %get3A_875 {offsets = [2], sizes = [1], strides = [1]} : vector<16xf32> to vector<1xf32>
          %squeeze3A_879 = vector.extract %slice3A_878[0] : f32 from vector<1xf32>
          %slice3A_880 = vector.extract_strided_slice %get3A_875 {offsets = [3], sizes = [1], strides = [1]} : vector<16xf32> to vector<1xf32>
          %squeeze3A_881 = vector.extract %slice3A_880[0] : f32 from vector<1xf32>
          %slice3A_882 = vector.extract_strided_slice %get3A_875 {offsets = [4], sizes = [1], strides = [1]} : vector<16xf32> to vector<1xf32>
          %squeeze3A_883 = vector.extract %slice3A_882[0] : f32 from vector<1xf32>
          %slice3A_884 = vector.extract_strided_slice %get3A_875 {offsets = [5], sizes = [1], strides = [1]} : vector<16xf32> to vector<1xf32>
          %squeeze3A_885 = vector.extract %slice3A_884[0] : f32 from vector<1xf32>
          %slice3A_886 = vector.extract_strided_slice %get3A_875 {offsets = [6], sizes = [1], strides = [1]} : vector<16xf32> to vector<1xf32>
          %squeeze3A_887 = vector.extract %slice3A_886[0] : f32 from vector<1xf32>
          %slice3A_888 = vector.extract_strided_slice %get3A_875 {offsets = [7], sizes = [1], strides = [1]} : vector<16xf32> to vector<1xf32>
          %squeeze3A_889 = vector.extract %slice3A_888[0] : f32 from vector<1xf32>
          %slice3A_890 = vector.extract_strided_slice %get3A_875 {offsets = [8], sizes = [1], strides = [1]} : vector<16xf32> to vector<1xf32>
          %squeeze3A_891 = vector.extract %slice3A_890[0] : f32 from vector<1xf32>
          %slice3A_892 = vector.extract_strided_slice %get3A_875 {offsets = [9], sizes = [1], strides = [1]} : vector<16xf32> to vector<1xf32>
          %squeeze3A_893 = vector.extract %slice3A_892[0] : f32 from vector<1xf32>
          %slice3A_894 = vector.extract_strided_slice %get3A_875 {offsets = [10], sizes = [1], strides = [1]} : vector<16xf32> to vector<1xf32>
          %squeeze3A_895 = vector.extract %slice3A_894[0] : f32 from vector<1xf32>
          %slice3A_896 = vector.extract_strided_slice %get3A_875 {offsets = [11], sizes = [1], strides = [1]} : vector<16xf32> to vector<1xf32>
          %squeeze3A_897 = vector.extract %slice3A_896[0] : f32 from vector<1xf32>
          %slice3A_898 = vector.extract_strided_slice %get3A_875 {offsets = [12], sizes = [1], strides = [1]} : vector<16xf32> to vector<1xf32>
          %squeeze3A_899 = vector.extract %slice3A_898[0] : f32 from vector<1xf32>
          %slice3A_900 = vector.extract_strided_slice %get3A_875 {offsets = [13], sizes = [1], strides = [1]} : vector<16xf32> to vector<1xf32>
          %squeeze3A_901 = vector.extract %slice3A_900[0] : f32 from vector<1xf32>
          %slice3A_902 = vector.extract_strided_slice %get3A_875 {offsets = [14], sizes = [1], strides = [1]} : vector<16xf32> to vector<1xf32>
          %squeeze3A_903 = vector.extract %slice3A_902[0] : f32 from vector<1xf32>
          %slice3A_904 = vector.extract_strided_slice %get3A_875 {offsets = [15], sizes = [1], strides = [1]} : vector<16xf32> to vector<1xf32>
          %squeeze3A_905 = vector.extract %slice3A_904[0] : f32 from vector<1xf32>
          %mul3A_906 = vector.broadcast %squeeze3A : f32 to vector<16xf32>
          %mul3A_907 = arith.mulf %get3A_82, %mul3A_906 : vector<16xf32>
          %mul3A_908 = vector.broadcast %squeeze3A_877 : f32 to vector<16xf32>
          %mul3A_909 = arith.mulf %get3A_88, %mul3A_908 : vector<16xf32>
          %add3A_910 = arith.addf %mul3A_907, %mul3A_909 : vector<16xf32>
          %mul3A_911 = vector.broadcast %squeeze3A_879 : f32 to vector<16xf32>
          %mul3A_912 = arith.mulf %get3A_94, %mul3A_911 : vector<16xf32>
          %add3A_913 = arith.addf %add3A_910, %mul3A_912 : vector<16xf32>
          %mul3A_914 = vector.broadcast %squeeze3A_881 : f32 to vector<16xf32>
          %mul3A_915 = arith.mulf %get3A_100, %mul3A_914 : vector<16xf32>
          %add3A_916 = arith.addf %add3A_913, %mul3A_915 : vector<16xf32>
          %mul3A_917 = vector.broadcast %squeeze3A_883 : f32 to vector<16xf32>
          %mul3A_918 = arith.mulf %get3A_106, %mul3A_917 : vector<16xf32>
          %add3A_919 = arith.addf %add3A_916, %mul3A_918 : vector<16xf32>
          %mul3A_920 = vector.broadcast %squeeze3A_885 : f32 to vector<16xf32>
          %mul3A_921 = arith.mulf %get3A_112, %mul3A_920 : vector<16xf32>
          %add3A_922 = arith.addf %add3A_919, %mul3A_921 : vector<16xf32>
          %mul3A_923 = vector.broadcast %squeeze3A_887 : f32 to vector<16xf32>
          %mul3A_924 = arith.mulf %get3A_118, %mul3A_923 : vector<16xf32>
          %add3A_925 = arith.addf %add3A_922, %mul3A_924 : vector<16xf32>
          %mul3A_926 = vector.broadcast %squeeze3A_889 : f32 to vector<16xf32>
          %mul3A_927 = arith.mulf %get3A_124, %mul3A_926 : vector<16xf32>
          %add3A_928 = arith.addf %add3A_925, %mul3A_927 : vector<16xf32>
          %mul3A_929 = vector.broadcast %squeeze3A_891 : f32 to vector<16xf32>
          %mul3A_930 = arith.mulf %get3A_130, %mul3A_929 : vector<16xf32>
          %add3A_931 = arith.addf %add3A_928, %mul3A_930 : vector<16xf32>
          %mul3A_932 = vector.broadcast %squeeze3A_893 : f32 to vector<16xf32>
          %mul3A_933 = arith.mulf %get3A_136, %mul3A_932 : vector<16xf32>
          %add3A_934 = arith.addf %add3A_931, %mul3A_933 : vector<16xf32>
          %mul3A_935 = vector.broadcast %squeeze3A_895 : f32 to vector<16xf32>
          %mul3A_936 = arith.mulf %get3A_142, %mul3A_935 : vector<16xf32>
          %add3A_937 = arith.addf %add3A_934, %mul3A_936 : vector<16xf32>
          %mul3A_938 = vector.broadcast %squeeze3A_897 : f32 to vector<16xf32>
          %mul3A_939 = arith.mulf %get3A_148, %mul3A_938 : vector<16xf32>
          %add3A_940 = arith.addf %add3A_937, %mul3A_939 : vector<16xf32>
          %mul3A_941 = vector.broadcast %squeeze3A_899 : f32 to vector<16xf32>
          %mul3A_942 = arith.mulf %get3A_154, %mul3A_941 : vector<16xf32>
          %add3A_943 = arith.addf %add3A_940, %mul3A_942 : vector<16xf32>
          %mul3A_944 = vector.broadcast %squeeze3A_901 : f32 to vector<16xf32>
          %mul3A_945 = arith.mulf %get3A_160, %mul3A_944 : vector<16xf32>
          %add3A_946 = arith.addf %add3A_943, %mul3A_945 : vector<16xf32>
          %mul3A_947 = vector.broadcast %squeeze3A_903 : f32 to vector<16xf32>
          %mul3A_948 = arith.mulf %get3A_166, %mul3A_947 : vector<16xf32>
          %add3A_949 = arith.addf %add3A_946, %mul3A_948 : vector<16xf32>
          %mul3A_950 = vector.broadcast %squeeze3A_905 : f32 to vector<16xf32>
          %mul3A_951 = arith.mulf %get3A_172, %mul3A_950 : vector<16xf32>
          %add3A_952 = arith.addf %add3A_949, %mul3A_951 : vector<16xf32>
          %mul3A_953 = arith.constant 16 : i32
          %mul3A_954 = arith.muli %scan3A_77, %mul3A_953 : i32
          %swap3A = arith.constant 0 : i32
          %swap3A_955 = arith.index_cast %swap3A : i32 to index
          %swap3A_956 = arith.index_cast %scan3A_869 : i32 to index
          %swap3A_957 = arith.index_cast %mul3A_954 : i32 to index
          %swap3A_958 = tpu.vector_load %arg7[%swap3A_955, %swap3A_956, %swap3A_957] {strides = array<i32>} : memref<8x32x256xf32, #tpu.memory_space<vmem>>, vector<1x1x16xf32>,
          %swap3A_959 = vector.shape_cast %swap3A_958 : vector<1x1x16xf32> to vector<16xf32>
          %swap3A_960 = vector.shape_cast %add3A_952 : vector<16xf32> to vector<1x1x16xf32>
          tpu.vector_store %arg7[%swap3A_955, %swap3A_956, %swap3A_957], %swap3A_960 {strides = array<i32>} : memref<8x32x256xf32, #tpu.memory_space<vmem>>, vector<1x1x16xf32>,
          %mul3A_961 = vector.broadcast %squeeze3A : f32 to vector<16xf32>
          %mul3A_962 = arith.mulf %get3A_178, %mul3A_961 : vector<16xf32>
          %mul3A_963 = vector.broadcast %squeeze3A_877 : f32 to vector<16xf32>
          %mul3A_964 = arith.mulf %get3A_184, %mul3A_963 : vector<16xf32>
          %add3A_965 = arith.addf %mul3A_962, %mul3A_964 : vector<16xf32>
          %mul3A_966 = vector.broadcast %squeeze3A_879 : f32 to vector<16xf32>
          %mul3A_967 = arith.mulf %get3A_190, %mul3A_966 : vector<16xf32>
          %add3A_968 = arith.addf %add3A_965, %mul3A_967 : vector<16xf32>
          %mul3A_969 = vector.broadcast %squeeze3A_881 : f32 to vector<16xf32>
          %mul3A_970 = arith.mulf %get3A_196, %mul3A_969 : vector<16xf32>
          %add3A_971 = arith.addf %add3A_968, %mul3A_970 : vector<16xf32>
          %mul3A_972 = vector.broadcast %squeeze3A_883 : f32 to vector<16xf32>
          %mul3A_973 = arith.mulf %get3A_202, %mul3A_972 : vector<16xf32>
          %add3A_974 = arith.addf %add3A_971, %mul3A_973 : vector<16xf32>
          %mul3A_975 = vector.broadcast %squeeze3A_885 : f32 to vector<16xf32>
          %mul3A_976 = arith.mulf %get3A_208, %mul3A_975 : vector<16xf32>
          %add3A_977 = arith.addf %add3A_974, %mul3A_976 : vector<16xf32>
          %mul3A_978 = vector.broadcast %squeeze3A_887 : f32 to vector<16xf32>
          %mul3A_979 = arith.mulf %get3A_214, %mul3A_978 : vector<16xf32>
          %add3A_980 = arith.addf %add3A_977, %mul3A_979 : vector<16xf32>
          %mul3A_981 = vector.broadcast %squeeze3A_889 : f32 to vector<16xf32>
          %mul3A_982 = arith.mulf %get3A_220, %mul3A_981 : vector<16xf32>
          %add3A_983 = arith.addf %add3A_980, %mul3A_982 : vector<16xf32>
          %mul3A_984 = vector.broadcast %squeeze3A_891 : f32 to vector<16xf32>
          %mul3A_985 = arith.mulf %get3A_226, %mul3A_984 : vector<16xf32>
          %add3A_986 = arith.addf %add3A_983, %mul3A_985 : vector<16xf32>
          %mul3A_987 = vector.broadcast %squeeze3A_893 : f32 to vector<16xf32>
          %mul3A_988 = arith.mulf %get3A_232, %mul3A_987 : vector<16xf32>
          %add3A_989 = arith.addf %add3A_986, %mul3A_988 : vector<16xf32>
          %mul3A_990 = vector.broadcast %squeeze3A_895 : f32 to vector<16xf32>
          %mul3A_991 = arith.mulf %get3A_238, %mul3A_990 : vector<16xf32>
          %add3A_992 = arith.addf %add3A_989, %mul3A_991 : vector<16xf32>
          %mul3A_993 = vector.broadcast %squeeze3A_897 : f32 to vector<16xf32>
          %mul3A_994 = arith.mulf %get3A_244, %mul3A_993 : vector<16xf32>
          %add3A_995 = arith.addf %add3A_992, %mul3A_994 : vector<16xf32>
          %mul3A_996 = vector.broadcast %squeeze3A_899 : f32 to vector<16xf32>
          %mul3A_997 = arith.mulf %get3A_250, %mul3A_996 : vector<16xf32>
          %add3A_998 = arith.addf %add3A_995, %mul3A_997 : vector<16xf32>
          %mul3A_999 = vector.broadcast %squeeze3A_901 : f32 to vector<16xf32>
          %mul3A_1000 = arith.mulf %get3A_256, %mul3A_999 : vector<16xf32>
          %add3A_1001 = arith.addf %add3A_998, %mul3A_1000 : vector<16xf32>
          %mul3A_1002 = vector.broadcast %squeeze3A_903 : f32 to vector<16xf32>
          %mul3A_1003 = arith.mulf %get3A_262, %mul3A_1002 : vector<16xf32>
          %add3A_1004 = arith.addf %add3A_1001, %mul3A_1003 : vector<16xf32>
          %mul3A_1005 = vector.broadcast %squeeze3A_905 : f32 to vector<16xf32>
          %mul3A_1006 = arith.mulf %get3A_268, %mul3A_1005 : vector<16xf32>
          %add3A_1007 = arith.addf %add3A_1004, %mul3A_1006 : vector<16xf32>
          %mul3A_1008 = arith.constant 16 : i32
          %mul3A_1009 = arith.muli %scan3A_77, %mul3A_1008 : i32
          %swap3A_1010 = arith.constant 1 : i32
          %swap3A_1011 = arith.index_cast %swap3A_1010 : i32 to index
          %swap3A_1012 = arith.index_cast %scan3A_869 : i32 to index
          %swap3A_1013 = arith.index_cast %mul3A_1009 : i32 to index
          %swap3A_1014 = tpu.vector_load %arg7[%swap3A_1011, %swap3A_1012, %swap3A_1013] {strides = array<i32>} : memref<8x32x256xf32, #tpu.memory_space<vmem>>, vector<1x1x16xf32>,
          %swap3A_1015 = vector.shape_cast %swap3A_1014 : vector<1x1x16xf32> to vector<16xf32>
          %swap3A_1016 = vector.shape_cast %add3A_1007 : vector<16xf32> to vector<1x1x16xf32>
          tpu.vector_store %arg7[%swap3A_1011, %swap3A_1012, %swap3A_1013], %swap3A_1016 {strides = array<i32>} : memref<8x32x256xf32, #tpu.memory_space<vmem>>, vector<1x1x16xf32>,
        }
        %scan3A_274 = arith.constant 32 : i32
        %get3A_275 = arith.constant 2 : i32
        %get3A_276 = arith.index_cast %get3A_275 : i32 to index
        %get3A_277 = arith.index_cast %scan3A_77 : i32 to index
        %get3A_278 = arith.constant 0 : index
        %get3A_279 = tpu.vector_load %arg5[%get3A_276, %get3A_277, %get3A_278] {strides = array<i32>} : memref<8x16x256xf32, #tpu.memory_space<vmem>>, vector<1x1x16xf32>,
        %get3A_280 = vector.shape_cast %get3A_279 : vector<1x1x16xf32> to vector<16xf32>
        %get3A_281 = arith.constant 2 : i32
        %get3A_282 = arith.index_cast %get3A_281 : i32 to index
        %get3A_283 = arith.index_cast %scan3A_77 : i32 to index
        %get3A_284 = arith.constant 16 : index
        %get3A_285 = tpu.vector_load %arg5[%get3A_282, %get3A_283, %get3A_284] {strides = array<i32>} : memref<8x16x256xf32, #tpu.memory_space<vmem>>, vector<1x1x16xf32>,
        %get3A_286 = vector.shape_cast %get3A_285 : vector<1x1x16xf32> to vector<16xf32>
        %get3A_287 = arith.constant 2 : i32
        %get3A_288 = arith.index_cast %get3A_287 : i32 to index
        %get3A_289 = arith.index_cast %scan3A_77 : i32 to index
        %get3A_290 = arith.constant 32 : index
        %get3A_291 = tpu.vector_load %arg5[%get3A_288, %get3A_289, %get3A_290] {strides = array<i32>} : memref<8x16x256xf32, #tpu.memory_space<vmem>>, vector<1x1x16xf32>,
        %get3A_292 = vector.shape_cast %get3A_291 : vector<1x1x16xf32> to vector<16xf32>
        %get3A_293 = arith.constant 2 : i32
        %get3A_294 = arith.index_cast %get3A_293 : i32 to index
        %get3A_295 = arith.index_cast %scan3A_77 : i32 to index
        %get3A_296 = arith.constant 48 : index
        %get3A_297 = tpu.vector_load %arg5[%get3A_294, %get3A_295, %get3A_296] {strides = array<i32>} : memref<8x16x256xf32, #tpu.memory_space<vmem>>, vector<1x1x16xf32>,
        %get3A_298 = vector.shape_cast %get3A_297 : vector<1x1x16xf32> to vector<16xf32>
        %get3A_299 = arith.constant 2 : i32
        %get3A_300 = arith.index_cast %get3A_299 : i32 to index
        %get3A_301 = arith.index_cast %scan3A_77 : i32 to index
        %get3A_302 = arith.constant 64 : index
        %get3A_303 = tpu.vector_load %arg5[%get3A_300, %get3A_301, %get3A_302] {strides = array<i32>} : memref<8x16x256xf32, #tpu.memory_space<vmem>>, vector<1x1x16xf32>,
        %get3A_304 = vector.shape_cast %get3A_303 : vector<1x1x16xf32> to vector<16xf32>
        %get3A_305 = arith.constant 2 : i32
        %get3A_306 = arith.index_cast %get3A_305 : i32 to index
        %get3A_307 = arith.index_cast %scan3A_77 : i32 to index
        %get3A_308 = arith.constant 80 : index
        %get3A_309 = tpu.vector_load %arg5[%get3A_306, %get3A_307, %get3A_308] {strides = array<i32>} : memref<8x16x256xf32, #tpu.memory_space<vmem>>, vector<1x1x16xf32>,
        %get3A_310 = vector.shape_cast %get3A_309 : vector<1x1x16xf32> to vector<16xf32>
        %get3A_311 = arith.constant 2 : i32
        %get3A_312 = arith.index_cast %get3A_311 : i32 to index
        %get3A_313 = arith.index_cast %scan3A_77 : i32 to index
        %get3A_314 = arith.constant 96 : index
        %get3A_315 = tpu.vector_load %arg5[%get3A_312, %get3A_313, %get3A_314] {strides = array<i32>} : memref<8x16x256xf32, #tpu.memory_space<vmem>>, vector<1x1x16xf32>,
        %get3A_316 = vector.shape_cast %get3A_315 : vector<1x1x16xf32> to vector<16xf32>
        %get3A_317 = arith.constant 2 : i32
        %get3A_318 = arith.index_cast %get3A_317 : i32 to index
        %get3A_319 = arith.index_cast %scan3A_77 : i32 to index
        %get3A_320 = arith.constant 112 : index
        %get3A_321 = tpu.vector_load %arg5[%get3A_318, %get3A_319, %get3A_320] {strides = array<i32>} : memref<8x16x256xf32, #tpu.memory_space<vmem>>, vector<1x1x16xf32>,
        %get3A_322 = vector.shape_cast %get3A_321 : vector<1x1x16xf32> to vector<16xf32>
        %get3A_323 = arith.constant 2 : i32
        %get3A_324 = arith.index_cast %get3A_323 : i32 to index
        %get3A_325 = arith.index_cast %scan3A_77 : i32 to index
        %get3A_326 = arith.constant 128 : index
        %get3A_327 = tpu.vector_load %arg5[%get3A_324, %get3A_325, %get3A_326] {strides = array<i32>} : memref<8x16x256xf32, #tpu.memory_space<vmem>>, vector<1x1x16xf32>,
        %get3A_328 = vector.shape_cast %get3A_327 : vector<1x1x16xf32> to vector<16xf32>
        %get3A_329 = arith.constant 2 : i32
        %get3A_330 = arith.index_cast %get3A_329 : i32 to index
        %get3A_331 = arith.index_cast %scan3A_77 : i32 to index
        %get3A_332 = arith.constant 144 : index
        %get3A_333 = tpu.vector_load %arg5[%get3A_330, %get3A_331, %get3A_332] {strides = array<i32>} : memref<8x16x256xf32, #tpu.memory_space<vmem>>, vector<1x1x16xf32>,
        %get3A_334 = vector.shape_cast %get3A_333 : vector<1x1x16xf32> to vector<16xf32>
        %get3A_335 = arith.constant 2 : i32
        %get3A_336 = arith.index_cast %get3A_335 : i32 to index
        %get3A_337 = arith.index_cast %scan3A_77 : i32 to index
        %get3A_338 = arith.constant 160 : index
        %get3A_339 = tpu.vector_load %arg5[%get3A_336, %get3A_337, %get3A_338] {strides = array<i32>} : memref<8x16x256xf32, #tpu.memory_space<vmem>>, vector<1x1x16xf32>,
        %get3A_340 = vector.shape_cast %get3A_339 : vector<1x1x16xf32> to vector<16xf32>
        %get3A_341 = arith.constant 2 : i32
        %get3A_342 = arith.index_cast %get3A_341 : i32 to index
        %get3A_343 = arith.index_cast %scan3A_77 : i32 to index
        %get3A_344 = arith.constant 176 : index
        %get3A_345 = tpu.vector_load %arg5[%get3A_342, %get3A_343, %get3A_344] {strides = array<i32>} : memref<8x16x256xf32, #tpu.memory_space<vmem>>, vector<1x1x16xf32>,
        %get3A_346 = vector.shape_cast %get3A_345 : vector<1x1x16xf32> to vector<16xf32>
        %get3A_347 = arith.constant 2 : i32
        %get3A_348 = arith.index_cast %get3A_347 : i32 to index
        %get3A_349 = arith.index_cast %scan3A_77 : i32 to index
        %get3A_350 = arith.constant 192 : index
        %get3A_351 = tpu.vector_load %arg5[%get3A_348, %get3A_349, %get3A_350] {strides = array<i32>} : memref<8x16x256xf32, #tpu.memory_space<vmem>>, vector<1x1x16xf32>,
        %get3A_352 = vector.shape_cast %get3A_351 : vector<1x1x16xf32> to vector<16xf32>
        %get3A_353 = arith.constant 2 : i32
        %get3A_354 = arith.index_cast %get3A_353 : i32 to index
        %get3A_355 = arith.index_cast %scan3A_77 : i32 to index
        %get3A_356 = arith.constant 208 : index
        %get3A_357 = tpu.vector_load %arg5[%get3A_354, %get3A_355, %get3A_356] {strides = array<i32>} : memref<8x16x256xf32, #tpu.memory_space<vmem>>, vector<1x1x16xf32>,
        %get3A_358 = vector.shape_cast %get3A_357 : vector<1x1x16xf32> to vector<16xf32>
        %get3A_359 = arith.constant 2 : i32
        %get3A_360 = arith.index_cast %get3A_359 : i32 to index
        %get3A_361 = arith.index_cast %scan3A_77 : i32 to index
        %get3A_362 = arith.constant 224 : index
        %get3A_363 = tpu.vector_load %arg5[%get3A_360, %get3A_361, %get3A_362] {strides = array<i32>} : memref<8x16x256xf32, #tpu.memory_space<vmem>>, vector<1x1x16xf32>,
        %get3A_364 = vector.shape_cast %get3A_363 : vector<1x1x16xf32> to vector<16xf32>
        %get3A_365 = arith.constant 2 : i32
        %get3A_366 = arith.index_cast %get3A_365 : i32 to index
        %get3A_367 = arith.index_cast %scan3A_77 : i32 to index
        %get3A_368 = arith.constant 240 : index
        %get3A_369 = tpu.vector_load %arg5[%get3A_366, %get3A_367, %get3A_368] {strides = array<i32>} : memref<8x16x256xf32, #tpu.memory_space<vmem>>, vector<1x1x16xf32>,
        %get3A_370 = vector.shape_cast %get3A_369 : vector<1x1x16xf32> to vector<16xf32>
        %get3A_371 = arith.constant 3 : i32
        %get3A_372 = arith.index_cast %get3A_371 : i32 to index
        %get3A_373 = arith.index_cast %scan3A_77 : i32 to index
        %get3A_374 = arith.constant 0 : index
        %get3A_375 = tpu.vector_load %arg5[%get3A_372, %get3A_373, %get3A_374] {strides = array<i32>} : memref<8x16x256xf32, #tpu.memory_space<vmem>>, vector<1x1x16xf32>,
        %get3A_376 = vector.shape_cast %get3A_375 : vector<1x1x16xf32> to vector<16xf32>
        %get3A_377 = arith.constant 3 : i32
        %get3A_378 = arith.index_cast %get3A_377 : i32 to index
        %get3A_379 = arith.index_cast %scan3A_77 : i32 to index
        %get3A_380 = arith.constant 16 : index
        %get3A_381 = tpu.vector_load %arg5[%get3A_378, %get3A_379, %get3A_380] {strides = array<i32>} : memref<8x16x256xf32, #tpu.memory_space<vmem>>, vector<1x1x16xf32>,
        %get3A_382 = vector.shape_cast %get3A_381 : vector<1x1x16xf32> to vector<16xf32>
        %get3A_383 = arith.constant 3 : i32
        %get3A_384 = arith.index_cast %get3A_383 : i32 to index
        %get3A_385 = arith.index_cast %scan3A_77 : i32 to index
        %get3A_386 = arith.constant 32 : index
        %get3A_387 = tpu.vector_load %arg5[%get3A_384, %get3A_385, %get3A_386] {strides = array<i32>} : memref<8x16x256xf32, #tpu.memory_space<vmem>>, vector<1x1x16xf32>,
        %get3A_388 = vector.shape_cast %get3A_387 : vector<1x1x16xf32> to vector<16xf32>
        %get3A_389 = arith.constant 3 : i32
        %get3A_390 = arith.index_cast %get3A_389 : i32 to index
        %get3A_391 = arith.index_cast %scan3A_77 : i32 to index
        %get3A_392 = arith.constant 48 : index
        %get3A_393 = tpu.vector_load %arg5[%get3A_390, %get3A_391, %get3A_392] {strides = array<i32>} : memref<8x16x256xf32, #tpu.memory_space<vmem>>, vector<1x1x16xf32>,
        %get3A_394 = vector.shape_cast %get3A_393 : vector<1x1x16xf32> to vector<16xf32>
        %get3A_395 = arith.constant 3 : i32
        %get3A_396 = arith.index_cast %get3A_395 : i32 to index
        %get3A_397 = arith.index_cast %scan3A_77 : i32 to index
        %get3A_398 = arith.constant 64 : index
        %get3A_399 = tpu.vector_load %arg5[%get3A_396, %get3A_397, %get3A_398] {strides = array<i32>} : memref<8x16x256xf32, #tpu.memory_space<vmem>>, vector<1x1x16xf32>,
        %get3A_400 = vector.shape_cast %get3A_399 : vector<1x1x16xf32> to vector<16xf32>
        %get3A_401 = arith.constant 3 : i32
        %get3A_402 = arith.index_cast %get3A_401 : i32 to index
        %get3A_403 = arith.index_cast %scan3A_77 : i32 to index
        %get3A_404 = arith.constant 80 : index
        %get3A_405 = tpu.vector_load %arg5[%get3A_402, %get3A_403, %get3A_404] {strides = array<i32>} : memref<8x16x256xf32, #tpu.memory_space<vmem>>, vector<1x1x16xf32>,
        %get3A_406 = vector.shape_cast %get3A_405 : vector<1x1x16xf32> to vector<16xf32>
        %get3A_407 = arith.constant 3 : i32
        %get3A_408 = arith.index_cast %get3A_407 : i32 to index
        %get3A_409 = arith.index_cast %scan3A_77 : i32 to index
        %get3A_410 = arith.constant 96 : index
        %get3A_411 = tpu.vector_load %arg5[%get3A_408, %get3A_409, %get3A_410] {strides = array<i32>} : memref<8x16x256xf32, #tpu.memory_space<vmem>>, vector<1x1x16xf32>,
        %get3A_412 = vector.shape_cast %get3A_411 : vector<1x1x16xf32> to vector<16xf32>
        %get3A_413 = arith.constant 3 : i32
        %get3A_414 = arith.index_cast %get3A_413 : i32 to index
        %get3A_415 = arith.index_cast %scan3A_77 : i32 to index
        %get3A_416 = arith.constant 112 : index
        %get3A_417 = tpu.vector_load %arg5[%get3A_414, %get3A_415, %get3A_416] {strides = array<i32>} : memref<8x16x256xf32, #tpu.memory_space<vmem>>, vector<1x1x16xf32>,
        %get3A_418 = vector.shape_cast %get3A_417 : vector<1x1x16xf32> to vector<16xf32>
        %get3A_419 = arith.constant 3 : i32
        %get3A_420 = arith.index_cast %get3A_419 : i32 to index
        %get3A_421 = arith.index_cast %scan3A_77 : i32 to index
        %get3A_422 = arith.constant 128 : index
        %get3A_423 = tpu.vector_load %arg5[%get3A_420, %get3A_421, %get3A_422] {strides = array<i32>} : memref<8x16x256xf32, #tpu.memory_space<vmem>>, vector<1x1x16xf32>,
        %get3A_424 = vector.shape_cast %get3A_423 : vector<1x1x16xf32> to vector<16xf32>
        %get3A_425 = arith.constant 3 : i32
        %get3A_426 = arith.index_cast %get3A_425 : i32 to index
        %get3A_427 = arith.index_cast %scan3A_77 : i32 to index
        %get3A_428 = arith.constant 144 : index
        %get3A_429 = tpu.vector_load %arg5[%get3A_426, %get3A_427, %get3A_428] {strides = array<i32>} : memref<8x16x256xf32, #tpu.memory_space<vmem>>, vector<1x1x16xf32>,
        %get3A_430 = vector.shape_cast %get3A_429 : vector<1x1x16xf32> to vector<16xf32>
        %get3A_431 = arith.constant 3 : i32
        %get3A_432 = arith.index_cast %get3A_431 : i32 to index
        %get3A_433 = arith.index_cast %scan3A_77 : i32 to index
        %get3A_434 = arith.constant 160 : index
        %get3A_435 = tpu.vector_load %arg5[%get3A_432, %get3A_433, %get3A_434] {strides = array<i32>} : memref<8x16x256xf32, #tpu.memory_space<vmem>>, vector<1x1x16xf32>,
        %get3A_436 = vector.shape_cast %get3A_435 : vector<1x1x16xf32> to vector<16xf32>
        %get3A_437 = arith.constant 3 : i32
        %get3A_438 = arith.index_cast %get3A_437 : i32 to index
        %get3A_439 = arith.index_cast %scan3A_77 : i32 to index
        %get3A_440 = arith.constant 176 : index
        %get3A_441 = tpu.vector_load %arg5[%get3A_438, %get3A_439, %get3A_440] {strides = array<i32>} : memref<8x16x256xf32, #tpu.memory_space<vmem>>, vector<1x1x16xf32>,
        %get3A_442 = vector.shape_cast %get3A_441 : vector<1x1x16xf32> to vector<16xf32>
        %get3A_443 = arith.constant 3 : i32
        %get3A_444 = arith.index_cast %get3A_443 : i32 to index
        %get3A_445 = arith.index_cast %scan3A_77 : i32 to index
        %get3A_446 = arith.constant 192 : index
        %get3A_447 = tpu.vector_load %arg5[%get3A_444, %get3A_445, %get3A_446] {strides = array<i32>} : memref<8x16x256xf32, #tpu.memory_space<vmem>>, vector<1x1x16xf32>,
        %get3A_448 = vector.shape_cast %get3A_447 : vector<1x1x16xf32> to vector<16xf32>
        %get3A_449 = arith.constant 3 : i32
        %get3A_450 = arith.index_cast %get3A_449 : i32 to index
        %get3A_451 = arith.index_cast %scan3A_77 : i32 to index
        %get3A_452 = arith.constant 208 : index
        %get3A_453 = tpu.vector_load %arg5[%get3A_450, %get3A_451, %get3A_452] {strides = array<i32>} : memref<8x16x256xf32, #tpu.memory_space<vmem>>, vector<1x1x16xf32>,
        %get3A_454 = vector.shape_cast %get3A_453 : vector<1x1x16xf32> to vector<16xf32>
        %get3A_455 = arith.constant 3 : i32
        %get3A_456 = arith.index_cast %get3A_455 : i32 to index
        %get3A_457 = arith.index_cast %scan3A_77 : i32 to index
        %get3A_458 = arith.constant 224 : index
        %get3A_459 = tpu.vector_load %arg5[%get3A_456, %get3A_457, %get3A_458] {strides = array<i32>} : memref<8x16x256xf32, #tpu.memory_space<vmem>>, vector<1x1x16xf32>,
        %get3A_460 = vector.shape_cast %get3A_459 : vector<1x1x16xf32> to vector<16xf32>
        %get3A_461 = arith.constant 3 : i32
        %get3A_462 = arith.index_cast %get3A_461 : i32 to index
        %get3A_463 = arith.index_cast %scan3A_77 : i32 to index
        %get3A_464 = arith.constant 240 : index
        %get3A_465 = tpu.vector_load %arg5[%get3A_462, %get3A_463, %get3A_464] {strides = array<i32>} : memref<8x16x256xf32, #tpu.memory_space<vmem>>, vector<1x1x16xf32>,
        %get3A_466 = vector.shape_cast %get3A_465 : vector<1x1x16xf32> to vector<16xf32>
        %scan3A_467 = arith.constant 0 : i32
        %scan3A_468 = arith.constant 0 : i32
        %scan3A_469 = arith.constant 32 : i32
        %scan3A_470 = arith.addi %scan3A_468, %scan3A_469 : i32
        %scan3A_471 = arith.constant 1 : i32
        scf.for %scan3A_869 = %scan3A_468 to %scan3A_470 step %scan3A_471  : i32 {
          %mul3A_870 = arith.constant 16 : i32
          %mul3A_871 = arith.muli %scan3A_77, %mul3A_870 : i32
          %get3A_872 = arith.index_cast %scan3A_869 : i32 to index
          %get3A_873 = arith.index_cast %mul3A_871 : i32 to index
          %get3A_874 = tpu.vector_load %arg6[%get3A_872, %get3A_873] {strides = array<i32>} : memref<32x256xf32, #tpu.memory_space<vmem>>, vector<1x16xf32>,
          %get3A_875 = vector.shape_cast %get3A_874 : vector<1x16xf32> to vector<16xf32>
          %slice3A = vector.extract_strided_slice %get3A_875 {offsets = [0], sizes = [1], strides = [1]} : vector<16xf32> to vector<1xf32>
          %squeeze3A = vector.extract %slice3A[0] : f32 from vector<1xf32>
          %slice3A_876 = vector.extract_strided_slice %get3A_875 {offsets = [1], sizes = [1], strides = [1]} : vector<16xf32> to vector<1xf32>
          %squeeze3A_877 = vector.extract %slice3A_876[0] : f32 from vector<1xf32>
          %slice3A_878 = vector.extract_strided_slice %get3A_875 {offsets = [2], sizes = [1], strides = [1]} : vector<16xf32> to vector<1xf32>
          %squeeze3A_879 = vector.extract %slice3A_878[0] : f32 from vector<1xf32>
          %slice3A_880 = vector.extract_strided_slice %get3A_875 {offsets = [3], sizes = [1], strides = [1]} : vector<16xf32> to vector<1xf32>
          %squeeze3A_881 = vector.extract %slice3A_880[0] : f32 from vector<1xf32>
          %slice3A_882 = vector.extract_strided_slice %get3A_875 {offsets = [4], sizes = [1], strides = [1]} : vector<16xf32> to vector<1xf32>
          %squeeze3A_883 = vector.extract %slice3A_882[0] : f32 from vector<1xf32>
          %slice3A_884 = vector.extract_strided_slice %get3A_875 {offsets = [5], sizes = [1], strides = [1]} : vector<16xf32> to vector<1xf32>
          %squeeze3A_885 = vector.extract %slice3A_884[0] : f32 from vector<1xf32>
          %slice3A_886 = vector.extract_strided_slice %get3A_875 {offsets = [6], sizes = [1], strides = [1]} : vector<16xf32> to vector<1xf32>
          %squeeze3A_887 = vector.extract %slice3A_886[0] : f32 from vector<1xf32>
          %slice3A_888 = vector.extract_strided_slice %get3A_875 {offsets = [7], sizes = [1], strides = [1]} : vector<16xf32> to vector<1xf32>
          %squeeze3A_889 = vector.extract %slice3A_888[0] : f32 from vector<1xf32>
          %slice3A_890 = vector.extract_strided_slice %get3A_875 {offsets = [8], sizes = [1], strides = [1]} : vector<16xf32> to vector<1xf32>
          %squeeze3A_891 = vector.extract %slice3A_890[0] : f32 from vector<1xf32>
          %slice3A_892 = vector.extract_strided_slice %get3A_875 {offsets = [9], sizes = [1], strides = [1]} : vector<16xf32> to vector<1xf32>
          %squeeze3A_893 = vector.extract %slice3A_892[0] : f32 from vector<1xf32>
          %slice3A_894 = vector.extract_strided_slice %get3A_875 {offsets = [10], sizes = [1], strides = [1]} : vector<16xf32> to vector<1xf32>
          %squeeze3A_895 = vector.extract %slice3A_894[0] : f32 from vector<1xf32>
          %slice3A_896 = vector.extract_strided_slice %get3A_875 {offsets = [11], sizes = [1], strides = [1]} : vector<16xf32> to vector<1xf32>
          %squeeze3A_897 = vector.extract %slice3A_896[0] : f32 from vector<1xf32>
          %slice3A_898 = vector.extract_strided_slice %get3A_875 {offsets = [12], sizes = [1], strides = [1]} : vector<16xf32> to vector<1xf32>
          %squeeze3A_899 = vector.extract %slice3A_898[0] : f32 from vector<1xf32>
          %slice3A_900 = vector.extract_strided_slice %get3A_875 {offsets = [13], sizes = [1], strides = [1]} : vector<16xf32> to vector<1xf32>
          %squeeze3A_901 = vector.extract %slice3A_900[0] : f32 from vector<1xf32>
          %slice3A_902 = vector.extract_strided_slice %get3A_875 {offsets = [14], sizes = [1], strides = [1]} : vector<16xf32> to vector<1xf32>
          %squeeze3A_903 = vector.extract %slice3A_902[0] : f32 from vector<1xf32>
          %slice3A_904 = vector.extract_strided_slice %get3A_875 {offsets = [15], sizes = [1], strides = [1]} : vector<16xf32> to vector<1xf32>
          %squeeze3A_905 = vector.extract %slice3A_904[0] : f32 from vector<1xf32>
          %mul3A_906 = vector.broadcast %squeeze3A : f32 to vector<16xf32>
          %mul3A_907 = arith.mulf %get3A_280, %mul3A_906 : vector<16xf32>
          %mul3A_908 = vector.broadcast %squeeze3A_877 : f32 to vector<16xf32>
          %mul3A_909 = arith.mulf %get3A_286, %mul3A_908 : vector<16xf32>
          %add3A_910 = arith.addf %mul3A_907, %mul3A_909 : vector<16xf32>
          %mul3A_911 = vector.broadcast %squeeze3A_879 : f32 to vector<16xf32>
          %mul3A_912 = arith.mulf %get3A_292, %mul3A_911 : vector<16xf32>
          %add3A_913 = arith.addf %add3A_910, %mul3A_912 : vector<16xf32>
          %mul3A_914 = vector.broadcast %squeeze3A_881 : f32 to vector<16xf32>
          %mul3A_915 = arith.mulf %get3A_298, %mul3A_914 : vector<16xf32>
          %add3A_916 = arith.addf %add3A_913, %mul3A_915 : vector<16xf32>
          %mul3A_917 = vector.broadcast %squeeze3A_883 : f32 to vector<16xf32>
          %mul3A_918 = arith.mulf %get3A_304, %mul3A_917 : vector<16xf32>
          %add3A_919 = arith.addf %add3A_916, %mul3A_918 : vector<16xf32>
          %mul3A_920 = vector.broadcast %squeeze3A_885 : f32 to vector<16xf32>
          %mul3A_921 = arith.mulf %get3A_310, %mul3A_920 : vector<16xf32>
          %add3A_922 = arith.addf %add3A_919, %mul3A_921 : vector<16xf32>
          %mul3A_923 = vector.broadcast %squeeze3A_887 : f32 to vector<16xf32>
          %mul3A_924 = arith.mulf %get3A_316, %mul3A_923 : vector<16xf32>
          %add3A_925 = arith.addf %add3A_922, %mul3A_924 : vector<16xf32>
          %mul3A_926 = vector.broadcast %squeeze3A_889 : f32 to vector<16xf32>
          %mul3A_927 = arith.mulf %get3A_322, %mul3A_926 : vector<16xf32>
          %add3A_928 = arith.addf %add3A_925, %mul3A_927 : vector<16xf32>
          %mul3A_929 = vector.broadcast %squeeze3A_891 : f32 to vector<16xf32>
          %mul3A_930 = arith.mulf %get3A_328, %mul3A_929 : vector<16xf32>
          %add3A_931 = arith.addf %add3A_928, %mul3A_930 : vector<16xf32>
          %mul3A_932 = vector.broadcast %squeeze3A_893 : f32 to vector<16xf32>
          %mul3A_933 = arith.mulf %get3A_334, %mul3A_932 : vector<16xf32>
          %add3A_934 = arith.addf %add3A_931, %mul3A_933 : vector<16xf32>
          %mul3A_935 = vector.broadcast %squeeze3A_895 : f32 to vector<16xf32>
          %mul3A_936 = arith.mulf %get3A_340, %mul3A_935 : vector<16xf32>
          %add3A_937 = arith.addf %add3A_934, %mul3A_936 : vector<16xf32>
          %mul3A_938 = vector.broadcast %squeeze3A_897 : f32 to vector<16xf32>
          %mul3A_939 = arith.mulf %get3A_346, %mul3A_938 : vector<16xf32>
          %add3A_940 = arith.addf %add3A_937, %mul3A_939 : vector<16xf32>
          %mul3A_941 = vector.broadcast %squeeze3A_899 : f32 to vector<16xf32>
          %mul3A_942 = arith.mulf %get3A_352, %mul3A_941 : vector<16xf32>
          %add3A_943 = arith.addf %add3A_940, %mul3A_942 : vector<16xf32>
          %mul3A_944 = vector.broadcast %squeeze3A_901 : f32 to vector<16xf32>
          %mul3A_945 = arith.mulf %get3A_358, %mul3A_944 : vector<16xf32>
          %add3A_946 = arith.addf %add3A_943, %mul3A_945 : vector<16xf32>
          %mul3A_947 = vector.broadcast %squeeze3A_903 : f32 to vector<16xf32>
          %mul3A_948 = arith.mulf %get3A_364, %mul3A_947 : vector<16xf32>
          %add3A_949 = arith.addf %add3A_946, %mul3A_948 : vector<16xf32>
          %mul3A_950 = vector.broadcast %squeeze3A_905 : f32 to vector<16xf32>
          %mul3A_951 = arith.mulf %get3A_370, %mul3A_950 : vector<16xf32>
          %add3A_952 = arith.addf %add3A_949, %mul3A_951 : vector<16xf32>
          %mul3A_953 = arith.constant 16 : i32
          %mul3A_954 = arith.muli %scan3A_77, %mul3A_953 : i32
          %swap3A = arith.constant 2 : i32
          %swap3A_955 = arith.index_cast %swap3A : i32 to index
          %swap3A_956 = arith.index_cast %scan3A_869 : i32 to index
          %swap3A_957 = arith.index_cast %mul3A_954 : i32 to index
          %swap3A_958 = tpu.vector_load %arg7[%swap3A_955, %swap3A_956, %swap3A_957] {strides = array<i32>} : memref<8x32x256xf32, #tpu.memory_space<vmem>>, vector<1x1x16xf32>,
          %swap3A_959 = vector.shape_cast %swap3A_958 : vector<1x1x16xf32> to vector<16xf32>
          %swap3A_960 = vector.shape_cast %add3A_952 : vector<16xf32> to vector<1x1x16xf32>
          tpu.vector_store %arg7[%swap3A_955, %swap3A_956, %swap3A_957], %swap3A_960 {strides = array<i32>} : memref<8x32x256xf32, #tpu.memory_space<vmem>>, vector<1x1x16xf32>,
          %mul3A_961 = vector.broadcast %squeeze3A : f32 to vector<16xf32>
          %mul3A_962 = arith.mulf %get3A_376, %mul3A_961 : vector<16xf32>
          %mul3A_963 = vector.broadcast %squeeze3A_877 : f32 to vector<16xf32>
          %mul3A_964 = arith.mulf %get3A_382, %mul3A_963 : vector<16xf32>
          %add3A_965 = arith.addf %mul3A_962, %mul3A_964 : vector<16xf32>
          %mul3A_966 = vector.broadcast %squeeze3A_879 : f32 to vector<16xf32>
          %mul3A_967 = arith.mulf %get3A_388, %mul3A_966 : vector<16xf32>
          %add3A_968 = arith.addf %add3A_965, %mul3A_967 : vector<16xf32>
          %mul3A_969 = vector.broadcast %squeeze3A_881 : f32 to vector<16xf32>
          %mul3A_970 = arith.mulf %get3A_394, %mul3A_969 : vector<16xf32>
          %add3A_971 = arith.addf %add3A_968, %mul3A_970 : vector<16xf32>
          %mul3A_972 = vector.broadcast %squeeze3A_883 : f32 to vector<16xf32>
          %mul3A_973 = arith.mulf %get3A_400, %mul3A_972 : vector<16xf32>
          %add3A_974 = arith.addf %add3A_971, %mul3A_973 : vector<16xf32>
          %mul3A_975 = vector.broadcast %squeeze3A_885 : f32 to vector<16xf32>
          %mul3A_976 = arith.mulf %get3A_406, %mul3A_975 : vector<16xf32>
          %add3A_977 = arith.addf %add3A_974, %mul3A_976 : vector<16xf32>
          %mul3A_978 = vector.broadcast %squeeze3A_887 : f32 to vector<16xf32>
          %mul3A_979 = arith.mulf %get3A_412, %mul3A_978 : vector<16xf32>
          %add3A_980 = arith.addf %add3A_977, %mul3A_979 : vector<16xf32>
          %mul3A_981 = vector.broadcast %squeeze3A_889 : f32 to vector<16xf32>
          %mul3A_982 = arith.mulf %get3A_418, %mul3A_981 : vector<16xf32>
          %add3A_983 = arith.addf %add3A_980, %mul3A_982 : vector<16xf32>
          %mul3A_984 = vector.broadcast %squeeze3A_891 : f32 to vector<16xf32>
          %mul3A_985 = arith.mulf %get3A_424, %mul3A_984 : vector<16xf32>
          %add3A_986 = arith.addf %add3A_983, %mul3A_985 : vector<16xf32>
          %mul3A_987 = vector.broadcast %squeeze3A_893 : f32 to vector<16xf32>
          %mul3A_988 = arith.mulf %get3A_430, %mul3A_987 : vector<16xf32>
          %add3A_989 = arith.addf %add3A_986, %mul3A_988 : vector<16xf32>
          %mul3A_990 = vector.broadcast %squeeze3A_895 : f32 to vector<16xf32>
          %mul3A_991 = arith.mulf %get3A_436, %mul3A_990 : vector<16xf32>
          %add3A_992 = arith.addf %add3A_989, %mul3A_991 : vector<16xf32>
          %mul3A_993 = vector.broadcast %squeeze3A_897 : f32 to vector<16xf32>
          %mul3A_994 = arith.mulf %get3A_442, %mul3A_993 : vector<16xf32>
          %add3A_995 = arith.addf %add3A_992, %mul3A_994 : vector<16xf32>
          %mul3A_996 = vector.broadcast %squeeze3A_899 : f32 to vector<16xf32>
          %mul3A_997 = arith.mulf %get3A_448, %mul3A_996 : vector<16xf32>
          %add3A_998 = arith.addf %add3A_995, %mul3A_997 : vector<16xf32>
          %mul3A_999 = vector.broadcast %squeeze3A_901 : f32 to vector<16xf32>
          %mul3A_1000 = arith.mulf %get3A_454, %mul3A_999 : vector<16xf32>
          %add3A_1001 = arith.addf %add3A_998, %mul3A_1000 : vector<16xf32>
          %mul3A_1002 = vector.broadcast %squeeze3A_903 : f32 to vector<16xf32>
          %mul3A_1003 = arith.mulf %get3A_460, %mul3A_1002 : vector<16xf32>
          %add3A_1004 = arith.addf %add3A_1001, %mul3A_1003 : vector<16xf32>
          %mul3A_1005 = vector.broadcast %squeeze3A_905 : f32 to vector<16xf32>
          %mul3A_1006 = arith.mulf %get3A_466, %mul3A_1005 : vector<16xf32>
          %add3A_1007 = arith.addf %add3A_1004, %mul3A_1006 : vector<16xf32>
          %mul3A_1008 = arith.constant 16 : i32
          %mul3A_1009 = arith.muli %scan3A_77, %mul3A_1008 : i32
          %swap3A_1010 = arith.constant 3 : i32
          %swap3A_1011 = arith.index_cast %swap3A_1010 : i32 to index
          %swap3A_1012 = arith.index_cast %scan3A_869 : i32 to index
          %swap3A_1013 = arith.index_cast %mul3A_1009 : i32 to index
          %swap3A_1014 = tpu.vector_load %arg7[%swap3A_1011, %swap3A_1012, %swap3A_1013] {strides = array<i32>} : memref<8x32x256xf32, #tpu.memory_space<vmem>>, vector<1x1x16xf32>,
          %swap3A_1015 = vector.shape_cast %swap3A_1014 : vector<1x1x16xf32> to vector<16xf32>
          %swap3A_1016 = vector.shape_cast %add3A_1007 : vector<16xf32> to vector<1x1x16xf32>
          tpu.vector_store %arg7[%swap3A_1011, %swap3A_1012, %swap3A_1013], %swap3A_1016 {strides = array<i32>} : memref<8x32x256xf32, #tpu.memory_space<vmem>>, vector<1x1x16xf32>,
        }
        %scan3A_472 = arith.constant 32 : i32
        %get3A_473 = arith.constant 4 : i32
        %get3A_474 = arith.index_cast %get3A_473 : i32 to index
        %get3A_475 = arith.index_cast %scan3A_77 : i32 to index
        %get3A_476 = arith.constant 0 : index
        %get3A_477 = tpu.vector_load %arg5[%get3A_474, %get3A_475, %get3A_476] {strides = array<i32>} : memref<8x16x256xf32, #tpu.memory_space<vmem>>, vector<1x1x16xf32>,
        %get3A_478 = vector.shape_cast %get3A_477 : vector<1x1x16xf32> to vector<16xf32>
        %get3A_479 = arith.constant 4 : i32
        %get3A_480 = arith.index_cast %get3A_479 : i32 to index
        %get3A_481 = arith.index_cast %scan3A_77 : i32 to index
        %get3A_482 = arith.constant 16 : index
        %get3A_483 = tpu.vector_load %arg5[%get3A_480, %get3A_481, %get3A_482] {strides = array<i32>} : memref<8x16x256xf32, #tpu.memory_space<vmem>>, vector<1x1x16xf32>,
        %get3A_484 = vector.shape_cast %get3A_483 : vector<1x1x16xf32> to vector<16xf32>
        %get3A_485 = arith.constant 4 : i32
        %get3A_486 = arith.index_cast %get3A_485 : i32 to index
        %get3A_487 = arith.index_cast %scan3A_77 : i32 to index
        %get3A_488 = arith.constant 32 : index
        %get3A_489 = tpu.vector_load %arg5[%get3A_486, %get3A_487, %get3A_488] {strides = array<i32>} : memref<8x16x256xf32, #tpu.memory_space<vmem>>, vector<1x1x16xf32>,
        %get3A_490 = vector.shape_cast %get3A_489 : vector<1x1x16xf32> to vector<16xf32>
        %get3A_491 = arith.constant 4 : i32
        %get3A_492 = arith.index_cast %get3A_491 : i32 to index
        %get3A_493 = arith.index_cast %scan3A_77 : i32 to index
        %get3A_494 = arith.constant 48 : index
        %get3A_495 = tpu.vector_load %arg5[%get3A_492, %get3A_493, %get3A_494] {strides = array<i32>} : memref<8x16x256xf32, #tpu.memory_space<vmem>>, vector<1x1x16xf32>,
        %get3A_496 = vector.shape_cast %get3A_495 : vector<1x1x16xf32> to vector<16xf32>
        %get3A_497 = arith.constant 4 : i32
        %get3A_498 = arith.index_cast %get3A_497 : i32 to index
        %get3A_499 = arith.index_cast %scan3A_77 : i32 to index
        %get3A_500 = arith.constant 64 : index
        %get3A_501 = tpu.vector_load %arg5[%get3A_498, %get3A_499, %get3A_500] {strides = array<i32>} : memref<8x16x256xf32, #tpu.memory_space<vmem>>, vector<1x1x16xf32>,
        %get3A_502 = vector.shape_cast %get3A_501 : vector<1x1x16xf32> to vector<16xf32>
        %get3A_503 = arith.constant 4 : i32
        %get3A_504 = arith.index_cast %get3A_503 : i32 to index
        %get3A_505 = arith.index_cast %scan3A_77 : i32 to index
        %get3A_506 = arith.constant 80 : index
        %get3A_507 = tpu.vector_load %arg5[%get3A_504, %get3A_505, %get3A_506] {strides = array<i32>} : memref<8x16x256xf32, #tpu.memory_space<vmem>>, vector<1x1x16xf32>,
        %get3A_508 = vector.shape_cast %get3A_507 : vector<1x1x16xf32> to vector<16xf32>
        %get3A_509 = arith.constant 4 : i32
        %get3A_510 = arith.index_cast %get3A_509 : i32 to index
        %get3A_511 = arith.index_cast %scan3A_77 : i32 to index
        %get3A_512 = arith.constant 96 : index
        %get3A_513 = tpu.vector_load %arg5[%get3A_510, %get3A_511, %get3A_512] {strides = array<i32>} : memref<8x16x256xf32, #tpu.memory_space<vmem>>, vector<1x1x16xf32>,
        %get3A_514 = vector.shape_cast %get3A_513 : vector<1x1x16xf32> to vector<16xf32>
        %get3A_515 = arith.constant 4 : i32
        %get3A_516 = arith.index_cast %get3A_515 : i32 to index
        %get3A_517 = arith.index_cast %scan3A_77 : i32 to index
        %get3A_518 = arith.constant 112 : index
        %get3A_519 = tpu.vector_load %arg5[%get3A_516, %get3A_517, %get3A_518] {strides = array<i32>} : memref<8x16x256xf32, #tpu.memory_space<vmem>>, vector<1x1x16xf32>,
        %get3A_520 = vector.shape_cast %get3A_519 : vector<1x1x16xf32> to vector<16xf32>
        %get3A_521 = arith.constant 4 : i32
        %get3A_522 = arith.index_cast %get3A_521 : i32 to index
        %get3A_523 = arith.index_cast %scan3A_77 : i32 to index
        %get3A_524 = arith.constant 128 : index
        %get3A_525 = tpu.vector_load %arg5[%get3A_522, %get3A_523, %get3A_524] {strides = array<i32>} : memref<8x16x256xf32, #tpu.memory_space<vmem>>, vector<1x1x16xf32>,
        %get3A_526 = vector.shape_cast %get3A_525 : vector<1x1x16xf32> to vector<16xf32>
        %get3A_527 = arith.constant 4 : i32
        %get3A_528 = arith.index_cast %get3A_527 : i32 to index
        %get3A_529 = arith.index_cast %scan3A_77 : i32 to index
        %get3A_530 = arith.constant 144 : index
        %get3A_531 = tpu.vector_load %arg5[%get3A_528, %get3A_529, %get3A_530] {strides = array<i32>} : memref<8x16x256xf32, #tpu.memory_space<vmem>>, vector<1x1x16xf32>,
        %get3A_532 = vector.shape_cast %get3A_531 : vector<1x1x16xf32> to vector<16xf32>
        %get3A_533 = arith.constant 4 : i32
        %get3A_534 = arith.index_cast %get3A_533 : i32 to index
        %get3A_535 = arith.index_cast %scan3A_77 : i32 to index
        %get3A_536 = arith.constant 160 : index
        %get3A_537 = tpu.vector_load %arg5[%get3A_534, %get3A_535, %get3A_536] {strides = array<i32>} : memref<8x16x256xf32, #tpu.memory_space<vmem>>, vector<1x1x16xf32>,
        %get3A_538 = vector.shape_cast %get3A_537 : vector<1x1x16xf32> to vector<16xf32>
        %get3A_539 = arith.constant 4 : i32
        %get3A_540 = arith.index_cast %get3A_539 : i32 to index
        %get3A_541 = arith.index_cast %scan3A_77 : i32 to index
        %get3A_542 = arith.constant 176 : index
        %get3A_543 = tpu.vector_load %arg5[%get3A_540, %get3A_541, %get3A_542] {strides = array<i32>} : memref<8x16x256xf32, #tpu.memory_space<vmem>>, vector<1x1x16xf32>,
        %get3A_544 = vector.shape_cast %get3A_543 : vector<1x1x16xf32> to vector<16xf32>
        %get3A_545 = arith.constant 4 : i32
        %get3A_546 = arith.index_cast %get3A_545 : i32 to index
        %get3A_547 = arith.index_cast %scan3A_77 : i32 to index
        %get3A_548 = arith.constant 192 : index
        %get3A_549 = tpu.vector_load %arg5[%get3A_546, %get3A_547, %get3A_548] {strides = array<i32>} : memref<8x16x256xf32, #tpu.memory_space<vmem>>, vector<1x1x16xf32>,
        %get3A_550 = vector.shape_cast %get3A_549 : vector<1x1x16xf32> to vector<16xf32>
        %get3A_551 = arith.constant 4 : i32
        %get3A_552 = arith.index_cast %get3A_551 : i32 to index
        %get3A_553 = arith.index_cast %scan3A_77 : i32 to index
        %get3A_554 = arith.constant 208 : index
        %get3A_555 = tpu.vector_load %arg5[%get3A_552, %get3A_553, %get3A_554] {strides = array<i32>} : memref<8x16x256xf32, #tpu.memory_space<vmem>>, vector<1x1x16xf32>,
        %get3A_556 = vector.shape_cast %get3A_555 : vector<1x1x16xf32> to vector<16xf32>
        %get3A_557 = arith.constant 4 : i32
        %get3A_558 = arith.index_cast %get3A_557 : i32 to index
        %get3A_559 = arith.index_cast %scan3A_77 : i32 to index
        %get3A_560 = arith.constant 224 : index
        %get3A_561 = tpu.vector_load %arg5[%get3A_558, %get3A_559, %get3A_560] {strides = array<i32>} : memref<8x16x256xf32, #tpu.memory_space<vmem>>, vector<1x1x16xf32>,
        %get3A_562 = vector.shape_cast %get3A_561 : vector<1x1x16xf32> to vector<16xf32>
        %get3A_563 = arith.constant 4 : i32
        %get3A_564 = arith.index_cast %get3A_563 : i32 to index
        %get3A_565 = arith.index_cast %scan3A_77 : i32 to index
        %get3A_566 = arith.constant 240 : index
        %get3A_567 = tpu.vector_load %arg5[%get3A_564, %get3A_565, %get3A_566] {strides = array<i32>} : memref<8x16x256xf32, #tpu.memory_space<vmem>>, vector<1x1x16xf32>,
        %get3A_568 = vector.shape_cast %get3A_567 : vector<1x1x16xf32> to vector<16xf32>
        %get3A_569 = arith.constant 5 : i32
        %get3A_570 = arith.index_cast %get3A_569 : i32 to index
        %get3A_571 = arith.index_cast %scan3A_77 : i32 to index
        %get3A_572 = arith.constant 0 : index
        %get3A_573 = tpu.vector_load %arg5[%get3A_570, %get3A_571, %get3A_572] {strides = array<i32>} : memref<8x16x256xf32, #tpu.memory_space<vmem>>, vector<1x1x16xf32>,
        %get3A_574 = vector.shape_cast %get3A_573 : vector<1x1x16xf32> to vector<16xf32>
        %get3A_575 = arith.constant 5 : i32
        %get3A_576 = arith.index_cast %get3A_575 : i32 to index
        %get3A_577 = arith.index_cast %scan3A_77 : i32 to index
        %get3A_578 = arith.constant 16 : index
        %get3A_579 = tpu.vector_load %arg5[%get3A_576, %get3A_577, %get3A_578] {strides = array<i32>} : memref<8x16x256xf32, #tpu.memory_space<vmem>>, vector<1x1x16xf32>,
        %get3A_580 = vector.shape_cast %get3A_579 : vector<1x1x16xf32> to vector<16xf32>
        %get3A_581 = arith.constant 5 : i32
        %get3A_582 = arith.index_cast %get3A_581 : i32 to index
        %get3A_583 = arith.index_cast %scan3A_77 : i32 to index
        %get3A_584 = arith.constant 32 : index
        %get3A_585 = tpu.vector_load %arg5[%get3A_582, %get3A_583, %get3A_584] {strides = array<i32>} : memref<8x16x256xf32, #tpu.memory_space<vmem>>, vector<1x1x16xf32>,
        %get3A_586 = vector.shape_cast %get3A_585 : vector<1x1x16xf32> to vector<16xf32>
        %get3A_587 = arith.constant 5 : i32
        %get3A_588 = arith.index_cast %get3A_587 : i32 to index
        %get3A_589 = arith.index_cast %scan3A_77 : i32 to index
        %get3A_590 = arith.constant 48 : index
        %get3A_591 = tpu.vector_load %arg5[%get3A_588, %get3A_589, %get3A_590] {strides = array<i32>} : memref<8x16x256xf32, #tpu.memory_space<vmem>>, vector<1x1x16xf32>,
        %get3A_592 = vector.shape_cast %get3A_591 : vector<1x1x16xf32> to vector<16xf32>
        %get3A_593 = arith.constant 5 : i32
        %get3A_594 = arith.index_cast %get3A_593 : i32 to index
        %get3A_595 = arith.index_cast %scan3A_77 : i32 to index
        %get3A_596 = arith.constant 64 : index
        %get3A_597 = tpu.vector_load %arg5[%get3A_594, %get3A_595, %get3A_596] {strides = array<i32>} : memref<8x16x256xf32, #tpu.memory_space<vmem>>, vector<1x1x16xf32>,
        %get3A_598 = vector.shape_cast %get3A_597 : vector<1x1x16xf32> to vector<16xf32>
        %get3A_599 = arith.constant 5 : i32
        %get3A_600 = arith.index_cast %get3A_599 : i32 to index
        %get3A_601 = arith.index_cast %scan3A_77 : i32 to index
        %get3A_602 = arith.constant 80 : index
        %get3A_603 = tpu.vector_load %arg5[%get3A_600, %get3A_601, %get3A_602] {strides = array<i32>} : memref<8x16x256xf32, #tpu.memory_space<vmem>>, vector<1x1x16xf32>,
        %get3A_604 = vector.shape_cast %get3A_603 : vector<1x1x16xf32> to vector<16xf32>
        %get3A_605 = arith.constant 5 : i32
        %get3A_606 = arith.index_cast %get3A_605 : i32 to index
        %get3A_607 = arith.index_cast %scan3A_77 : i32 to index
        %get3A_608 = arith.constant 96 : index
        %get3A_609 = tpu.vector_load %arg5[%get3A_606, %get3A_607, %get3A_608] {strides = array<i32>} : memref<8x16x256xf32, #tpu.memory_space<vmem>>, vector<1x1x16xf32>,
        %get3A_610 = vector.shape_cast %get3A_609 : vector<1x1x16xf32> to vector<16xf32>
        %get3A_611 = arith.constant 5 : i32
        %get3A_612 = arith.index_cast %get3A_611 : i32 to index
        %get3A_613 = arith.index_cast %scan3A_77 : i32 to index
        %get3A_614 = arith.constant 112 : index
        %get3A_615 = tpu.vector_load %arg5[%get3A_612, %get3A_613, %get3A_614] {strides = array<i32>} : memref<8x16x256xf32, #tpu.memory_space<vmem>>, vector<1x1x16xf32>,
        %get3A_616 = vector.shape_cast %get3A_615 : vector<1x1x16xf32> to vector<16xf32>
        %get3A_617 = arith.constant 5 : i32
        %get3A_618 = arith.index_cast %get3A_617 : i32 to index
        %get3A_619 = arith.index_cast %scan3A_77 : i32 to index
        %get3A_620 = arith.constant 128 : index
        %get3A_621 = tpu.vector_load %arg5[%get3A_618, %get3A_619, %get3A_620] {strides = array<i32>} : memref<8x16x256xf32, #tpu.memory_space<vmem>>, vector<1x1x16xf32>,
        %get3A_622 = vector.shape_cast %get3A_621 : vector<1x1x16xf32> to vector<16xf32>
        %get3A_623 = arith.constant 5 : i32
        %get3A_624 = arith.index_cast %get3A_623 : i32 to index
        %get3A_625 = arith.index_cast %scan3A_77 : i32 to index
        %get3A_626 = arith.constant 144 : index
        %get3A_627 = tpu.vector_load %arg5[%get3A_624, %get3A_625, %get3A_626] {strides = array<i32>} : memref<8x16x256xf32, #tpu.memory_space<vmem>>, vector<1x1x16xf32>,
        %get3A_628 = vector.shape_cast %get3A_627 : vector<1x1x16xf32> to vector<16xf32>
        %get3A_629 = arith.constant 5 : i32
        %get3A_630 = arith.index_cast %get3A_629 : i32 to index
        %get3A_631 = arith.index_cast %scan3A_77 : i32 to index
        %get3A_632 = arith.constant 160 : index
        %get3A_633 = tpu.vector_load %arg5[%get3A_630, %get3A_631, %get3A_632] {strides = array<i32>} : memref<8x16x256xf32, #tpu.memory_space<vmem>>, vector<1x1x16xf32>,
        %get3A_634 = vector.shape_cast %get3A_633 : vector<1x1x16xf32> to vector<16xf32>
        %get3A_635 = arith.constant 5 : i32
        %get3A_636 = arith.index_cast %get3A_635 : i32 to index
        %get3A_637 = arith.index_cast %scan3A_77 : i32 to index
        %get3A_638 = arith.constant 176 : index
        %get3A_639 = tpu.vector_load %arg5[%get3A_636, %get3A_637, %get3A_638] {strides = array<i32>} : memref<8x16x256xf32, #tpu.memory_space<vmem>>, vector<1x1x16xf32>,
        %get3A_640 = vector.shape_cast %get3A_639 : vector<1x1x16xf32> to vector<16xf32>
        %get3A_641 = arith.constant 5 : i32
        %get3A_642 = arith.index_cast %get3A_641 : i32 to index
        %get3A_643 = arith.index_cast %scan3A_77 : i32 to index
        %get3A_644 = arith.constant 192 : index
        %get3A_645 = tpu.vector_load %arg5[%get3A_642, %get3A_643, %get3A_644] {strides = array<i32>} : memref<8x16x256xf32, #tpu.memory_space<vmem>>, vector<1x1x16xf32>,
        %get3A_646 = vector.shape_cast %get3A_645 : vector<1x1x16xf32> to vector<16xf32>
        %get3A_647 = arith.constant 5 : i32
        %get3A_648 = arith.index_cast %get3A_647 : i32 to index
        %get3A_649 = arith.index_cast %scan3A_77 : i32 to index
        %get3A_650 = arith.constant 208 : index
        %get3A_651 = tpu.vector_load %arg5[%get3A_648, %get3A_649, %get3A_650] {strides = array<i32>} : memref<8x16x256xf32, #tpu.memory_space<vmem>>, vector<1x1x16xf32>,
        %get3A_652 = vector.shape_cast %get3A_651 : vector<1x1x16xf32> to vector<16xf32>
        %get3A_653 = arith.constant 5 : i32
        %get3A_654 = arith.index_cast %get3A_653 : i32 to index
        %get3A_655 = arith.index_cast %scan3A_77 : i32 to index
        %get3A_656 = arith.constant 224 : index
        %get3A_657 = tpu.vector_load %arg5[%get3A_654, %get3A_655, %get3A_656] {strides = array<i32>} : memref<8x16x256xf32, #tpu.memory_space<vmem>>, vector<1x1x16xf32>,
        %get3A_658 = vector.shape_cast %get3A_657 : vector<1x1x16xf32> to vector<16xf32>
        %get3A_659 = arith.constant 5 : i32
        %get3A_660 = arith.index_cast %get3A_659 : i32 to index
        %get3A_661 = arith.index_cast %scan3A_77 : i32 to index
        %get3A_662 = arith.constant 240 : index
        %get3A_663 = tpu.vector_load %arg5[%get3A_660, %get3A_661, %get3A_662] {strides = array<i32>} : memref<8x16x256xf32, #tpu.memory_space<vmem>>, vector<1x1x16xf32>,
        %get3A_664 = vector.shape_cast %get3A_663 : vector<1x1x16xf32> to vector<16xf32>
        %scan3A_665 = arith.constant 0 : i32
        %scan3A_666 = arith.constant 0 : i32
        %scan3A_667 = arith.constant 32 : i32
        %scan3A_668 = arith.addi %scan3A_666, %scan3A_667 : i32
        %scan3A_669 = arith.constant 1 : i32
        scf.for %scan3A_869 = %scan3A_666 to %scan3A_668 step %scan3A_669  : i32 {
          %mul3A_870 = arith.constant 16 : i32
          %mul3A_871 = arith.muli %scan3A_77, %mul3A_870 : i32
          %get3A_872 = arith.index_cast %scan3A_869 : i32 to index
          %get3A_873 = arith.index_cast %mul3A_871 : i32 to index
          %get3A_874 = tpu.vector_load %arg6[%get3A_872, %get3A_873] {strides = array<i32>} : memref<32x256xf32, #tpu.memory_space<vmem>>, vector<1x16xf32>,
          %get3A_875 = vector.shape_cast %get3A_874 : vector<1x16xf32> to vector<16xf32>
          %slice3A = vector.extract_strided_slice %get3A_875 {offsets = [0], sizes = [1], strides = [1]} : vector<16xf32> to vector<1xf32>
          %squeeze3A = vector.extract %slice3A[0] : f32 from vector<1xf32>
          %slice3A_876 = vector.extract_strided_slice %get3A_875 {offsets = [1], sizes = [1], strides = [1]} : vector<16xf32> to vector<1xf32>
          %squeeze3A_877 = vector.extract %slice3A_876[0] : f32 from vector<1xf32>
          %slice3A_878 = vector.extract_strided_slice %get3A_875 {offsets = [2], sizes = [1], strides = [1]} : vector<16xf32> to vector<1xf32>
          %squeeze3A_879 = vector.extract %slice3A_878[0] : f32 from vector<1xf32>
          %slice3A_880 = vector.extract_strided_slice %get3A_875 {offsets = [3], sizes = [1], strides = [1]} : vector<16xf32> to vector<1xf32>
          %squeeze3A_881 = vector.extract %slice3A_880[0] : f32 from vector<1xf32>
          %slice3A_882 = vector.extract_strided_slice %get3A_875 {offsets = [4], sizes = [1], strides = [1]} : vector<16xf32> to vector<1xf32>
          %squeeze3A_883 = vector.extract %slice3A_882[0] : f32 from vector<1xf32>
          %slice3A_884 = vector.extract_strided_slice %get3A_875 {offsets = [5], sizes = [1], strides = [1]} : vector<16xf32> to vector<1xf32>
          %squeeze3A_885 = vector.extract %slice3A_884[0] : f32 from vector<1xf32>
          %slice3A_886 = vector.extract_strided_slice %get3A_875 {offsets = [6], sizes = [1], strides = [1]} : vector<16xf32> to vector<1xf32>
          %squeeze3A_887 = vector.extract %slice3A_886[0] : f32 from vector<1xf32>
          %slice3A_888 = vector.extract_strided_slice %get3A_875 {offsets = [7], sizes = [1], strides = [1]} : vector<16xf32> to vector<1xf32>
          %squeeze3A_889 = vector.extract %slice3A_888[0] : f32 from vector<1xf32>
          %slice3A_890 = vector.extract_strided_slice %get3A_875 {offsets = [8], sizes = [1], strides = [1]} : vector<16xf32> to vector<1xf32>
          %squeeze3A_891 = vector.extract %slice3A_890[0] : f32 from vector<1xf32>
          %slice3A_892 = vector.extract_strided_slice %get3A_875 {offsets = [9], sizes = [1], strides = [1]} : vector<16xf32> to vector<1xf32>
          %squeeze3A_893 = vector.extract %slice3A_892[0] : f32 from vector<1xf32>
          %slice3A_894 = vector.extract_strided_slice %get3A_875 {offsets = [10], sizes = [1], strides = [1]} : vector<16xf32> to vector<1xf32>
          %squeeze3A_895 = vector.extract %slice3A_894[0] : f32 from vector<1xf32>
          %slice3A_896 = vector.extract_strided_slice %get3A_875 {offsets = [11], sizes = [1], strides = [1]} : vector<16xf32> to vector<1xf32>
          %squeeze3A_897 = vector.extract %slice3A_896[0] : f32 from vector<1xf32>
          %slice3A_898 = vector.extract_strided_slice %get3A_875 {offsets = [12], sizes = [1], strides = [1]} : vector<16xf32> to vector<1xf32>
          %squeeze3A_899 = vector.extract %slice3A_898[0] : f32 from vector<1xf32>
          %slice3A_900 = vector.extract_strided_slice %get3A_875 {offsets = [13], sizes = [1], strides = [1]} : vector<16xf32> to vector<1xf32>
          %squeeze3A_901 = vector.extract %slice3A_900[0] : f32 from vector<1xf32>
          %slice3A_902 = vector.extract_strided_slice %get3A_875 {offsets = [14], sizes = [1], strides = [1]} : vector<16xf32> to vector<1xf32>
          %squeeze3A_903 = vector.extract %slice3A_902[0] : f32 from vector<1xf32>
          %slice3A_904 = vector.extract_strided_slice %get3A_875 {offsets = [15], sizes = [1], strides = [1]} : vector<16xf32> to vector<1xf32>
          %squeeze3A_905 = vector.extract %slice3A_904[0] : f32 from vector<1xf32>
          %mul3A_906 = vector.broadcast %squeeze3A : f32 to vector<16xf32>
          %mul3A_907 = arith.mulf %get3A_478, %mul3A_906 : vector<16xf32>
          %mul3A_908 = vector.broadcast %squeeze3A_877 : f32 to vector<16xf32>
          %mul3A_909 = arith.mulf %get3A_484, %mul3A_908 : vector<16xf32>
          %add3A_910 = arith.addf %mul3A_907, %mul3A_909 : vector<16xf32>
          %mul3A_911 = vector.broadcast %squeeze3A_879 : f32 to vector<16xf32>
          %mul3A_912 = arith.mulf %get3A_490, %mul3A_911 : vector<16xf32>
          %add3A_913 = arith.addf %add3A_910, %mul3A_912 : vector<16xf32>
          %mul3A_914 = vector.broadcast %squeeze3A_881 : f32 to vector<16xf32>
          %mul3A_915 = arith.mulf %get3A_496, %mul3A_914 : vector<16xf32>
          %add3A_916 = arith.addf %add3A_913, %mul3A_915 : vector<16xf32>
          %mul3A_917 = vector.broadcast %squeeze3A_883 : f32 to vector<16xf32>
          %mul3A_918 = arith.mulf %get3A_502, %mul3A_917 : vector<16xf32>
          %add3A_919 = arith.addf %add3A_916, %mul3A_918 : vector<16xf32>
          %mul3A_920 = vector.broadcast %squeeze3A_885 : f32 to vector<16xf32>
          %mul3A_921 = arith.mulf %get3A_508, %mul3A_920 : vector<16xf32>
          %add3A_922 = arith.addf %add3A_919, %mul3A_921 : vector<16xf32>
          %mul3A_923 = vector.broadcast %squeeze3A_887 : f32 to vector<16xf32>
          %mul3A_924 = arith.mulf %get3A_514, %mul3A_923 : vector<16xf32>
          %add3A_925 = arith.addf %add3A_922, %mul3A_924 : vector<16xf32>
          %mul3A_926 = vector.broadcast %squeeze3A_889 : f32 to vector<16xf32>
          %mul3A_927 = arith.mulf %get3A_520, %mul3A_926 : vector<16xf32>
          %add3A_928 = arith.addf %add3A_925, %mul3A_927 : vector<16xf32>
          %mul3A_929 = vector.broadcast %squeeze3A_891 : f32 to vector<16xf32>
          %mul3A_930 = arith.mulf %get3A_526, %mul3A_929 : vector<16xf32>
          %add3A_931 = arith.addf %add3A_928, %mul3A_930 : vector<16xf32>
          %mul3A_932 = vector.broadcast %squeeze3A_893 : f32 to vector<16xf32>
          %mul3A_933 = arith.mulf %get3A_532, %mul3A_932 : vector<16xf32>
          %add3A_934 = arith.addf %add3A_931, %mul3A_933 : vector<16xf32>
          %mul3A_935 = vector.broadcast %squeeze3A_895 : f32 to vector<16xf32>
          %mul3A_936 = arith.mulf %get3A_538, %mul3A_935 : vector<16xf32>
          %add3A_937 = arith.addf %add3A_934, %mul3A_936 : vector<16xf32>
          %mul3A_938 = vector.broadcast %squeeze3A_897 : f32 to vector<16xf32>
          %mul3A_939 = arith.mulf %get3A_544, %mul3A_938 : vector<16xf32>
          %add3A_940 = arith.addf %add3A_937, %mul3A_939 : vector<16xf32>
          %mul3A_941 = vector.broadcast %squeeze3A_899 : f32 to vector<16xf32>
          %mul3A_942 = arith.mulf %get3A_550, %mul3A_941 : vector<16xf32>
          %add3A_943 = arith.addf %add3A_940, %mul3A_942 : vector<16xf32>
          %mul3A_944 = vector.broadcast %squeeze3A_901 : f32 to vector<16xf32>
          %mul3A_945 = arith.mulf %get3A_556, %mul3A_944 : vector<16xf32>
          %add3A_946 = arith.addf %add3A_943, %mul3A_945 : vector<16xf32>
          %mul3A_947 = vector.broadcast %squeeze3A_903 : f32 to vector<16xf32>
          %mul3A_948 = arith.mulf %get3A_562, %mul3A_947 : vector<16xf32>
          %add3A_949 = arith.addf %add3A_946, %mul3A_948 : vector<16xf32>
          %mul3A_950 = vector.broadcast %squeeze3A_905 : f32 to vector<16xf32>
          %mul3A_951 = arith.mulf %get3A_568, %mul3A_950 : vector<16xf32>
          %add3A_952 = arith.addf %add3A_949, %mul3A_951 : vector<16xf32>
          %mul3A_953 = arith.constant 16 : i32
          %mul3A_954 = arith.muli %scan3A_77, %mul3A_953 : i32
          %swap3A = arith.constant 4 : i32
          %swap3A_955 = arith.index_cast %swap3A : i32 to index
          %swap3A_956 = arith.index_cast %scan3A_869 : i32 to index
          %swap3A_957 = arith.index_cast %mul3A_954 : i32 to index
          %swap3A_958 = tpu.vector_load %arg7[%swap3A_955, %swap3A_956, %swap3A_957] {strides = array<i32>} : memref<8x32x256xf32, #tpu.memory_space<vmem>>, vector<1x1x16xf32>,
          %swap3A_959 = vector.shape_cast %swap3A_958 : vector<1x1x16xf32> to vector<16xf32>
          %swap3A_960 = vector.shape_cast %add3A_952 : vector<16xf32> to vector<1x1x16xf32>
          tpu.vector_store %arg7[%swap3A_955, %swap3A_956, %swap3A_957], %swap3A_960 {strides = array<i32>} : memref<8x32x256xf32, #tpu.memory_space<vmem>>, vector<1x1x16xf32>,
          %mul3A_961 = vector.broadcast %squeeze3A : f32 to vector<16xf32>
          %mul3A_962 = arith.mulf %get3A_574, %mul3A_961 : vector<16xf32>
          %mul3A_963 = vector.broadcast %squeeze3A_877 : f32 to vector<16xf32>
          %mul3A_964 = arith.mulf %get3A_580, %mul3A_963 : vector<16xf32>
          %add3A_965 = arith.addf %mul3A_962, %mul3A_964 : vector<16xf32>
          %mul3A_966 = vector.broadcast %squeeze3A_879 : f32 to vector<16xf32>
          %mul3A_967 = arith.mulf %get3A_586, %mul3A_966 : vector<16xf32>
          %add3A_968 = arith.addf %add3A_965, %mul3A_967 : vector<16xf32>
          %mul3A_969 = vector.broadcast %squeeze3A_881 : f32 to vector<16xf32>
          %mul3A_970 = arith.mulf %get3A_592, %mul3A_969 : vector<16xf32>
          %add3A_971 = arith.addf %add3A_968, %mul3A_970 : vector<16xf32>
          %mul3A_972 = vector.broadcast %squeeze3A_883 : f32 to vector<16xf32>
          %mul3A_973 = arith.mulf %get3A_598, %mul3A_972 : vector<16xf32>
          %add3A_974 = arith.addf %add3A_971, %mul3A_973 : vector<16xf32>
          %mul3A_975 = vector.broadcast %squeeze3A_885 : f32 to vector<16xf32>
          %mul3A_976 = arith.mulf %get3A_604, %mul3A_975 : vector<16xf32>
          %add3A_977 = arith.addf %add3A_974, %mul3A_976 : vector<16xf32>
          %mul3A_978 = vector.broadcast %squeeze3A_887 : f32 to vector<16xf32>
          %mul3A_979 = arith.mulf %get3A_610, %mul3A_978 : vector<16xf32>
          %add3A_980 = arith.addf %add3A_977, %mul3A_979 : vector<16xf32>
          %mul3A_981 = vector.broadcast %squeeze3A_889 : f32 to vector<16xf32>
          %mul3A_982 = arith.mulf %get3A_616, %mul3A_981 : vector<16xf32>
          %add3A_983 = arith.addf %add3A_980, %mul3A_982 : vector<16xf32>
          %mul3A_984 = vector.broadcast %squeeze3A_891 : f32 to vector<16xf32>
          %mul3A_985 = arith.mulf %get3A_622, %mul3A_984 : vector<16xf32>
          %add3A_986 = arith.addf %add3A_983, %mul3A_985 : vector<16xf32>
          %mul3A_987 = vector.broadcast %squeeze3A_893 : f32 to vector<16xf32>
          %mul3A_988 = arith.mulf %get3A_628, %mul3A_987 : vector<16xf32>
          %add3A_989 = arith.addf %add3A_986, %mul3A_988 : vector<16xf32>
          %mul3A_990 = vector.broadcast %squeeze3A_895 : f32 to vector<16xf32>
          %mul3A_991 = arith.mulf %get3A_634, %mul3A_990 : vector<16xf32>
          %add3A_992 = arith.addf %add3A_989, %mul3A_991 : vector<16xf32>
          %mul3A_993 = vector.broadcast %squeeze3A_897 : f32 to vector<16xf32>
          %mul3A_994 = arith.mulf %get3A_640, %mul3A_993 : vector<16xf32>
          %add3A_995 = arith.addf %add3A_992, %mul3A_994 : vector<16xf32>
          %mul3A_996 = vector.broadcast %squeeze3A_899 : f32 to vector<16xf32>
          %mul3A_997 = arith.mulf %get3A_646, %mul3A_996 : vector<16xf32>
          %add3A_998 = arith.addf %add3A_995, %mul3A_997 : vector<16xf32>
          %mul3A_999 = vector.broadcast %squeeze3A_901 : f32 to vector<16xf32>
          %mul3A_1000 = arith.mulf %get3A_652, %mul3A_999 : vector<16xf32>
          %add3A_1001 = arith.addf %add3A_998, %mul3A_1000 : vector<16xf32>
          %mul3A_1002 = vector.broadcast %squeeze3A_903 : f32 to vector<16xf32>
          %mul3A_1003 = arith.mulf %get3A_658, %mul3A_1002 : vector<16xf32>
          %add3A_1004 = arith.addf %add3A_1001, %mul3A_1003 : vector<16xf32>
          %mul3A_1005 = vector.broadcast %squeeze3A_905 : f32 to vector<16xf32>
          %mul3A_1006 = arith.mulf %get3A_664, %mul3A_1005 : vector<16xf32>
          %add3A_1007 = arith.addf %add3A_1004, %mul3A_1006 : vector<16xf32>
          %mul3A_1008 = arith.constant 16 : i32
          %mul3A_1009 = arith.muli %scan3A_77, %mul3A_1008 : i32
          %swap3A_1010 = arith.constant 5 : i32
          %swap3A_1011 = arith.index_cast %swap3A_1010 : i32 to index
          %swap3A_1012 = arith.index_cast %scan3A_869 : i32 to index
          %swap3A_1013 = arith.index_cast %mul3A_1009 : i32 to index
          %swap3A_1014 = tpu.vector_load %arg7[%swap3A_1011, %swap3A_1012, %swap3A_1013] {strides = array<i32>} : memref<8x32x256xf32, #tpu.memory_space<vmem>>, vector<1x1x16xf32>,
          %swap3A_1015 = vector.shape_cast %swap3A_1014 : vector<1x1x16xf32> to vector<16xf32>
          %swap3A_1016 = vector.shape_cast %add3A_1007 : vector<16xf32> to vector<1x1x16xf32>
          tpu.vector_store %arg7[%swap3A_1011, %swap3A_1012, %swap3A_1013], %swap3A_1016 {strides = array<i32>} : memref<8x32x256xf32, #tpu.memory_space<vmem>>, vector<1x1x16xf32>,
        }
        %scan3A_670 = arith.constant 32 : i32
        %get3A_671 = arith.constant 6 : i32
        %get3A_672 = arith.index_cast %get3A_671 : i32 to index
        %get3A_673 = arith.index_cast %scan3A_77 : i32 to index
        %get3A_674 = arith.constant 0 : index
        %get3A_675 = tpu.vector_load %arg5[%get3A_672, %get3A_673, %get3A_674] {strides = array<i32>} : memref<8x16x256xf32, #tpu.memory_space<vmem>>, vector<1x1x16xf32>,
        %get3A_676 = vector.shape_cast %get3A_675 : vector<1x1x16xf32> to vector<16xf32>
        %get3A_677 = arith.constant 6 : i32
        %get3A_678 = arith.index_cast %get3A_677 : i32 to index
        %get3A_679 = arith.index_cast %scan3A_77 : i32 to index
        %get3A_680 = arith.constant 16 : index
        %get3A_681 = tpu.vector_load %arg5[%get3A_678, %get3A_679, %get3A_680] {strides = array<i32>} : memref<8x16x256xf32, #tpu.memory_space<vmem>>, vector<1x1x16xf32>,
        %get3A_682 = vector.shape_cast %get3A_681 : vector<1x1x16xf32> to vector<16xf32>
        %get3A_683 = arith.constant 6 : i32
        %get3A_684 = arith.index_cast %get3A_683 : i32 to index
        %get3A_685 = arith.index_cast %scan3A_77 : i32 to index
        %get3A_686 = arith.constant 32 : index
        %get3A_687 = tpu.vector_load %arg5[%get3A_684, %get3A_685, %get3A_686] {strides = array<i32>} : memref<8x16x256xf32, #tpu.memory_space<vmem>>, vector<1x1x16xf32>,
        %get3A_688 = vector.shape_cast %get3A_687 : vector<1x1x16xf32> to vector<16xf32>
        %get3A_689 = arith.constant 6 : i32
        %get3A_690 = arith.index_cast %get3A_689 : i32 to index
        %get3A_691 = arith.index_cast %scan3A_77 : i32 to index
        %get3A_692 = arith.constant 48 : index
        %get3A_693 = tpu.vector_load %arg5[%get3A_690, %get3A_691, %get3A_692] {strides = array<i32>} : memref<8x16x256xf32, #tpu.memory_space<vmem>>, vector<1x1x16xf32>,
        %get3A_694 = vector.shape_cast %get3A_693 : vector<1x1x16xf32> to vector<16xf32>
        %get3A_695 = arith.constant 6 : i32
        %get3A_696 = arith.index_cast %get3A_695 : i32 to index
        %get3A_697 = arith.index_cast %scan3A_77 : i32 to index
        %get3A_698 = arith.constant 64 : index
        %get3A_699 = tpu.vector_load %arg5[%get3A_696, %get3A_697, %get3A_698] {strides = array<i32>} : memref<8x16x256xf32, #tpu.memory_space<vmem>>, vector<1x1x16xf32>,
        %get3A_700 = vector.shape_cast %get3A_699 : vector<1x1x16xf32> to vector<16xf32>
        %get3A_701 = arith.constant 6 : i32
        %get3A_702 = arith.index_cast %get3A_701 : i32 to index
        %get3A_703 = arith.index_cast %scan3A_77 : i32 to index
        %get3A_704 = arith.constant 80 : index
        %get3A_705 = tpu.vector_load %arg5[%get3A_702, %get3A_703, %get3A_704] {strides = array<i32>} : memref<8x16x256xf32, #tpu.memory_space<vmem>>, vector<1x1x16xf32>,
        %get3A_706 = vector.shape_cast %get3A_705 : vector<1x1x16xf32> to vector<16xf32>
        %get3A_707 = arith.constant 6 : i32
        %get3A_708 = arith.index_cast %get3A_707 : i32 to index
        %get3A_709 = arith.index_cast %scan3A_77 : i32 to index
        %get3A_710 = arith.constant 96 : index
        %get3A_711 = tpu.vector_load %arg5[%get3A_708, %get3A_709, %get3A_710] {strides = array<i32>} : memref<8x16x256xf32, #tpu.memory_space<vmem>>, vector<1x1x16xf32>,
        %get3A_712 = vector.shape_cast %get3A_711 : vector<1x1x16xf32> to vector<16xf32>
        %get3A_713 = arith.constant 6 : i32
        %get3A_714 = arith.index_cast %get3A_713 : i32 to index
        %get3A_715 = arith.index_cast %scan3A_77 : i32 to index
        %get3A_716 = arith.constant 112 : index
        %get3A_717 = tpu.vector_load %arg5[%get3A_714, %get3A_715, %get3A_716] {strides = array<i32>} : memref<8x16x256xf32, #tpu.memory_space<vmem>>, vector<1x1x16xf32>,
        %get3A_718 = vector.shape_cast %get3A_717 : vector<1x1x16xf32> to vector<16xf32>
        %get3A_719 = arith.constant 6 : i32
        %get3A_720 = arith.index_cast %get3A_719 : i32 to index
        %get3A_721 = arith.index_cast %scan3A_77 : i32 to index
        %get3A_722 = arith.constant 128 : index
        %get3A_723 = tpu.vector_load %arg5[%get3A_720, %get3A_721, %get3A_722] {strides = array<i32>} : memref<8x16x256xf32, #tpu.memory_space<vmem>>, vector<1x1x16xf32>,
        %get3A_724 = vector.shape_cast %get3A_723 : vector<1x1x16xf32> to vector<16xf32>
        %get3A_725 = arith.constant 6 : i32
        %get3A_726 = arith.index_cast %get3A_725 : i32 to index
        %get3A_727 = arith.index_cast %scan3A_77 : i32 to index
        %get3A_728 = arith.constant 144 : index
        %get3A_729 = tpu.vector_load %arg5[%get3A_726, %get3A_727, %get3A_728] {strides = array<i32>} : memref<8x16x256xf32, #tpu.memory_space<vmem>>, vector<1x1x16xf32>,
        %get3A_730 = vector.shape_cast %get3A_729 : vector<1x1x16xf32> to vector<16xf32>
        %get3A_731 = arith.constant 6 : i32
        %get3A_732 = arith.index_cast %get3A_731 : i32 to index
        %get3A_733 = arith.index_cast %scan3A_77 : i32 to index
        %get3A_734 = arith.constant 160 : index
        %get3A_735 = tpu.vector_load %arg5[%get3A_732, %get3A_733, %get3A_734] {strides = array<i32>} : memref<8x16x256xf32, #tpu.memory_space<vmem>>, vector<1x1x16xf32>,
        %get3A_736 = vector.shape_cast %get3A_735 : vector<1x1x16xf32> to vector<16xf32>
        %get3A_737 = arith.constant 6 : i32
        %get3A_738 = arith.index_cast %get3A_737 : i32 to index
        %get3A_739 = arith.index_cast %scan3A_77 : i32 to index
        %get3A_740 = arith.constant 176 : index
        %get3A_741 = tpu.vector_load %arg5[%get3A_738, %get3A_739, %get3A_740] {strides = array<i32>} : memref<8x16x256xf32, #tpu.memory_space<vmem>>, vector<1x1x16xf32>,
        %get3A_742 = vector.shape_cast %get3A_741 : vector<1x1x16xf32> to vector<16xf32>
        %get3A_743 = arith.constant 6 : i32
        %get3A_744 = arith.index_cast %get3A_743 : i32 to index
        %get3A_745 = arith.index_cast %scan3A_77 : i32 to index
        %get3A_746 = arith.constant 192 : index
        %get3A_747 = tpu.vector_load %arg5[%get3A_744, %get3A_745, %get3A_746] {strides = array<i32>} : memref<8x16x256xf32, #tpu.memory_space<vmem>>, vector<1x1x16xf32>,
        %get3A_748 = vector.shape_cast %get3A_747 : vector<1x1x16xf32> to vector<16xf32>
        %get3A_749 = arith.constant 6 : i32
        %get3A_750 = arith.index_cast %get3A_749 : i32 to index
        %get3A_751 = arith.index_cast %scan3A_77 : i32 to index
        %get3A_752 = arith.constant 208 : index
        %get3A_753 = tpu.vector_load %arg5[%get3A_750, %get3A_751, %get3A_752] {strides = array<i32>} : memref<8x16x256xf32, #tpu.memory_space<vmem>>, vector<1x1x16xf32>,
        %get3A_754 = vector.shape_cast %get3A_753 : vector<1x1x16xf32> to vector<16xf32>
        %get3A_755 = arith.constant 6 : i32
        %get3A_756 = arith.index_cast %get3A_755 : i32 to index
        %get3A_757 = arith.index_cast %scan3A_77 : i32 to index
        %get3A_758 = arith.constant 224 : index
        %get3A_759 = tpu.vector_load %arg5[%get3A_756, %get3A_757, %get3A_758] {strides = array<i32>} : memref<8x16x256xf32, #tpu.memory_space<vmem>>, vector<1x1x16xf32>,
        %get3A_760 = vector.shape_cast %get3A_759 : vector<1x1x16xf32> to vector<16xf32>
        %get3A_761 = arith.constant 6 : i32
        %get3A_762 = arith.index_cast %get3A_761 : i32 to index
        %get3A_763 = arith.index_cast %scan3A_77 : i32 to index
        %get3A_764 = arith.constant 240 : index
        %get3A_765 = tpu.vector_load %arg5[%get3A_762, %get3A_763, %get3A_764] {strides = array<i32>} : memref<8x16x256xf32, #tpu.memory_space<vmem>>, vector<1x1x16xf32>,
        %get3A_766 = vector.shape_cast %get3A_765 : vector<1x1x16xf32> to vector<16xf32>
        %get3A_767 = arith.constant 7 : i32
        %get3A_768 = arith.index_cast %get3A_767 : i32 to index
        %get3A_769 = arith.index_cast %scan3A_77 : i32 to index
        %get3A_770 = arith.constant 0 : index
        %get3A_771 = tpu.vector_load %arg5[%get3A_768, %get3A_769, %get3A_770] {strides = array<i32>} : memref<8x16x256xf32, #tpu.memory_space<vmem>>, vector<1x1x16xf32>,
        %get3A_772 = vector.shape_cast %get3A_771 : vector<1x1x16xf32> to vector<16xf32>
        %get3A_773 = arith.constant 7 : i32
        %get3A_774 = arith.index_cast %get3A_773 : i32 to index
        %get3A_775 = arith.index_cast %scan3A_77 : i32 to index
        %get3A_776 = arith.constant 16 : index
        %get3A_777 = tpu.vector_load %arg5[%get3A_774, %get3A_775, %get3A_776] {strides = array<i32>} : memref<8x16x256xf32, #tpu.memory_space<vmem>>, vector<1x1x16xf32>,
        %get3A_778 = vector.shape_cast %get3A_777 : vector<1x1x16xf32> to vector<16xf32>
        %get3A_779 = arith.constant 7 : i32
        %get3A_780 = arith.index_cast %get3A_779 : i32 to index
        %get3A_781 = arith.index_cast %scan3A_77 : i32 to index
        %get3A_782 = arith.constant 32 : index
        %get3A_783 = tpu.vector_load %arg5[%get3A_780, %get3A_781, %get3A_782] {strides = array<i32>} : memref<8x16x256xf32, #tpu.memory_space<vmem>>, vector<1x1x16xf32>,
        %get3A_784 = vector.shape_cast %get3A_783 : vector<1x1x16xf32> to vector<16xf32>
        %get3A_785 = arith.constant 7 : i32
        %get3A_786 = arith.index_cast %get3A_785 : i32 to index
        %get3A_787 = arith.index_cast %scan3A_77 : i32 to index
        %get3A_788 = arith.constant 48 : index
        %get3A_789 = tpu.vector_load %arg5[%get3A_786, %get3A_787, %get3A_788] {strides = array<i32>} : memref<8x16x256xf32, #tpu.memory_space<vmem>>, vector<1x1x16xf32>,
        %get3A_790 = vector.shape_cast %get3A_789 : vector<1x1x16xf32> to vector<16xf32>
        %get3A_791 = arith.constant 7 : i32
        %get3A_792 = arith.index_cast %get3A_791 : i32 to index
        %get3A_793 = arith.index_cast %scan3A_77 : i32 to index
        %get3A_794 = arith.constant 64 : index
        %get3A_795 = tpu.vector_load %arg5[%get3A_792, %get3A_793, %get3A_794] {strides = array<i32>} : memref<8x16x256xf32, #tpu.memory_space<vmem>>, vector<1x1x16xf32>,
        %get3A_796 = vector.shape_cast %get3A_795 : vector<1x1x16xf32> to vector<16xf32>
        %get3A_797 = arith.constant 7 : i32
        %get3A_798 = arith.index_cast %get3A_797 : i32 to index
        %get3A_799 = arith.index_cast %scan3A_77 : i32 to index
        %get3A_800 = arith.constant 80 : index
        %get3A_801 = tpu.vector_load %arg5[%get3A_798, %get3A_799, %get3A_800] {strides = array<i32>} : memref<8x16x256xf32, #tpu.memory_space<vmem>>, vector<1x1x16xf32>,
        %get3A_802 = vector.shape_cast %get3A_801 : vector<1x1x16xf32> to vector<16xf32>
        %get3A_803 = arith.constant 7 : i32
        %get3A_804 = arith.index_cast %get3A_803 : i32 to index
        %get3A_805 = arith.index_cast %scan3A_77 : i32 to index
        %get3A_806 = arith.constant 96 : index
        %get3A_807 = tpu.vector_load %arg5[%get3A_804, %get3A_805, %get3A_806] {strides = array<i32>} : memref<8x16x256xf32, #tpu.memory_space<vmem>>, vector<1x1x16xf32>,
        %get3A_808 = vector.shape_cast %get3A_807 : vector<1x1x16xf32> to vector<16xf32>
        %get3A_809 = arith.constant 7 : i32
        %get3A_810 = arith.index_cast %get3A_809 : i32 to index
        %get3A_811 = arith.index_cast %scan3A_77 : i32 to index
        %get3A_812 = arith.constant 112 : index
        %get3A_813 = tpu.vector_load %arg5[%get3A_810, %get3A_811, %get3A_812] {strides = array<i32>} : memref<8x16x256xf32, #tpu.memory_space<vmem>>, vector<1x1x16xf32>,
        %get3A_814 = vector.shape_cast %get3A_813 : vector<1x1x16xf32> to vector<16xf32>
        %get3A_815 = arith.constant 7 : i32
        %get3A_816 = arith.index_cast %get3A_815 : i32 to index
        %get3A_817 = arith.index_cast %scan3A_77 : i32 to index
        %get3A_818 = arith.constant 128 : index
        %get3A_819 = tpu.vector_load %arg5[%get3A_816, %get3A_817, %get3A_818] {strides = array<i32>} : memref<8x16x256xf32, #tpu.memory_space<vmem>>, vector<1x1x16xf32>,
        %get3A_820 = vector.shape_cast %get3A_819 : vector<1x1x16xf32> to vector<16xf32>
        %get3A_821 = arith.constant 7 : i32
        %get3A_822 = arith.index_cast %get3A_821 : i32 to index
        %get3A_823 = arith.index_cast %scan3A_77 : i32 to index
        %get3A_824 = arith.constant 144 : index
        %get3A_825 = tpu.vector_load %arg5[%get3A_822, %get3A_823, %get3A_824] {strides = array<i32>} : memref<8x16x256xf32, #tpu.memory_space<vmem>>, vector<1x1x16xf32>,
        %get3A_826 = vector.shape_cast %get3A_825 : vector<1x1x16xf32> to vector<16xf32>
        %get3A_827 = arith.constant 7 : i32
        %get3A_828 = arith.index_cast %get3A_827 : i32 to index
        %get3A_829 = arith.index_cast %scan3A_77 : i32 to index
        %get3A_830 = arith.constant 160 : index
        %get3A_831 = tpu.vector_load %arg5[%get3A_828, %get3A_829, %get3A_830] {strides = array<i32>} : memref<8x16x256xf32, #tpu.memory_space<vmem>>, vector<1x1x16xf32>,
        %get3A_832 = vector.shape_cast %get3A_831 : vector<1x1x16xf32> to vector<16xf32>
        %get3A_833 = arith.constant 7 : i32
        %get3A_834 = arith.index_cast %get3A_833 : i32 to index
        %get3A_835 = arith.index_cast %scan3A_77 : i32 to index
        %get3A_836 = arith.constant 176 : index
        %get3A_837 = tpu.vector_load %arg5[%get3A_834, %get3A_835, %get3A_836] {strides = array<i32>} : memref<8x16x256xf32, #tpu.memory_space<vmem>>, vector<1x1x16xf32>,
        %get3A_838 = vector.shape_cast %get3A_837 : vector<1x1x16xf32> to vector<16xf32>
        %get3A_839 = arith.constant 7 : i32
        %get3A_840 = arith.index_cast %get3A_839 : i32 to index
        %get3A_841 = arith.index_cast %scan3A_77 : i32 to index
        %get3A_842 = arith.constant 192 : index
        %get3A_843 = tpu.vector_load %arg5[%get3A_840, %get3A_841, %get3A_842] {strides = array<i32>} : memref<8x16x256xf32, #tpu.memory_space<vmem>>, vector<1x1x16xf32>,
        %get3A_844 = vector.shape_cast %get3A_843 : vector<1x1x16xf32> to vector<16xf32>
        %get3A_845 = arith.constant 7 : i32
        %get3A_846 = arith.index_cast %get3A_845 : i32 to index
        %get3A_847 = arith.index_cast %scan3A_77 : i32 to index
        %get3A_848 = arith.constant 208 : index
        %get3A_849 = tpu.vector_load %arg5[%get3A_846, %get3A_847, %get3A_848] {strides = array<i32>} : memref<8x16x256xf32, #tpu.memory_space<vmem>>, vector<1x1x16xf32>,
        %get3A_850 = vector.shape_cast %get3A_849 : vector<1x1x16xf32> to vector<16xf32>
        %get3A_851 = arith.constant 7 : i32
        %get3A_852 = arith.index_cast %get3A_851 : i32 to index
        %get3A_853 = arith.index_cast %scan3A_77 : i32 to index
        %get3A_854 = arith.constant 224 : index
        %get3A_855 = tpu.vector_load %arg5[%get3A_852, %get3A_853, %get3A_854] {strides = array<i32>} : memref<8x16x256xf32, #tpu.memory_space<vmem>>, vector<1x1x16xf32>,
        %get3A_856 = vector.shape_cast %get3A_855 : vector<1x1x16xf32> to vector<16xf32>
        %get3A_857 = arith.constant 7 : i32
        %get3A_858 = arith.index_cast %get3A_857 : i32 to index
        %get3A_859 = arith.index_cast %scan3A_77 : i32 to index
        %get3A_860 = arith.constant 240 : index
        %get3A_861 = tpu.vector_load %arg5[%get3A_858, %get3A_859, %get3A_860] {strides = array<i32>} : memref<8x16x256xf32, #tpu.memory_space<vmem>>, vector<1x1x16xf32>,
        %get3A_862 = vector.shape_cast %get3A_861 : vector<1x1x16xf32> to vector<16xf32>
        %scan3A_863 = arith.constant 0 : i32
        %scan3A_864 = arith.constant 0 : i32
        %scan3A_865 = arith.constant 32 : i32
        %scan3A_866 = arith.addi %scan3A_864, %scan3A_865 : i32
        %scan3A_867 = arith.constant 1 : i32
        scf.for %scan3A_869 = %scan3A_864 to %scan3A_866 step %scan3A_867  : i32 {
          %mul3A_870 = arith.constant 16 : i32
          %mul3A_871 = arith.muli %scan3A_77, %mul3A_870 : i32
          %get3A_872 = arith.index_cast %scan3A_869 : i32 to index
          %get3A_873 = arith.index_cast %mul3A_871 : i32 to index
          %get3A_874 = tpu.vector_load %arg6[%get3A_872, %get3A_873] {strides = array<i32>} : memref<32x256xf32, #tpu.memory_space<vmem>>, vector<1x16xf32>,
          %get3A_875 = vector.shape_cast %get3A_874 : vector<1x16xf32> to vector<16xf32>
          %slice3A = vector.extract_strided_slice %get3A_875 {offsets = [0], sizes = [1], strides = [1]} : vector<16xf32> to vector<1xf32>
          %squeeze3A = vector.extract %slice3A[0] : f32 from vector<1xf32>
          %slice3A_876 = vector.extract_strided_slice %get3A_875 {offsets = [1], sizes = [1], strides = [1]} : vector<16xf32> to vector<1xf32>
          %squeeze3A_877 = vector.extract %slice3A_876[0] : f32 from vector<1xf32>
          %slice3A_878 = vector.extract_strided_slice %get3A_875 {offsets = [2], sizes = [1], strides = [1]} : vector<16xf32> to vector<1xf32>
          %squeeze3A_879 = vector.extract %slice3A_878[0] : f32 from vector<1xf32>
          %slice3A_880 = vector.extract_strided_slice %get3A_875 {offsets = [3], sizes = [1], strides = [1]} : vector<16xf32> to vector<1xf32>
          %squeeze3A_881 = vector.extract %slice3A_880[0] : f32 from vector<1xf32>
          %slice3A_882 = vector.extract_strided_slice %get3A_875 {offsets = [4], sizes = [1], strides = [1]} : vector<16xf32> to vector<1xf32>
          %squeeze3A_883 = vector.extract %slice3A_882[0] : f32 from vector<1xf32>
          %slice3A_884 = vector.extract_strided_slice %get3A_875 {offsets = [5], sizes = [1], strides = [1]} : vector<16xf32> to vector<1xf32>
          %squeeze3A_885 = vector.extract %slice3A_884[0] : f32 from vector<1xf32>
          %slice3A_886 = vector.extract_strided_slice %get3A_875 {offsets = [6], sizes = [1], strides = [1]} : vector<16xf32> to vector<1xf32>
          %squeeze3A_887 = vector.extract %slice3A_886[0] : f32 from vector<1xf32>
          %slice3A_888 = vector.extract_strided_slice %get3A_875 {offsets = [7], sizes = [1], strides = [1]} : vector<16xf32> to vector<1xf32>
          %squeeze3A_889 = vector.extract %slice3A_888[0] : f32 from vector<1xf32>
          %slice3A_890 = vector.extract_strided_slice %get3A_875 {offsets = [8], sizes = [1], strides = [1]} : vector<16xf32> to vector<1xf32>
          %squeeze3A_891 = vector.extract %slice3A_890[0] : f32 from vector<1xf32>
          %slice3A_892 = vector.extract_strided_slice %get3A_875 {offsets = [9], sizes = [1], strides = [1]} : vector<16xf32> to vector<1xf32>
          %squeeze3A_893 = vector.extract %slice3A_892[0] : f32 from vector<1xf32>
          %slice3A_894 = vector.extract_strided_slice %get3A_875 {offsets = [10], sizes = [1], strides = [1]} : vector<16xf32> to vector<1xf32>
          %squeeze3A_895 = vector.extract %slice3A_894[0] : f32 from vector<1xf32>
          %slice3A_896 = vector.extract_strided_slice %get3A_875 {offsets = [11], sizes = [1], strides = [1]} : vector<16xf32> to vector<1xf32>
          %squeeze3A_897 = vector.extract %slice3A_896[0] : f32 from vector<1xf32>
          %slice3A_898 = vector.extract_strided_slice %get3A_875 {offsets = [12], sizes = [1], strides = [1]} : vector<16xf32> to vector<1xf32>
          %squeeze3A_899 = vector.extract %slice3A_898[0] : f32 from vector<1xf32>
          %slice3A_900 = vector.extract_strided_slice %get3A_875 {offsets = [13], sizes = [1], strides = [1]} : vector<16xf32> to vector<1xf32>
          %squeeze3A_901 = vector.extract %slice3A_900[0] : f32 from vector<1xf32>
          %slice3A_902 = vector.extract_strided_slice %get3A_875 {offsets = [14], sizes = [1], strides = [1]} : vector<16xf32> to vector<1xf32>
          %squeeze3A_903 = vector.extract %slice3A_902[0] : f32 from vector<1xf32>
          %slice3A_904 = vector.extract_strided_slice %get3A_875 {offsets = [15], sizes = [1], strides = [1]} : vector<16xf32> to vector<1xf32>
          %squeeze3A_905 = vector.extract %slice3A_904[0] : f32 from vector<1xf32>
          %mul3A_906 = vector.broadcast %squeeze3A : f32 to vector<16xf32>
          %mul3A_907 = arith.mulf %get3A_676, %mul3A_906 : vector<16xf32>
          %mul3A_908 = vector.broadcast %squeeze3A_877 : f32 to vector<16xf32>
          %mul3A_909 = arith.mulf %get3A_682, %mul3A_908 : vector<16xf32>
          %add3A_910 = arith.addf %mul3A_907, %mul3A_909 : vector<16xf32>
          %mul3A_911 = vector.broadcast %squeeze3A_879 : f32 to vector<16xf32>
          %mul3A_912 = arith.mulf %get3A_688, %mul3A_911 : vector<16xf32>
          %add3A_913 = arith.addf %add3A_910, %mul3A_912 : vector<16xf32>
          %mul3A_914 = vector.broadcast %squeeze3A_881 : f32 to vector<16xf32>
          %mul3A_915 = arith.mulf %get3A_694, %mul3A_914 : vector<16xf32>
          %add3A_916 = arith.addf %add3A_913, %mul3A_915 : vector<16xf32>
          %mul3A_917 = vector.broadcast %squeeze3A_883 : f32 to vector<16xf32>
          %mul3A_918 = arith.mulf %get3A_700, %mul3A_917 : vector<16xf32>
          %add3A_919 = arith.addf %add3A_916, %mul3A_918 : vector<16xf32>
          %mul3A_920 = vector.broadcast %squeeze3A_885 : f32 to vector<16xf32>
          %mul3A_921 = arith.mulf %get3A_706, %mul3A_920 : vector<16xf32>
          %add3A_922 = arith.addf %add3A_919, %mul3A_921 : vector<16xf32>
          %mul3A_923 = vector.broadcast %squeeze3A_887 : f32 to vector<16xf32>
          %mul3A_924 = arith.mulf %get3A_712, %mul3A_923 : vector<16xf32>
          %add3A_925 = arith.addf %add3A_922, %mul3A_924 : vector<16xf32>
          %mul3A_926 = vector.broadcast %squeeze3A_889 : f32 to vector<16xf32>
          %mul3A_927 = arith.mulf %get3A_718, %mul3A_926 : vector<16xf32>
          %add3A_928 = arith.addf %add3A_925, %mul3A_927 : vector<16xf32>
          %mul3A_929 = vector.broadcast %squeeze3A_891 : f32 to vector<16xf32>
          %mul3A_930 = arith.mulf %get3A_724, %mul3A_929 : vector<16xf32>
          %add3A_931 = arith.addf %add3A_928, %mul3A_930 : vector<16xf32>
          %mul3A_932 = vector.broadcast %squeeze3A_893 : f32 to vector<16xf32>
          %mul3A_933 = arith.mulf %get3A_730, %mul3A_932 : vector<16xf32>
          %add3A_934 = arith.addf %add3A_931, %mul3A_933 : vector<16xf32>
          %mul3A_935 = vector.broadcast %squeeze3A_895 : f32 to vector<16xf32>
          %mul3A_936 = arith.mulf %get3A_736, %mul3A_935 : vector<16xf32>
          %add3A_937 = arith.addf %add3A_934, %mul3A_936 : vector<16xf32>
          %mul3A_938 = vector.broadcast %squeeze3A_897 : f32 to vector<16xf32>
          %mul3A_939 = arith.mulf %get3A_742, %mul3A_938 : vector<16xf32>
          %add3A_940 = arith.addf %add3A_937, %mul3A_939 : vector<16xf32>
          %mul3A_941 = vector.broadcast %squeeze3A_899 : f32 to vector<16xf32>
          %mul3A_942 = arith.mulf %get3A_748, %mul3A_941 : vector<16xf32>
          %add3A_943 = arith.addf %add3A_940, %mul3A_942 : vector<16xf32>
          %mul3A_944 = vector.broadcast %squeeze3A_901 : f32 to vector<16xf32>
          %mul3A_945 = arith.mulf %get3A_754, %mul3A_944 : vector<16xf32>
          %add3A_946 = arith.addf %add3A_943, %mul3A_945 : vector<16xf32>
          %mul3A_947 = vector.broadcast %squeeze3A_903 : f32 to vector<16xf32>
          %mul3A_948 = arith.mulf %get3A_760, %mul3A_947 : vector<16xf32>
          %add3A_949 = arith.addf %add3A_946, %mul3A_948 : vector<16xf32>
          %mul3A_950 = vector.broadcast %squeeze3A_905 : f32 to vector<16xf32>
          %mul3A_951 = arith.mulf %get3A_766, %mul3A_950 : vector<16xf32>
          %add3A_952 = arith.addf %add3A_949, %mul3A_951 : vector<16xf32>
          %mul3A_953 = arith.constant 16 : i32
          %mul3A_954 = arith.muli %scan3A_77, %mul3A_953 : i32
          %swap3A = arith.constant 6 : i32
          %swap3A_955 = arith.index_cast %swap3A : i32 to index
          %swap3A_956 = arith.index_cast %scan3A_869 : i32 to index
          %swap3A_957 = arith.index_cast %mul3A_954 : i32 to index
          %swap3A_958 = tpu.vector_load %arg7[%swap3A_955, %swap3A_956, %swap3A_957] {strides = array<i32>} : memref<8x32x256xf32, #tpu.memory_space<vmem>>, vector<1x1x16xf32>,
          %swap3A_959 = vector.shape_cast %swap3A_958 : vector<1x1x16xf32> to vector<16xf32>
          %swap3A_960 = vector.shape_cast %add3A_952 : vector<16xf32> to vector<1x1x16xf32>
          tpu.vector_store %arg7[%swap3A_955, %swap3A_956, %swap3A_957], %swap3A_960 {strides = array<i32>} : memref<8x32x256xf32, #tpu.memory_space<vmem>>, vector<1x1x16xf32>,
          %mul3A_961 = vector.broadcast %squeeze3A : f32 to vector<16xf32>
          %mul3A_962 = arith.mulf %get3A_772, %mul3A_961 : vector<16xf32>
          %mul3A_963 = vector.broadcast %squeeze3A_877 : f32 to vector<16xf32>
          %mul3A_964 = arith.mulf %get3A_778, %mul3A_963 : vector<16xf32>
          %add3A_965 = arith.addf %mul3A_962, %mul3A_964 : vector<16xf32>
          %mul3A_966 = vector.broadcast %squeeze3A_879 : f32 to vector<16xf32>
          %mul3A_967 = arith.mulf %get3A_784, %mul3A_966 : vector<16xf32>
          %add3A_968 = arith.addf %add3A_965, %mul3A_967 : vector<16xf32>
          %mul3A_969 = vector.broadcast %squeeze3A_881 : f32 to vector<16xf32>
          %mul3A_970 = arith.mulf %get3A_790, %mul3A_969 : vector<16xf32>
          %add3A_971 = arith.addf %add3A_968, %mul3A_970 : vector<16xf32>
          %mul3A_972 = vector.broadcast %squeeze3A_883 : f32 to vector<16xf32>
          %mul3A_973 = arith.mulf %get3A_796, %mul3A_972 : vector<16xf32>
          %add3A_974 = arith.addf %add3A_971, %mul3A_973 : vector<16xf32>
          %mul3A_975 = vector.broadcast %squeeze3A_885 : f32 to vector<16xf32>
          %mul3A_976 = arith.mulf %get3A_802, %mul3A_975 : vector<16xf32>
          %add3A_977 = arith.addf %add3A_974, %mul3A_976 : vector<16xf32>
          %mul3A_978 = vector.broadcast %squeeze3A_887 : f32 to vector<16xf32>
          %mul3A_979 = arith.mulf %get3A_808, %mul3A_978 : vector<16xf32>
          %add3A_980 = arith.addf %add3A_977, %mul3A_979 : vector<16xf32>
          %mul3A_981 = vector.broadcast %squeeze3A_889 : f32 to vector<16xf32>
          %mul3A_982 = arith.mulf %get3A_814, %mul3A_981 : vector<16xf32>
          %add3A_983 = arith.addf %add3A_980, %mul3A_982 : vector<16xf32>
          %mul3A_984 = vector.broadcast %squeeze3A_891 : f32 to vector<16xf32>
          %mul3A_985 = arith.mulf %get3A_820, %mul3A_984 : vector<16xf32>
          %add3A_986 = arith.addf %add3A_983, %mul3A_985 : vector<16xf32>
          %mul3A_987 = vector.broadcast %squeeze3A_893 : f32 to vector<16xf32>
          %mul3A_988 = arith.mulf %get3A_826, %mul3A_987 : vector<16xf32>
          %add3A_989 = arith.addf %add3A_986, %mul3A_988 : vector<16xf32>
          %mul3A_990 = vector.broadcast %squeeze3A_895 : f32 to vector<16xf32>
          %mul3A_991 = arith.mulf %get3A_832, %mul3A_990 : vector<16xf32>
          %add3A_992 = arith.addf %add3A_989, %mul3A_991 : vector<16xf32>
          %mul3A_993 = vector.broadcast %squeeze3A_897 : f32 to vector<16xf32>
          %mul3A_994 = arith.mulf %get3A_838, %mul3A_993 : vector<16xf32>
          %add3A_995 = arith.addf %add3A_992, %mul3A_994 : vector<16xf32>
          %mul3A_996 = vector.broadcast %squeeze3A_899 : f32 to vector<16xf32>
          %mul3A_997 = arith.mulf %get3A_844, %mul3A_996 : vector<16xf32>
          %add3A_998 = arith.addf %add3A_995, %mul3A_997 : vector<16xf32>
          %mul3A_999 = vector.broadcast %squeeze3A_901 : f32 to vector<16xf32>
          %mul3A_1000 = arith.mulf %get3A_850, %mul3A_999 : vector<16xf32>
          %add3A_1001 = arith.addf %add3A_998, %mul3A_1000 : vector<16xf32>
          %mul3A_1002 = vector.broadcast %squeeze3A_903 : f32 to vector<16xf32>
          %mul3A_1003 = arith.mulf %get3A_856, %mul3A_1002 : vector<16xf32>
          %add3A_1004 = arith.addf %add3A_1001, %mul3A_1003 : vector<16xf32>
          %mul3A_1005 = vector.broadcast %squeeze3A_905 : f32 to vector<16xf32>
          %mul3A_1006 = arith.mulf %get3A_862, %mul3A_1005 : vector<16xf32>
          %add3A_1007 = arith.addf %add3A_1004, %mul3A_1006 : vector<16xf32>
          %mul3A_1008 = arith.constant 16 : i32
          %mul3A_1009 = arith.muli %scan3A_77, %mul3A_1008 : i32
          %swap3A_1010 = arith.constant 7 : i32
          %swap3A_1011 = arith.index_cast %swap3A_1010 : i32 to index
          %swap3A_1012 = arith.index_cast %scan3A_869 : i32 to index
          %swap3A_1013 = arith.index_cast %mul3A_1009 : i32 to index
          %swap3A_1014 = tpu.vector_load %arg7[%swap3A_1011, %swap3A_1012, %swap3A_1013] {strides = array<i32>} : memref<8x32x256xf32, #tpu.memory_space<vmem>>, vector<1x1x16xf32>,
          %swap3A_1015 = vector.shape_cast %swap3A_1014 : vector<1x1x16xf32> to vector<16xf32>
          %swap3A_1016 = vector.shape_cast %add3A_1007 : vector<16xf32> to vector<1x1x16xf32>
          tpu.vector_store %arg7[%swap3A_1011, %swap3A_1012, %swap3A_1013], %swap3A_1016 {strides = array<i32>} : memref<8x32x256xf32, #tpu.memory_space<vmem>>, vector<1x1x16xf32>,
        }
        %scan3A_868 = arith.constant 32 : i32
      }
      %scan3A_45 = arith.constant 16 : i32
      %mul3A_46 = arith.constant 16 : i32
      %mul3A_47 = arith.muli %mul3A_3, %mul3A_46 : i32
      %run_scoped3A = arith.constant 0 : i32
      %run_scoped3A_48 = arith.constant 0 : i32
      "tpu.region"() ({
        %run_scoped3A_77 = tpu.sem_alloc : memref<!tpu.dma_semaphore, #tpu.memory_space<semaphore_mem>>
        %dma_start3A = arith.constant 0 : i32
        %dma_start3A_78 = arith.constant 0 : i32
        %dma_start3A_79 = tpu.memref_slice %arg7[%run_scoped3A, %dma_start3A, %dma_start3A_78] : memref<8x32x256xf32, #tpu.memory_space<vmem>> -> memref<1x32x256xf32, #tpu.memory_space<vmem>>
        %dma_start3A_80 = tpu.memref_squeeze %dma_start3A_79 : memref<1x32x256xf32, #tpu.memory_space<vmem>> -> memref<32x256xf32, #tpu.memory_space<vmem>>
        %dma_start3A_81 = tpu.memref_slice %arg4[%add3A_37, %run_scoped3A_48, %mul3A_47] : memref<4096x8x1024xf32, #tpu.memory_space<hbm>> -> memref<32x1x256xf32, #tpu.memory_space<hbm>>
        %dma_start3A_82 = tpu.memref_squeeze %dma_start3A_81 : memref<32x1x256xf32, #tpu.memory_space<hbm>> -> memref<32x256xf32, #tpu.memory_space<hbm>>
        %dma_start3A_83 = tpu.memref_slice %arg4[%add3A_37, %run_scoped3A_48, %mul3A_47] : memref<4096x8x1024xf32, #tpu.memory_space<hbm>> -> memref<32x1x256xf32, #tpu.memory_space<hbm>>
        %dma_start3A_84 = tpu.memref_squeeze %dma_start3A_83 : memref<32x1x256xf32, #tpu.memory_space<hbm>> -> memref<32x256xf32, #tpu.memory_space<hbm>>
        %dma_start3A_85 = arith.constant 0 : i32
        %dma_start3A_86 = arith.constant 0 : i32
        %dma_start3A_87 = tpu.memref_slice %arg7[%run_scoped3A, %dma_start3A_85, %dma_start3A_86] : memref<8x32x256xf32, #tpu.memory_space<vmem>> -> memref<1x32x256xf32, #tpu.memory_space<vmem>>
        %dma_start3A_88 = tpu.memref_squeeze %dma_start3A_87 : memref<1x32x256xf32, #tpu.memory_space<vmem>> -> memref<32x256xf32, #tpu.memory_space<vmem>>
        tpu.enqueue_dma source(%dma_start3A_88 : memref<32x256xf32, #tpu.memory_space<vmem>>) target(%dma_start3A_84 : memref<32x256xf32, #tpu.memory_space<hbm>>) target_semaphore(%run_scoped3A_77 : memref<!tpu.dma_semaphore, #tpu.memory_space<semaphore_mem>>)
        %dma_wait3A = arith.constant 0 : i32
        %dma_wait3A_89 = arith.constant 0 : i32
        %dma_wait3A_90 = tpu.memref_slice %arg7[%run_scoped3A, %dma_wait3A, %dma_wait3A_89] : memref<8x32x256xf32, #tpu.memory_space<vmem>> -> memref<1x32x256xf32, #tpu.memory_space<vmem>>
        %dma_wait3A_91 = tpu.memref_squeeze %dma_wait3A_90 : memref<1x32x256xf32, #tpu.memory_space<vmem>> -> memref<32x256xf32, #tpu.memory_space<vmem>>
        %dma_wait3A_92 = tpu.memref_slice %arg4[%add3A_37, %run_scoped3A_48, %mul3A_47] : memref<4096x8x1024xf32, #tpu.memory_space<hbm>> -> memref<32x1x256xf32, #tpu.memory_space<hbm>>
        %dma_wait3A_93 = tpu.memref_squeeze %dma_wait3A_92 : memref<32x1x256xf32, #tpu.memory_space<hbm>> -> memref<32x256xf32, #tpu.memory_space<hbm>>
        %dma_wait3A_94 = tpu.memref_slice %arg4[%add3A_37, %run_scoped3A_48, %mul3A_47] : memref<4096x8x1024xf32, #tpu.memory_space<hbm>> -> memref<32x1x256xf32, #tpu.memory_space<hbm>>
        %dma_wait3A_95 = tpu.memref_squeeze %dma_wait3A_94 : memref<32x1x256xf32, #tpu.memory_space<hbm>> -> memref<32x256xf32, #tpu.memory_space<hbm>>
        %dma_wait3A_96 = arith.constant 0 : i32
        %dma_wait3A_97 = arith.constant 0 : i32
        %dma_wait3A_98 = tpu.memref_slice %arg7[%run_scoped3A, %dma_wait3A_96, %dma_wait3A_97] : memref<8x32x256xf32, #tpu.memory_space<vmem>> -> memref<1x32x256xf32, #tpu.memory_space<vmem>>
        %dma_wait3A_99 = tpu.memref_squeeze %dma_wait3A_98 : memref<1x32x256xf32, #tpu.memory_space<vmem>> -> memref<32x256xf32, #tpu.memory_space<vmem>>
        tpu.wait_dma2 semaphore(%run_scoped3A_77 : memref<!tpu.dma_semaphore, #tpu.memory_space<semaphore_mem>>) src(%dma_wait3A_99 : memref<32x256xf32, #tpu.memory_space<vmem>>) dst(%dma_wait3A_95 : memref<32x256xf32, #tpu.memory_space<hbm>>)
        tpu.yield
      }) : () -> ()
      %mul3A_49 = arith.constant 16 : i32
      %mul3A_50 = arith.muli %mul3A_3, %mul3A_49 : i32
      %run_scoped3A_51 = arith.constant 1 : i32
      %run_scoped3A_52 = arith.constant 1 : i32
      "tpu.region"() ({
        %run_scoped3A_77 = tpu.sem_alloc : memref<!tpu.dma_semaphore, #tpu.memory_space<semaphore_mem>>
        %dma_start3A = arith.constant 0 : i32
        %dma_start3A_78 = arith.constant 0 : i32
        %dma_start3A_79 = tpu.memref_slice %arg7[%run_scoped3A_51, %dma_start3A, %dma_start3A_78] : memref<8x32x256xf32, #tpu.memory_space<vmem>> -> memref<1x32x256xf32, #tpu.memory_space<vmem>>
        %dma_start3A_80 = tpu.memref_squeeze %dma_start3A_79 : memref<1x32x256xf32, #tpu.memory_space<vmem>> -> memref<32x256xf32, #tpu.memory_space<vmem>>
        %dma_start3A_81 = tpu.memref_slice %arg4[%add3A_37, %run_scoped3A_52, %mul3A_50] : memref<4096x8x1024xf32, #tpu.memory_space<hbm>> -> memref<32x1x256xf32, #tpu.memory_space<hbm>>
        %dma_start3A_82 = tpu.memref_squeeze %dma_start3A_81 : memref<32x1x256xf32, #tpu.memory_space<hbm>> -> memref<32x256xf32, #tpu.memory_space<hbm>>
        %dma_start3A_83 = tpu.memref_slice %arg4[%add3A_37, %run_scoped3A_52, %mul3A_50] : memref<4096x8x1024xf32, #tpu.memory_space<hbm>> -> memref<32x1x256xf32, #tpu.memory_space<hbm>>
        %dma_start3A_84 = tpu.memref_squeeze %dma_start3A_83 : memref<32x1x256xf32, #tpu.memory_space<hbm>> -> memref<32x256xf32, #tpu.memory_space<hbm>>
        %dma_start3A_85 = arith.constant 0 : i32
        %dma_start3A_86 = arith.constant 0 : i32
        %dma_start3A_87 = tpu.memref_slice %arg7[%run_scoped3A_51, %dma_start3A_85, %dma_start3A_86] : memref<8x32x256xf32, #tpu.memory_space<vmem>> -> memref<1x32x256xf32, #tpu.memory_space<vmem>>
        %dma_start3A_88 = tpu.memref_squeeze %dma_start3A_87 : memref<1x32x256xf32, #tpu.memory_space<vmem>> -> memref<32x256xf32, #tpu.memory_space<vmem>>
        tpu.enqueue_dma source(%dma_start3A_88 : memref<32x256xf32, #tpu.memory_space<vmem>>) target(%dma_start3A_84 : memref<32x256xf32, #tpu.memory_space<hbm>>) target_semaphore(%run_scoped3A_77 : memref<!tpu.dma_semaphore, #tpu.memory_space<semaphore_mem>>)
        %dma_wait3A = arith.constant 0 : i32
        %dma_wait3A_89 = arith.constant 0 : i32
        %dma_wait3A_90 = tpu.memref_slice %arg7[%run_scoped3A_51, %dma_wait3A, %dma_wait3A_89] : memref<8x32x256xf32, #tpu.memory_space<vmem>> -> memref<1x32x256xf32, #tpu.memory_space<vmem>>
        %dma_wait3A_91 = tpu.memref_squeeze %dma_wait3A_90 : memref<1x32x256xf32, #tpu.memory_space<vmem>> -> memref<32x256xf32, #tpu.memory_space<vmem>>
        %dma_wait3A_92 = tpu.memref_slice %arg4[%add3A_37, %run_scoped3A_52, %mul3A_50] : memref<4096x8x1024xf32, #tpu.memory_space<hbm>> -> memref<32x1x256xf32, #tpu.memory_space<hbm>>
        %dma_wait3A_93 = tpu.memref_squeeze %dma_wait3A_92 : memref<32x1x256xf32, #tpu.memory_space<hbm>> -> memref<32x256xf32, #tpu.memory_space<hbm>>
        %dma_wait3A_94 = tpu.memref_slice %arg4[%add3A_37, %run_scoped3A_52, %mul3A_50] : memref<4096x8x1024xf32, #tpu.memory_space<hbm>> -> memref<32x1x256xf32, #tpu.memory_space<hbm>>
        %dma_wait3A_95 = tpu.memref_squeeze %dma_wait3A_94 : memref<32x1x256xf32, #tpu.memory_space<hbm>> -> memref<32x256xf32, #tpu.memory_space<hbm>>
        %dma_wait3A_96 = arith.constant 0 : i32
        %dma_wait3A_97 = arith.constant 0 : i32
        %dma_wait3A_98 = tpu.memref_slice %arg7[%run_scoped3A_51, %dma_wait3A_96, %dma_wait3A_97] : memref<8x32x256xf32, #tpu.memory_space<vmem>> -> memref<1x32x256xf32, #tpu.memory_space<vmem>>
        %dma_wait3A_99 = tpu.memref_squeeze %dma_wait3A_98 : memref<1x32x256xf32, #tpu.memory_space<vmem>> -> memref<32x256xf32, #tpu.memory_space<vmem>>
        tpu.wait_dma2 semaphore(%run_scoped3A_77 : memref<!tpu.dma_semaphore, #tpu.memory_space<semaphore_mem>>) src(%dma_wait3A_99 : memref<32x256xf32, #tpu.memory_space<vmem>>) dst(%dma_wait3A_95 : memref<32x256xf32, #tpu.memory_space<hbm>>)
        tpu.yield
      }) : () -> ()
      %mul3A_53 = arith.constant 16 : i32
      %mul3A_54 = arith.muli %mul3A_3, %mul3A_53 : i32
      %run_scoped3A_55 = arith.constant 2 : i32
      %run_scoped3A_56 = arith.constant 2 : i32
      "tpu.region"() ({
        %run_scoped3A_77 = tpu.sem_alloc : memref<!tpu.dma_semaphore, #tpu.memory_space<semaphore_mem>>
        %dma_start3A = arith.constant 0 : i32
        %dma_start3A_78 = arith.constant 0 : i32
        %dma_start3A_79 = tpu.memref_slice %arg7[%run_scoped3A_55, %dma_start3A, %dma_start3A_78] : memref<8x32x256xf32, #tpu.memory_space<vmem>> -> memref<1x32x256xf32, #tpu.memory_space<vmem>>
        %dma_start3A_80 = tpu.memref_squeeze %dma_start3A_79 : memref<1x32x256xf32, #tpu.memory_space<vmem>> -> memref<32x256xf32, #tpu.memory_space<vmem>>
        %dma_start3A_81 = tpu.memref_slice %arg4[%add3A_37, %run_scoped3A_56, %mul3A_54] : memref<4096x8x1024xf32, #tpu.memory_space<hbm>> -> memref<32x1x256xf32, #tpu.memory_space<hbm>>
        %dma_start3A_82 = tpu.memref_squeeze %dma_start3A_81 : memref<32x1x256xf32, #tpu.memory_space<hbm>> -> memref<32x256xf32, #tpu.memory_space<hbm>>
        %dma_start3A_83 = tpu.memref_slice %arg4[%add3A_37, %run_scoped3A_56, %mul3A_54] : memref<4096x8x1024xf32, #tpu.memory_space<hbm>> -> memref<32x1x256xf32, #tpu.memory_space<hbm>>
        %dma_start3A_84 = tpu.memref_squeeze %dma_start3A_83 : memref<32x1x256xf32, #tpu.memory_space<hbm>> -> memref<32x256xf32, #tpu.memory_space<hbm>>
        %dma_start3A_85 = arith.constant 0 : i32
        %dma_start3A_86 = arith.constant 0 : i32
        %dma_start3A_87 = tpu.memref_slice %arg7[%run_scoped3A_55, %dma_start3A_85, %dma_start3A_86] : memref<8x32x256xf32, #tpu.memory_space<vmem>> -> memref<1x32x256xf32, #tpu.memory_space<vmem>>
        %dma_start3A_88 = tpu.memref_squeeze %dma_start3A_87 : memref<1x32x256xf32, #tpu.memory_space<vmem>> -> memref<32x256xf32, #tpu.memory_space<vmem>>
        tpu.enqueue_dma source(%dma_start3A_88 : memref<32x256xf32, #tpu.memory_space<vmem>>) target(%dma_start3A_84 : memref<32x256xf32, #tpu.memory_space<hbm>>) target_semaphore(%run_scoped3A_77 : memref<!tpu.dma_semaphore, #tpu.memory_space<semaphore_mem>>)
        %dma_wait3A = arith.constant 0 : i32
        %dma_wait3A_89 = arith.constant 0 : i32
        %dma_wait3A_90 = tpu.memref_slice %arg7[%run_scoped3A_55, %dma_wait3A, %dma_wait3A_89] : memref<8x32x256xf32, #tpu.memory_space<vmem>> -> memref<1x32x256xf32, #tpu.memory_space<vmem>>
        %dma_wait3A_91 = tpu.memref_squeeze %dma_wait3A_90 : memref<1x32x256xf32, #tpu.memory_space<vmem>> -> memref<32x256xf32, #tpu.memory_space<vmem>>
        %dma_wait3A_92 = tpu.memref_slice %arg4[%add3A_37, %run_scoped3A_56, %mul3A_54] : memref<4096x8x1024xf32, #tpu.memory_space<hbm>> -> memref<32x1x256xf32, #tpu.memory_space<hbm>>
        %dma_wait3A_93 = tpu.memref_squeeze %dma_wait3A_92 : memref<32x1x256xf32, #tpu.memory_space<hbm>> -> memref<32x256xf32, #tpu.memory_space<hbm>>
        %dma_wait3A_94 = tpu.memref_slice %arg4[%add3A_37, %run_scoped3A_56, %mul3A_54] : memref<4096x8x1024xf32, #tpu.memory_space<hbm>> -> memref<32x1x256xf32, #tpu.memory_space<hbm>>
        %dma_wait3A_95 = tpu.memref_squeeze %dma_wait3A_94 : memref<32x1x256xf32, #tpu.memory_space<hbm>> -> memref<32x256xf32, #tpu.memory_space<hbm>>
        %dma_wait3A_96 = arith.constant 0 : i32
        %dma_wait3A_97 = arith.constant 0 : i32
        %dma_wait3A_98 = tpu.memref_slice %arg7[%run_scoped3A_55, %dma_wait3A_96, %dma_wait3A_97] : memref<8x32x256xf32, #tpu.memory_space<vmem>> -> memref<1x32x256xf32, #tpu.memory_space<vmem>>
        %dma_wait3A_99 = tpu.memref_squeeze %dma_wait3A_98 : memref<1x32x256xf32, #tpu.memory_space<vmem>> -> memref<32x256xf32, #tpu.memory_space<vmem>>
        tpu.wait_dma2 semaphore(%run_scoped3A_77 : memref<!tpu.dma_semaphore, #tpu.memory_space<semaphore_mem>>) src(%dma_wait3A_99 : memref<32x256xf32, #tpu.memory_space<vmem>>) dst(%dma_wait3A_95 : memref<32x256xf32, #tpu.memory_space<hbm>>)
        tpu.yield
      }) : () -> ()
      %mul3A_57 = arith.constant 16 : i32
      %mul3A_58 = arith.muli %mul3A_3, %mul3A_57 : i32
      %run_scoped3A_59 = arith.constant 3 : i32
      %run_scoped3A_60 = arith.constant 3 : i32
      "tpu.region"() ({
        %run_scoped3A_77 = tpu.sem_alloc : memref<!tpu.dma_semaphore, #tpu.memory_space<semaphore_mem>>
        %dma_start3A = arith.constant 0 : i32
        %dma_start3A_78 = arith.constant 0 : i32
        %dma_start3A_79 = tpu.memref_slice %arg7[%run_scoped3A_59, %dma_start3A, %dma_start3A_78] : memref<8x32x256xf32, #tpu.memory_space<vmem>> -> memref<1x32x256xf32, #tpu.memory_space<vmem>>
        %dma_start3A_80 = tpu.memref_squeeze %dma_start3A_79 : memref<1x32x256xf32, #tpu.memory_space<vmem>> -> memref<32x256xf32, #tpu.memory_space<vmem>>
        %dma_start3A_81 = tpu.memref_slice %arg4[%add3A_37, %run_scoped3A_60, %mul3A_58] : memref<4096x8x1024xf32, #tpu.memory_space<hbm>> -> memref<32x1x256xf32, #tpu.memory_space<hbm>>
        %dma_start3A_82 = tpu.memref_squeeze %dma_start3A_81 : memref<32x1x256xf32, #tpu.memory_space<hbm>> -> memref<32x256xf32, #tpu.memory_space<hbm>>
        %dma_start3A_83 = tpu.memref_slice %arg4[%add3A_37, %run_scoped3A_60, %mul3A_58] : memref<4096x8x1024xf32, #tpu.memory_space<hbm>> -> memref<32x1x256xf32, #tpu.memory_space<hbm>>
        %dma_start3A_84 = tpu.memref_squeeze %dma_start3A_83 : memref<32x1x256xf32, #tpu.memory_space<hbm>> -> memref<32x256xf32, #tpu.memory_space<hbm>>
        %dma_start3A_85 = arith.constant 0 : i32
        %dma_start3A_86 = arith.constant 0 : i32
        %dma_start3A_87 = tpu.memref_slice %arg7[%run_scoped3A_59, %dma_start3A_85, %dma_start3A_86] : memref<8x32x256xf32, #tpu.memory_space<vmem>> -> memref<1x32x256xf32, #tpu.memory_space<vmem>>
        %dma_start3A_88 = tpu.memref_squeeze %dma_start3A_87 : memref<1x32x256xf32, #tpu.memory_space<vmem>> -> memref<32x256xf32, #tpu.memory_space<vmem>>
        tpu.enqueue_dma source(%dma_start3A_88 : memref<32x256xf32, #tpu.memory_space<vmem>>) target(%dma_start3A_84 : memref<32x256xf32, #tpu.memory_space<hbm>>) target_semaphore(%run_scoped3A_77 : memref<!tpu.dma_semaphore, #tpu.memory_space<semaphore_mem>>)
        %dma_wait3A = arith.constant 0 : i32
        %dma_wait3A_89 = arith.constant 0 : i32
        %dma_wait3A_90 = tpu.memref_slice %arg7[%run_scoped3A_59, %dma_wait3A, %dma_wait3A_89] : memref<8x32x256xf32, #tpu.memory_space<vmem>> -> memref<1x32x256xf32, #tpu.memory_space<vmem>>
        %dma_wait3A_91 = tpu.memref_squeeze %dma_wait3A_90 : memref<1x32x256xf32, #tpu.memory_space<vmem>> -> memref<32x256xf32, #tpu.memory_space<vmem>>
        %dma_wait3A_92 = tpu.memref_slice %arg4[%add3A_37, %run_scoped3A_60, %mul3A_58] : memref<4096x8x1024xf32, #tpu.memory_space<hbm>> -> memref<32x1x256xf32, #tpu.memory_space<hbm>>
        %dma_wait3A_93 = tpu.memref_squeeze %dma_wait3A_92 : memref<32x1x256xf32, #tpu.memory_space<hbm>> -> memref<32x256xf32, #tpu.memory_space<hbm>>
        %dma_wait3A_94 = tpu.memref_slice %arg4[%add3A_37, %run_scoped3A_60, %mul3A_58] : memref<4096x8x1024xf32, #tpu.memory_space<hbm>> -> memref<32x1x256xf32, #tpu.memory_space<hbm>>
        %dma_wait3A_95 = tpu.memref_squeeze %dma_wait3A_94 : memref<32x1x256xf32, #tpu.memory_space<hbm>> -> memref<32x256xf32, #tpu.memory_space<hbm>>
        %dma_wait3A_96 = arith.constant 0 : i32
        %dma_wait3A_97 = arith.constant 0 : i32
        %dma_wait3A_98 = tpu.memref_slice %arg7[%run_scoped3A_59, %dma_wait3A_96, %dma_wait3A_97] : memref<8x32x256xf32, #tpu.memory_space<vmem>> -> memref<1x32x256xf32, #tpu.memory_space<vmem>>
        %dma_wait3A_99 = tpu.memref_squeeze %dma_wait3A_98 : memref<1x32x256xf32, #tpu.memory_space<vmem>> -> memref<32x256xf32, #tpu.memory_space<vmem>>
        tpu.wait_dma2 semaphore(%run_scoped3A_77 : memref<!tpu.dma_semaphore, #tpu.memory_space<semaphore_mem>>) src(%dma_wait3A_99 : memref<32x256xf32, #tpu.memory_space<vmem>>) dst(%dma_wait3A_95 : memref<32x256xf32, #tpu.memory_space<hbm>>)
        tpu.yield
      }) : () -> ()
      %mul3A_61 = arith.constant 16 : i32
      %mul3A_62 = arith.muli %mul3A_3, %mul3A_61 : i32
      %run_scoped3A_63 = arith.constant 4 : i32
      %run_scoped3A_64 = arith.constant 4 : i32
      "tpu.region"() ({
        %run_scoped3A_77 = tpu.sem_alloc : memref<!tpu.dma_semaphore, #tpu.memory_space<semaphore_mem>>
        %dma_start3A = arith.constant 0 : i32
        %dma_start3A_78 = arith.constant 0 : i32
        %dma_start3A_79 = tpu.memref_slice %arg7[%run_scoped3A_63, %dma_start3A, %dma_start3A_78] : memref<8x32x256xf32, #tpu.memory_space<vmem>> -> memref<1x32x256xf32, #tpu.memory_space<vmem>>
        %dma_start3A_80 = tpu.memref_squeeze %dma_start3A_79 : memref<1x32x256xf32, #tpu.memory_space<vmem>> -> memref<32x256xf32, #tpu.memory_space<vmem>>
        %dma_start3A_81 = tpu.memref_slice %arg4[%add3A_37, %run_scoped3A_64, %mul3A_62] : memref<4096x8x1024xf32, #tpu.memory_space<hbm>> -> memref<32x1x256xf32, #tpu.memory_space<hbm>>
        %dma_start3A_82 = tpu.memref_squeeze %dma_start3A_81 : memref<32x1x256xf32, #tpu.memory_space<hbm>> -> memref<32x256xf32, #tpu.memory_space<hbm>>
        %dma_start3A_83 = tpu.memref_slice %arg4[%add3A_37, %run_scoped3A_64, %mul3A_62] : memref<4096x8x1024xf32, #tpu.memory_space<hbm>> -> memref<32x1x256xf32, #tpu.memory_space<hbm>>
        %dma_start3A_84 = tpu.memref_squeeze %dma_start3A_83 : memref<32x1x256xf32, #tpu.memory_space<hbm>> -> memref<32x256xf32, #tpu.memory_space<hbm>>
        %dma_start3A_85 = arith.constant 0 : i32
        %dma_start3A_86 = arith.constant 0 : i32
        %dma_start3A_87 = tpu.memref_slice %arg7[%run_scoped3A_63, %dma_start3A_85, %dma_start3A_86] : memref<8x32x256xf32, #tpu.memory_space<vmem>> -> memref<1x32x256xf32, #tpu.memory_space<vmem>>
        %dma_start3A_88 = tpu.memref_squeeze %dma_start3A_87 : memref<1x32x256xf32, #tpu.memory_space<vmem>> -> memref<32x256xf32, #tpu.memory_space<vmem>>
        tpu.enqueue_dma source(%dma_start3A_88 : memref<32x256xf32, #tpu.memory_space<vmem>>) target(%dma_start3A_84 : memref<32x256xf32, #tpu.memory_space<hbm>>) target_semaphore(%run_scoped3A_77 : memref<!tpu.dma_semaphore, #tpu.memory_space<semaphore_mem>>)
        %dma_wait3A = arith.constant 0 : i32
        %dma_wait3A_89 = arith.constant 0 : i32
        %dma_wait3A_90 = tpu.memref_slice %arg7[%run_scoped3A_63, %dma_wait3A, %dma_wait3A_89] : memref<8x32x256xf32, #tpu.memory_space<vmem>> -> memref<1x32x256xf32, #tpu.memory_space<vmem>>
        %dma_wait3A_91 = tpu.memref_squeeze %dma_wait3A_90 : memref<1x32x256xf32, #tpu.memory_space<vmem>> -> memref<32x256xf32, #tpu.memory_space<vmem>>
        %dma_wait3A_92 = tpu.memref_slice %arg4[%add3A_37, %run_scoped3A_64, %mul3A_62] : memref<4096x8x1024xf32, #tpu.memory_space<hbm>> -> memref<32x1x256xf32, #tpu.memory_space<hbm>>
        %dma_wait3A_93 = tpu.memref_squeeze %dma_wait3A_92 : memref<32x1x256xf32, #tpu.memory_space<hbm>> -> memref<32x256xf32, #tpu.memory_space<hbm>>
        %dma_wait3A_94 = tpu.memref_slice %arg4[%add3A_37, %run_scoped3A_64, %mul3A_62] : memref<4096x8x1024xf32, #tpu.memory_space<hbm>> -> memref<32x1x256xf32, #tpu.memory_space<hbm>>
        %dma_wait3A_95 = tpu.memref_squeeze %dma_wait3A_94 : memref<32x1x256xf32, #tpu.memory_space<hbm>> -> memref<32x256xf32, #tpu.memory_space<hbm>>
        %dma_wait3A_96 = arith.constant 0 : i32
        %dma_wait3A_97 = arith.constant 0 : i32
        %dma_wait3A_98 = tpu.memref_slice %arg7[%run_scoped3A_63, %dma_wait3A_96, %dma_wait3A_97] : memref<8x32x256xf32, #tpu.memory_space<vmem>> -> memref<1x32x256xf32, #tpu.memory_space<vmem>>
        %dma_wait3A_99 = tpu.memref_squeeze %dma_wait3A_98 : memref<1x32x256xf32, #tpu.memory_space<vmem>> -> memref<32x256xf32, #tpu.memory_space<vmem>>
        tpu.wait_dma2 semaphore(%run_scoped3A_77 : memref<!tpu.dma_semaphore, #tpu.memory_space<semaphore_mem>>) src(%dma_wait3A_99 : memref<32x256xf32, #tpu.memory_space<vmem>>) dst(%dma_wait3A_95 : memref<32x256xf32, #tpu.memory_space<hbm>>)
        tpu.yield
      }) : () -> ()
      %mul3A_65 = arith.constant 16 : i32
      %mul3A_66 = arith.muli %mul3A_3, %mul3A_65 : i32
      %run_scoped3A_67 = arith.constant 5 : i32
      %run_scoped3A_68 = arith.constant 5 : i32
      "tpu.region"() ({
        %run_scoped3A_77 = tpu.sem_alloc : memref<!tpu.dma_semaphore, #tpu.memory_space<semaphore_mem>>
        %dma_start3A = arith.constant 0 : i32
        %dma_start3A_78 = arith.constant 0 : i32
        %dma_start3A_79 = tpu.memref_slice %arg7[%run_scoped3A_67, %dma_start3A, %dma_start3A_78] : memref<8x32x256xf32, #tpu.memory_space<vmem>> -> memref<1x32x256xf32, #tpu.memory_space<vmem>>
        %dma_start3A_80 = tpu.memref_squeeze %dma_start3A_79 : memref<1x32x256xf32, #tpu.memory_space<vmem>> -> memref<32x256xf32, #tpu.memory_space<vmem>>
        %dma_start3A_81 = tpu.memref_slice %arg4[%add3A_37, %run_scoped3A_68, %mul3A_66] : memref<4096x8x1024xf32, #tpu.memory_space<hbm>> -> memref<32x1x256xf32, #tpu.memory_space<hbm>>
        %dma_start3A_82 = tpu.memref_squeeze %dma_start3A_81 : memref<32x1x256xf32, #tpu.memory_space<hbm>> -> memref<32x256xf32, #tpu.memory_space<hbm>>
        %dma_start3A_83 = tpu.memref_slice %arg4[%add3A_37, %run_scoped3A_68, %mul3A_66] : memref<4096x8x1024xf32, #tpu.memory_space<hbm>> -> memref<32x1x256xf32, #tpu.memory_space<hbm>>
        %dma_start3A_84 = tpu.memref_squeeze %dma_start3A_83 : memref<32x1x256xf32, #tpu.memory_space<hbm>> -> memref<32x256xf32, #tpu.memory_space<hbm>>
        %dma_start3A_85 = arith.constant 0 : i32
        %dma_start3A_86 = arith.constant 0 : i32
        %dma_start3A_87 = tpu.memref_slice %arg7[%run_scoped3A_67, %dma_start3A_85, %dma_start3A_86] : memref<8x32x256xf32, #tpu.memory_space<vmem>> -> memref<1x32x256xf32, #tpu.memory_space<vmem>>
        %dma_start3A_88 = tpu.memref_squeeze %dma_start3A_87 : memref<1x32x256xf32, #tpu.memory_space<vmem>> -> memref<32x256xf32, #tpu.memory_space<vmem>>
        tpu.enqueue_dma source(%dma_start3A_88 : memref<32x256xf32, #tpu.memory_space<vmem>>) target(%dma_start3A_84 : memref<32x256xf32, #tpu.memory_space<hbm>>) target_semaphore(%run_scoped3A_77 : memref<!tpu.dma_semaphore, #tpu.memory_space<semaphore_mem>>)
        %dma_wait3A = arith.constant 0 : i32
        %dma_wait3A_89 = arith.constant 0 : i32
        %dma_wait3A_90 = tpu.memref_slice %arg7[%run_scoped3A_67, %dma_wait3A, %dma_wait3A_89] : memref<8x32x256xf32, #tpu.memory_space<vmem>> -> memref<1x32x256xf32, #tpu.memory_space<vmem>>
        %dma_wait3A_91 = tpu.memref_squeeze %dma_wait3A_90 : memref<1x32x256xf32, #tpu.memory_space<vmem>> -> memref<32x256xf32, #tpu.memory_space<vmem>>
        %dma_wait3A_92 = tpu.memref_slice %arg4[%add3A_37, %run_scoped3A_68, %mul3A_66] : memref<4096x8x1024xf32, #tpu.memory_space<hbm>> -> memref<32x1x256xf32, #tpu.memory_space<hbm>>
        %dma_wait3A_93 = tpu.memref_squeeze %dma_wait3A_92 : memref<32x1x256xf32, #tpu.memory_space<hbm>> -> memref<32x256xf32, #tpu.memory_space<hbm>>
        %dma_wait3A_94 = tpu.memref_slice %arg4[%add3A_37, %run_scoped3A_68, %mul3A_66] : memref<4096x8x1024xf32, #tpu.memory_space<hbm>> -> memref<32x1x256xf32, #tpu.memory_space<hbm>>
        %dma_wait3A_95 = tpu.memref_squeeze %dma_wait3A_94 : memref<32x1x256xf32, #tpu.memory_space<hbm>> -> memref<32x256xf32, #tpu.memory_space<hbm>>
        %dma_wait3A_96 = arith.constant 0 : i32
        %dma_wait3A_97 = arith.constant 0 : i32
        %dma_wait3A_98 = tpu.memref_slice %arg7[%run_scoped3A_67, %dma_wait3A_96, %dma_wait3A_97] : memref<8x32x256xf32, #tpu.memory_space<vmem>> -> memref<1x32x256xf32, #tpu.memory_space<vmem>>
        %dma_wait3A_99 = tpu.memref_squeeze %dma_wait3A_98 : memref<1x32x256xf32, #tpu.memory_space<vmem>> -> memref<32x256xf32, #tpu.memory_space<vmem>>
        tpu.wait_dma2 semaphore(%run_scoped3A_77 : memref<!tpu.dma_semaphore, #tpu.memory_space<semaphore_mem>>) src(%dma_wait3A_99 : memref<32x256xf32, #tpu.memory_space<vmem>>) dst(%dma_wait3A_95 : memref<32x256xf32, #tpu.memory_space<hbm>>)
        tpu.yield
      }) : () -> ()
      %mul3A_69 = arith.constant 16 : i32
      %mul3A_70 = arith.muli %mul3A_3, %mul3A_69 : i32
      %run_scoped3A_71 = arith.constant 6 : i32
      %run_scoped3A_72 = arith.constant 6 : i32
      "tpu.region"() ({
        %run_scoped3A_77 = tpu.sem_alloc : memref<!tpu.dma_semaphore, #tpu.memory_space<semaphore_mem>>
        %dma_start3A = arith.constant 0 : i32
        %dma_start3A_78 = arith.constant 0 : i32
        %dma_start3A_79 = tpu.memref_slice %arg7[%run_scoped3A_71, %dma_start3A, %dma_start3A_78] : memref<8x32x256xf32, #tpu.memory_space<vmem>> -> memref<1x32x256xf32, #tpu.memory_space<vmem>>
        %dma_start3A_80 = tpu.memref_squeeze %dma_start3A_79 : memref<1x32x256xf32, #tpu.memory_space<vmem>> -> memref<32x256xf32, #tpu.memory_space<vmem>>
        %dma_start3A_81 = tpu.memref_slice %arg4[%add3A_37, %run_scoped3A_72, %mul3A_70] : memref<4096x8x1024xf32, #tpu.memory_space<hbm>> -> memref<32x1x256xf32, #tpu.memory_space<hbm>>
        %dma_start3A_82 = tpu.memref_squeeze %dma_start3A_81 : memref<32x1x256xf32, #tpu.memory_space<hbm>> -> memref<32x256xf32, #tpu.memory_space<hbm>>
        %dma_start3A_83 = tpu.memref_slice %arg4[%add3A_37, %run_scoped3A_72, %mul3A_70] : memref<4096x8x1024xf32, #tpu.memory_space<hbm>> -> memref<32x1x256xf32, #tpu.memory_space<hbm>>
        %dma_start3A_84 = tpu.memref_squeeze %dma_start3A_83 : memref<32x1x256xf32, #tpu.memory_space<hbm>> -> memref<32x256xf32, #tpu.memory_space<hbm>>
        %dma_start3A_85 = arith.constant 0 : i32
        %dma_start3A_86 = arith.constant 0 : i32
        %dma_start3A_87 = tpu.memref_slice %arg7[%run_scoped3A_71, %dma_start3A_85, %dma_start3A_86] : memref<8x32x256xf32, #tpu.memory_space<vmem>> -> memref<1x32x256xf32, #tpu.memory_space<vmem>>
        %dma_start3A_88 = tpu.memref_squeeze %dma_start3A_87 : memref<1x32x256xf32, #tpu.memory_space<vmem>> -> memref<32x256xf32, #tpu.memory_space<vmem>>
        tpu.enqueue_dma source(%dma_start3A_88 : memref<32x256xf32, #tpu.memory_space<vmem>>) target(%dma_start3A_84 : memref<32x256xf32, #tpu.memory_space<hbm>>) target_semaphore(%run_scoped3A_77 : memref<!tpu.dma_semaphore, #tpu.memory_space<semaphore_mem>>)
        %dma_wait3A = arith.constant 0 : i32
        %dma_wait3A_89 = arith.constant 0 : i32
        %dma_wait3A_90 = tpu.memref_slice %arg7[%run_scoped3A_71, %dma_wait3A, %dma_wait3A_89] : memref<8x32x256xf32, #tpu.memory_space<vmem>> -> memref<1x32x256xf32, #tpu.memory_space<vmem>>
        %dma_wait3A_91 = tpu.memref_squeeze %dma_wait3A_90 : memref<1x32x256xf32, #tpu.memory_space<vmem>> -> memref<32x256xf32, #tpu.memory_space<vmem>>
        %dma_wait3A_92 = tpu.memref_slice %arg4[%add3A_37, %run_scoped3A_72, %mul3A_70] : memref<4096x8x1024xf32, #tpu.memory_space<hbm>> -> memref<32x1x256xf32, #tpu.memory_space<hbm>>
        %dma_wait3A_93 = tpu.memref_squeeze %dma_wait3A_92 : memref<32x1x256xf32, #tpu.memory_space<hbm>> -> memref<32x256xf32, #tpu.memory_space<hbm>>
        %dma_wait3A_94 = tpu.memref_slice %arg4[%add3A_37, %run_scoped3A_72, %mul3A_70] : memref<4096x8x1024xf32, #tpu.memory_space<hbm>> -> memref<32x1x256xf32, #tpu.memory_space<hbm>>
        %dma_wait3A_95 = tpu.memref_squeeze %dma_wait3A_94 : memref<32x1x256xf32, #tpu.memory_space<hbm>> -> memref<32x256xf32, #tpu.memory_space<hbm>>
        %dma_wait3A_96 = arith.constant 0 : i32
        %dma_wait3A_97 = arith.constant 0 : i32
        %dma_wait3A_98 = tpu.memref_slice %arg7[%run_scoped3A_71, %dma_wait3A_96, %dma_wait3A_97] : memref<8x32x256xf32, #tpu.memory_space<vmem>> -> memref<1x32x256xf32, #tpu.memory_space<vmem>>
        %dma_wait3A_99 = tpu.memref_squeeze %dma_wait3A_98 : memref<1x32x256xf32, #tpu.memory_space<vmem>> -> memref<32x256xf32, #tpu.memory_space<vmem>>
        tpu.wait_dma2 semaphore(%run_scoped3A_77 : memref<!tpu.dma_semaphore, #tpu.memory_space<semaphore_mem>>) src(%dma_wait3A_99 : memref<32x256xf32, #tpu.memory_space<vmem>>) dst(%dma_wait3A_95 : memref<32x256xf32, #tpu.memory_space<hbm>>)
        tpu.yield
      }) : () -> ()
      %mul3A_73 = arith.constant 16 : i32
      %mul3A_74 = arith.muli %mul3A_3, %mul3A_73 : i32
      %run_scoped3A_75 = arith.constant 7 : i32
      %run_scoped3A_76 = arith.constant 7 : i32
      "tpu.region"() ({
        %run_scoped3A_77 = tpu.sem_alloc : memref<!tpu.dma_semaphore, #tpu.memory_space<semaphore_mem>>
        %dma_start3A = arith.constant 0 : i32
        %dma_start3A_78 = arith.constant 0 : i32
        %dma_start3A_79 = tpu.memref_slice %arg7[%run_scoped3A_75, %dma_start3A, %dma_start3A_78] : memref<8x32x256xf32, #tpu.memory_space<vmem>> -> memref<1x32x256xf32, #tpu.memory_space<vmem>>
        %dma_start3A_80 = tpu.memref_squeeze %dma_start3A_79 : memref<1x32x256xf32, #tpu.memory_space<vmem>> -> memref<32x256xf32, #tpu.memory_space<vmem>>
        %dma_start3A_81 = tpu.memref_slice %arg4[%add3A_37, %run_scoped3A_76, %mul3A_74] : memref<4096x8x1024xf32, #tpu.memory_space<hbm>> -> memref<32x1x256xf32, #tpu.memory_space<hbm>>
        %dma_start3A_82 = tpu.memref_squeeze %dma_start3A_81 : memref<32x1x256xf32, #tpu.memory_space<hbm>> -> memref<32x256xf32, #tpu.memory_space<hbm>>
        %dma_start3A_83 = tpu.memref_slice %arg4[%add3A_37, %run_scoped3A_76, %mul3A_74] : memref<4096x8x1024xf32, #tpu.memory_space<hbm>> -> memref<32x1x256xf32, #tpu.memory_space<hbm>>
        %dma_start3A_84 = tpu.memref_squeeze %dma_start3A_83 : memref<32x1x256xf32, #tpu.memory_space<hbm>> -> memref<32x256xf32, #tpu.memory_space<hbm>>
        %dma_start3A_85 = arith.constant 0 : i32
        %dma_start3A_86 = arith.constant 0 : i32
        %dma_start3A_87 = tpu.memref_slice %arg7[%run_scoped3A_75, %dma_start3A_85, %dma_start3A_86] : memref<8x32x256xf32, #tpu.memory_space<vmem>> -> memref<1x32x256xf32, #tpu.memory_space<vmem>>
        %dma_start3A_88 = tpu.memref_squeeze %dma_start3A_87 : memref<1x32x256xf32, #tpu.memory_space<vmem>> -> memref<32x256xf32, #tpu.memory_space<vmem>>
        tpu.enqueue_dma source(%dma_start3A_88 : memref<32x256xf32, #tpu.memory_space<vmem>>) target(%dma_start3A_84 : memref<32x256xf32, #tpu.memory_space<hbm>>) target_semaphore(%run_scoped3A_77 : memref<!tpu.dma_semaphore, #tpu.memory_space<semaphore_mem>>)
        %dma_wait3A = arith.constant 0 : i32
        %dma_wait3A_89 = arith.constant 0 : i32
        %dma_wait3A_90 = tpu.memref_slice %arg7[%run_scoped3A_75, %dma_wait3A, %dma_wait3A_89] : memref<8x32x256xf32, #tpu.memory_space<vmem>> -> memref<1x32x256xf32, #tpu.memory_space<vmem>>
        %dma_wait3A_91 = tpu.memref_squeeze %dma_wait3A_90 : memref<1x32x256xf32, #tpu.memory_space<vmem>> -> memref<32x256xf32, #tpu.memory_space<vmem>>
        %dma_wait3A_92 = tpu.memref_slice %arg4[%add3A_37, %run_scoped3A_76, %mul3A_74] : memref<4096x8x1024xf32, #tpu.memory_space<hbm>> -> memref<32x1x256xf32, #tpu.memory_space<hbm>>
        %dma_wait3A_93 = tpu.memref_squeeze %dma_wait3A_92 : memref<32x1x256xf32, #tpu.memory_space<hbm>> -> memref<32x256xf32, #tpu.memory_space<hbm>>
        %dma_wait3A_94 = tpu.memref_slice %arg4[%add3A_37, %run_scoped3A_76, %mul3A_74] : memref<4096x8x1024xf32, #tpu.memory_space<hbm>> -> memref<32x1x256xf32, #tpu.memory_space<hbm>>
        %dma_wait3A_95 = tpu.memref_squeeze %dma_wait3A_94 : memref<32x1x256xf32, #tpu.memory_space<hbm>> -> memref<32x256xf32, #tpu.memory_space<hbm>>
        %dma_wait3A_96 = arith.constant 0 : i32
        %dma_wait3A_97 = arith.constant 0 : i32
        %dma_wait3A_98 = tpu.memref_slice %arg7[%run_scoped3A_75, %dma_wait3A_96, %dma_wait3A_97] : memref<8x32x256xf32, #tpu.memory_space<vmem>> -> memref<1x32x256xf32, #tpu.memory_space<vmem>>
        %dma_wait3A_99 = tpu.memref_squeeze %dma_wait3A_98 : memref<1x32x256xf32, #tpu.memory_space<vmem>> -> memref<32x256xf32, #tpu.memory_space<vmem>>
        tpu.wait_dma2 semaphore(%run_scoped3A_77 : memref<!tpu.dma_semaphore, #tpu.memory_space<semaphore_mem>>) src(%dma_wait3A_99 : memref<32x256xf32, #tpu.memory_space<vmem>>) dst(%dma_wait3A_95 : memref<32x256xf32, #tpu.memory_space<hbm>>)
        tpu.yield
      }) : () -> ()
    }
    %scan3A_33 = arith.constant 16 : i32
    return
  }
}

</mosaic_0001>

<sc_bundles>
// kernel: kernel.3.cloned.1.call-start
scs
__scs_entry_jumppad:
0x0: {  	(pc) =	sbr.rel $0x88, $3  }
0x1: {  	(tag) =	ssettag $0x0;
	lr =	simm.s32 $0x1  }
0x2: {  	[smem:$0x3F9F] =	sst lr;
	_ =	strace $0xD0000000  }
0x3: {  	_ = 	snop  }
0x4: {  	_ = 	snop  }
0x5: {  	_ = 	snop  }
0x6: {  	_ = 	snop  }
0x7: {  	_ = 	snop  }
__scs_overlays_trampoline_lowered:
0x8: {  	[smem:$0x3FAE] =	sst s0  }
0x9: {  	[smem:$0x3FAF] =	sst s1  }
0xa: {  	[smem:$0x3FB0] =	sst s2  }
0xb: {  	[smem:$0x3FB1] =	sst s3  }
0xc: {  	[smem:$0x3FB2] =	sst s4  }
0xd: {  	[smem:$0x3FB3] =	sst s5  }
0xe: {  	[smem:$0x3FB4] =	sst s6  }
0xf: {  	[smem:$0x3FB5] =	sst s7  }
0x10: {  	[smem:$0x3FB6] =	sst s8  }
0x11: {  	[smem:$0x3FB7] =	sst s9;
	s0 =	simm.s32 @!p0 $0x0  }
0x12: {  	s1 =	sld [smem:$0x3F9D];
	s0 =	simm.s32 @p0 $0x1  }
0x13: {  	[smem:$0x3FB8] =	sst s0;
	s0 =	simm.s32 @!p1 $0x0  }
0x14: {  	s2 =	sld [smem:$0x3F9C];
	s0 =	simm.s32 @p1 $0x1  }
0x15: {  	[smem:$0x3FB9] =	sst s0;
	s0 =	simm.s32 @!p2 $0x0  }
0x16: {  	s3 =	sld [smem:$0x3FDB];
	s0 =	simm.s32 @p2 $0x1  }
0x17: {  	s4 =	simm.s32 $0x1BF5;
	[smem:$0x3FBB] =	sst s0  }
0x18: {  	s0 =	sld [smem:$0x3F9E];
	_ =	swait.ge [sflag:s4], $0x0  }
0x19: {  	s7 =	sld [smem:$0x3F9F]  }
0x1a: {  	s8 =	sadd.s32 $0xFFFFE003, lr  }
0x1b: {  	s9 =	sadd.s32 $0xFFFFFEF7, lr;
	s5 =	simm.s32 $0xFFFFFFFF;
	p2 =	slt.u32 s8, $0xFFFFF086  }
0x1c: {  	p1 =	slt.u32 s9, $0xF7A;
	s5 =	simm.s32 @!p2 $0x0  }
0x1d: {  	s5 =	simm.s32 @p1 $0x1;
	p0 =	seq.s32 s7, s2  }
0x1e: {  	s7 =	smul.u32 @!p0 $0xF7A, s2;
	p2 =	seq.s32 @!p0 s5, $0x0  }
0x1f: {  	s9 =	smul.u32 $0xF7A, s1;
	s8 =	simm.s32 @!p0 $0x1BF5;
	p2 =	por !p2, p0  }
0x20: {  	[sflag:s8] =	ssyncset.s32 @!p0 $0xFFFFF086;
	s6 =	sadd.s32 @!p0 s3, s7;
	s7 =	simm.s32 @!p0 $0x108  }
0x21: {  	s3 =	sadd.s32 s3, s9;
	s6 =	sadd.s32 @!p0 $0x88, s6;
	s7 =	simm.s32 @p2 $0x1082  }
0x22: {  	[simem:s7], [sflag:s8] =	dma.local @!p0 [hbm:s6], $0xF7A  }
0x23: {  	s9 =	sor.u32 $0xD0000000, s2;
	s6 =	simm.s32 $0x108;
	_ =	swait.ge @!p0 [sflag:s8], $0x0  }
0x24: {  	s3 =	sadd.s32 $0x88, s3;
	s6 =	simm.s32 @!p1 $0x1082;
	[sflag:s4] =	ssyncset.s32 $0xFFFFF086  }
0x25: {  	[simem:s6], [sflag:s4] =	dma.local [hbm:s3], $0xF7A  }
0x26: {  	[smem:$0x3F9F] =	sst s1;
	(tag) =	ssettag s2;
	_ =	strace s9  }
0x27: {  	s1 =	sld [smem:$0x3FAF]  }
0x28: {  	s2 =	sld [smem:$0x3FB0]  }
0x29: {  	s4 =	sld [smem:$0x3FB2]  }
0x2a: {  	p0 =	seq.s32 s5, $0x0;
	s5 =	sld [smem:$0x3FB3]  }
0x2b: {  	s6 =	sld [smem:$0x3FB4]  }
0x2c: {  	s7 =	sld [smem:$0x3FB5]  }
0x2d: {  	s3 =	simm.s32 $0x108;
	s8 =	sld [smem:$0x3FB6]  }
0x2e: {  	s3 =	simm.s32 @!p0 $0x1082;
	s9 =	sld [smem:$0x3FB7]  }
0x2f: {  	lr =	sadd.s32 s0, s3;
	s0 =	sld [smem:$0x3FAE]  }
0x30: {  	s3 =	sld [smem:$0x3FB1]  }
0x31: {  	[smem:$0x3FBA] =	sst s10  }
0x32: {  	s10 =	sld [smem:$0x3FB8];
	_ =	sdelay $0x3  }
0x33: {  	p0 =	seq.s32 s10, $0x1;
	s10 =	sld [smem:$0x3FBA];
	_ =	sdelay $0x3  }
0x34: {  	[smem:$0x3FBA] =	sst s10  }
0x35: {  	s10 =	sld [smem:$0x3FB9];
	_ =	sdelay $0x3  }
0x36: {  	p1 =	seq.s32 s10, $0x1;
	s10 =	sld [smem:$0x3FBA];
	_ =	sdelay $0x3  }
0x37: {  	[smem:$0x3FBA] =	sst s10  }
0x38: {  	s10 =	sld [smem:$0x3FBB]  }
0x39: {  	_ = 	snop;
	(pc) =	sbr.ind lr, $3  }
0x3a: {  	_ = 	snop  }
0x3b: {  	_ = 	snop  }
0x3c: {  	p2 =	seq.s32 s10, $0x1;
	s10 =	sld [smem:$0x3FBA]  }
0x3d: {  	_ =	shalt  }
0x3e: {  	_ =	shalt  }
0x3f: {  	_ =	shalt  }
0x40: {  	_ =	shalt  }
0x41: {  	_ =	shalt  }
0x42: {  	_ =	shalt  }
0x43: {  	_ =	shalt  }
0x44: {  	_ =	shalt  }
0x45: {  	_ =	shalt  }
0x46: {  	_ =	shalt  }
0x47: {  	_ =	shalt  }
0x48: {  	_ =	shalt  }
0x49: {  	_ =	shalt  }
0x4a: {  	_ =	shalt  }
0x4b: {  	_ =	shalt  }
0x4c: {  	_ =	shalt  }
0x4d: {  	_ =	shalt  }
0x4e: {  	_ =	shalt  }
0x4f: {  	_ =	shalt  }
0x50: {  	_ =	shalt  }
0x51: {  	_ =	shalt  }
0x52: {  	_ =	shalt  }
0x53: {  	_ =	shalt  }
0x54: {  	_ =	shalt  }
0x55: {  	_ =	shalt  }
0x56: {  	_ =	shalt  }
0x57: {  	_ =	shalt  }
0x58: {  	_ =	shalt  }
0x59: {  	_ =	shalt  }
0x5a: {  	_ =	shalt  }
0x5b: {  	_ =	shalt  }
0x5c: {  	_ =	shalt  }
0x5d: {  	_ =	shalt  }
0x5e: {  	_ =	shalt  }
0x5f: {  	_ =	shalt  }
0x60: {  	_ =	shalt  }
0x61: {  	_ =	shalt  }
0x62: {  	_ =	shalt  }
0x63: {  	_ =	shalt  }
0x64: {  	_ =	shalt  }
0x65: {  	_ =	shalt  }
0x66: {  	_ =	shalt  }
0x67: {  	_ =	shalt  }
0x68: {  	_ =	shalt  }
0x69: {  	_ =	shalt  }
0x6a: {  	_ =	shalt  }
0x6b: {  	_ =	shalt  }
0x6c: {  	_ =	shalt  }
0x6d: {  	_ =	shalt  }
0x6e: {  	_ =	shalt  }
0x6f: {  	_ =	shalt  }
0x70: {  	_ =	shalt  }
0x71: {  	_ =	shalt  }
0x72: {  	_ =	shalt  }
0x73: {  	_ =	shalt  }
0x74: {  	_ =	shalt  }
0x75: {  	_ =	shalt  }
0x76: {  	_ =	shalt  }
0x77: {  	_ =	shalt  }
0x78: {  	_ =	shalt  }
0x79: {  	_ =	shalt  }
0x7a: {  	_ =	shalt  }
0x7b: {  	_ =	shalt  }
0x7c: {  	_ =	shalt  }
0x7d: {  	_ =	shalt  }
0x7e: {  	_ =	shalt  }
0x7f: {  	_ =	shalt  }
0x80: {  	_ =	shalt  }
0x81: {  	_ =	shalt  }
0x82: {  	_ =	shalt  }
0x83: {  	_ =	shalt  }
0x84: {  	_ =	shalt  }
0x85: {  	_ =	shalt  }
0x86: {  	_ =	shalt  }
0x87: {  	_ =	shalt  }
.Lfunc_end0:
.L_simem_size_0:
called_computation_lowered:
.L_overlay_start_0:
0x88: {  	s2 =	sld [smem:$0x3FD9]  }
0x89: {  	s3 =	sld [smem:$0x3FFE];
	_ =	sdelay $0x1  }
0x8a: {  	s1 =	srdreg.scid  }
0x8b: {  	s0 =	sand.u32 $0x1, s1  }
0x8c: {  	s17 =	sshll.u32 s0, $0xA;
	s2 =	sadd.s32 s3, s2  }
0x8d: {  	s2 =	sadd.s32 s2, s17  }
0x8e: {  	[smem:$0x3FC6] =	sst s2  }
0x8f: {  	_ = 	snop  }
0x90: {  	s2 =	sld [smem:$0x3FC9]  }
0x91: {  	s18 =	sld [smem:$0x3FD0];
	(tm) =	ssettm $0x1  }
0x92: {  	s4 =	sld [smem:$0x3FFB];
	_ =	sdelay $0x3  }
0x93: {  	_ =	strace s4  }
0x94: {  	s4 =	sld [smem:$0x3FFC];
	_ =	sdelay $0x3  }
0x95: {  	_ =	strace s4  }
0x96: {  	s4 =	sld [smem:$0x3FFD];
	_ =	sdelay $0x3  }
0x97: {  	_ =	strace s4  }
0x98: {  	_ =	strace $0x8FFFFFFF  }
0x99: {  	s19 =	sld [smem:$0x3FDB];
	_ =	sdelay $0x1  }
0x9a: {  	s5 =	simm.s32 $_scs_section_size  }
0x9b: {  	s6 =	simm.s32 $_size__tile_overlayer_lowered;
	s7 =	simm.s32 $_tile_overlayer_lowered  }
0x9c: {  	s22 =	simm.s32 $0x1BFF;
	s21 =	sshll.u32 s7, $0x1;
	s4 =	sadd.s32 s5, s19  }
0x9d: {  	s8 =	simm.s32 $0x0;
	s20 =	sshll.u32 s6, $0x1;
	s6 =	sadd.s32 s21, s4  }
0x9e: {  	[timem:s8], [sflag:s22] =	dma.local [hbm:s6], s20  }
0x9f: {  	_ =	swait.ge [sflag:s22], s20  }
0xa0: {  	s5 =	ssub.s32 $0x0, s20;
	[sflag:s22] =	ssyncset.done $0x0  }
0xa1: {  	[sflag:s22] =	ssyncadd.s32 s5;
	_ =	sdelay $0x1  }
0xa2: {  	s23 =	simm.s32 $0x1B8B  }
0xa3: {  	_ =	swait.ge [sflag:s23], $0x1  }
0xa4: {  	[sflag:s23] =	ssyncset.done $0x0  }
0xa5: {  	s25 =	simm.s32 $0x1B8E;
	s24 =	sld [smem:$0x3FFE];
	[sflag:s23] =	ssyncadd.s32 $0xFFFFFFFF  }
0xa6: {  	s26 =	simm.s32 $execute0_lowered;
	[smem:$0x3FD2] =	sst s25  }
0xa7: {  	s6 =	sshll.u32 s26, $0x1;
	_ =	strace $0x80000046;
	[dreg:$0x1] =	wrdreg $0xFFFFFFFF  }
0xa8: {  	s28 =	simm.s32 $_size_execute0_lowered;
	s4 =	sadd.s32 s4, s6;
	[dreg:$0x0] =	wrdreg $0x0  }
0xa9: {  	s6 =	sshll.u32 s28, $0x1;
	[dreg:$0x2] =	wrdreg s4  }
0xaa: {  	[dreg:$0x3] =	wrdreg s6  }
0xab: {  	[dreg:$0x4] =	wrdreg $0xC0  }
0xac: {  	_ =	task [dreg:s8], $0x5FFFF  }
0xad: {  	[dreg:$0x1] =	wrdreg $0xFFFFFFFF  }
0xae: {  	[dreg:$0x0] =	wrdreg $0x60  }
0xaf: {  	[dreg:$0x2] =	wrdreg s2  }
0xb0: {  	[dreg:$0x3] =	wrdreg s24  }
0xb1: {  	[dreg:$0x4] =	wrdreg s18  }
0xb2: {  	[dreg:$0x5] =	wrdreg $0x9  }
0xb3: {  	_ =	task.clear_ibuf [dreg:s8], $0x6FFFF;
	_ =	strace $0x90000046  }
0xb4: {  	s29 =	simm.s32 $0x9;
	_ =	strace $0x80000048  }
0xb5: {  	_ =	swait.ge [sflag:s29], $0x1  }
0xb6: {  	[sflag:s29] =	ssyncadd.s32 $0xFFFFFFFF  }
0xb7: {  	_ =	strace $0x90000048  }
0xb8: {  	_ =	sfence  }
0xb9: {  	s30 =	sld [smem:$0x0];
	_ =	sdelay $0x2  }
0xba: {  	s31 =	sshll.u32 s1, $0xD;
	s1 =	sshrl.u32 s1, $0x2  }
0xbb: {  	s3 =	sand.u32 $0x4000, s31;
	s1 =	sadd.s32 s1, s30  }
0xbc: {  	s0 =	sor.u32 s3, s0;
	s1 =	sshll.u32 s1, $0x11  }
0xbd: {  	s0 =	sor.u32 s1, s0  }
0xbe: {  	s0 =	sadd.s32 $0x8F2B, s0  }
0xbf: {  	[sflag:s0] =	ssyncadd.remote.s32 $0x1  }
0xc0: {  	_ =	sfence.sel $0xFFFF  }
0xc1: {  	[dreg:$0x0] =	wrdreg $0xFFFFFFFF;
	(pc) =	sbr.abs _section_cstart, $3  }
0xc2: {  	[dreg:$0x1] =	wrdreg $0xFFFFFFFF  }
0xc3: {  	_ =	task.clear_ibuf [dreg:s8], $0x2FFFF;
	_ =	strace $0x9FFFFFFF  }
0xc4: {  	(tm) =	ssettm $0x7FFFFFFF  }
0xc5: {  	_ =	shalt  }
tec
execute0_lowered:
.L_overlay_start_1:
0x0: {  	(tag) =	ssettag $0x1  }
0x1: {  	s0 =	rddreg [dreg:$0x1]  }
0x2: {  	s6 =	rddreg [dreg:$0x2]  }
0x3: {  	s4 =	stileid.u32;
	s1 =	srdreg.scid;
	s3 =	simm.s32 $0x0  }
0x4: {  	s18 =	simm.s32 $0x1;
	s20 =	simm.s32 $0x2000;
	s22 =	simm.s32 $0x80  }
0x5: {  	s28 =	simm.s32 $0x19400;
	s29 =	simm.s32 $0x19800;
	s30 =	simm.s32 $0x19C00  }
0x6: {  	s2 =	sshll.u32 s4, $0x1;
	s1 =	sand.u32 $0x1, s1;
	[smem:$0x7FF] =	sst s3  }
0x7: {  	s4 =	sshll.u32 s4, $0x8;
	s8 =	sadd.s32 $0x10, s6;
	s9 =	sadd.s32 $0x20, s6  }
0x8: {  	s10 =	sadd.s32 $0x30, s6;
	s11 =	sadd.s32 $0x40, s6;
	s2 =	sand.u32 $0x2, s2  }
0x9: {  	s12 =	sadd.s32 $0x50, s6;
	s13 =	sadd.s32 $0x60, s6;
	s2 =	sor.u32 s1, s2  }
0xa: {  	s14 =	sadd.s32 $0x70, s6;
	s1 =	ssub.s32 $0x2, s1;
	s25 =	sshll.u32 s2, $0x9  }
0xb: {  	_ =	strace $0x80000047;
	s26 =	sshrl.u32 s1, $0x1;
	s0 =	sadd.s32 s25, s0  }
0xc: {  	s5 =	sand.u32 $0xE00, s4;
	s1 =	ssub.s32 s1, s26;
	s0 =	sadd.s32 $0x400, s0  }
0xd: {  	s7 =	sshll.u32 s2, $0xB;
	s31 =	smax.u32 s1, $0x1;
	[dreg:$0x4] =	wrdreg s0  }
0xe: {  	s26 =	simm.s32 $0x19000;
	s1 =	simm.s32 $0x0;
	[dreg:$0x5] =	wrdreg s31  }
.LBB2_1:
0xf: {  	[dreg:$0x6] =	wrdreg s1;
	s0 =	simm.s32 $0x0  }
0x10: {  	s31 =	rddreg [dreg:$0x4];
	s2 =	simm.s32 $0x1000;
	s3 =	simm.s32 $0x4000  }
0x11: {  	[tilespmem:s0], [sflag:$0x1] =	stream.strided.gather [hbm4b:s31+s2], $0x8000, s3, s2, $0x38;
	[tilespmem:$0x1A000] =	vst v63  }
0x12: {  	_ =	swait.ge [sflag:s18], $0x8000  }
0x13: {  	[sflag:s18] =	ssyncset.done $0x0  }
0x14: {  	s1 =	simm.s32 $0x0;
	s0 =	simm.s32 $0x0;
	[sflag:s18] =	ssyncadd.s32 $0xFFFF8000  }
.LBB2_2:
0x15: {  	s2 =	sand.u32 $0x800, s1;
	s3 =	sand.u32 $0x380, s0  }
0x16: {  	s16 =	sor.u32 s3, s2  }
0x17: {  	v0 =	vld [tilespmem:s16+$0x0]  }
0x18: {  	v1 =	vld [tilespmem:s16+$0x10]  }
0x19: {  	v2 =	vld [tilespmem:s16+$0x20]  }
0x1a: {  	v3 =	vld [tilespmem:s16+$0x30]  }
0x1b: {  	v4 =	vld [tilespmem:s16+$0x40]  }
0x1c: {  	v5 =	vld [tilespmem:s16+$0x50]  }
0x1d: {  	v6 =	vld [tilespmem:s16+$0x60];
	v7 =	vmax.f32 v0, v1  }
0x1e: {  	v8 =	vld [tilespmem:s16+$0x70];
	v7 =	vmax.f32 v7, v2  }
0x1f: {  	v9 =	vld [tilespmem:s16+$0x400];
	v7 =	vmax.f32 v7, v3  }
0x20: {  	v10 =	vld [tilespmem:s16+$0x410];
	v7 =	vmax.f32 v7, v4  }
0x21: {  	v11 =	vld [tilespmem:s16+$0x420];
	v7 =	vmax.f32 v7, v5  }
0x22: {  	v12 =	vld [tilespmem:s16+$0x430];
	v7 =	vmax.f32 v7, v6  }
0x23: {  	v13 =	vld [tilespmem:s16+$0x440];
	v7 =	vmax.f32 v7, v8  }
0x24: {  	v14 =	vld [tilespmem:s16+$0x450];
	v7 =	vmax.f32 v7, v9  }
0x25: {  	v15 =	vld [tilespmem:s16+$0x460];
	v7 =	vmax.f32 v7, v10  }
0x26: {  	v16 =	vld [tilespmem:s16+$0x470];
	v7 =	vmax.f32 v7, v11  }
0x27: {  	v7 =	vmax.f32 v7, v12  }
0x28: {  	v7 =	vmax.f32 v7, v13  }
0x29: {  	v7 =	vmax.f32 v7, v14  }
0x2a: {  	v7 =	vmax.f32 v7, v15  }
0x2b: {  	v7 =	vmax.f32 v7, v16  }
0x2c: {  	v0 =	vsub.f32 v0, v7;
	v1 =	vsub.f32 v1, v7  }
0x2d: {  	v2 =	vsub.f32 v2, v7;
	v3 =	vsub.f32 v3, v7  }
0x2e: {  	v18 =	vsub.f32 v4, v7;
	v0 =	vmul.f32 $1.000000000e+03, v0;
	v1 =	vmul.f32 $1.000000000e+03, v1  }
0x2f: {  	v20 =	vsub.f32 v5, v7;
	v17 =	vmul.f32 $1.000000000e+03, v2;
	v19 =	vmul.f32 $1.000000000e+03, v3  }
0x30: {  	v2 =	vmul.f32 $1.000000000e+03, v18;
	v0 =	vmul.f32 $1.442695020e+00, v0  }
0x31: {  	v3 =	vmul.f32 $1.000000000e+03, v20;
	v1 =	vmul.f32 $1.442695020e+00, v1  }
0x32: {  	(erf) = vpow2.f32 v0;
	v0 =	vmul.f32 $1.442695020e+00, v17  }
0x33: {  	(erf) = vpow2.f32 v1;
	v1 =	vmul.f32 $1.442695020e+00, v19  }
0x34: {  	v21 =	vmul.f32 $1.442695020e+00, v2;
	(erf) = vpow2.f32 v0  }
0x35: {  	v22 =	vmul.f32 $1.442695020e+00, v3;
	(erf) = vpow2.f32 v1  }
0x36: {  	(erf) = vpow2.f32 v21  }
0x37: {  	(erf) = vpow2.f32 v22;
	_ =	sdelay $0x3  }
0x38: {  	v24 =	vsub.f32 v6, v7;
	v23 =	vpop (erf)  }
0x39: {  	v25 =	vpop (erf)  }
0x3a: {  	v27 =	vsub.f32 v8, v7;
	v1 =	vmul.f32 $1.000000000e+03, v24;
	v26 =	vpop (erf)  }
0x3b: {  	v29 =	vsub.f32 v9, v7;
	v28 =	vpop (erf)  }
0x3c: {  	v4 =	vmul.f32 $1.000000000e+03, v27;
	v1 =	vmul.f32 $1.442695020e+00, v1;
	v30 =	vpop (erf)  }
0x3d: {  	v10 =	vsub.f32 v10, v7;
	v6 =	vmul.f32 $1.000000000e+03, v29;
	v31 =	vpop (erf)  }
0x3e: {  	v32 =	vmul.f32 $1.442695020e+00, v4;
	v33 =	vadd.f32 v25, v23;
	(erf) = vpow2.f32 v1  }
0x3f: {  	v34 =	vsub.f32 v11, v7;
	v10 =	vmul.f32 $1.000000000e+03, v10  }
0x40: {  	v6 =	vmul.f32 $1.442695020e+00, v6;
	v4 =	vadd.f32 v33, v26;
	(erf) = vpow2.f32 v32  }
0x41: {  	v36 =	vsub.f32 v12, v7;
	v35 =	vmul.f32 $1.442695020e+00, v10  }
0x42: {  	v1 =	vmul.f32 $1.000000000e+03, v34;
	v4 =	vadd.f32 v4, v28;
	(erf) = vpow2.f32 v6  }
0x43: {  	v37 =	vsub.f32 v13, v7;
	v10 =	vmul.f32 $1.000000000e+03, v36  }
0x44: {  	v1 =	vmul.f32 $1.442695020e+00, v1;
	v4 =	vadd.f32 v4, v30;
	(erf) = vpow2.f32 v35  }
0x45: {  	v38 =	vsub.f32 v14, v7;
	v39 =	vmul.f32 $1.442695020e+00, v10  }
0x46: {  	v6 =	vmul.f32 $1.000000000e+03, v37;
	(erf) = vpow2.f32 v1;
	v4 =	vadd.f32 v4, v31  }
0x47: {  	v41 =	vsub.f32 v15, v7;
	v11 =	vmul.f32 $1.000000000e+03, v38;
	v40 =	vpop (erf)  }
0x48: {  	v6 =	vmul.f32 $1.442695020e+00, v6;
	(erf) = vpow2.f32 v39;
	v4 =	vadd.f32 v4, v40  }
0x49: {  	v7 =	vsub.f32 v16, v7;
	v43 =	vmul.f32 $1.442695020e+00, v11;
	v42 =	vpop (erf)  }
0x4a: {  	v1 =	vmul.f32 $1.000000000e+03, v41;
	(erf) = vpow2.f32 v6;
	v4 =	vadd.f32 v4, v42  }
0x4b: {  	v45 =	vmul.f32 $1.000000000e+03, v7;
	v44 =	vpop (erf)  }
0x4c: {  	v1 =	vmul.f32 $1.442695020e+00, v1;
	(erf) = vpow2.f32 v43;
	v4 =	vadd.f32 v4, v44  }
0x4d: {  	v46 =	vpop (erf)  }
0x4e: {  	v47 =	vmul.f32 $1.442695020e+00, v45;
	(erf) = vpow2.f32 v1;
	v4 =	vadd.f32 v4, v46  }
0x4f: {  	v48 =	vpop (erf)  }
0x50: {  	(erf) = vpow2.f32 v47;
	v49 =	vadd.f32 v4, v48  }
0x51: {  	v50 =	vpop (erf)  }
0x52: {  	v1 =	vadd.f32 v49, v50  }
0x53: {  	v51 =	vpop (erf)  }
0x54: {  	v1 =	vadd.f32 v1, v51  }
0x55: {  	v52 =	vpop (erf)  }
0x56: {  	v1 =	vadd.f32 v1, v52  }
0x57: {  	v53 =	vpop (erf)  }
0x58: {  	v1 =	vadd.f32 v1, v53  }
0x59: {  	v54 =	vpop (erf)  }
0x5a: {  	v1 =	vadd.f32 v1, v54;
	_ =	sdelay $0x1  }
0x5b: {  	(erf) = vrcp.f32 v1;
	_ =	sdelay $0x8  }
0x5c: {  	v1 =	vpop (erf)  }
0x5d: {  	v0 =	vmul.f32 v1, v23  }
0x5e: {  	v2 =	vmul.f32 v1, v25  }
0x5f: {  	v55 =	vmul.f32 v1, v26;
	[tilespmem:s16+$0x0] =	vst v0  }
0x60: {  	v56 =	vmul.f32 v1, v28;
	[tilespmem:s16+$0x10] =	vst v2  }
0x61: {  	v57 =	vmul.f32 v1, v30;
	[tilespmem:s16+$0x20] =	vst v55  }
0x62: {  	v58 =	vmul.f32 v1, v31;
	[tilespmem:s16+$0x30] =	vst v56  }
0x63: {  	v59 =	vmul.f32 v1, v40;
	[tilespmem:s16+$0x40] =	vst v57  }
0x64: {  	v60 =	vmul.f32 v1, v42;
	[tilespmem:s16+$0x50] =	vst v58  }
0x65: {  	v61 =	vmul.f32 v1, v44;
	[tilespmem:s16+$0x60] =	vst v59  }
0x66: {  	v63 =	vld [tilespmem:s16+$0x1000];
	v62 =	vmul.f32 v1, v46;
	[tilespmem:s16+$0x70] =	vst v60  }
0x67: {  	v20 =	vld [tilespmem:s16+$0x1010];
	v19 =	vmul.f32 v1, v48;
	[tilespmem:s16+$0x400] =	vst v61  }
0x68: {  	v22 =	vld [tilespmem:s16+$0x1020];
	v21 =	vmul.f32 v1, v50;
	[tilespmem:s16+$0x410] =	vst v62  }
0x69: {  	v24 =	vld [tilespmem:s16+$0x1030];
	v23 =	vmul.f32 v1, v52;
	[tilespmem:s16+$0x420] =	vst v19  }
0x6a: {  	v25 =	vmul.f32 v1, v53;
	v26 =	vld [tilespmem:s16+$0x1040];
	[tilespmem:s16+$0x430] =	vst v21  }
0x6b: {  	s15 =	sand.u32 $0xFFFFF800, s1;
	v27 =	vmul.f32 v1, v54;
	v28 =	vld [tilespmem:s16+$0x1050];
	[tilespmem:s16+$0x450] =	vst v23  }
0x6c: {  	s4 =	sadd.s32 s15, s0;
	v29 =	vld [tilespmem:s16+$0x1060];
	v1 =	vmul.f32 v1, v51;
	v30 =	vmax.f32 v63, v20;
	[tilespmem:s16+$0x460] =	vst v25  }
0x6d: {  	s2 =	sor.u32 $0x1400, s4;
	v31 =	vld [tilespmem:s16+$0x1070];
	v9 =	vmax.f32 v30, v22;
	[tilespmem:s16+$0x470] =	vst v27  }
0x6e: {  	[tilespmem:s16+$0x440] =	vst v1;
	v9 =	vmax.f32 v9, v24;
	v32 =	vld [tilespmem:s2+$0x0]  }
0x6f: {  	v33 =	vld [tilespmem:s2+$0x10];
	v9 =	vmax.f32 v9, v26  }
0x70: {  	v34 =	vld [tilespmem:s2+$0x20];
	v9 =	vmax.f32 v9, v28  }
0x71: {  	v35 =	vld [tilespmem:s2+$0x30];
	v9 =	vmax.f32 v9, v29  }
0x72: {  	v36 =	vld [tilespmem:s2+$0x40];
	v9 =	vmax.f32 v9, v31  }
0x73: {  	v37 =	vld [tilespmem:s2+$0x50];
	v9 =	vmax.f32 v9, v32  }
0x74: {  	v38 =	vld [tilespmem:s2+$0x60];
	v9 =	vmax.f32 v9, v33  }
0x75: {  	v39 =	vld [tilespmem:s2+$0x70];
	v9 =	vmax.f32 v9, v34  }
0x76: {  	v9 =	vmax.f32 v9, v35  }
0x77: {  	v9 =	vmax.f32 v9, v36  }
0x78: {  	v9 =	vmax.f32 v9, v37  }
0x79: {  	v9 =	vmax.f32 v9, v38  }
0x7a: {  	v9 =	vmax.f32 v9, v39  }
0x7b: {  	v3 =	vsub.f32 v63, v9  }
0x7c: {  	v5 =	vsub.f32 v20, v9  }
0x7d: {  	v3 =	vmul.f32 $1.000000000e+03, v3  }
0x7e: {  	v4 =	vsub.f32 v22, v9;
	v5 =	vmul.f32 $1.000000000e+03, v5  }
0x7f: {  	v6 =	vsub.f32 v24, v9;
	v3 =	vmul.f32 $1.442695020e+00, v3  }
0x80: {  	v4 =	vmul.f32 $1.000000000e+03, v4;
	v5 =	vmul.f32 $1.442695020e+00, v5  }
0x81: {  	v41 =	vmul.f32 $1.000000000e+03, v6;
	(erf) = vpow2.f32 v3  }
0x82: {  	v42 =	vsub.f32 v26, v9;
	v40 =	vmul.f32 $1.442695020e+00, v4;
	(erf) = vpow2.f32 v5  }
0x83: {  	v43 =	vsub.f32 v28, v9;
	v4 =	vmul.f32 $1.442695020e+00, v41  }
0x84: {  	v5 =	vmul.f32 $1.000000000e+03, v42;
	(erf) = vpow2.f32 v40  }
0x85: {  	v2 =	vsub.f32 v29, v9;
	v3 =	vmul.f32 $1.000000000e+03, v43  }
0x86: {  	(erf) = vpow2.f32 v4;
	v44 =	vmul.f32 $1.442695020e+00, v5  }
0x87: {  	v0 =	vsub.f32 v31, v9;
	v2 =	vmul.f32 $1.000000000e+03, v2  }
0x88: {  	v3 =	vmul.f32 $1.442695020e+00, v3;
	(erf) = vpow2.f32 v44  }
0x89: {  	v1 =	vsub.f32 v32, v9;
	v0 =	vmul.f32 $1.000000000e+03, v0  }
0x8a: {  	v2 =	vmul.f32 $1.442695020e+00, v2;
	(erf) = vpow2.f32 v3;
	v45 =	vpop (erf)  }
0x8b: {  	v47 =	vsub.f32 v33, v9;
	v1 =	vmul.f32 $1.000000000e+03, v1;
	v46 =	vpop (erf)  }
0x8c: {  	v0 =	vmul.f32 $1.442695020e+00, v0;
	(erf) = vpow2.f32 v2;
	v48 =	vadd.f32 v46, v45  }
0x8d: {  	v50 =	vsub.f32 v34, v9;
	v5 =	vmul.f32 $1.000000000e+03, v47;
	v49 =	vpop (erf)  }
0x8e: {  	v1 =	vmul.f32 $1.442695020e+00, v1;
	(erf) = vpow2.f32 v0;
	v2 =	vadd.f32 v48, v49  }
0x8f: {  	v53 =	vsub.f32 v35, v9;
	v52 =	vmul.f32 $1.442695020e+00, v5;
	v51 =	vpop (erf)  }
0x90: {  	v0 =	vmul.f32 $1.000000000e+03, v50;
	(erf) = vpow2.f32 v1;
	v2 =	vadd.f32 v2, v51  }
0x91: {  	v55 =	vsub.f32 v36, v9;
	v5 =	vmul.f32 $1.000000000e+03, v53;
	v54 =	vpop (erf)  }
0x92: {  	v0 =	vmul.f32 $1.442695020e+00, v0;
	(erf) = vpow2.f32 v52;
	v2 =	vadd.f32 v2, v54  }
0x93: {  	v57 =	vsub.f32 v37, v9;
	v58 =	vmul.f32 $1.442695020e+00, v5;
	v56 =	vpop (erf)  }
0x94: {  	v1 =	vmul.f32 $1.000000000e+03, v55;
	(erf) = vpow2.f32 v0;
	v2 =	vadd.f32 v2, v56  }
0x95: {  	v60 =	vsub.f32 v38, v9;
	v11 =	vmul.f32 $1.000000000e+03, v57;
	v59 =	vpop (erf)  }
0x96: {  	v1 =	vmul.f32 $1.442695020e+00, v1;
	(erf) = vpow2.f32 v58;
	v2 =	vadd.f32 v2, v59  }
0x97: {  	v9 =	vsub.f32 v39, v9;
	v62 =	vmul.f32 $1.442695020e+00, v11;
	v61 =	vpop (erf)  }
0x98: {  	v0 =	vmul.f32 $1.000000000e+03, v60;
	(erf) = vpow2.f32 v1;
	v2 =	vadd.f32 v2, v61  }
0x99: {  	v19 =	vmul.f32 $1.000000000e+03, v9;
	v63 =	vpop (erf)  }
0x9a: {  	v0 =	vmul.f32 $1.442695020e+00, v0;
	(erf) = vpow2.f32 v62;
	v2 =	vadd.f32 v2, v63  }
0x9b: {  	v20 =	vpop (erf)  }
0x9c: {  	v21 =	vmul.f32 $1.442695020e+00, v19;
	(erf) = vpow2.f32 v0;
	v22 =	vadd.f32 v2, v20  }
0x9d: {  	v23 =	vpop (erf)  }
0x9e: {  	(erf) = vpow2.f32 v21;
	v24 =	vadd.f32 v22, v23  }
0x9f: {  	v25 =	vpop (erf)  }
0xa0: {  	v0 =	vadd.f32 v24, v25  }
0xa1: {  	v26 =	vpop (erf)  }
0xa2: {  	v0 =	vadd.f32 v0, v26  }
0xa3: {  	v27 =	vpop (erf)  }
0xa4: {  	v0 =	vadd.f32 v0, v27  }
0xa5: {  	v28 =	vpop (erf)  }
0xa6: {  	v0 =	vadd.f32 v0, v28  }
0xa7: {  	v29 =	vpop (erf)  }
0xa8: {  	v0 =	vadd.f32 v0, v29;
	_ =	sdelay $0x1  }
0xa9: {  	(erf) = vrcp.f32 v0;
	_ =	sdelay $0x8  }
0xaa: {  	v0 =	vpop (erf)  }
0xab: {  	v3 =	vmul.f32 v0, v45  }
0xac: {  	v4 =	vmul.f32 v0, v46  }
0xad: {  	v30 =	vmul.f32 v0, v49;
	[tilespmem:s16+$0x1000] =	vst v3  }
0xae: {  	v31 =	vmul.f32 v0, v51;
	[tilespmem:s16+$0x1010] =	vst v4  }
0xaf: {  	v32 =	vmul.f32 v0, v54;
	[tilespmem:s16+$0x1020] =	vst v30  }
0xb0: {  	v33 =	vmul.f32 v0, v56;
	[tilespmem:s16+$0x1030] =	vst v31  }
0xb1: {  	v34 =	vmul.f32 v0, v59;
	[tilespmem:s16+$0x1040] =	vst v32  }
0xb2: {  	v35 =	vmul.f32 v0, v61;
	[tilespmem:s16+$0x1050] =	vst v33  }
0xb3: {  	v36 =	vmul.f32 v0, v63;
	[tilespmem:s16+$0x1060] =	vst v34  }
0xb4: {  	v37 =	vmul.f32 v0, v20;
	[tilespmem:s16+$0x1070] =	vst v35  }
0xb5: {  	v2 =	vmul.f32 v0, v23;
	[tilespmem:s2+$0x0] =	vst v36  }
0xb6: {  	v1 =	vmul.f32 v0, v25;
	[tilespmem:s2+$0x10] =	vst v37  }
0xb7: {  	v38 =	vmul.f32 v0, v26;
	[tilespmem:s2+$0x20] =	vst v2  }
0xb8: {  	v39 =	vmul.f32 v0, v27;
	[tilespmem:s2+$0x30] =	vst v1  }
0xb9: {  	v40 =	vmul.f32 v0, v28;
	[tilespmem:s2+$0x40] =	vst v38  }
0xba: {  	v0 =	vmul.f32 v0, v29;
	[tilespmem:s2+$0x50] =	vst v39  }
0xbb: {  	[tilespmem:s2+$0x60] =	vst v40  }
0xbc: {  	[tilespmem:s2+$0x70] =	vst v0  }
0xbd: {  	v0 =	vld [tilespmem:s16+$0x2000]  }
0xbe: {  	v1 =	vld [tilespmem:s16+$0x2010]  }
0xbf: {  	v2 =	vld [tilespmem:s16+$0x2020]  }
0xc0: {  	v3 =	vld [tilespmem:s16+$0x2030]  }
0xc1: {  	v4 =	vld [tilespmem:s16+$0x2040]  }
0xc2: {  	v41 =	vld [tilespmem:s16+$0x2050]  }
0xc3: {  	v42 =	vld [tilespmem:s16+$0x2060];
	v43 =	vmax.f32 v0, v1  }
0xc4: {  	s17 =	sor.u32 $0x2400, s4;
	v44 =	vld [tilespmem:s16+$0x2070];
	v7 =	vmax.f32 v43, v2  }
0xc5: {  	v45 =	vld [tilespmem:s17+$0x0];
	v7 =	vmax.f32 v7, v3  }
0xc6: {  	v46 =	vld [tilespmem:s17+$0x10];
	v7 =	vmax.f32 v7, v4  }
0xc7: {  	v47 =	vld [tilespmem:s17+$0x20];
	v7 =	vmax.f32 v7, v41  }
0xc8: {  	v48 =	vld [tilespmem:s17+$0x30];
	v7 =	vmax.f32 v7, v42  }
0xc9: {  	v49 =	vld [tilespmem:s17+$0x40];
	v7 =	vmax.f32 v7, v44  }
0xca: {  	v50 =	vld [tilespmem:s17+$0x50];
	v7 =	vmax.f32 v7, v45  }
0xcb: {  	v51 =	vld [tilespmem:s17+$0x60];
	v7 =	vmax.f32 v7, v46  }
0xcc: {  	v52 =	vld [tilespmem:s17+$0x70];
	v7 =	vmax.f32 v7, v47  }
0xcd: {  	v7 =	vmax.f32 v7, v48  }
0xce: {  	v7 =	vmax.f32 v7, v49  }
0xcf: {  	v7 =	vmax.f32 v7, v50  }
0xd0: {  	v7 =	vmax.f32 v7, v51  }
0xd1: {  	v7 =	vmax.f32 v7, v52  }
0xd2: {  	v0 =	vsub.f32 v0, v7  }
0xd3: {  	v1 =	vsub.f32 v1, v7  }
0xd4: {  	v0 =	vmul.f32 $1.000000000e+03, v0  }
0xd5: {  	v2 =	vsub.f32 v2, v7;
	v1 =	vmul.f32 $1.000000000e+03, v1  }
0xd6: {  	v3 =	vsub.f32 v3, v7;
	v0 =	vmul.f32 $1.442695020e+00, v0  }
0xd7: {  	v2 =	vmul.f32 $1.000000000e+03, v2;
	v1 =	vmul.f32 $1.442695020e+00, v1  }
0xd8: {  	v55 =	vsub.f32 v4, v7;
	v54 =	vmul.f32 $1.000000000e+03, v3;
	(erf) = vpow2.f32 v0  }
0xd9: {  	v53 =	vmul.f32 $1.442695020e+00, v2;
	(erf) = vpow2.f32 v1  }
0xda: {  	v56 =	vsub.f32 v41, v7;
	v2 =	vmul.f32 $1.000000000e+03, v55  }
0xdb: {  	v1 =	vmul.f32 $1.442695020e+00, v54;
	(erf) = vpow2.f32 v53  }
0xdc: {  	v58 =	vsub.f32 v42, v7;
	v0 =	vmul.f32 $1.000000000e+03, v56  }
0xdd: {  	v57 =	vmul.f32 $1.442695020e+00, v2;
	(erf) = vpow2.f32 v1  }
0xde: {  	v60 =	vsub.f32 v44, v7;
	v59 =	vmul.f32 $1.000000000e+03, v58  }
0xdf: {  	v0 =	vmul.f32 $1.442695020e+00, v0;
	(erf) = vpow2.f32 v57  }
0xe0: {  	v2 =	vmul.f32 $1.000000000e+03, v60  }
0xe1: {  	v61 =	vsub.f32 v45, v7;
	v1 =	vmul.f32 $1.442695020e+00, v59;
	(erf) = vpow2.f32 v0;
	v62 =	vpop (erf)  }
0xe2: {  	v18 =	vsub.f32 v46, v7;
	v19 =	vmul.f32 $1.442695020e+00, v2;
	v63 =	vpop (erf)  }
0xe3: {  	v0 =	vmul.f32 $1.000000000e+03, v61;
	(erf) = vpow2.f32 v1;
	v20 =	vadd.f32 v63, v62  }
0xe4: {  	v22 =	vsub.f32 v47, v7;
	v5 =	vmul.f32 $1.000000000e+03, v18;
	v21 =	vpop (erf)  }
0xe5: {  	v0 =	vmul.f32 $1.442695020e+00, v0;
	(erf) = vpow2.f32 v19;
	v2 =	vadd.f32 v20, v21  }
0xe6: {  	v25 =	vsub.f32 v48, v7;
	v24 =	vmul.f32 $1.442695020e+00, v5;
	v23 =	vpop (erf)  }
0xe7: {  	v1 =	vmul.f32 $1.000000000e+03, v22;
	(erf) = vpow2.f32 v0;
	v2 =	vadd.f32 v2, v23  }
0xe8: {  	v27 =	vsub.f32 v49, v7;
	v5 =	vmul.f32 $1.000000000e+03, v25;
	v26 =	vpop (erf)  }
0xe9: {  	v1 =	vmul.f32 $1.442695020e+00, v1;
	(erf) = vpow2.f32 v24;
	v2 =	vadd.f32 v2, v26  }
0xea: {  	v29 =	vsub.f32 v50, v7;
	v30 =	vmul.f32 $1.442695020e+00, v5;
	v28 =	vpop (erf)  }
0xeb: {  	v0 =	vmul.f32 $1.000000000e+03, v27;
	(erf) = vpow2.f32 v1;
	v2 =	vadd.f32 v2, v28  }
0xec: {  	v32 =	vsub.f32 v51, v7;
	v11 =	vmul.f32 $1.000000000e+03, v29;
	v31 =	vpop (erf)  }
0xed: {  	v0 =	vmul.f32 $1.442695020e+00, v0;
	(erf) = vpow2.f32 v30;
	v2 =	vadd.f32 v2, v31  }
0xee: {  	v7 =	vsub.f32 v52, v7;
	v34 =	vmul.f32 $1.442695020e+00, v11;
	v33 =	vpop (erf)  }
0xef: {  	v1 =	vmul.f32 $1.000000000e+03, v32;
	(erf) = vpow2.f32 v0;
	v2 =	vadd.f32 v2, v33  }
0xf0: {  	v37 =	vmul.f32 $1.000000000e+03, v7;
	v35 =	vpop (erf)  }
0xf1: {  	v36 =	vmul.f32 $1.442695020e+00, v1;
	(erf) = vpow2.f32 v34;
	v2 =	vadd.f32 v2, v35  }
0xf2: {  	v38 =	vpop (erf)  }
0xf3: {  	v39 =	vmul.f32 $1.442695020e+00, v37;
	(erf) = vpow2.f32 v36;
	v40 =	vadd.f32 v2, v38  }
0xf4: {  	v41 =	vpop (erf)  }
0xf5: {  	(erf) = vpow2.f32 v39;
	v42 =	vadd.f32 v40, v41  }
0xf6: {  	v43 =	vpop (erf)  }
0xf7: {  	v0 =	vadd.f32 v42, v43  }
0xf8: {  	v44 =	vpop (erf)  }
0xf9: {  	v0 =	vadd.f32 v0, v44  }
0xfa: {  	v45 =	vpop (erf)  }
0xfb: {  	v0 =	vadd.f32 v0, v45  }
0xfc: {  	v46 =	vpop (erf)  }
0xfd: {  	v0 =	vadd.f32 v0, v46  }
0xfe: {  	v47 =	vpop (erf)  }
0xff: {  	v0 =	vadd.f32 v0, v47;
	_ =	sdelay $0x1  }
0x100: {  	(erf) = vrcp.f32 v0;
	_ =	sdelay $0x8  }
0x101: {  	v0 =	vpop (erf)  }
0x102: {  	v3 =	vmul.f32 v0, v62  }
0x103: {  	v4 =	vmul.f32 v0, v63  }
0x104: {  	v48 =	vmul.f32 v0, v21;
	[tilespmem:s16+$0x2000] =	vst v3  }
0x105: {  	v49 =	vmul.f32 v0, v23;
	[tilespmem:s16+$0x2010] =	vst v4  }
0x106: {  	v50 =	vmul.f32 v0, v26;
	[tilespmem:s16+$0x2020] =	vst v48  }
0x107: {  	v51 =	vmul.f32 v0, v28;
	[tilespmem:s16+$0x2030] =	vst v49  }
0x108: {  	v52 =	vmul.f32 v0, v31;
	[tilespmem:s16+$0x2040] =	vst v50  }
0x109: {  	v53 =	vmul.f32 v0, v33;
	[tilespmem:s16+$0x2050] =	vst v51  }
0x10a: {  	v54 =	vmul.f32 v0, v35;
	[tilespmem:s16+$0x2060] =	vst v52  }
0x10b: {  	v55 =	vmul.f32 v0, v38;
	[tilespmem:s16+$0x2070] =	vst v53  }
0x10c: {  	v2 =	vmul.f32 v0, v41;
	[tilespmem:s17+$0x0] =	vst v54  }
0x10d: {  	v1 =	vmul.f32 v0, v43;
	[tilespmem:s17+$0x10] =	vst v55  }
0x10e: {  	v56 =	vmul.f32 v0, v44;
	[tilespmem:s17+$0x20] =	vst v2  }
0x10f: {  	v57 =	vmul.f32 v0, v45;
	[tilespmem:s17+$0x30] =	vst v1  }
0x110: {  	v58 =	vmul.f32 v0, v46;
	[tilespmem:s17+$0x40] =	vst v56  }
0x111: {  	v0 =	vmul.f32 v0, v47;
	[tilespmem:s17+$0x50] =	vst v57  }
0x112: {  	[tilespmem:s17+$0x60] =	vst v58  }
0x113: {  	[tilespmem:s17+$0x70] =	vst v0  }
0x114: {  	v0 =	vld [tilespmem:s16+$0x3000]  }
0x115: {  	v1 =	vld [tilespmem:s16+$0x3010]  }
0x116: {  	v2 =	vld [tilespmem:s16+$0x3020]  }
0x117: {  	v3 =	vld [tilespmem:s16+$0x3030]  }
0x118: {  	v4 =	vld [tilespmem:s16+$0x3040]  }
0x119: {  	v59 =	vld [tilespmem:s16+$0x3050]  }
0x11a: {  	v60 =	vld [tilespmem:s16+$0x3060];
	v61 =	vmax.f32 v0, v1  }
0x11b: {  	s19 =	sor.u32 $0x3400, s4;
	v62 =	vld [tilespmem:s16+$0x3070];
	v7 =	vmax.f32 v61, v2  }
0x11c: {  	v63 =	vld [tilespmem:s19+$0x0];
	v7 =	vmax.f32 v7, v3  }
0x11d: {  	v20 =	vld [tilespmem:s19+$0x10];
	v7 =	vmax.f32 v7, v4  }
0x11e: {  	v21 =	vld [tilespmem:s19+$0x20];
	v7 =	vmax.f32 v7, v59  }
0x11f: {  	v22 =	vld [tilespmem:s19+$0x30];
	v7 =	vmax.f32 v7, v60  }
0x120: {  	v23 =	vld [tilespmem:s19+$0x40];
	v7 =	vmax.f32 v7, v62  }
0x121: {  	v24 =	vld [tilespmem:s19+$0x50];
	v7 =	vmax.f32 v7, v63  }
0x122: {  	v25 =	vld [tilespmem:s19+$0x60];
	v7 =	vmax.f32 v7, v20  }
0x123: {  	v26 =	vld [tilespmem:s19+$0x70];
	v7 =	vmax.f32 v7, v21  }
0x124: {  	v7 =	vmax.f32 v7, v22  }
0x125: {  	v7 =	vmax.f32 v7, v23  }
0x126: {  	v7 =	vmax.f32 v7, v24  }
0x127: {  	v7 =	vmax.f32 v7, v25  }
0x128: {  	v7 =	vmax.f32 v7, v26  }
0x129: {  	v0 =	vsub.f32 v0, v7  }
0x12a: {  	v1 =	vsub.f32 v1, v7  }
0x12b: {  	v0 =	vmul.f32 $1.000000000e+03, v0  }
0x12c: {  	v2 =	vsub.f32 v2, v7;
	v1 =	vmul.f32 $1.000000000e+03, v1  }
0x12d: {  	v3 =	vsub.f32 v3, v7;
	v0 =	vmul.f32 $1.442695020e+00, v0  }
0x12e: {  	v2 =	vmul.f32 $1.000000000e+03, v2;
	v1 =	vmul.f32 $1.442695020e+00, v1  }
0x12f: {  	v29 =	vsub.f32 v4, v7;
	v28 =	vmul.f32 $1.000000000e+03, v3;
	(erf) = vpow2.f32 v0  }
0x130: {  	v27 =	vmul.f32 $1.442695020e+00, v2;
	(erf) = vpow2.f32 v1  }
0x131: {  	v30 =	vsub.f32 v59, v7;
	v2 =	vmul.f32 $1.000000000e+03, v29  }
0x132: {  	v1 =	vmul.f32 $1.442695020e+00, v28;
	(erf) = vpow2.f32 v27  }
0x133: {  	v32 =	vsub.f32 v60, v7;
	v0 =	vmul.f32 $1.000000000e+03, v30  }
0x134: {  	v31 =	vmul.f32 $1.442695020e+00, v2;
	(erf) = vpow2.f32 v1  }
0x135: {  	v34 =	vsub.f32 v62, v7;
	v33 =	vmul.f32 $1.000000000e+03, v32  }
0x136: {  	v0 =	vmul.f32 $1.442695020e+00, v0;
	(erf) = vpow2.f32 v31  }
0x137: {  	v2 =	vmul.f32 $1.000000000e+03, v34  }
0x138: {  	v35 =	vsub.f32 v63, v7;
	v1 =	vmul.f32 $1.442695020e+00, v33;
	(erf) = vpow2.f32 v0;
	v36 =	vpop (erf)  }
0x139: {  	v38 =	vsub.f32 v20, v7;
	v39 =	vmul.f32 $1.442695020e+00, v2;
	v37 =	vpop (erf)  }
0x13a: {  	v0 =	vmul.f32 $1.000000000e+03, v35;
	(erf) = vpow2.f32 v1;
	v40 =	vadd.f32 v37, v36  }
0x13b: {  	v42 =	vsub.f32 v21, v7;
	v5 =	vmul.f32 $1.000000000e+03, v38;
	v41 =	vpop (erf)  }
0x13c: {  	v0 =	vmul.f32 $1.442695020e+00, v0;
	(erf) = vpow2.f32 v39;
	v2 =	vadd.f32 v40, v41  }
0x13d: {  	v45 =	vsub.f32 v22, v7;
	v44 =	vmul.f32 $1.442695020e+00, v5;
	v43 =	vpop (erf)  }
0x13e: {  	v1 =	vmul.f32 $1.000000000e+03, v42;
	(erf) = vpow2.f32 v0;
	v2 =	vadd.f32 v2, v43  }
0x13f: {  	v47 =	vsub.f32 v23, v7;
	v5 =	vmul.f32 $1.000000000e+03, v45;
	v46 =	vpop (erf)  }
0x140: {  	v1 =	vmul.f32 $1.442695020e+00, v1;
	(erf) = vpow2.f32 v44;
	v2 =	vadd.f32 v2, v46  }
0x141: {  	v49 =	vsub.f32 v24, v7;
	v50 =	vmul.f32 $1.442695020e+00, v5;
	v48 =	vpop (erf)  }
0x142: {  	v0 =	vmul.f32 $1.000000000e+03, v47;
	(erf) = vpow2.f32 v1;
	v2 =	vadd.f32 v2, v48  }
0x143: {  	v52 =	vsub.f32 v25, v7;
	v11 =	vmul.f32 $1.000000000e+03, v49;
	v51 =	vpop (erf)  }
0x144: {  	v0 =	vmul.f32 $1.442695020e+00, v0;
	(erf) = vpow2.f32 v50;
	v2 =	vadd.f32 v2, v51  }
0x145: {  	v7 =	vsub.f32 v26, v7;
	v54 =	vmul.f32 $1.442695020e+00, v11;
	v53 =	vpop (erf)  }
0x146: {  	v1 =	vmul.f32 $1.000000000e+03, v52;
	(erf) = vpow2.f32 v0;
	v2 =	vadd.f32 v2, v53  }
0x147: {  	v57 =	vmul.f32 $1.000000000e+03, v7;
	v55 =	vpop (erf)  }
0x148: {  	v56 =	vmul.f32 $1.442695020e+00, v1;
	(erf) = vpow2.f32 v54;
	v2 =	vadd.f32 v2, v55  }
0x149: {  	v58 =	vpop (erf)  }
0x14a: {  	v59 =	vmul.f32 $1.442695020e+00, v57;
	(erf) = vpow2.f32 v56;
	v60 =	vadd.f32 v2, v58  }
0x14b: {  	v61 =	vpop (erf)  }
0x14c: {  	(erf) = vpow2.f32 v59;
	v62 =	vadd.f32 v60, v61  }
0x14d: {  	v63 =	vpop (erf)  }
0x14e: {  	v0 =	vadd.f32 v62, v63  }
0x14f: {  	v20 =	vpop (erf)  }
0x150: {  	v0 =	vadd.f32 v0, v20  }
0x151: {  	v21 =	vpop (erf)  }
0x152: {  	v0 =	vadd.f32 v0, v21  }
0x153: {  	v22 =	vpop (erf)  }
0x154: {  	v0 =	vadd.f32 v0, v22  }
0x155: {  	v23 =	vpop (erf)  }
0x156: {  	v0 =	vadd.f32 v0, v23;
	_ =	sdelay $0x1  }
0x157: {  	(erf) = vrcp.f32 v0;
	_ =	sdelay $0x8  }
0x158: {  	v0 =	vpop (erf)  }
0x159: {  	v3 =	vmul.f32 v0, v36  }
0x15a: {  	v4 =	vmul.f32 v0, v37  }
0x15b: {  	v24 =	vmul.f32 v0, v41;
	[tilespmem:s16+$0x3000] =	vst v3  }
0x15c: {  	v25 =	vmul.f32 v0, v43;
	[tilespmem:s16+$0x3010] =	vst v4  }
0x15d: {  	v26 =	vmul.f32 v0, v46;
	[tilespmem:s16+$0x3020] =	vst v24  }
0x15e: {  	v27 =	vmul.f32 v0, v48;
	[tilespmem:s16+$0x3030] =	vst v25  }
0x15f: {  	v28 =	vmul.f32 v0, v51;
	[tilespmem:s16+$0x3040] =	vst v26  }
0x160: {  	v29 =	vmul.f32 v0, v53;
	[tilespmem:s16+$0x3050] =	vst v27  }
0x161: {  	v30 =	vmul.f32 v0, v55;
	[tilespmem:s16+$0x3060] =	vst v28  }
0x162: {  	v31 =	vmul.f32 v0, v58;
	[tilespmem:s16+$0x3070] =	vst v29  }
0x163: {  	v2 =	vmul.f32 v0, v61;
	[tilespmem:s19+$0x0] =	vst v30  }
0x164: {  	v1 =	vmul.f32 v0, v63;
	[tilespmem:s19+$0x10] =	vst v31  }
0x165: {  	v32 =	vmul.f32 v0, v20;
	[tilespmem:s19+$0x20] =	vst v2  }
0x166: {  	v33 =	vmul.f32 v0, v21;
	[tilespmem:s19+$0x30] =	vst v1  }
0x167: {  	v34 =	vmul.f32 v0, v22;
	[tilespmem:s19+$0x40] =	vst v32  }
0x168: {  	v0 =	vmul.f32 v0, v23;
	[tilespmem:s19+$0x50] =	vst v33  }
0x169: {  	[tilespmem:s19+$0x60] =	vst v34  }
0x16a: {  	[tilespmem:s19+$0x70] =	vst v0  }
0x16b: {  	v0 =	vld [tilespmem:s16+$0x4000]  }
0x16c: {  	v1 =	vld [tilespmem:s16+$0x4010]  }
0x16d: {  	v2 =	vld [tilespmem:s16+$0x4020]  }
0x16e: {  	v3 =	vld [tilespmem:s16+$0x4030]  }
0x16f: {  	v4 =	vld [tilespmem:s16+$0x4040]  }
0x170: {  	v35 =	vld [tilespmem:s16+$0x4050]  }
0x171: {  	v36 =	vld [tilespmem:s16+$0x4060];
	v37 =	vmax.f32 v0, v1  }
0x172: {  	s21 =	sor.u32 $0x4400, s4;
	v38 =	vld [tilespmem:s16+$0x4070];
	v7 =	vmax.f32 v37, v2  }
0x173: {  	v39 =	vld [tilespmem:s21+$0x0];
	v7 =	vmax.f32 v7, v3  }
0x174: {  	v40 =	vld [tilespmem:s21+$0x10];
	v7 =	vmax.f32 v7, v4  }
0x175: {  	v41 =	vld [tilespmem:s21+$0x20];
	v7 =	vmax.f32 v7, v35  }
0x176: {  	v42 =	vld [tilespmem:s21+$0x30];
	v7 =	vmax.f32 v7, v36  }
0x177: {  	v43 =	vld [tilespmem:s21+$0x40];
	v7 =	vmax.f32 v7, v38  }
0x178: {  	v44 =	vld [tilespmem:s21+$0x50];
	v7 =	vmax.f32 v7, v39  }
0x179: {  	v45 =	vld [tilespmem:s21+$0x60];
	v7 =	vmax.f32 v7, v40  }
0x17a: {  	v46 =	vld [tilespmem:s21+$0x70];
	v7 =	vmax.f32 v7, v41  }
0x17b: {  	v7 =	vmax.f32 v7, v42  }
0x17c: {  	v7 =	vmax.f32 v7, v43  }
0x17d: {  	v7 =	vmax.f32 v7, v44  }
0x17e: {  	v7 =	vmax.f32 v7, v45  }
0x17f: {  	v7 =	vmax.f32 v7, v46  }
0x180: {  	v0 =	vsub.f32 v0, v7  }
0x181: {  	v1 =	vsub.f32 v1, v7  }
0x182: {  	v0 =	vmul.f32 $1.000000000e+03, v0  }
0x183: {  	v2 =	vsub.f32 v2, v7;
	v1 =	vmul.f32 $1.000000000e+03, v1  }
0x184: {  	v3 =	vsub.f32 v3, v7;
	v0 =	vmul.f32 $1.442695020e+00, v0  }
0x185: {  	v2 =	vmul.f32 $1.000000000e+03, v2;
	v1 =	vmul.f32 $1.442695020e+00, v1  }
0x186: {  	v49 =	vsub.f32 v4, v7;
	v48 =	vmul.f32 $1.000000000e+03, v3;
	(erf) = vpow2.f32 v0  }
0x187: {  	v47 =	vmul.f32 $1.442695020e+00, v2;
	(erf) = vpow2.f32 v1  }
0x188: {  	v50 =	vsub.f32 v35, v7;
	v2 =	vmul.f32 $1.000000000e+03, v49  }
0x189: {  	v1 =	vmul.f32 $1.442695020e+00, v48;
	(erf) = vpow2.f32 v47  }
0x18a: {  	v52 =	vsub.f32 v36, v7;
	v0 =	vmul.f32 $1.000000000e+03, v50  }
0x18b: {  	v51 =	vmul.f32 $1.442695020e+00, v2;
	(erf) = vpow2.f32 v1  }
0x18c: {  	v54 =	vsub.f32 v38, v7;
	v53 =	vmul.f32 $1.000000000e+03, v52  }
0x18d: {  	v0 =	vmul.f32 $1.442695020e+00, v0;
	(erf) = vpow2.f32 v51  }
0x18e: {  	v2 =	vmul.f32 $1.000000000e+03, v54  }
0x18f: {  	v55 =	vsub.f32 v39, v7;
	v1 =	vmul.f32 $1.442695020e+00, v53;
	(erf) = vpow2.f32 v0;
	v56 =	vpop (erf)  }
0x190: {  	v58 =	vsub.f32 v40, v7;
	v59 =	vmul.f32 $1.442695020e+00, v2;
	v57 =	vpop (erf)  }
0x191: {  	v0 =	vmul.f32 $1.000000000e+03, v55;
	(erf) = vpow2.f32 v1;
	v60 =	vadd.f32 v57, v56  }
0x192: {  	v62 =	vsub.f32 v41, v7;
	v5 =	vmul.f32 $1.000000000e+03, v58;
	v61 =	vpop (erf)  }
0x193: {  	v0 =	vmul.f32 $1.442695020e+00, v0;
	(erf) = vpow2.f32 v59;
	v2 =	vadd.f32 v60, v61  }
0x194: {  	v21 =	vsub.f32 v42, v7;
	v20 =	vmul.f32 $1.442695020e+00, v5;
	v63 =	vpop (erf)  }
0x195: {  	v1 =	vmul.f32 $1.000000000e+03, v62;
	(erf) = vpow2.f32 v0;
	v2 =	vadd.f32 v2, v63  }
0x196: {  	v23 =	vsub.f32 v43, v7;
	v5 =	vmul.f32 $1.000000000e+03, v21;
	v22 =	vpop (erf)  }
0x197: {  	v1 =	vmul.f32 $1.442695020e+00, v1;
	(erf) = vpow2.f32 v20;
	v2 =	vadd.f32 v2, v22  }
0x198: {  	v25 =	vsub.f32 v44, v7;
	v26 =	vmul.f32 $1.442695020e+00, v5;
	v24 =	vpop (erf)  }
0x199: {  	v0 =	vmul.f32 $1.000000000e+03, v23;
	(erf) = vpow2.f32 v1;
	v2 =	vadd.f32 v2, v24  }
0x19a: {  	v28 =	vsub.f32 v45, v7;
	v11 =	vmul.f32 $1.000000000e+03, v25;
	v27 =	vpop (erf)  }
0x19b: {  	v0 =	vmul.f32 $1.442695020e+00, v0;
	(erf) = vpow2.f32 v26;
	v2 =	vadd.f32 v2, v27  }
0x19c: {  	v7 =	vsub.f32 v46, v7;
	v30 =	vmul.f32 $1.442695020e+00, v11;
	v29 =	vpop (erf)  }
0x19d: {  	v1 =	vmul.f32 $1.000000000e+03, v28;
	(erf) = vpow2.f32 v0;
	v2 =	vadd.f32 v2, v29  }
0x19e: {  	v33 =	vmul.f32 $1.000000000e+03, v7;
	v31 =	vpop (erf)  }
0x19f: {  	v32 =	vmul.f32 $1.442695020e+00, v1;
	(erf) = vpow2.f32 v30;
	v2 =	vadd.f32 v2, v31  }
0x1a0: {  	v34 =	vpop (erf)  }
0x1a1: {  	v35 =	vmul.f32 $1.442695020e+00, v33;
	(erf) = vpow2.f32 v32;
	v36 =	vadd.f32 v2, v34  }
0x1a2: {  	v37 =	vpop (erf)  }
0x1a3: {  	(erf) = vpow2.f32 v35;
	v38 =	vadd.f32 v36, v37  }
0x1a4: {  	v39 =	vpop (erf)  }
0x1a5: {  	v0 =	vadd.f32 v38, v39  }
0x1a6: {  	v40 =	vpop (erf)  }
0x1a7: {  	v0 =	vadd.f32 v0, v40  }
0x1a8: {  	v41 =	vpop (erf)  }
0x1a9: {  	v0 =	vadd.f32 v0, v41  }
0x1aa: {  	v42 =	vpop (erf)  }
0x1ab: {  	v0 =	vadd.f32 v0, v42  }
0x1ac: {  	v43 =	vpop (erf)  }
0x1ad: {  	v0 =	vadd.f32 v0, v43;
	_ =	sdelay $0x1  }
0x1ae: {  	(erf) = vrcp.f32 v0;
	_ =	sdelay $0x8  }
0x1af: {  	v0 =	vpop (erf)  }
0x1b0: {  	v3 =	vmul.f32 v0, v56  }
0x1b1: {  	v4 =	vmul.f32 v0, v57  }
0x1b2: {  	v44 =	vmul.f32 v0, v61;
	[tilespmem:s16+$0x4000] =	vst v3  }
0x1b3: {  	v45 =	vmul.f32 v0, v63;
	[tilespmem:s16+$0x4010] =	vst v4  }
0x1b4: {  	v46 =	vmul.f32 v0, v22;
	[tilespmem:s16+$0x4020] =	vst v44  }
0x1b5: {  	v47 =	vmul.f32 v0, v24;
	[tilespmem:s16+$0x4030] =	vst v45  }
0x1b6: {  	v48 =	vmul.f32 v0, v27;
	[tilespmem:s16+$0x4040] =	vst v46  }
0x1b7: {  	v49 =	vmul.f32 v0, v29;
	[tilespmem:s16+$0x4050] =	vst v47  }
0x1b8: {  	v50 =	vmul.f32 v0, v31;
	[tilespmem:s16+$0x4060] =	vst v48  }
0x1b9: {  	v51 =	vmul.f32 v0, v34;
	[tilespmem:s16+$0x4070] =	vst v49  }
0x1ba: {  	v2 =	vmul.f32 v0, v37;
	[tilespmem:s21+$0x0] =	vst v50  }
0x1bb: {  	v1 =	vmul.f32 v0, v39;
	[tilespmem:s21+$0x10] =	vst v51  }
0x1bc: {  	v52 =	vmul.f32 v0, v40;
	[tilespmem:s21+$0x20] =	vst v2  }
0x1bd: {  	v53 =	vmul.f32 v0, v41;
	[tilespmem:s21+$0x30] =	vst v1  }
0x1be: {  	v54 =	vmul.f32 v0, v42;
	[tilespmem:s21+$0x40] =	vst v52  }
0x1bf: {  	v0 =	vmul.f32 v0, v43;
	[tilespmem:s21+$0x50] =	vst v53  }
0x1c0: {  	[tilespmem:s21+$0x60] =	vst v54  }
0x1c1: {  	[tilespmem:s21+$0x70] =	vst v0  }
0x1c2: {  	v0 =	vld [tilespmem:s16+$0x5000]  }
0x1c3: {  	v1 =	vld [tilespmem:s16+$0x5010]  }
0x1c4: {  	v2 =	vld [tilespmem:s16+$0x5020]  }
0x1c5: {  	v3 =	vld [tilespmem:s16+$0x5030]  }
0x1c6: {  	v4 =	vld [tilespmem:s16+$0x5040]  }
0x1c7: {  	v55 =	vld [tilespmem:s16+$0x5050]  }
0x1c8: {  	v56 =	vld [tilespmem:s16+$0x5060];
	v57 =	vmax.f32 v0, v1  }
0x1c9: {  	s23 =	sor.u32 $0x5400, s4;
	v58 =	vld [tilespmem:s16+$0x5070];
	v7 =	vmax.f32 v57, v2  }
0x1ca: {  	v59 =	vld [tilespmem:s23+$0x0];
	v7 =	vmax.f32 v7, v3  }
0x1cb: {  	v60 =	vld [tilespmem:s23+$0x10];
	v7 =	vmax.f32 v7, v4  }
0x1cc: {  	v61 =	vld [tilespmem:s23+$0x20];
	v7 =	vmax.f32 v7, v55  }
0x1cd: {  	v62 =	vld [tilespmem:s23+$0x30];
	v7 =	vmax.f32 v7, v56  }
0x1ce: {  	v63 =	vld [tilespmem:s23+$0x40];
	v7 =	vmax.f32 v7, v58  }
0x1cf: {  	v20 =	vld [tilespmem:s23+$0x50];
	v7 =	vmax.f32 v7, v59  }
0x1d0: {  	v21 =	vld [tilespmem:s23+$0x60];
	v7 =	vmax.f32 v7, v60  }
0x1d1: {  	v22 =	vld [tilespmem:s23+$0x70];
	v7 =	vmax.f32 v7, v61  }
0x1d2: {  	v7 =	vmax.f32 v7, v62  }
0x1d3: {  	v7 =	vmax.f32 v7, v63  }
0x1d4: {  	v7 =	vmax.f32 v7, v20  }
0x1d5: {  	v7 =	vmax.f32 v7, v21  }
0x1d6: {  	v7 =	vmax.f32 v7, v22  }
0x1d7: {  	v0 =	vsub.f32 v0, v7  }
0x1d8: {  	v1 =	vsub.f32 v1, v7  }
0x1d9: {  	v0 =	vmul.f32 $1.000000000e+03, v0  }
0x1da: {  	v2 =	vsub.f32 v2, v7;
	v1 =	vmul.f32 $1.000000000e+03, v1  }
0x1db: {  	v3 =	vsub.f32 v3, v7;
	v0 =	vmul.f32 $1.442695020e+00, v0  }
0x1dc: {  	v2 =	vmul.f32 $1.000000000e+03, v2;
	v1 =	vmul.f32 $1.442695020e+00, v1  }
0x1dd: {  	v25 =	vsub.f32 v4, v7;
	v24 =	vmul.f32 $1.000000000e+03, v3;
	(erf) = vpow2.f32 v0  }
0x1de: {  	v23 =	vmul.f32 $1.442695020e+00, v2;
	(erf) = vpow2.f32 v1  }
0x1df: {  	v26 =	vsub.f32 v55, v7;
	v2 =	vmul.f32 $1.000000000e+03, v25  }
0x1e0: {  	v1 =	vmul.f32 $1.442695020e+00, v24;
	(erf) = vpow2.f32 v23  }
0x1e1: {  	v28 =	vsub.f32 v56, v7;
	v0 =	vmul.f32 $1.000000000e+03, v26  }
0x1e2: {  	v27 =	vmul.f32 $1.442695020e+00, v2;
	(erf) = vpow2.f32 v1  }
0x1e3: {  	v30 =	vsub.f32 v58, v7;
	v29 =	vmul.f32 $1.000000000e+03, v28  }
0x1e4: {  	v0 =	vmul.f32 $1.442695020e+00, v0;
	(erf) = vpow2.f32 v27  }
0x1e5: {  	v2 =	vmul.f32 $1.000000000e+03, v30  }
0x1e6: {  	v31 =	vsub.f32 v59, v7;
	v1 =	vmul.f32 $1.442695020e+00, v29;
	(erf) = vpow2.f32 v0;
	v32 =	vpop (erf)  }
0x1e7: {  	v34 =	vsub.f32 v60, v7;
	v35 =	vmul.f32 $1.442695020e+00, v2;
	v33 =	vpop (erf)  }
0x1e8: {  	v0 =	vmul.f32 $1.000000000e+03, v31;
	(erf) = vpow2.f32 v1;
	v36 =	vadd.f32 v33, v32  }
0x1e9: {  	v38 =	vsub.f32 v61, v7;
	v5 =	vmul.f32 $1.000000000e+03, v34;
	v37 =	vpop (erf)  }
0x1ea: {  	v0 =	vmul.f32 $1.442695020e+00, v0;
	(erf) = vpow2.f32 v35;
	v2 =	vadd.f32 v36, v37  }
0x1eb: {  	v41 =	vsub.f32 v62, v7;
	v40 =	vmul.f32 $1.442695020e+00, v5;
	v39 =	vpop (erf)  }
0x1ec: {  	v1 =	vmul.f32 $1.000000000e+03, v38;
	(erf) = vpow2.f32 v0;
	v2 =	vadd.f32 v2, v39  }
0x1ed: {  	v43 =	vsub.f32 v63, v7;
	v5 =	vmul.f32 $1.000000000e+03, v41;
	v42 =	vpop (erf)  }
0x1ee: {  	v1 =	vmul.f32 $1.442695020e+00, v1;
	(erf) = vpow2.f32 v40;
	v2 =	vadd.f32 v2, v42  }
0x1ef: {  	v45 =	vsub.f32 v20, v7;
	v46 =	vmul.f32 $1.442695020e+00, v5;
	v44 =	vpop (erf)  }
0x1f0: {  	v0 =	vmul.f32 $1.000000000e+03, v43;
	(erf) = vpow2.f32 v1;
	v2 =	vadd.f32 v2, v44  }
0x1f1: {  	v48 =	vsub.f32 v21, v7;
	v11 =	vmul.f32 $1.000000000e+03, v45;
	v47 =	vpop (erf)  }
0x1f2: {  	v0 =	vmul.f32 $1.442695020e+00, v0;
	(erf) = vpow2.f32 v46;
	v2 =	vadd.f32 v2, v47  }
0x1f3: {  	v7 =	vsub.f32 v22, v7;
	v50 =	vmul.f32 $1.442695020e+00, v11;
	v49 =	vpop (erf)  }
0x1f4: {  	v1 =	vmul.f32 $1.000000000e+03, v48;
	(erf) = vpow2.f32 v0;
	v2 =	vadd.f32 v2, v49  }
0x1f5: {  	v53 =	vmul.f32 $1.000000000e+03, v7;
	v51 =	vpop (erf)  }
0x1f6: {  	v52 =	vmul.f32 $1.442695020e+00, v1;
	(erf) = vpow2.f32 v50;
	v2 =	vadd.f32 v2, v51  }
0x1f7: {  	v54 =	vpop (erf)  }
0x1f8: {  	v55 =	vmul.f32 $1.442695020e+00, v53;
	(erf) = vpow2.f32 v52;
	v56 =	vadd.f32 v2, v54  }
0x1f9: {  	v57 =	vpop (erf)  }
0x1fa: {  	(erf) = vpow2.f32 v55;
	v58 =	vadd.f32 v56, v57  }
0x1fb: {  	v59 =	vpop (erf)  }
0x1fc: {  	v0 =	vadd.f32 v58, v59  }
0x1fd: {  	v60 =	vpop (erf)  }
0x1fe: {  	v0 =	vadd.f32 v0, v60  }
0x1ff: {  	v61 =	vpop (erf)  }
0x200: {  	v0 =	vadd.f32 v0, v61  }
0x201: {  	v62 =	vpop (erf)  }
0x202: {  	v0 =	vadd.f32 v0, v62  }
0x203: {  	v63 =	vpop (erf)  }
0x204: {  	v0 =	vadd.f32 v0, v63;
	_ =	sdelay $0x1  }
0x205: {  	(erf) = vrcp.f32 v0;
	_ =	sdelay $0x8  }
0x206: {  	v0 =	vpop (erf)  }
0x207: {  	v3 =	vmul.f32 v0, v32  }
0x208: {  	v4 =	vmul.f32 v0, v33  }
0x209: {  	v19 =	vmul.f32 v0, v37;
	[tilespmem:s16+$0x5000] =	vst v3  }
0x20a: {  	v20 =	vmul.f32 v0, v39;
	[tilespmem:s16+$0x5010] =	vst v4  }
0x20b: {  	v21 =	vmul.f32 v0, v42;
	[tilespmem:s16+$0x5020] =	vst v19  }
0x20c: {  	v22 =	vmul.f32 v0, v44;
	[tilespmem:s16+$0x5030] =	vst v20  }
0x20d: {  	v23 =	vmul.f32 v0, v47;
	[tilespmem:s16+$0x5040] =	vst v21  }
0x20e: {  	v24 =	vmul.f32 v0, v49;
	[tilespmem:s16+$0x5050] =	vst v22  }
0x20f: {  	v25 =	vmul.f32 v0, v51;
	[tilespmem:s16+$0x5060] =	vst v23  }
0x210: {  	v26 =	vmul.f32 v0, v54;
	[tilespmem:s16+$0x5070] =	vst v24  }
0x211: {  	v2 =	vmul.f32 v0, v57;
	[tilespmem:s23+$0x0] =	vst v25  }
0x212: {  	v1 =	vmul.f32 v0, v59;
	[tilespmem:s23+$0x10] =	vst v26  }
0x213: {  	v27 =	vmul.f32 v0, v60;
	[tilespmem:s23+$0x20] =	vst v2  }
0x214: {  	v28 =	vmul.f32 v0, v61;
	[tilespmem:s23+$0x30] =	vst v1  }
0x215: {  	v29 =	vmul.f32 v0, v62;
	[tilespmem:s23+$0x40] =	vst v27  }
0x216: {  	v0 =	vmul.f32 v0, v63;
	[tilespmem:s23+$0x50] =	vst v28  }
0x217: {  	[tilespmem:s23+$0x60] =	vst v29  }
0x218: {  	[tilespmem:s23+$0x70] =	vst v0  }
0x219: {  	v0 =	vld [tilespmem:s16+$0x6000]  }
0x21a: {  	v1 =	vld [tilespmem:s16+$0x6010]  }
0x21b: {  	v2 =	vld [tilespmem:s16+$0x6020]  }
0x21c: {  	v3 =	vld [tilespmem:s16+$0x6030]  }
0x21d: {  	v4 =	vld [tilespmem:s16+$0x6040]  }
0x21e: {  	v30 =	vld [tilespmem:s16+$0x6050]  }
0x21f: {  	v31 =	vld [tilespmem:s16+$0x6060];
	v32 =	vmax.f32 v0, v1  }
0x220: {  	s24 =	sor.u32 $0x6400, s4;
	v33 =	vld [tilespmem:s16+$0x6070];
	v7 =	vmax.f32 v32, v2  }
0x221: {  	v34 =	vld [tilespmem:s24+$0x0];
	v7 =	vmax.f32 v7, v3  }
0x222: {  	v35 =	vld [tilespmem:s24+$0x10];
	v7 =	vmax.f32 v7, v4  }
0x223: {  	v36 =	vld [tilespmem:s24+$0x20];
	v7 =	vmax.f32 v7, v30  }
0x224: {  	v37 =	vld [tilespmem:s24+$0x30];
	v7 =	vmax.f32 v7, v31  }
0x225: {  	v38 =	vld [tilespmem:s24+$0x40];
	v7 =	vmax.f32 v7, v33  }
0x226: {  	v39 =	vld [tilespmem:s24+$0x50];
	v7 =	vmax.f32 v7, v34  }
0x227: {  	v40 =	vld [tilespmem:s24+$0x60];
	v7 =	vmax.f32 v7, v35  }
0x228: {  	v41 =	vld [tilespmem:s24+$0x70];
	v7 =	vmax.f32 v7, v36  }
0x229: {  	v7 =	vmax.f32 v7, v37  }
0x22a: {  	v7 =	vmax.f32 v7, v38  }
0x22b: {  	v7 =	vmax.f32 v7, v39  }
0x22c: {  	v7 =	vmax.f32 v7, v40  }
0x22d: {  	v7 =	vmax.f32 v7, v41  }
0x22e: {  	v0 =	vsub.f32 v0, v7  }
0x22f: {  	v1 =	vsub.f32 v1, v7  }
0x230: {  	v0 =	vmul.f32 $1.000000000e+03, v0  }
0x231: {  	v2 =	vsub.f32 v2, v7;
	v1 =	vmul.f32 $1.000000000e+03, v1  }
0x232: {  	v3 =	vsub.f32 v3, v7;
	v0 =	vmul.f32 $1.442695020e+00, v0  }
0x233: {  	v2 =	vmul.f32 $1.000000000e+03, v2;
	v1 =	vmul.f32 $1.442695020e+00, v1  }
0x234: {  	v44 =	vsub.f32 v4, v7;
	v43 =	vmul.f32 $1.000000000e+03, v3;
	(erf) = vpow2.f32 v0  }
0x235: {  	v42 =	vmul.f32 $1.442695020e+00, v2;
	(erf) = vpow2.f32 v1  }
0x236: {  	v45 =	vsub.f32 v30, v7;
	v2 =	vmul.f32 $1.000000000e+03, v44  }
0x237: {  	v1 =	vmul.f32 $1.442695020e+00, v43;
	(erf) = vpow2.f32 v42  }
0x238: {  	v47 =	vsub.f32 v31, v7;
	v0 =	vmul.f32 $1.000000000e+03, v45  }
0x239: {  	v46 =	vmul.f32 $1.442695020e+00, v2;
	(erf) = vpow2.f32 v1  }
0x23a: {  	v49 =	vsub.f32 v33, v7;
	v48 =	vmul.f32 $1.000000000e+03, v47  }
0x23b: {  	v0 =	vmul.f32 $1.442695020e+00, v0;
	(erf) = vpow2.f32 v46  }
0x23c: {  	v2 =	vmul.f32 $1.000000000e+03, v49  }
0x23d: {  	v50 =	vsub.f32 v34, v7;
	v1 =	vmul.f32 $1.442695020e+00, v48;
	(erf) = vpow2.f32 v0;
	v51 =	vpop (erf)  }
0x23e: {  	v53 =	vsub.f32 v35, v7;
	v54 =	vmul.f32 $1.442695020e+00, v2;
	v52 =	vpop (erf)  }
0x23f: {  	v0 =	vmul.f32 $1.000000000e+03, v50;
	(erf) = vpow2.f32 v1;
	v55 =	vadd.f32 v52, v51  }
0x240: {  	v57 =	vsub.f32 v36, v7;
	v5 =	vmul.f32 $1.000000000e+03, v53;
	v56 =	vpop (erf)  }
0x241: {  	v0 =	vmul.f32 $1.442695020e+00, v0;
	(erf) = vpow2.f32 v54;
	v2 =	vadd.f32 v55, v56  }
0x242: {  	v60 =	vsub.f32 v37, v7;
	v59 =	vmul.f32 $1.442695020e+00, v5;
	v58 =	vpop (erf)  }
0x243: {  	v1 =	vmul.f32 $1.000000000e+03, v57;
	(erf) = vpow2.f32 v0;
	v2 =	vadd.f32 v2, v58  }
0x244: {  	v62 =	vsub.f32 v38, v7;
	v5 =	vmul.f32 $1.000000000e+03, v60;
	v61 =	vpop (erf)  }
0x245: {  	v1 =	vmul.f32 $1.442695020e+00, v1;
	(erf) = vpow2.f32 v59;
	v2 =	vadd.f32 v2, v61  }
0x246: {  	v19 =	vsub.f32 v39, v7;
	v20 =	vmul.f32 $1.442695020e+00, v5;
	v63 =	vpop (erf)  }
0x247: {  	v0 =	vmul.f32 $1.000000000e+03, v62;
	(erf) = vpow2.f32 v1;
	v2 =	vadd.f32 v2, v63  }
0x248: {  	v22 =	vsub.f32 v40, v7;
	v11 =	vmul.f32 $1.000000000e+03, v19;
	v21 =	vpop (erf)  }
0x249: {  	v0 =	vmul.f32 $1.442695020e+00, v0;
	(erf) = vpow2.f32 v20;
	v2 =	vadd.f32 v2, v21  }
0x24a: {  	v7 =	vsub.f32 v41, v7;
	v24 =	vmul.f32 $1.442695020e+00, v11;
	v23 =	vpop (erf)  }
0x24b: {  	v1 =	vmul.f32 $1.000000000e+03, v22;
	(erf) = vpow2.f32 v0;
	v2 =	vadd.f32 v2, v23  }
0x24c: {  	v27 =	vmul.f32 $1.000000000e+03, v7;
	v25 =	vpop (erf)  }
0x24d: {  	v26 =	vmul.f32 $1.442695020e+00, v1;
	(erf) = vpow2.f32 v24;
	v2 =	vadd.f32 v2, v25  }
0x24e: {  	v28 =	vpop (erf)  }
0x24f: {  	v29 =	vmul.f32 $1.442695020e+00, v27;
	(erf) = vpow2.f32 v26;
	v30 =	vadd.f32 v2, v28  }
0x250: {  	v31 =	vpop (erf)  }
0x251: {  	(erf) = vpow2.f32 v29;
	v32 =	vadd.f32 v30, v31  }
0x252: {  	v33 =	vpop (erf)  }
0x253: {  	v0 =	vadd.f32 v32, v33  }
0x254: {  	v34 =	vpop (erf)  }
0x255: {  	v0 =	vadd.f32 v0, v34  }
0x256: {  	v35 =	vpop (erf)  }
0x257: {  	v0 =	vadd.f32 v0, v35  }
0x258: {  	v36 =	vpop (erf)  }
0x259: {  	v0 =	vadd.f32 v0, v36  }
0x25a: {  	v37 =	vpop (erf)  }
0x25b: {  	v0 =	vadd.f32 v0, v37;
	_ =	sdelay $0x1  }
0x25c: {  	(erf) = vrcp.f32 v0;
	_ =	sdelay $0x8  }
0x25d: {  	v0 =	vpop (erf)  }
0x25e: {  	v3 =	vmul.f32 v0, v51  }
0x25f: {  	v4 =	vmul.f32 v0, v52  }
0x260: {  	v38 =	vmul.f32 v0, v56;
	[tilespmem:s16+$0x6000] =	vst v3  }
0x261: {  	v39 =	vmul.f32 v0, v58;
	[tilespmem:s16+$0x6010] =	vst v4  }
0x262: {  	v40 =	vmul.f32 v0, v61;
	[tilespmem:s16+$0x6020] =	vst v38  }
0x263: {  	v41 =	vmul.f32 v0, v63;
	[tilespmem:s16+$0x6030] =	vst v39  }
0x264: {  	v42 =	vmul.f32 v0, v21;
	[tilespmem:s16+$0x6040] =	vst v40  }
0x265: {  	v43 =	vmul.f32 v0, v23;
	[tilespmem:s16+$0x6050] =	vst v41  }
0x266: {  	v44 =	vmul.f32 v0, v25;
	[tilespmem:s16+$0x6060] =	vst v42  }
0x267: {  	v45 =	vmul.f32 v0, v28;
	[tilespmem:s16+$0x6070] =	vst v43  }
0x268: {  	v2 =	vmul.f32 v0, v31;
	[tilespmem:s24+$0x0] =	vst v44  }
0x269: {  	v1 =	vmul.f32 v0, v33;
	[tilespmem:s24+$0x10] =	vst v45  }
0x26a: {  	v46 =	vmul.f32 v0, v34;
	[tilespmem:s24+$0x20] =	vst v2  }
0x26b: {  	v47 =	vmul.f32 v0, v35;
	[tilespmem:s24+$0x30] =	vst v1  }
0x26c: {  	v48 =	vmul.f32 v0, v36;
	[tilespmem:s24+$0x40] =	vst v46  }
0x26d: {  	v0 =	vmul.f32 v0, v37;
	[tilespmem:s24+$0x50] =	vst v47  }
0x26e: {  	[tilespmem:s24+$0x60] =	vst v48  }
0x26f: {  	[tilespmem:s24+$0x70] =	vst v0  }
0x270: {  	v0 =	vld [tilespmem:s16+$0x7000]  }
0x271: {  	v1 =	vld [tilespmem:s16+$0x7010]  }
0x272: {  	v2 =	vld [tilespmem:s16+$0x7020]  }
0x273: {  	v3 =	vld [tilespmem:s16+$0x7030]  }
0x274: {  	v4 =	vld [tilespmem:s16+$0x7040]  }
0x275: {  	v49 =	vld [tilespmem:s16+$0x7050]  }
0x276: {  	v50 =	vld [tilespmem:s16+$0x7060];
	v51 =	vmax.f32 v0, v1  }
0x277: {  	s25 =	sor.u32 $0x7400, s4;
	v52 =	vld [tilespmem:s16+$0x7070];
	v7 =	vmax.f32 v51, v2  }
0x278: {  	v53 =	vld [tilespmem:s25+$0x0];
	v7 =	vmax.f32 v7, v3  }
0x279: {  	v54 =	vld [tilespmem:s25+$0x10];
	v7 =	vmax.f32 v7, v4  }
0x27a: {  	v55 =	vld [tilespmem:s25+$0x20];
	v7 =	vmax.f32 v7, v49  }
0x27b: {  	v56 =	vld [tilespmem:s25+$0x30];
	v7 =	vmax.f32 v7, v50  }
0x27c: {  	v57 =	vld [tilespmem:s25+$0x40];
	v7 =	vmax.f32 v7, v52  }
0x27d: {  	v58 =	vld [tilespmem:s25+$0x50];
	v7 =	vmax.f32 v7, v53  }
0x27e: {  	v59 =	vld [tilespmem:s25+$0x60];
	v7 =	vmax.f32 v7, v54  }
0x27f: {  	v60 =	vld [tilespmem:s25+$0x70];
	v7 =	vmax.f32 v7, v55  }
0x280: {  	v7 =	vmax.f32 v7, v56  }
0x281: {  	v7 =	vmax.f32 v7, v57  }
0x282: {  	v7 =	vmax.f32 v7, v58  }
0x283: {  	v7 =	vmax.f32 v7, v59  }
0x284: {  	v7 =	vmax.f32 v7, v60  }
0x285: {  	v0 =	vsub.f32 v0, v7  }
0x286: {  	v1 =	vsub.f32 v1, v7  }
0x287: {  	v0 =	vmul.f32 $1.000000000e+03, v0  }
0x288: {  	v2 =	vsub.f32 v2, v7;
	v1 =	vmul.f32 $1.000000000e+03, v1  }
0x289: {  	v3 =	vsub.f32 v3, v7;
	v0 =	vmul.f32 $1.442695020e+00, v0  }
0x28a: {  	v2 =	vmul.f32 $1.000000000e+03, v2;
	v1 =	vmul.f32 $1.442695020e+00, v1  }
0x28b: {  	v63 =	vsub.f32 v4, v7;
	v62 =	vmul.f32 $1.000000000e+03, v3;
	(erf) = vpow2.f32 v0  }
0x28c: {  	v61 =	vmul.f32 $1.442695020e+00, v2;
	(erf) = vpow2.f32 v1  }
0x28d: {  	v4 =	vsub.f32 v49, v7;
	v2 =	vmul.f32 $1.000000000e+03, v63  }
0x28e: {  	v1 =	vmul.f32 $1.442695020e+00, v62;
	(erf) = vpow2.f32 v61  }
0x28f: {  	v17 =	vsub.f32 v50, v7;
	v0 =	vmul.f32 $1.000000000e+03, v4  }
0x290: {  	v5 =	vmul.f32 $1.442695020e+00, v2;
	(erf) = vpow2.f32 v1  }
0x291: {  	v19 =	vsub.f32 v52, v7;
	v18 =	vmul.f32 $1.000000000e+03, v17  }
0x292: {  	v0 =	vmul.f32 $1.442695020e+00, v0;
	(erf) = vpow2.f32 v5  }
0x293: {  	v2 =	vmul.f32 $1.000000000e+03, v19  }
0x294: {  	v20 =	vsub.f32 v53, v7;
	v1 =	vmul.f32 $1.442695020e+00, v18;
	(erf) = vpow2.f32 v0;
	v21 =	vpop (erf)  }
0x295: {  	v23 =	vsub.f32 v54, v7;
	v24 =	vmul.f32 $1.442695020e+00, v2;
	v22 =	vpop (erf)  }
0x296: {  	v0 =	vmul.f32 $1.000000000e+03, v20;
	(erf) = vpow2.f32 v1;
	v25 =	vadd.f32 v22, v21  }
0x297: {  	v27 =	vsub.f32 v55, v7;
	v5 =	vmul.f32 $1.000000000e+03, v23;
	v26 =	vpop (erf)  }
0x298: {  	v0 =	vmul.f32 $1.442695020e+00, v0;
	(erf) = vpow2.f32 v24;
	v2 =	vadd.f32 v25, v26  }
0x299: {  	v30 =	vsub.f32 v56, v7;
	v29 =	vmul.f32 $1.442695020e+00, v5;
	v28 =	vpop (erf)  }
0x29a: {  	v1 =	vmul.f32 $1.000000000e+03, v27;
	(erf) = vpow2.f32 v0;
	v2 =	vadd.f32 v2, v28  }
0x29b: {  	v32 =	vsub.f32 v57, v7;
	v5 =	vmul.f32 $1.000000000e+03, v30;
	v31 =	vpop (erf)  }
0x29c: {  	v1 =	vmul.f32 $1.442695020e+00, v1;
	(erf) = vpow2.f32 v29;
	v2 =	vadd.f32 v2, v31  }
0x29d: {  	v34 =	vsub.f32 v58, v7;
	v35 =	vmul.f32 $1.442695020e+00, v5;
	v33 =	vpop (erf)  }
0x29e: {  	v0 =	vmul.f32 $1.000000000e+03, v32;
	(erf) = vpow2.f32 v1;
	v2 =	vadd.f32 v2, v33  }
0x29f: {  	v37 =	vsub.f32 v59, v7;
	v11 =	vmul.f32 $1.000000000e+03, v34;
	v36 =	vpop (erf)  }
0x2a0: {  	v0 =	vmul.f32 $1.442695020e+00, v0;
	(erf) = vpow2.f32 v35;
	v2 =	vadd.f32 v2, v36  }
0x2a1: {  	v7 =	vsub.f32 v60, v7;
	v39 =	vmul.f32 $1.442695020e+00, v11;
	v38 =	vpop (erf)  }
0x2a2: {  	v1 =	vmul.f32 $1.000000000e+03, v37;
	(erf) = vpow2.f32 v0;
	v2 =	vadd.f32 v2, v38  }
0x2a3: {  	v42 =	vmul.f32 $1.000000000e+03, v7;
	v40 =	vpop (erf)  }
0x2a4: {  	v41 =	vmul.f32 $1.442695020e+00, v1;
	(erf) = vpow2.f32 v39;
	v2 =	vadd.f32 v2, v40  }
0x2a5: {  	v43 =	vpop (erf)  }
0x2a6: {  	v44 =	vmul.f32 $1.442695020e+00, v42;
	(erf) = vpow2.f32 v41;
	v45 =	vadd.f32 v2, v43  }
0x2a7: {  	v46 =	vpop (erf)  }
0x2a8: {  	(erf) = vpow2.f32 v44;
	v47 =	vadd.f32 v45, v46  }
0x2a9: {  	v48 =	vpop (erf)  }
0x2aa: {  	v0 =	vadd.f32 v47, v48  }
0x2ab: {  	v49 =	vpop (erf)  }
0x2ac: {  	v0 =	vadd.f32 v0, v49  }
0x2ad: {  	v50 =	vpop (erf)  }
0x2ae: {  	v0 =	vadd.f32 v0, v50  }
0x2af: {  	v51 =	vpop (erf)  }
0x2b0: {  	v0 =	vadd.f32 v0, v51  }
0x2b1: {  	v52 =	vpop (erf)  }
0x2b2: {  	v0 =	vadd.f32 v0, v52;
	_ =	sdelay $0x1  }
0x2b3: {  	(erf) = vrcp.f32 v0;
	_ =	sdelay $0x8  }
0x2b4: {  	v0 =	vpop (erf)  }
0x2b5: {  	v3 =	vmul.f32 v0, v21  }
0x2b6: {  	v4 =	vmul.f32 v0, v22  }
0x2b7: {  	v53 =	vmul.f32 v0, v26;
	[tilespmem:s16+$0x7000] =	vst v3  }
0x2b8: {  	v54 =	vmul.f32 v0, v28;
	[tilespmem:s16+$0x7010] =	vst v4  }
0x2b9: {  	v55 =	vmul.f32 v0, v31;
	[tilespmem:s16+$0x7020] =	vst v53  }
0x2ba: {  	v56 =	vmul.f32 v0, v33;
	[tilespmem:s16+$0x7030] =	vst v54  }
0x2bb: {  	v57 =	vmul.f32 v0, v36;
	[tilespmem:s16+$0x7040] =	vst v55  }
0x2bc: {  	v58 =	vmul.f32 v0, v38;
	[tilespmem:s16+$0x7050] =	vst v56  }
0x2bd: {  	v59 =	vmul.f32 v0, v40;
	[tilespmem:s16+$0x7060] =	vst v57  }
0x2be: {  	v60 =	vmul.f32 v0, v43;
	[tilespmem:s16+$0x7070] =	vst v58  }
0x2bf: {  	v2 =	vmul.f32 v0, v46;
	[tilespmem:s25+$0x0] =	vst v59  }
0x2c0: {  	v1 =	vmul.f32 v0, v48;
	[tilespmem:s25+$0x10] =	vst v60  }
0x2c1: {  	p0 =	sne.s32 s1, $0xF00;
	v61 =	vmul.f32 v0, v49;
	[tilespmem:s25+$0x20] =	vst v2  }
.Ltmp0:
0x2c2: {  	v62 =	vmul.f32 v0, v50;
	[tilespmem:s25+$0x30] =	vst v1;
	(pc) =	sbr.rel @p0 .LBB2_2-.Ltmp0, $4  }
0x2c3: {  	v63 =	vmul.f32 v0, v51;
	[tilespmem:s25+$0x40] =	vst v61  }
0x2c4: {  	v0 =	vmul.f32 v0, v52;
	[tilespmem:s25+$0x50] =	vst v62  }
0x2c5: {  	[tilespmem:s25+$0x60] =	vst v63  }
0x2c6: {  	s1 =	sadd.s32 $0x100, s1;
	s31 =	simm.s32 $0x0;
	s0 =	sadd.s32 $0x80, s0;
	[tilespmem:s25+$0x70] =	vst v0  }
.LBB2_3:
0x2c7: {  	s0 =	sshll.u32 s31, $0x5  }
0x2c8: {  	s0 =	sadd.s32 s5, s0  }
0x2c9: {  	s1 =	sshll.u32 s0, $0xA  }
0x2ca: {  	s1 =	sor.u32 s7, s1  }
0x2cb: {  	s2 =	rddreg [dreg:$0x0];
	s1 =	sshrl.u32 s1, $0x3  }
0x2cc: {  	s25 =	simm.s32 $0x800;
	s3 =	simm.s32 $0x8000;
	s1 =	sadd.s32 s2, s1  }
0x2cd: {  	[tilespmem:s3], [sflag:$0x1] =	stream.strided.gather [hbm4b:s1+s25], $0x2000, s20, s25, $0x38;
	[tilespmem:$0x1A000] =	vst v63  }
0x2ce: {  	_ =	swait.ge [sflag:s18], $0x2000  }
0x2cf: {  	[sflag:s18] =	ssyncset.done $0x0  }
0x2d0: {  	s1 =	simm.s32 $0x0;
	[sflag:s18] =	ssyncadd.s32 $0xFFFFE000  }
.LBB2_4:
0x2d1: {  	s2 =	sshll.u32 s1, $0x8;
	s4 =	sshll.u32 s1, $0x7  }
0x2d2: {  	s3 =	sshll.u32 s1, $0x4;
	s15 =	simm.s32 $0x0;
	s2 =	sand.u32 $0x800, s2  }
0x2d3: {  	s3 =	sand.u32 $0x70, s3;
	s16 =	sand.u32 $0x400, s4;
	s17 =	sand.u32 $0x380, s4  }
0x2d4: {  	s21 =	sand.u32 $0x1800, s15;
	s6 =	sor.u32 s16, s3;
	s17 =	sor.u32 s17, s2  }
0x2d5: {  	s19 =	sand.u32 $0x380, s15;
	s23 =	sor.u32 s21, s6;
	v3 =	vld [tilespmem:s17+$0x0]  }
0x2d6: {  	v8 =	vld [tilespmem:s17+$0x10];
	s23 =	sor.u32 s19, s23  }
0x2d7: {  	v0 =	vld [tilespmem:s23+$0x8000]  }
0x2d8: {  	v10 =	vld [tilespmem:s17+$0x1000]  }
0x2d9: {  	v11 =	vld [tilespmem:s17+$0x1010]  }
0x2da: {  	v7 =	vld [tilespmem:s17+$0x20]  }
0x2db: {  	v1 =	vld [tilespmem:s17+$0x1020]  }
0x2dc: {  	v4 =	vld [tilespmem:s17+$0x30];
	v6 =	vbroadcast v0, $0x0;
	v9 =	vbroadcast v0, $0x1  }
0x2dd: {  	v2 =	vld [tilespmem:s17+$0x1030];
	v12 =	vbroadcast v0, $0x2  }
0x2de: {  	v5 =	vld [tilespmem:s17+$0x40];
	v13 =	vmul.f32 v6, v3;
	v14 =	vmul.f32 v9, v8  }
0x2df: {  	v15 =	vmul.f32 v6, v10;
	v16 =	vmul.f32 v9, v11;
	v6 =	vld [tilespmem:s17+$0x1040]  }
0x2e0: {  	v17 =	vbroadcast v0, $0x3;
	v9 =	vld [tilespmem:s17+$0x50];
	v13 =	vadd.f32 v14, v13;
	v14 =	vmul.f32 v12, v7  }
0x2e1: {  	v15 =	vadd.f32 v16, v15;
	v16 =	vmul.f32 v12, v1;
	v12 =	vld [tilespmem:s17+$0x1050]  }
0x2e2: {  	v20 =	vbroadcast v0, $0x4;
	v19 =	vmul.f32 v17, v4;
	v18 =	vadd.f32 v13, v14;
	v13 =	vld [tilespmem:s17+$0x60]  }
0x2e3: {  	v17 =	vmul.f32 v17, v2;
	v16 =	vadd.f32 v15, v16;
	v14 =	vld [tilespmem:s17+$0x1060]  }
0x2e4: {  	v21 =	vbroadcast v0, $0x5;
	v15 =	vld [tilespmem:s17+$0x70];
	v18 =	vadd.f32 v18, v19;
	v19 =	vmul.f32 v20, v5  }
0x2e5: {  	s4 =	sor.u32 s4, s2;
	v22 =	vadd.f32 v16, v17;
	v20 =	vmul.f32 v20, v6;
	v16 =	vld [tilespmem:s17+$0x1070]  }
0x2e6: {  	s2 =	sor.u32 $0x1400, s4;
	v24 =	vbroadcast v0, $0x6;
	v23 =	vmul.f32 v21, v9;
	v17 =	vld [tilespmem:s17+$0x400];
	v19 =	vadd.f32 v18, v19  }
0x2e7: {  	v21 =	vmul.f32 v21, v12;
	v20 =	vadd.f32 v22, v20;
	v18 =	vld [tilespmem:s2+$0x0]  }
0x2e8: {  	s24 =	sor.u32 $0x1410, s4;
	v25 =	vbroadcast v0, $0x7;
	v22 =	vadd.f32 v19, v23;
	v23 =	vmul.f32 v24, v13;
	v19 =	vld [tilespmem:s17+$0x410]  }
0x2e9: {  	v26 =	vadd.f32 v20, v21;
	v24 =	vmul.f32 v24, v14;
	v20 =	vld [tilespmem:s24+$0x0]  }
0x2ea: {  	s25 =	sor.u32 $0x1420, s4;
	v28 =	vbroadcast v0, $0x8;
	v27 =	vmul.f32 v25, v15;
	v21 =	vld [tilespmem:s17+$0x420];
	v23 =	vadd.f32 v22, v23  }
0x2eb: {  	v25 =	vmul.f32 v25, v16;
	v24 =	vadd.f32 v26, v24;
	v22 =	vld [tilespmem:s25+$0x0]  }
0x2ec: {  	s15 =	sor.u32 $0x1430, s4;
	v29 =	vbroadcast v0, $0x9;
	v26 =	vadd.f32 v23, v27;
	v27 =	vmul.f32 v28, v17;
	v23 =	vld [tilespmem:s17+$0x430]  }
0x2ed: {  	v30 =	vadd.f32 v24, v25;
	v28 =	vmul.f32 v28, v18;
	v24 =	vld [tilespmem:s15+$0x0]  }
0x2ee: {  	v32 =	vbroadcast v0, $0xA;
	s24 =	sor.u32 $0x1440, s4;
	v25 =	vld [tilespmem:s17+$0x440];
	v31 =	vmul.f32 v29, v19;
	v27 =	vadd.f32 v26, v27  }
0x2ef: {  	v29 =	vmul.f32 v29, v20;
	v28 =	vadd.f32 v30, v28;
	v26 =	vld [tilespmem:s24+$0x0]  }
0x2f0: {  	v33 =	vbroadcast v0, $0xB;
	s25 =	sor.u32 $0x1450, s4;
	v30 =	vadd.f32 v27, v31;
	v31 =	vmul.f32 v32, v21;
	v27 =	vld [tilespmem:s17+$0x450]  }
0x2f1: {  	v28 =	vadd.f32 v28, v29;
	v32 =	vmul.f32 v32, v22;
	v29 =	vld [tilespmem:s25+$0x0]  }
0x2f2: {  	v35 =	vbroadcast v0, $0xC;
	v34 =	vmul.f32 v33, v23;
	v31 =	vadd.f32 v30, v31;
	v30 =	vld [tilespmem:s17+$0x460]  }
0x2f3: {  	s15 =	sor.u32 $0x1460, s4;
	v33 =	vmul.f32 v33, v24;
	v32 =	vadd.f32 v28, v32;
	v28 =	vld [tilespmem:s17+$0x470]  }
0x2f4: {  	v37 =	vbroadcast v0, $0xD;
	s24 =	sor.u32 $0x1470, s4;
	v36 =	vmul.f32 v35, v25;
	v34 =	vadd.f32 v31, v34;
	v31 =	vld [tilespmem:s15+$0x0]  }
0x2f5: {  	v35 =	vmul.f32 v35, v26;
	v33 =	vadd.f32 v32, v33;
	v32 =	vld [tilespmem:s24+$0x0]  }
0x2f6: {  	v38 =	vbroadcast v0, $0xE;
	v58 =	vmul.f32 v37, v27;
	v34 =	vadd.f32 v34, v36  }
0x2f7: {  	v0 =	vbroadcast v0, $0xF;
	v59 =	vmul.f32 v37, v29;
	v33 =	vadd.f32 v33, v35  }
0x2f8: {  	v60 =	vmul.f32 v38, v30;
	v34 =	vadd.f32 v34, v58  }
0x2f9: {  	v62 =	vmul.f32 v0, v28;
	v33 =	vadd.f32 v33, v59;
	v61 =	vmul.f32 v38, v31  }
0x2fa: {  	v63 =	vmul.f32 v0, v32;
	v0 =	vmov s3;
	v34 =	vadd.f32 v34, v60  }
0x2fb: {  	v33 =	vadd.f32 v33, v61  }
0x2fc: {  	s21 =	sor.u32 s16, s21;
	s25 =	simm.s32 $0x100;
	v34 =	vadd.f32 v34, v62  }
0x2fd: {  	s21 =	sadd.s32 s19, s21;
	s2 =	simm.s32 $0x80;
	s15 =	sand.u32 $0x1800, s25;
	v33 =	vadd.f32 v33, v63  }
0x2fe: {  	s24 =	sand.u32 $0x380, s2;
	s25 =	sor.u32 s15, s6;
	s3 =	simm.s32 $0x200;
	[tilespmem:s23+$0xA000] =	vst v34  }
.LBB2_5:
0x2ff: {  	p0 =	sne.s32 s3, $0x1F00;
	s19 =	sor.u32 s24, s25;
	[tilespmem:v0+s21+$0xC000 ss:$0x1] =	vst.idx.msk $0xffff, v33;
	s21 =	smov.u32 s24  }
0x300: {  	v33 =	vld [tilespmem:s19+$0x8000];
	_ =	sdelay $0x4  }
0x301: {  	v34 =	vbroadcast v33, $0x0;
	v35 =	vbroadcast v33, $0x1  }
0x302: {  	v36 =	vbroadcast v33, $0x2  }
0x303: {  	v37 =	vmul.f32 v34, v3;
	v38 =	vmul.f32 v35, v8  }
0x304: {  	v34 =	vmul.f32 v34, v10;
	v35 =	vmul.f32 v35, v11  }
0x305: {  	v39 =	vbroadcast v33, $0x3;
	v37 =	vadd.f32 v38, v37;
	v38 =	vmul.f32 v36, v7  }
0x306: {  	v34 =	vadd.f32 v35, v34;
	v35 =	vmul.f32 v36, v1  }
0x307: {  	v36 =	vadd.f32 v37, v38;
	v37 =	vmul.f32 v39, v4;
	v38 =	vbroadcast v33, $0x4  }
0x308: {  	v34 =	vadd.f32 v34, v35;
	v35 =	vmul.f32 v39, v2  }
0x309: {  	v39 =	vbroadcast v33, $0x5;
	v36 =	vadd.f32 v36, v37;
	v37 =	vmul.f32 v38, v5  }
0x30a: {  	v34 =	vadd.f32 v34, v35;
	v35 =	vmul.f32 v38, v6  }
0x30b: {  	v38 =	vbroadcast v33, $0x6;
	v36 =	vadd.f32 v36, v37;
	v37 =	vmul.f32 v39, v9  }
0x30c: {  	v34 =	vadd.f32 v34, v35;
	v35 =	vmul.f32 v39, v12  }
0x30d: {  	v39 =	vbroadcast v33, $0x7;
	v36 =	vadd.f32 v36, v37;
	v37 =	vmul.f32 v38, v13  }
0x30e: {  	v34 =	vadd.f32 v34, v35;
	v35 =	vmul.f32 v38, v14  }
0x30f: {  	v38 =	vbroadcast v33, $0x8;
	v36 =	vadd.f32 v36, v37;
	v37 =	vmul.f32 v39, v15  }
0x310: {  	v34 =	vadd.f32 v34, v35;
	v35 =	vmul.f32 v39, v16  }
0x311: {  	v39 =	vbroadcast v33, $0x9;
	v36 =	vadd.f32 v36, v37;
	v37 =	vmul.f32 v38, v17  }
0x312: {  	v34 =	vadd.f32 v34, v35;
	v35 =	vmul.f32 v38, v18  }
0x313: {  	v38 =	vbroadcast v33, $0xA;
	v36 =	vadd.f32 v36, v37;
	v37 =	vmul.f32 v39, v19  }
0x314: {  	v34 =	vadd.f32 v34, v35;
	v35 =	vmul.f32 v39, v20  }
0x315: {  	v39 =	vbroadcast v33, $0xB;
	v36 =	vadd.f32 v36, v37;
	v37 =	vmul.f32 v38, v21  }
0x316: {  	v34 =	vadd.f32 v34, v35;
	v35 =	vmul.f32 v38, v22  }
0x317: {  	v38 =	vbroadcast v33, $0xC;
	v36 =	vadd.f32 v36, v37;
	v37 =	vmul.f32 v39, v23  }
0x318: {  	v34 =	vadd.f32 v34, v35;
	v35 =	vmul.f32 v39, v24  }
0x319: {  	v39 =	vbroadcast v33, $0xD;
	v36 =	vadd.f32 v36, v37;
	v37 =	vmul.f32 v38, v25  }
0x31a: {  	v34 =	vadd.f32 v34, v35;
	v35 =	vmul.f32 v38, v26  }
0x31b: {  	v38 =	vbroadcast v33, $0xE;
	v36 =	vadd.f32 v36, v37;
	v37 =	vmul.f32 v39, v27  }
0x31c: {  	v34 =	vadd.f32 v34, v35;
	v35 =	vmul.f32 v39, v29  }
0x31d: {  	v33 =	vbroadcast v33, $0xF;
	v36 =	vadd.f32 v36, v37;
	v37 =	vmul.f32 v38, v30  }
0x31e: {  	v34 =	vadd.f32 v34, v35;
	v35 =	vmul.f32 v38, v31  }
.Ltmp1:
0x31f: {  	v36 =	vadd.f32 v36, v37;
	v37 =	vmul.f32 v33, v28;
	(pc) =	sbr.rel @p0 .LBB2_5-.Ltmp1, $4  }
0x320: {  	v34 =	vadd.f32 v34, v35;
	v33 =	vmul.f32 v33, v32  }
0x321: {  	s2 =	sadd.s32 $0x80, s2;
	v35 =	vadd.f32 v36, v37  }
0x322: {  	s23 =	sor.u32 s16, s15;
	s15 =	sand.u32 $0x1800, s3;
	s24 =	sand.u32 $0x380, s2;
	v33 =	vadd.f32 v34, v33  }
0x323: {  	s3 =	sadd.s32 $0x100, s3;
	s25 =	sor.u32 s15, s6;
	s21 =	sadd.s32 s21, s23;
	[tilespmem:s19+$0xA000] =	vst v35  }
0x324: {  	_ =	sdelay $0x3  }
0x325: {  	s2 =	sor.u32 s24, s25;
	[tilespmem:v0+s21+$0xC000 ss:$0x1] =	vst.idx.msk $0xffff, v33  }
0x326: {  	v33 =	vld [tilespmem:s2+$0x8000];
	_ =	sdelay $0x4  }
0x327: {  	v34 =	vbroadcast v33, $0x0;
	v35 =	vbroadcast v33, $0x1  }
0x328: {  	v36 =	vbroadcast v33, $0x2  }
0x329: {  	v3 =	vmul.f32 v34, v3;
	v8 =	vmul.f32 v35, v8  }
0x32a: {  	v10 =	vmul.f32 v34, v10;
	v11 =	vmul.f32 v35, v11  }
0x32b: {  	v7 =	vmul.f32 v36, v7;
	v3 =	vadd.f32 v8, v3;
	v8 =	vbroadcast v33, $0x3  }
0x32c: {  	v1 =	vmul.f32 v36, v1;
	v10 =	vadd.f32 v11, v10  }
0x32d: {  	v3 =	vadd.f32 v3, v7;
	v4 =	vmul.f32 v8, v4;
	v7 =	vbroadcast v33, $0x4  }
0x32e: {  	v1 =	vadd.f32 v10, v1;
	v2 =	vmul.f32 v8, v2  }
0x32f: {  	v3 =	vadd.f32 v3, v4;
	v4 =	vmul.f32 v7, v5;
	v5 =	vbroadcast v33, $0x5  }
0x330: {  	v1 =	vadd.f32 v1, v2;
	v2 =	vmul.f32 v7, v6  }
0x331: {  	v6 =	vbroadcast v33, $0x6;
	v3 =	vadd.f32 v3, v4;
	v4 =	vmul.f32 v5, v9  }
0x332: {  	v1 =	vadd.f32 v1, v2;
	v2 =	vmul.f32 v5, v12  }
0x333: {  	v5 =	vbroadcast v33, $0x7;
	v3 =	vadd.f32 v3, v4;
	v4 =	vmul.f32 v6, v13  }
0x334: {  	v1 =	vadd.f32 v1, v2;
	v2 =	vmul.f32 v6, v14  }
0x335: {  	v6 =	vbroadcast v33, $0x8;
	v3 =	vadd.f32 v3, v4;
	v4 =	vmul.f32 v5, v15  }
0x336: {  	v1 =	vadd.f32 v1, v2;
	v2 =	vmul.f32 v5, v16  }
0x337: {  	v5 =	vbroadcast v33, $0x9;
	v3 =	vadd.f32 v3, v4;
	v4 =	vmul.f32 v6, v17  }
0x338: {  	v1 =	vadd.f32 v1, v2;
	v2 =	vmul.f32 v6, v18  }
0x339: {  	v6 =	vbroadcast v33, $0xA;
	v3 =	vadd.f32 v3, v4;
	v4 =	vmul.f32 v5, v19  }
0x33a: {  	v1 =	vadd.f32 v1, v2;
	v2 =	vmul.f32 v5, v20  }
0x33b: {  	v5 =	vbroadcast v33, $0xB;
	v3 =	vadd.f32 v3, v4;
	v4 =	vmul.f32 v6, v21  }
0x33c: {  	v1 =	vadd.f32 v1, v2;
	v2 =	vmul.f32 v6, v22  }
0x33d: {  	v6 =	vbroadcast v33, $0xC;
	v3 =	vadd.f32 v3, v4;
	v4 =	vmul.f32 v5, v23  }
0x33e: {  	v1 =	vadd.f32 v1, v2;
	v2 =	vmul.f32 v5, v24  }
0x33f: {  	v5 =	vbroadcast v33, $0xD;
	v3 =	vadd.f32 v3, v4;
	v4 =	vmul.f32 v6, v25  }
0x340: {  	v1 =	vadd.f32 v1, v2;
	v2 =	vmul.f32 v6, v26  }
0x341: {  	v6 =	vbroadcast v33, $0xE;
	v3 =	vadd.f32 v3, v4;
	v4 =	vmul.f32 v5, v27  }
0x342: {  	v1 =	vadd.f32 v1, v2;
	v2 =	vmul.f32 v5, v29  }
0x343: {  	v5 =	vbroadcast v33, $0xF;
	v3 =	vadd.f32 v3, v4;
	v4 =	vmul.f32 v6, v30  }
0x344: {  	v1 =	vadd.f32 v1, v2;
	v2 =	vmul.f32 v6, v31  }
0x345: {  	v3 =	vadd.f32 v3, v4;
	v4 =	vmul.f32 v5, v28  }
0x346: {  	v1 =	vadd.f32 v1, v2;
	v2 =	vmul.f32 v5, v32  }
0x347: {  	v3 =	vadd.f32 v3, v4  }
0x348: {  	s3 =	sor.u32 s16, s15;
	s19 =	simm.s32 $0x0;
	v1 =	vadd.f32 v1, v2  }
0x349: {  	s6 =	sor.u32 $0x8000, s16;
	s3 =	sadd.s32 s24, s3;
	[tilespmem:s2+$0xA000] =	vst v3;
	s2 =	sand.u32 $0x1800, s19  }
0x34a: {  	s21 =	sand.u32 $0x380, s19;
	[tilespmem:v0+s3+$0xC000 ss:$0x1] =	vst.idx.msk $0xffff, v1;
	s23 =	sadd.s32 s2, s6  }
0x34b: {  	v3 =	vld [tilespmem:s17+$0x2000];
	s15 =	sadd.s32 s21, s23  }
0x34c: {  	v54 =	vld.idx.msk [tilespmem:v0+s15+$0x0 ss:$0x1], $0xffff  }
0x34d: {  	v8 =	vld [tilespmem:s17+$0x2010]  }
0x34e: {  	v10 =	vld [tilespmem:s17+$0x3000]  }
0x34f: {  	v11 =	vld [tilespmem:s17+$0x3010]  }
0x350: {  	v7 =	vld [tilespmem:s17+$0x2020]  }
0x351: {  	v1 =	vld [tilespmem:s17+$0x3020];
	v6 =	vbroadcast v54, $0x0;
	v9 =	vbroadcast v54, $0x1  }
0x352: {  	v4 =	vld [tilespmem:s17+$0x2030];
	v12 =	vbroadcast v54, $0x2  }
0x353: {  	v2 =	vld [tilespmem:s17+$0x3030];
	v13 =	vmul.f32 v6, v3;
	v14 =	vmul.f32 v9, v8  }
0x354: {  	v5 =	vld [tilespmem:s17+$0x2040];
	v15 =	vmul.f32 v6, v10;
	v16 =	vmul.f32 v9, v11  }
0x355: {  	v17 =	vbroadcast v54, $0x3;
	v6 =	vld [tilespmem:s17+$0x3040];
	v13 =	vadd.f32 v14, v13;
	v14 =	vmul.f32 v12, v7  }
0x356: {  	v9 =	vld [tilespmem:s17+$0x2050];
	v15 =	vadd.f32 v16, v15;
	v16 =	vmul.f32 v12, v1  }
0x357: {  	v20 =	vbroadcast v54, $0x4;
	v19 =	vmul.f32 v17, v4;
	v12 =	vld [tilespmem:s17+$0x3050];
	v18 =	vadd.f32 v13, v14  }
0x358: {  	v17 =	vmul.f32 v17, v2;
	v13 =	vld [tilespmem:s17+$0x2060];
	v16 =	vadd.f32 v15, v16  }
0x359: {  	v21 =	vbroadcast v54, $0x5;
	v14 =	vld [tilespmem:s17+$0x3060];
	v18 =	vadd.f32 v18, v19;
	v19 =	vmul.f32 v20, v5  }
0x35a: {  	v15 =	vld [tilespmem:s17+$0x2070];
	v22 =	vadd.f32 v16, v17;
	v20 =	vmul.f32 v20, v6  }
0x35b: {  	s24 =	sor.u32 $0x2400, s4;
	v24 =	vbroadcast v54, $0x6;
	v23 =	vmul.f32 v21, v9;
	v16 =	vld [tilespmem:s17+$0x3070];
	v19 =	vadd.f32 v18, v19  }
0x35c: {  	s19 =	sor.u32 $0x3400, s4;
	v17 =	vld [tilespmem:s24+$0x0];
	v21 =	vmul.f32 v21, v12;
	v20 =	vadd.f32 v22, v20  }
0x35d: {  	v25 =	vbroadcast v54, $0x7;
	v18 =	vld [tilespmem:s19+$0x0];
	v22 =	vadd.f32 v19, v23;
	v23 =	vmul.f32 v24, v13  }
0x35e: {  	v19 =	vld [tilespmem:s24+$0x10];
	v26 =	vadd.f32 v20, v21;
	v24 =	vmul.f32 v24, v14  }
0x35f: {  	v28 =	vbroadcast v54, $0x8;
	v27 =	vmul.f32 v25, v15;
	v20 =	vld [tilespmem:s19+$0x10];
	v23 =	vadd.f32 v22, v23  }
0x360: {  	v21 =	vld [tilespmem:s24+$0x20];
	v25 =	vmul.f32 v25, v16;
	v24 =	vadd.f32 v26, v24  }
0x361: {  	v29 =	vbroadcast v54, $0x9;
	v22 =	vld [tilespmem:s19+$0x20];
	v26 =	vadd.f32 v23, v27;
	v27 =	vmul.f32 v28, v17  }
0x362: {  	v23 =	vld [tilespmem:s24+$0x30];
	v30 =	vadd.f32 v24, v25;
	v28 =	vmul.f32 v28, v18  }
0x363: {  	v55 =	vbroadcast v54, $0xA;
	v24 =	vld [tilespmem:s19+$0x30];
	v31 =	vmul.f32 v29, v19;
	v27 =	vadd.f32 v26, v27  }
0x364: {  	v25 =	vld [tilespmem:s24+$0x40];
	v29 =	vmul.f32 v29, v20;
	v28 =	vadd.f32 v30, v28  }
0x365: {  	v56 =	vbroadcast v54, $0xB;
	v26 =	vld [tilespmem:s19+$0x40];
	v30 =	vadd.f32 v27, v31;
	v31 =	vmul.f32 v55, v21  }
0x366: {  	v32 =	vmul.f32 v55, v22;
	v27 =	vld [tilespmem:s24+$0x50];
	v28 =	vadd.f32 v28, v29  }
0x367: {  	v58 =	vbroadcast v54, $0xC;
	v29 =	vld [tilespmem:s19+$0x50];
	v57 =	vmul.f32 v56, v23;
	v31 =	vadd.f32 v30, v31  }
0x368: {  	v34 =	vmul.f32 v56, v24;
	v30 =	vld [tilespmem:s24+$0x60];
	v32 =	vadd.f32 v28, v32  }
0x369: {  	v38 =	vbroadcast v54, $0xD;
	v37 =	vmul.f32 v58, v25;
	v35 =	vadd.f32 v31, v57;
	v31 =	vld [tilespmem:s19+$0x60]  }
0x36a: {  	v28 =	vld [tilespmem:s24+$0x70];
	v36 =	vmul.f32 v58, v26;
	v34 =	vadd.f32 v32, v34  }
0x36b: {  	v39 =	vbroadcast v54, $0xE;
	v32 =	vld [tilespmem:s19+$0x70];
	v59 =	vmul.f32 v38, v27;
	v35 =	vadd.f32 v35, v37  }
0x36c: {  	v60 =	vmul.f32 v38, v29;
	v34 =	vadd.f32 v34, v36  }
0x36d: {  	v33 =	vbroadcast v54, $0xF;
	v61 =	vmul.f32 v39, v30;
	v35 =	vadd.f32 v35, v59  }
0x36e: {  	v34 =	vadd.f32 v34, v60;
	v62 =	vmul.f32 v39, v31  }
0x36f: {  	v63 =	vmul.f32 v33, v28;
	v35 =	vadd.f32 v35, v61  }
0x370: {  	v33 =	vmul.f32 v33, v32;
	v34 =	vadd.f32 v34, v62  }
0x371: {  	s25 =	simm.s32 $0x100;
	s2 =	sor.u32 s16, s2;
	v35 =	vadd.f32 v35, v63  }
0x372: {  	s3 =	simm.s32 $0x80;
	s21 =	sadd.s32 s21, s2;
	s15 =	sand.u32 $0x1800, s25;
	v33 =	vadd.f32 v34, v33  }
0x373: {  	s2 =	sand.u32 $0x380, s3;
	s23 =	sadd.s32 s15, s6;
	s19 =	simm.s32 $0x200;
	[tilespmem:v0+s21+$0xE000 ss:$0x1] =	vst.idx.msk $0xffff, v35  }
.LBB2_7:
0x374: {  	p0 =	sne.s32 s19, $0x1F00;
	s23 =	sadd.s32 s2, s23;
	[tilespmem:v0+s21+$0x10000 ss:$0x1] =	vst.idx.msk $0xffff, v33  }
0x375: {  	v33 =	vld.idx.msk [tilespmem:v0+s23+$0x0 ss:$0x1], $0xffff;
	_ =	sdelay $0x5  }
0x376: {  	v34 =	vbroadcast v33, $0x0;
	v35 =	vbroadcast v33, $0x1  }
0x377: {  	v36 =	vbroadcast v33, $0x2  }
0x378: {  	v37 =	vmul.f32 v34, v3;
	v38 =	vmul.f32 v35, v8  }
0x379: {  	v34 =	vmul.f32 v34, v10;
	v35 =	vmul.f32 v35, v11  }
0x37a: {  	v39 =	vbroadcast v33, $0x3;
	v37 =	vadd.f32 v38, v37;
	v38 =	vmul.f32 v36, v7  }
0x37b: {  	v34 =	vadd.f32 v35, v34;
	v35 =	vmul.f32 v36, v1  }
0x37c: {  	v36 =	vadd.f32 v37, v38;
	v37 =	vmul.f32 v39, v4;
	v38 =	vbroadcast v33, $0x4  }
0x37d: {  	v34 =	vadd.f32 v34, v35;
	v35 =	vmul.f32 v39, v2  }
0x37e: {  	v39 =	vbroadcast v33, $0x5;
	v36 =	vadd.f32 v36, v37;
	v37 =	vmul.f32 v38, v5  }
0x37f: {  	v34 =	vadd.f32 v34, v35;
	v35 =	vmul.f32 v38, v6  }
0x380: {  	v38 =	vbroadcast v33, $0x6;
	v36 =	vadd.f32 v36, v37;
	v37 =	vmul.f32 v39, v9  }
0x381: {  	v34 =	vadd.f32 v34, v35;
	v35 =	vmul.f32 v39, v12  }
0x382: {  	v39 =	vbroadcast v33, $0x7;
	v36 =	vadd.f32 v36, v37;
	v37 =	vmul.f32 v38, v13  }
0x383: {  	v34 =	vadd.f32 v34, v35;
	v35 =	vmul.f32 v38, v14  }
0x384: {  	v38 =	vbroadcast v33, $0x8;
	v36 =	vadd.f32 v36, v37;
	v37 =	vmul.f32 v39, v15  }
0x385: {  	v34 =	vadd.f32 v34, v35;
	v35 =	vmul.f32 v39, v16  }
0x386: {  	v39 =	vbroadcast v33, $0x9;
	v36 =	vadd.f32 v36, v37;
	v37 =	vmul.f32 v38, v17  }
0x387: {  	v34 =	vadd.f32 v34, v35;
	v35 =	vmul.f32 v38, v18  }
0x388: {  	v38 =	vbroadcast v33, $0xA;
	v36 =	vadd.f32 v36, v37;
	v37 =	vmul.f32 v39, v19  }
0x389: {  	v34 =	vadd.f32 v34, v35;
	v35 =	vmul.f32 v39, v20  }
0x38a: {  	v39 =	vbroadcast v33, $0xB;
	v36 =	vadd.f32 v36, v37;
	v37 =	vmul.f32 v38, v21  }
0x38b: {  	v34 =	vadd.f32 v34, v35;
	v35 =	vmul.f32 v38, v22  }
0x38c: {  	v38 =	vbroadcast v33, $0xC;
	v36 =	vadd.f32 v36, v37;
	v37 =	vmul.f32 v39, v23  }
0x38d: {  	v34 =	vadd.f32 v34, v35;
	v35 =	vmul.f32 v39, v24  }
0x38e: {  	v39 =	vbroadcast v33, $0xD;
	v36 =	vadd.f32 v36, v37;
	v37 =	vmul.f32 v38, v25  }
0x38f: {  	v34 =	vadd.f32 v34, v35;
	v35 =	vmul.f32 v38, v26  }
0x390: {  	v38 =	vbroadcast v33, $0xE;
	v36 =	vadd.f32 v36, v37;
	v37 =	vmul.f32 v39, v27  }
0x391: {  	v34 =	vadd.f32 v34, v35;
	v35 =	vmul.f32 v39, v29  }
0x392: {  	v33 =	vbroadcast v33, $0xF;
	v36 =	vadd.f32 v36, v37;
	v37 =	vmul.f32 v38, v30  }
0x393: {  	v34 =	vadd.f32 v34, v35;
	v35 =	vmul.f32 v38, v31  }
.Ltmp2:
0x394: {  	v36 =	vadd.f32 v36, v37;
	v37 =	vmul.f32 v33, v28;
	v33 =	vmul.f32 v33, v32;
	(pc) =	sbr.rel @p0 .LBB2_7-.Ltmp2, $4  }
0x395: {  	v34 =	vadd.f32 v34, v35  }
0x396: {  	s21 =	sor.u32 s16, s15;
	v35 =	vadd.f32 v36, v37  }
0x397: {  	s15 =	sand.u32 $0x1800, s19;
	s3 =	sadd.s32 $0x80, s3;
	s21 =	sadd.s32 s2, s21;
	v33 =	vadd.f32 v34, v33  }
0x398: {  	s19 =	sadd.s32 $0x100, s19;
	s2 =	sand.u32 $0x380, s3;
	s23 =	sadd.s32 s15, s6;
	[tilespmem:v0+s21+$0xE000 ss:$0x1] =	vst.idx.msk $0xffff, v35  }
0x399: {  	_ =	sdelay $0x3  }
0x39a: {  	s3 =	sadd.s32 s2, s23;
	[tilespmem:v0+s21+$0x10000 ss:$0x1] =	vst.idx.msk $0xffff, v33  }
0x39b: {  	v33 =	vld.idx.msk [tilespmem:v0+s3+$0x0 ss:$0x1], $0xffff;
	_ =	sdelay $0x4  }
0x39c: {  	v34 =	vbroadcast v33, $0x0;
	v35 =	vbroadcast v33, $0x1  }
0x39d: {  	v36 =	vbroadcast v33, $0x2  }
0x39e: {  	v3 =	vmul.f32 v34, v3;
	v8 =	vmul.f32 v35, v8  }
0x39f: {  	v10 =	vmul.f32 v34, v10;
	v11 =	vmul.f32 v35, v11  }
0x3a0: {  	v7 =	vmul.f32 v36, v7;
	v3 =	vadd.f32 v8, v3;
	v8 =	vbroadcast v33, $0x3  }
0x3a1: {  	v1 =	vmul.f32 v36, v1;
	v10 =	vadd.f32 v11, v10  }
0x3a2: {  	v3 =	vadd.f32 v3, v7;
	v4 =	vmul.f32 v8, v4;
	v7 =	vbroadcast v33, $0x4  }
0x3a3: {  	v1 =	vadd.f32 v10, v1;
	v2 =	vmul.f32 v8, v2  }
0x3a4: {  	v3 =	vadd.f32 v3, v4;
	v4 =	vmul.f32 v7, v5;
	v5 =	vbroadcast v33, $0x5  }
0x3a5: {  	v1 =	vadd.f32 v1, v2;
	v2 =	vmul.f32 v7, v6  }
0x3a6: {  	v6 =	vbroadcast v33, $0x6;
	v3 =	vadd.f32 v3, v4;
	v4 =	vmul.f32 v5, v9  }
0x3a7: {  	v1 =	vadd.f32 v1, v2;
	v2 =	vmul.f32 v5, v12  }
0x3a8: {  	v5 =	vbroadcast v33, $0x7;
	v3 =	vadd.f32 v3, v4;
	v4 =	vmul.f32 v6, v13  }
0x3a9: {  	v1 =	vadd.f32 v1, v2;
	v2 =	vmul.f32 v6, v14  }
0x3aa: {  	v6 =	vbroadcast v33, $0x8;
	v3 =	vadd.f32 v3, v4;
	v4 =	vmul.f32 v5, v15  }
0x3ab: {  	v1 =	vadd.f32 v1, v2;
	v2 =	vmul.f32 v5, v16  }
0x3ac: {  	v5 =	vbroadcast v33, $0x9;
	v3 =	vadd.f32 v3, v4;
	v4 =	vmul.f32 v6, v17  }
0x3ad: {  	v1 =	vadd.f32 v1, v2;
	v2 =	vmul.f32 v6, v18  }
0x3ae: {  	v6 =	vbroadcast v33, $0xA;
	v3 =	vadd.f32 v3, v4;
	v4 =	vmul.f32 v5, v19  }
0x3af: {  	v1 =	vadd.f32 v1, v2;
	v2 =	vmul.f32 v5, v20  }
0x3b0: {  	v5 =	vbroadcast v33, $0xB;
	v3 =	vadd.f32 v3, v4;
	v4 =	vmul.f32 v6, v21  }
0x3b1: {  	v1 =	vadd.f32 v1, v2;
	v2 =	vmul.f32 v6, v22  }
0x3b2: {  	v6 =	vbroadcast v33, $0xC;
	v3 =	vadd.f32 v3, v4;
	v4 =	vmul.f32 v5, v23  }
0x3b3: {  	v1 =	vadd.f32 v1, v2;
	v2 =	vmul.f32 v5, v24  }
0x3b4: {  	v5 =	vbroadcast v33, $0xD;
	v3 =	vadd.f32 v3, v4;
	v4 =	vmul.f32 v6, v25  }
0x3b5: {  	v1 =	vadd.f32 v1, v2;
	v2 =	vmul.f32 v6, v26  }
0x3b6: {  	v6 =	vbroadcast v33, $0xE;
	v3 =	vadd.f32 v3, v4;
	v4 =	vmul.f32 v5, v27  }
0x3b7: {  	v1 =	vadd.f32 v1, v2;
	v2 =	vmul.f32 v5, v29  }
0x3b8: {  	v5 =	vbroadcast v33, $0xF;
	v3 =	vadd.f32 v3, v4;
	v4 =	vmul.f32 v6, v30  }
0x3b9: {  	v1 =	vadd.f32 v1, v2;
	v2 =	vmul.f32 v6, v31  }
0x3ba: {  	v3 =	vadd.f32 v3, v4;
	v4 =	vmul.f32 v5, v28  }
0x3bb: {  	v5 =	vmul.f32 v5, v32;
	v1 =	vadd.f32 v1, v2  }
0x3bc: {  	s15 =	sor.u32 s16, s15;
	v2 =	vadd.f32 v3, v4  }
0x3bd: {  	s19 =	simm.s32 $0x0;
	s3 =	sadd.s32 s2, s15;
	v1 =	vadd.f32 v1, v5  }
0x3be: {  	s2 =	sand.u32 $0x1800, s19;
	[tilespmem:v0+s3+$0xE000 ss:$0x1] =	vst.idx.msk $0xffff, v2  }
0x3bf: {  	s21 =	sand.u32 $0x380, s19;
	s23 =	sadd.s32 s2, s6;
	[tilespmem:v0+s3+$0x10000 ss:$0x1] =	vst.idx.msk $0xffff, v1  }
0x3c0: {  	s15 =	sadd.s32 s21, s23;
	v3 =	vld [tilespmem:s17+$0x4000]  }
0x3c1: {  	v54 =	vld.idx.msk [tilespmem:v0+s15+$0x0 ss:$0x1], $0xffff  }
0x3c2: {  	v8 =	vld [tilespmem:s17+$0x4010]  }
0x3c3: {  	v10 =	vld [tilespmem:s17+$0x5000]  }
0x3c4: {  	v11 =	vld [tilespmem:s17+$0x5010]  }
0x3c5: {  	v7 =	vld [tilespmem:s17+$0x4020]  }
0x3c6: {  	v1 =	vld [tilespmem:s17+$0x5020];
	v6 =	vbroadcast v54, $0x0;
	v9 =	vbroadcast v54, $0x1  }
0x3c7: {  	v4 =	vld [tilespmem:s17+$0x4030];
	v12 =	vbroadcast v54, $0x2  }
0x3c8: {  	v2 =	vld [tilespmem:s17+$0x5030];
	v13 =	vmul.f32 v6, v3;
	v14 =	vmul.f32 v9, v8  }
0x3c9: {  	v5 =	vld [tilespmem:s17+$0x4040];
	v15 =	vmul.f32 v6, v10;
	v16 =	vmul.f32 v9, v11  }
0x3ca: {  	v17 =	vbroadcast v54, $0x3;
	v6 =	vld [tilespmem:s17+$0x5040];
	v13 =	vadd.f32 v14, v13;
	v14 =	vmul.f32 v12, v7  }
0x3cb: {  	v9 =	vld [tilespmem:s17+$0x4050];
	v15 =	vadd.f32 v16, v15;
	v16 =	vmul.f32 v12, v1  }
0x3cc: {  	v20 =	vbroadcast v54, $0x4;
	v19 =	vmul.f32 v17, v4;
	v12 =	vld [tilespmem:s17+$0x5050];
	v18 =	vadd.f32 v13, v14  }
0x3cd: {  	v17 =	vmul.f32 v17, v2;
	v13 =	vld [tilespmem:s17+$0x4060];
	v16 =	vadd.f32 v15, v16  }
0x3ce: {  	v21 =	vbroadcast v54, $0x5;
	v14 =	vld [tilespmem:s17+$0x5060];
	v18 =	vadd.f32 v18, v19;
	v19 =	vmul.f32 v20, v5  }
0x3cf: {  	v15 =	vld [tilespmem:s17+$0x4070];
	v22 =	vadd.f32 v16, v17;
	v20 =	vmul.f32 v20, v6  }
0x3d0: {  	s24 =	sor.u32 $0x4400, s4;
	v24 =	vbroadcast v54, $0x6;
	v23 =	vmul.f32 v21, v9;
	v16 =	vld [tilespmem:s17+$0x5070];
	v19 =	vadd.f32 v18, v19  }
0x3d1: {  	s19 =	sor.u32 $0x5400, s4;
	v17 =	vld [tilespmem:s24+$0x0];
	v21 =	vmul.f32 v21, v12;
	v20 =	vadd.f32 v22, v20  }
0x3d2: {  	v25 =	vbroadcast v54, $0x7;
	v18 =	vld [tilespmem:s19+$0x0];
	v22 =	vadd.f32 v19, v23;
	v23 =	vmul.f32 v24, v13  }
0x3d3: {  	v19 =	vld [tilespmem:s24+$0x10];
	v26 =	vadd.f32 v20, v21;
	v24 =	vmul.f32 v24, v14  }
0x3d4: {  	v28 =	vbroadcast v54, $0x8;
	v27 =	vmul.f32 v25, v15;
	v20 =	vld [tilespmem:s19+$0x10];
	v23 =	vadd.f32 v22, v23  }
0x3d5: {  	v21 =	vld [tilespmem:s24+$0x20];
	v25 =	vmul.f32 v25, v16;
	v24 =	vadd.f32 v26, v24  }
0x3d6: {  	v29 =	vbroadcast v54, $0x9;
	v22 =	vld [tilespmem:s19+$0x20];
	v26 =	vadd.f32 v23, v27;
	v27 =	vmul.f32 v28, v17  }
0x3d7: {  	v23 =	vld [tilespmem:s24+$0x30];
	v30 =	vadd.f32 v24, v25;
	v28 =	vmul.f32 v28, v18  }
0x3d8: {  	v55 =	vbroadcast v54, $0xA;
	v24 =	vld [tilespmem:s19+$0x30];
	v31 =	vmul.f32 v29, v19;
	v27 =	vadd.f32 v26, v27  }
0x3d9: {  	v25 =	vld [tilespmem:s24+$0x40];
	v29 =	vmul.f32 v29, v20;
	v28 =	vadd.f32 v30, v28  }
0x3da: {  	v56 =	vbroadcast v54, $0xB;
	v26 =	vld [tilespmem:s19+$0x40];
	v30 =	vadd.f32 v27, v31;
	v31 =	vmul.f32 v55, v21  }
0x3db: {  	v32 =	vmul.f32 v55, v22;
	v27 =	vld [tilespmem:s24+$0x50];
	v28 =	vadd.f32 v28, v29  }
0x3dc: {  	v58 =	vbroadcast v54, $0xC;
	v29 =	vld [tilespmem:s19+$0x50];
	v57 =	vmul.f32 v56, v23;
	v31 =	vadd.f32 v30, v31  }
0x3dd: {  	v34 =	vmul.f32 v56, v24;
	v30 =	vld [tilespmem:s24+$0x60];
	v32 =	vadd.f32 v28, v32  }
0x3de: {  	v38 =	vbroadcast v54, $0xD;
	v37 =	vmul.f32 v58, v25;
	v35 =	vadd.f32 v31, v57;
	v31 =	vld [tilespmem:s19+$0x60]  }
0x3df: {  	v28 =	vld [tilespmem:s24+$0x70];
	v36 =	vmul.f32 v58, v26;
	v34 =	vadd.f32 v32, v34  }
0x3e0: {  	v39 =	vbroadcast v54, $0xE;
	v32 =	vld [tilespmem:s19+$0x70];
	v59 =	vmul.f32 v38, v27;
	v35 =	vadd.f32 v35, v37  }
0x3e1: {  	v60 =	vmul.f32 v38, v29;
	v34 =	vadd.f32 v34, v36  }
0x3e2: {  	v33 =	vbroadcast v54, $0xF;
	v61 =	vmul.f32 v39, v30;
	v35 =	vadd.f32 v35, v59  }
0x3e3: {  	v34 =	vadd.f32 v34, v60;
	v62 =	vmul.f32 v39, v31  }
0x3e4: {  	v63 =	vmul.f32 v33, v28;
	v35 =	vadd.f32 v35, v61  }
0x3e5: {  	v33 =	vmul.f32 v33, v32;
	v34 =	vadd.f32 v34, v62  }
0x3e6: {  	s25 =	simm.s32 $0x100;
	s2 =	sor.u32 s16, s2;
	v35 =	vadd.f32 v35, v63  }
0x3e7: {  	s21 =	sadd.s32 s21, s2;
	s3 =	simm.s32 $0x80;
	s15 =	sand.u32 $0x1800, s25;
	v33 =	vadd.f32 v34, v33  }
0x3e8: {  	s2 =	sand.u32 $0x380, s3;
	s23 =	sadd.s32 s15, s6;
	s19 =	simm.s32 $0x200;
	[tilespmem:v0+s21+$0x12000 ss:$0x1] =	vst.idx.msk $0xffff, v35  }
.LBB2_9:
0x3e9: {  	p0 =	sne.s32 s19, $0x1F00;
	s23 =	sadd.s32 s2, s23;
	[tilespmem:v0+s21+$0x14000 ss:$0x1] =	vst.idx.msk $0xffff, v33  }
0x3ea: {  	v33 =	vld.idx.msk [tilespmem:v0+s23+$0x0 ss:$0x1], $0xffff;
	_ =	sdelay $0x5  }
0x3eb: {  	v34 =	vbroadcast v33, $0x0;
	v35 =	vbroadcast v33, $0x1  }
0x3ec: {  	v36 =	vbroadcast v33, $0x2  }
0x3ed: {  	v37 =	vmul.f32 v34, v3;
	v38 =	vmul.f32 v35, v8  }
0x3ee: {  	v34 =	vmul.f32 v34, v10;
	v35 =	vmul.f32 v35, v11  }
0x3ef: {  	v39 =	vbroadcast v33, $0x3;
	v37 =	vadd.f32 v38, v37;
	v38 =	vmul.f32 v36, v7  }
0x3f0: {  	v34 =	vadd.f32 v35, v34;
	v35 =	vmul.f32 v36, v1  }
0x3f1: {  	v36 =	vadd.f32 v37, v38;
	v37 =	vmul.f32 v39, v4;
	v38 =	vbroadcast v33, $0x4  }
0x3f2: {  	v34 =	vadd.f32 v34, v35;
	v35 =	vmul.f32 v39, v2  }
0x3f3: {  	v39 =	vbroadcast v33, $0x5;
	v36 =	vadd.f32 v36, v37;
	v37 =	vmul.f32 v38, v5  }
0x3f4: {  	v34 =	vadd.f32 v34, v35;
	v35 =	vmul.f32 v38, v6  }
0x3f5: {  	v38 =	vbroadcast v33, $0x6;
	v36 =	vadd.f32 v36, v37;
	v37 =	vmul.f32 v39, v9  }
0x3f6: {  	v34 =	vadd.f32 v34, v35;
	v35 =	vmul.f32 v39, v12  }
0x3f7: {  	v39 =	vbroadcast v33, $0x7;
	v36 =	vadd.f32 v36, v37;
	v37 =	vmul.f32 v38, v13  }
0x3f8: {  	v34 =	vadd.f32 v34, v35;
	v35 =	vmul.f32 v38, v14  }
0x3f9: {  	v38 =	vbroadcast v33, $0x8;
	v36 =	vadd.f32 v36, v37;
	v37 =	vmul.f32 v39, v15  }
0x3fa: {  	v34 =	vadd.f32 v34, v35;
	v35 =	vmul.f32 v39, v16  }
0x3fb: {  	v39 =	vbroadcast v33, $0x9;
	v36 =	vadd.f32 v36, v37;
	v37 =	vmul.f32 v38, v17  }
0x3fc: {  	v34 =	vadd.f32 v34, v35;
	v35 =	vmul.f32 v38, v18  }
0x3fd: {  	v38 =	vbroadcast v33, $0xA;
	v36 =	vadd.f32 v36, v37;
	v37 =	vmul.f32 v39, v19  }
0x3fe: {  	v34 =	vadd.f32 v34, v35;
	v35 =	vmul.f32 v39, v20  }
0x3ff: {  	v39 =	vbroadcast v33, $0xB;
	v36 =	vadd.f32 v36, v37;
	v37 =	vmul.f32 v38, v21  }
0x400: {  	v34 =	vadd.f32 v34, v35;
	v35 =	vmul.f32 v38, v22  }
0x401: {  	v38 =	vbroadcast v33, $0xC;
	v36 =	vadd.f32 v36, v37;
	v37 =	vmul.f32 v39, v23  }
0x402: {  	v34 =	vadd.f32 v34, v35;
	v35 =	vmul.f32 v39, v24  }
0x403: {  	v39 =	vbroadcast v33, $0xD;
	v36 =	vadd.f32 v36, v37;
	v37 =	vmul.f32 v38, v25  }
0x404: {  	v34 =	vadd.f32 v34, v35;
	v35 =	vmul.f32 v38, v26  }
0x405: {  	v38 =	vbroadcast v33, $0xE;
	v36 =	vadd.f32 v36, v37;
	v37 =	vmul.f32 v39, v27  }
0x406: {  	v34 =	vadd.f32 v34, v35;
	v35 =	vmul.f32 v39, v29  }
0x407: {  	v33 =	vbroadcast v33, $0xF;
	v36 =	vadd.f32 v36, v37;
	v37 =	vmul.f32 v38, v30  }
0x408: {  	v34 =	vadd.f32 v34, v35;
	v35 =	vmul.f32 v38, v31  }
.Ltmp3:
0x409: {  	v36 =	vadd.f32 v36, v37;
	v37 =	vmul.f32 v33, v28;
	v33 =	vmul.f32 v33, v32;
	(pc) =	sbr.rel @p0 .LBB2_9-.Ltmp3, $4  }
0x40a: {  	v34 =	vadd.f32 v34, v35  }
0x40b: {  	s21 =	sor.u32 s16, s15;
	v35 =	vadd.f32 v36, v37  }
0x40c: {  	s15 =	sand.u32 $0x1800, s19;
	s3 =	sadd.s32 $0x80, s3;
	s21 =	sadd.s32 s2, s21;
	v33 =	vadd.f32 v34, v33  }
0x40d: {  	s19 =	sadd.s32 $0x100, s19;
	s2 =	sand.u32 $0x380, s3;
	s23 =	sadd.s32 s15, s6;
	[tilespmem:v0+s21+$0x12000 ss:$0x1] =	vst.idx.msk $0xffff, v35  }
0x40e: {  	_ =	sdelay $0x3  }
0x40f: {  	s3 =	sadd.s32 s2, s23;
	[tilespmem:v0+s21+$0x14000 ss:$0x1] =	vst.idx.msk $0xffff, v33  }
0x410: {  	v33 =	vld.idx.msk [tilespmem:v0+s3+$0x0 ss:$0x1], $0xffff;
	_ =	sdelay $0x4  }
0x411: {  	v34 =	vbroadcast v33, $0x0;
	v35 =	vbroadcast v33, $0x1  }
0x412: {  	v36 =	vbroadcast v33, $0x2  }
0x413: {  	v3 =	vmul.f32 v34, v3;
	v8 =	vmul.f32 v35, v8  }
0x414: {  	v10 =	vmul.f32 v34, v10;
	v11 =	vmul.f32 v35, v11  }
0x415: {  	v7 =	vmul.f32 v36, v7;
	v3 =	vadd.f32 v8, v3;
	v8 =	vbroadcast v33, $0x3  }
0x416: {  	v1 =	vmul.f32 v36, v1;
	v10 =	vadd.f32 v11, v10  }
0x417: {  	v3 =	vadd.f32 v3, v7;
	v4 =	vmul.f32 v8, v4;
	v7 =	vbroadcast v33, $0x4  }
0x418: {  	v1 =	vadd.f32 v10, v1;
	v2 =	vmul.f32 v8, v2  }
0x419: {  	v3 =	vadd.f32 v3, v4;
	v4 =	vmul.f32 v7, v5;
	v5 =	vbroadcast v33, $0x5  }
0x41a: {  	v1 =	vadd.f32 v1, v2;
	v2 =	vmul.f32 v7, v6  }
0x41b: {  	v6 =	vbroadcast v33, $0x6;
	v3 =	vadd.f32 v3, v4;
	v4 =	vmul.f32 v5, v9  }
0x41c: {  	v1 =	vadd.f32 v1, v2;
	v2 =	vmul.f32 v5, v12  }
0x41d: {  	v5 =	vbroadcast v33, $0x7;
	v3 =	vadd.f32 v3, v4;
	v4 =	vmul.f32 v6, v13  }
0x41e: {  	v1 =	vadd.f32 v1, v2;
	v2 =	vmul.f32 v6, v14  }
0x41f: {  	v6 =	vbroadcast v33, $0x8;
	v3 =	vadd.f32 v3, v4;
	v4 =	vmul.f32 v5, v15  }
0x420: {  	v1 =	vadd.f32 v1, v2;
	v2 =	vmul.f32 v5, v16  }
0x421: {  	v5 =	vbroadcast v33, $0x9;
	v3 =	vadd.f32 v3, v4;
	v4 =	vmul.f32 v6, v17  }
0x422: {  	v1 =	vadd.f32 v1, v2;
	v2 =	vmul.f32 v6, v18  }
0x423: {  	v6 =	vbroadcast v33, $0xA;
	v3 =	vadd.f32 v3, v4;
	v4 =	vmul.f32 v5, v19  }
0x424: {  	v1 =	vadd.f32 v1, v2;
	v2 =	vmul.f32 v5, v20  }
0x425: {  	v5 =	vbroadcast v33, $0xB;
	v3 =	vadd.f32 v3, v4;
	v4 =	vmul.f32 v6, v21  }
0x426: {  	v1 =	vadd.f32 v1, v2;
	v2 =	vmul.f32 v6, v22  }
0x427: {  	v6 =	vbroadcast v33, $0xC;
	v3 =	vadd.f32 v3, v4;
	v4 =	vmul.f32 v5, v23  }
0x428: {  	v1 =	vadd.f32 v1, v2;
	v2 =	vmul.f32 v5, v24  }
0x429: {  	v5 =	vbroadcast v33, $0xD;
	v3 =	vadd.f32 v3, v4;
	v4 =	vmul.f32 v6, v25  }
0x42a: {  	v1 =	vadd.f32 v1, v2;
	v2 =	vmul.f32 v6, v26  }
0x42b: {  	v6 =	vbroadcast v33, $0xE;
	v3 =	vadd.f32 v3, v4;
	v4 =	vmul.f32 v5, v27  }
0x42c: {  	v1 =	vadd.f32 v1, v2;
	v2 =	vmul.f32 v5, v29  }
0x42d: {  	v5 =	vbroadcast v33, $0xF;
	v3 =	vadd.f32 v3, v4;
	v4 =	vmul.f32 v6, v30  }
0x42e: {  	v1 =	vadd.f32 v1, v2;
	v2 =	vmul.f32 v6, v31  }
0x42f: {  	v3 =	vadd.f32 v3, v4;
	v4 =	vmul.f32 v5, v28  }
0x430: {  	v5 =	vmul.f32 v5, v32;
	v1 =	vadd.f32 v1, v2  }
0x431: {  	s24 =	sor.u32 s16, s15;
	v2 =	vadd.f32 v3, v4  }
0x432: {  	s25 =	simm.s32 $0x0;
	s3 =	sadd.s32 s2, s24;
	v1 =	vadd.f32 v1, v5  }
0x433: {  	s2 =	sand.u32 $0x1800, s25;
	[tilespmem:v0+s3+$0x12000 ss:$0x1] =	vst.idx.msk $0xffff, v2  }
0x434: {  	s19 =	sand.u32 $0x380, s25;
	s21 =	sadd.s32 s2, s6;
	[tilespmem:v0+s3+$0x14000 ss:$0x1] =	vst.idx.msk $0xffff, v1  }
0x435: {  	s15 =	sadd.s32 s19, s21;
	v3 =	vld [tilespmem:s17+$0x6000]  }
0x436: {  	v54 =	vld.idx.msk [tilespmem:v0+s15+$0x0 ss:$0x1], $0xffff  }
0x437: {  	v8 =	vld [tilespmem:s17+$0x6010]  }
0x438: {  	v10 =	vld [tilespmem:s17+$0x7000]  }
0x439: {  	v11 =	vld [tilespmem:s17+$0x7010]  }
0x43a: {  	v7 =	vld [tilespmem:s17+$0x6020]  }
0x43b: {  	v1 =	vld [tilespmem:s17+$0x7020];
	v6 =	vbroadcast v54, $0x0;
	v9 =	vbroadcast v54, $0x1  }
0x43c: {  	v4 =	vld [tilespmem:s17+$0x6030];
	v12 =	vbroadcast v54, $0x2  }
0x43d: {  	v2 =	vld [tilespmem:s17+$0x7030];
	v13 =	vmul.f32 v6, v3;
	v14 =	vmul.f32 v9, v8  }
0x43e: {  	v5 =	vld [tilespmem:s17+$0x6040];
	v15 =	vmul.f32 v6, v10;
	v16 =	vmul.f32 v9, v11  }
0x43f: {  	v17 =	vbroadcast v54, $0x3;
	v6 =	vld [tilespmem:s17+$0x7040];
	v13 =	vadd.f32 v14, v13;
	v14 =	vmul.f32 v12, v7  }
0x440: {  	v9 =	vld [tilespmem:s17+$0x6050];
	v15 =	vadd.f32 v16, v15;
	v16 =	vmul.f32 v12, v1  }
0x441: {  	v20 =	vbroadcast v54, $0x4;
	v19 =	vmul.f32 v17, v4;
	v12 =	vld [tilespmem:s17+$0x7050];
	v18 =	vadd.f32 v13, v14  }
0x442: {  	v17 =	vmul.f32 v17, v2;
	v13 =	vld [tilespmem:s17+$0x6060];
	v16 =	vadd.f32 v15, v16  }
0x443: {  	v21 =	vbroadcast v54, $0x5;
	v14 =	vld [tilespmem:s17+$0x7060];
	v18 =	vadd.f32 v18, v19;
	v19 =	vmul.f32 v20, v5  }
0x444: {  	v15 =	vld [tilespmem:s17+$0x6070];
	v22 =	vadd.f32 v16, v17;
	v20 =	vmul.f32 v20, v6  }
0x445: {  	s23 =	sor.u32 $0x6400, s4;
	v24 =	vbroadcast v54, $0x6;
	v23 =	vmul.f32 v21, v9;
	v16 =	vld [tilespmem:s17+$0x7070];
	v19 =	vadd.f32 v18, v19  }
0x446: {  	s24 =	sor.u32 $0x7400, s4;
	v17 =	vld [tilespmem:s23+$0x0];
	v21 =	vmul.f32 v21, v12;
	v20 =	vadd.f32 v22, v20  }
0x447: {  	v25 =	vbroadcast v54, $0x7;
	v18 =	vld [tilespmem:s24+$0x0];
	v22 =	vadd.f32 v19, v23;
	v23 =	vmul.f32 v24, v13  }
0x448: {  	v19 =	vld [tilespmem:s23+$0x10];
	v26 =	vadd.f32 v20, v21;
	v24 =	vmul.f32 v24, v14  }
0x449: {  	v28 =	vbroadcast v54, $0x8;
	v27 =	vmul.f32 v25, v15;
	v20 =	vld [tilespmem:s24+$0x10];
	v23 =	vadd.f32 v22, v23  }
0x44a: {  	v21 =	vld [tilespmem:s23+$0x20];
	v25 =	vmul.f32 v25, v16;
	v24 =	vadd.f32 v26, v24  }
0x44b: {  	v29 =	vbroadcast v54, $0x9;
	v22 =	vld [tilespmem:s24+$0x20];
	v26 =	vadd.f32 v23, v27;
	v27 =	vmul.f32 v28, v17  }
0x44c: {  	v23 =	vld [tilespmem:s23+$0x30];
	v30 =	vadd.f32 v24, v25;
	v28 =	vmul.f32 v28, v18  }
0x44d: {  	v55 =	vbroadcast v54, $0xA;
	v24 =	vld [tilespmem:s24+$0x30];
	v31 =	vmul.f32 v29, v19;
	v27 =	vadd.f32 v26, v27  }
0x44e: {  	v25 =	vld [tilespmem:s23+$0x40];
	v29 =	vmul.f32 v29, v20;
	v28 =	vadd.f32 v30, v28  }
0x44f: {  	v56 =	vbroadcast v54, $0xB;
	v26 =	vld [tilespmem:s24+$0x40];
	v30 =	vadd.f32 v27, v31;
	v31 =	vmul.f32 v55, v21  }
0x450: {  	v32 =	vmul.f32 v55, v22;
	v27 =	vld [tilespmem:s23+$0x50];
	v28 =	vadd.f32 v28, v29  }
0x451: {  	v58 =	vbroadcast v54, $0xC;
	v29 =	vld [tilespmem:s24+$0x50];
	v57 =	vmul.f32 v56, v23;
	v31 =	vadd.f32 v30, v31  }
0x452: {  	v34 =	vmul.f32 v56, v24;
	v30 =	vld [tilespmem:s23+$0x60];
	v32 =	vadd.f32 v28, v32  }
0x453: {  	v38 =	vbroadcast v54, $0xD;
	v37 =	vmul.f32 v58, v25;
	v35 =	vadd.f32 v31, v57;
	v31 =	vld [tilespmem:s24+$0x60]  }
0x454: {  	v28 =	vld [tilespmem:s23+$0x70];
	v36 =	vmul.f32 v58, v26;
	v34 =	vadd.f32 v32, v34  }
0x455: {  	v39 =	vbroadcast v54, $0xE;
	v32 =	vld [tilespmem:s24+$0x70];
	v59 =	vmul.f32 v38, v27;
	v35 =	vadd.f32 v35, v37  }
0x456: {  	v60 =	vmul.f32 v38, v29;
	v34 =	vadd.f32 v34, v36  }
0x457: {  	v33 =	vbroadcast v54, $0xF;
	v61 =	vmul.f32 v39, v30;
	v35 =	vadd.f32 v35, v59  }
0x458: {  	v34 =	vadd.f32 v34, v60;
	v62 =	vmul.f32 v39, v31  }
0x459: {  	v63 =	vmul.f32 v33, v28;
	v35 =	vadd.f32 v35, v61  }
0x45a: {  	v33 =	vmul.f32 v33, v32;
	v34 =	vadd.f32 v34, v62  }
0x45b: {  	s25 =	simm.s32 $0x100;
	s2 =	sor.u32 s16, s2;
	v35 =	vadd.f32 v35, v63  }
0x45c: {  	s4 =	sand.u32 $0x1800, s25;
	s3 =	simm.s32 $0x80;
	s17 =	sadd.s32 s19, s2;
	v33 =	vadd.f32 v34, v33  }
0x45d: {  	s15 =	simm.s32 $0x200;
	s2 =	sand.u32 $0x380, s3;
	s19 =	sadd.s32 s4, s6;
	[tilespmem:v0+s17+$0x16000 ss:$0x1] =	vst.idx.msk $0xffff, v35  }
.LBB2_11:
0x45e: {  	p0 =	sne.s32 s15, $0x1F00;
	s19 =	sadd.s32 s2, s19;
	[tilespmem:v0+s17+$0x18000 ss:$0x1] =	vst.idx.msk $0xffff, v33  }
0x45f: {  	v33 =	vld.idx.msk [tilespmem:v0+s19+$0x0 ss:$0x1], $0xffff;
	_ =	sdelay $0x5  }
0x460: {  	v34 =	vbroadcast v33, $0x0;
	v35 =	vbroadcast v33, $0x1  }
0x461: {  	v36 =	vbroadcast v33, $0x2  }
0x462: {  	v37 =	vmul.f32 v34, v3;
	v38 =	vmul.f32 v35, v8  }
0x463: {  	v34 =	vmul.f32 v34, v10;
	v35 =	vmul.f32 v35, v11  }
0x464: {  	v39 =	vbroadcast v33, $0x3;
	v37 =	vadd.f32 v38, v37;
	v38 =	vmul.f32 v36, v7  }
0x465: {  	v34 =	vadd.f32 v35, v34;
	v35 =	vmul.f32 v36, v1  }
0x466: {  	v36 =	vadd.f32 v37, v38;
	v37 =	vmul.f32 v39, v4;
	v38 =	vbroadcast v33, $0x4  }
0x467: {  	v34 =	vadd.f32 v34, v35;
	v35 =	vmul.f32 v39, v2  }
0x468: {  	v39 =	vbroadcast v33, $0x5;
	v36 =	vadd.f32 v36, v37;
	v37 =	vmul.f32 v38, v5  }
0x469: {  	v34 =	vadd.f32 v34, v35;
	v35 =	vmul.f32 v38, v6  }
0x46a: {  	v38 =	vbroadcast v33, $0x6;
	v36 =	vadd.f32 v36, v37;
	v37 =	vmul.f32 v39, v9  }
0x46b: {  	v34 =	vadd.f32 v34, v35;
	v35 =	vmul.f32 v39, v12  }
0x46c: {  	v39 =	vbroadcast v33, $0x7;
	v36 =	vadd.f32 v36, v37;
	v37 =	vmul.f32 v38, v13  }
0x46d: {  	v34 =	vadd.f32 v34, v35;
	v35 =	vmul.f32 v38, v14  }
0x46e: {  	v38 =	vbroadcast v33, $0x8;
	v36 =	vadd.f32 v36, v37;
	v37 =	vmul.f32 v39, v15  }
0x46f: {  	v34 =	vadd.f32 v34, v35;
	v35 =	vmul.f32 v39, v16  }
0x470: {  	v39 =	vbroadcast v33, $0x9;
	v36 =	vadd.f32 v36, v37;
	v37 =	vmul.f32 v38, v17  }
0x471: {  	v34 =	vadd.f32 v34, v35;
	v35 =	vmul.f32 v38, v18  }
0x472: {  	v38 =	vbroadcast v33, $0xA;
	v36 =	vadd.f32 v36, v37;
	v37 =	vmul.f32 v39, v19  }
0x473: {  	v34 =	vadd.f32 v34, v35;
	v35 =	vmul.f32 v39, v20  }
0x474: {  	v39 =	vbroadcast v33, $0xB;
	v36 =	vadd.f32 v36, v37;
	v37 =	vmul.f32 v38, v21  }
0x475: {  	v34 =	vadd.f32 v34, v35;
	v35 =	vmul.f32 v38, v22  }
0x476: {  	v38 =	vbroadcast v33, $0xC;
	v36 =	vadd.f32 v36, v37;
	v37 =	vmul.f32 v39, v23  }
0x477: {  	v34 =	vadd.f32 v34, v35;
	v35 =	vmul.f32 v39, v24  }
0x478: {  	v39 =	vbroadcast v33, $0xD;
	v36 =	vadd.f32 v36, v37;
	v37 =	vmul.f32 v38, v25  }
0x479: {  	v34 =	vadd.f32 v34, v35;
	v35 =	vmul.f32 v38, v26  }
0x47a: {  	v38 =	vbroadcast v33, $0xE;
	v36 =	vadd.f32 v36, v37;
	v37 =	vmul.f32 v39, v27  }
0x47b: {  	v34 =	vadd.f32 v34, v35;
	v35 =	vmul.f32 v39, v29  }
0x47c: {  	v33 =	vbroadcast v33, $0xF;
	v36 =	vadd.f32 v36, v37;
	v37 =	vmul.f32 v38, v30  }
0x47d: {  	v34 =	vadd.f32 v34, v35;
	v35 =	vmul.f32 v38, v31  }
.Ltmp4:
0x47e: {  	v36 =	vadd.f32 v36, v37;
	v37 =	vmul.f32 v33, v28;
	v33 =	vmul.f32 v33, v32;
	(pc) =	sbr.rel @p0 .LBB2_11-.Ltmp4, $4  }
0x47f: {  	v34 =	vadd.f32 v34, v35  }
0x480: {  	s17 =	sor.u32 s16, s4;
	v35 =	vadd.f32 v36, v37  }
0x481: {  	s4 =	sand.u32 $0x1800, s15;
	s3 =	sadd.s32 $0x80, s3;
	s17 =	sadd.s32 s2, s17;
	v33 =	vadd.f32 v34, v33  }
0x482: {  	s15 =	sadd.s32 $0x100, s15;
	s2 =	sand.u32 $0x380, s3;
	s19 =	sadd.s32 s4, s6;
	[tilespmem:v0+s17+$0x16000 ss:$0x1] =	vst.idx.msk $0xffff, v35  }
0x483: {  	_ =	sdelay $0x3  }
0x484: {  	s3 =	sadd.s32 s2, s19;
	[tilespmem:v0+s17+$0x18000 ss:$0x1] =	vst.idx.msk $0xffff, v33  }
0x485: {  	v33 =	vld.idx.msk [tilespmem:v0+s3+$0x0 ss:$0x1], $0xffff;
	_ =	sdelay $0x4  }
0x486: {  	v34 =	vbroadcast v33, $0x0;
	v35 =	vbroadcast v33, $0x1  }
0x487: {  	v36 =	vbroadcast v33, $0x2  }
0x488: {  	v3 =	vmul.f32 v34, v3;
	v8 =	vmul.f32 v35, v8  }
0x489: {  	v10 =	vmul.f32 v34, v10;
	v11 =	vmul.f32 v35, v11  }
0x48a: {  	v59 =	vbroadcast v33, $0x3;
	v7 =	vmul.f32 v36, v7;
	v3 =	vadd.f32 v8, v3  }
0x48b: {  	v1 =	vmul.f32 v36, v1;
	v10 =	vadd.f32 v11, v10  }
0x48c: {  	v60 =	vbroadcast v33, $0x4;
	v4 =	vmul.f32 v59, v4;
	v3 =	vadd.f32 v3, v7  }
0x48d: {  	v2 =	vmul.f32 v59, v2;
	v1 =	vadd.f32 v10, v1  }
0x48e: {  	v62 =	vbroadcast v33, $0x5;
	v61 =	vmul.f32 v60, v5;
	v3 =	vadd.f32 v3, v4  }
0x48f: {  	v63 =	vmul.f32 v60, v6;
	v1 =	vadd.f32 v1, v2  }
0x490: {  	v11 =	vbroadcast v33, $0x6;
	v10 =	vmul.f32 v62, v9;
	v3 =	vadd.f32 v3, v61  }
0x491: {  	v34 =	vmul.f32 v62, v12;
	v1 =	vadd.f32 v1, v63  }
0x492: {  	v36 =	vbroadcast v33, $0x7;
	v35 =	vmul.f32 v11, v13;
	v3 =	vadd.f32 v3, v10  }
0x493: {  	v37 =	vmul.f32 v11, v14;
	v1 =	vadd.f32 v1, v34  }
0x494: {  	v39 =	vbroadcast v33, $0x8;
	v38 =	vmul.f32 v36, v15;
	v3 =	vadd.f32 v3, v35  }
0x495: {  	v40 =	vmul.f32 v36, v16;
	v1 =	vadd.f32 v1, v37  }
0x496: {  	v42 =	vbroadcast v33, $0x9;
	v41 =	vmul.f32 v39, v17;
	v3 =	vadd.f32 v3, v38  }
0x497: {  	v43 =	vmul.f32 v39, v18;
	v1 =	vadd.f32 v1, v40  }
0x498: {  	v45 =	vbroadcast v33, $0xA;
	v44 =	vmul.f32 v42, v19;
	v3 =	vadd.f32 v3, v41  }
0x499: {  	v46 =	vmul.f32 v42, v20;
	v1 =	vadd.f32 v1, v43  }
0x49a: {  	v48 =	vbroadcast v33, $0xB;
	v47 =	vmul.f32 v45, v21;
	v3 =	vadd.f32 v3, v44  }
0x49b: {  	v49 =	vmul.f32 v45, v22;
	v1 =	vadd.f32 v1, v46  }
0x49c: {  	v51 =	vbroadcast v33, $0xC;
	v50 =	vmul.f32 v48, v23;
	v3 =	vadd.f32 v3, v47  }
0x49d: {  	v52 =	vmul.f32 v48, v24;
	v1 =	vadd.f32 v1, v49  }
0x49e: {  	v54 =	vbroadcast v33, $0xD;
	v53 =	vmul.f32 v51, v25;
	v3 =	vadd.f32 v3, v50  }
0x49f: {  	v55 =	vmul.f32 v51, v26;
	v1 =	vadd.f32 v1, v52  }
0x4a0: {  	v57 =	vbroadcast v33, $0xE;
	v56 =	vmul.f32 v54, v27;
	v3 =	vadd.f32 v3, v53  }
0x4a1: {  	v58 =	vmul.f32 v54, v29;
	v1 =	vadd.f32 v1, v55  }
0x4a2: {  	v59 =	vmul.f32 v57, v30;
	v60 =	vbroadcast v33, $0xF;
	v3 =	vadd.f32 v3, v56  }
0x4a3: {  	s1 =	sadd.s32 $0x1, s1;
	v61 =	vmul.f32 v57, v31;
	v1 =	vadd.f32 v1, v58  }
0x4a4: {  	p0 =	sne.s32 s1, $0x10;
	v62 =	vmul.f32 v60, v28;
	v3 =	vadd.f32 v3, v59  }
.Ltmp5:
0x4a5: {  	v5 =	vmul.f32 v60, v32;
	v1 =	vadd.f32 v1, v61;
	(pc) =	sbr.rel @p0 .LBB2_4-.Ltmp5, $4  }
0x4a6: {  	s24 =	sor.u32 s16, s4;
	v63 =	vadd.f32 v3, v62  }
0x4a7: {  	s25 =	sadd.s32 s2, s24;
	v1 =	vadd.f32 v1, v5  }
0x4a8: {  	[tilespmem:v0+s25+$0x16000 ss:$0x1] =	vst.idx.msk $0xffff, v63  }
0x4a9: {  	[tilespmem:v0+s25+$0x18000 ss:$0x1] =	vst.idx.msk $0xffff, v1  }
0x4aa: {  	s0 =	sshll.u32 s0, $0xD  }
0x4ab: {  	s0 =	sor.u32 s7, s0  }
0x4ac: {  	s1 =	rddreg [dreg:$0x2];
	s0 =	sshrl.u32 s0, $0x3  }
0x4ad: {  	s2 =	simm.s32 $0xA000;
	s1 =	sadd.s32 s1, s0  }
0x4ae: {  	[hbm4b:s1+s22] =	stream.strided.scatter [tilespmem:s2], [sflag:$0x1], $0x400, s20, s22, $0x38;
	[tilespmem:$0x1A000] =	vst v63  }
0x4af: {  	s3 =	simm.s32 $0xA400;
	s25 =	sadd.s32 $0x80, s1  }
0x4b0: {  	[hbm4b:s25+s22] =	stream.strided.scatter [tilespmem:s3], [sflag:$0x1], $0x400, s20, s22, $0x38;
	[tilespmem:$0x1A000] =	vst v63  }
0x4b1: {  	s4 =	simm.s32 $0xA800;
	s3 =	sadd.s32 $0x2000, s1  }
0x4b2: {  	[hbm4b:s3+s22] =	stream.strided.scatter [tilespmem:s4], [sflag:$0x1], $0x400, s20, s22, $0x38;
	[tilespmem:$0x1A000] =	vst v63  }
0x4b3: {  	s15 =	simm.s32 $0xAC00;
	s6 =	sadd.s32 $0x2080, s1  }
0x4b4: {  	[hbm4b:s6+s22] =	stream.strided.scatter [tilespmem:s15], [sflag:$0x1], $0x400, s20, s22, $0x38;
	[tilespmem:$0x1A000] =	vst v63  }
0x4b5: {  	s17 =	simm.s32 $0xB000;
	s16 =	sadd.s32 $0x4000, s1  }
0x4b6: {  	[hbm4b:s16+s22] =	stream.strided.scatter [tilespmem:s17], [sflag:$0x1], $0x400, s20, s22, $0x38;
	[tilespmem:$0x1A000] =	vst v63  }
0x4b7: {  	s21 =	simm.s32 $0xB400;
	s19 =	sadd.s32 $0x4080, s1  }
0x4b8: {  	[hbm4b:s19+s22] =	stream.strided.scatter [tilespmem:s21], [sflag:$0x1], $0x400, s20, s22, $0x38;
	[tilespmem:$0x1A000] =	vst v63  }
0x4b9: {  	s24 =	simm.s32 $0xB800;
	s23 =	sadd.s32 $0x6000, s1  }
0x4ba: {  	[hbm4b:s23+s22] =	stream.strided.scatter [tilespmem:s24], [sflag:$0x1], $0x400, s20, s22, $0x38;
	[tilespmem:$0x1A000] =	vst v63  }
0x4bb: {  	s1 =	sadd.s32 $0x6080, s1;
	s25 =	simm.s32 $0xBC00  }
0x4bc: {  	[hbm4b:s1+s22] =	stream.strided.scatter [tilespmem:s25], [sflag:$0x1], $0x400, s20, s22, $0x38;
	[tilespmem:$0x1A000] =	vst v63  }
0x4bd: {  	_ =	swait.ge [sflag:s18], $0x2000  }
0x4be: {  	[sflag:s18] =	ssyncset.done $0x0  }
0x4bf: {  	s3 =	simm.s32 $0xC000;
	s1 =	sadd.s32 s0, s8;
	[sflag:s18] =	ssyncadd.s32 $0xFFFFE000  }
0x4c0: {  	[hbm4b:s1+s22] =	stream.strided.scatter [tilespmem:s3], [sflag:$0x1], $0x400, s20, s22, $0x38;
	[tilespmem:$0x1A000] =	vst v63  }
0x4c1: {  	s6 =	simm.s32 $0xC400;
	s4 =	sadd.s32 $0x80, s1  }
0x4c2: {  	[hbm4b:s4+s22] =	stream.strided.scatter [tilespmem:s6], [sflag:$0x1], $0x400, s20, s22, $0x38;
	[tilespmem:$0x1A000] =	vst v63  }
0x4c3: {  	s16 =	simm.s32 $0xC800;
	s15 =	sadd.s32 $0x2000, s1  }
0x4c4: {  	[hbm4b:s15+s22] =	stream.strided.scatter [tilespmem:s16], [sflag:$0x1], $0x400, s20, s22, $0x38;
	[tilespmem:$0x1A000] =	vst v63  }
0x4c5: {  	s19 =	simm.s32 $0xCC00;
	s17 =	sadd.s32 $0x2080, s1  }
0x4c6: {  	[hbm4b:s17+s22] =	stream.strided.scatter [tilespmem:s19], [sflag:$0x1], $0x400, s20, s22, $0x38;
	[tilespmem:$0x1A000] =	vst v63  }
0x4c7: {  	s23 =	simm.s32 $0xD000;
	s21 =	sadd.s32 $0x4000, s1  }
0x4c8: {  	[hbm4b:s21+s22] =	stream.strided.scatter [tilespmem:s23], [sflag:$0x1], $0x400, s20, s22, $0x38;
	[tilespmem:$0x1A000] =	vst v63  }
0x4c9: {  	s25 =	simm.s32 $0xD400;
	s24 =	sadd.s32 $0x4080, s1  }
0x4ca: {  	[hbm4b:s24+s22] =	stream.strided.scatter [tilespmem:s25], [sflag:$0x1], $0x400, s20, s22, $0x38;
	[tilespmem:$0x1A000] =	vst v63  }
0x4cb: {  	s4 =	sadd.s32 $0x6000, s1;
	s6 =	simm.s32 $0xD800  }
0x4cc: {  	[hbm4b:s4+s22] =	stream.strided.scatter [tilespmem:s6], [sflag:$0x1], $0x400, s20, s22, $0x38;
	[tilespmem:$0x1A000] =	vst v63  }
0x4cd: {  	s1 =	sadd.s32 $0x6080, s1;
	s15 =	simm.s32 $0xDC00  }
0x4ce: {  	[hbm4b:s1+s22] =	stream.strided.scatter [tilespmem:s15], [sflag:$0x1], $0x400, s20, s22, $0x38;
	[tilespmem:$0x1A000] =	vst v63  }
0x4cf: {  	_ =	swait.ge [sflag:s18], $0x2000  }
0x4d0: {  	[sflag:s18] =	ssyncset.done $0x0  }
0x4d1: {  	s16 =	simm.s32 $0xE000;
	s1 =	sadd.s32 s0, s9;
	[sflag:s18] =	ssyncadd.s32 $0xFFFFE000  }
0x4d2: {  	[hbm4b:s1+s22] =	stream.strided.scatter [tilespmem:s16], [sflag:$0x1], $0x400, s20, s22, $0x38;
	[tilespmem:$0x1A000] =	vst v63  }
0x4d3: {  	s19 =	simm.s32 $0xE400;
	s17 =	sadd.s32 $0x80, s1  }
0x4d4: {  	[hbm4b:s17+s22] =	stream.strided.scatter [tilespmem:s19], [sflag:$0x1], $0x400, s20, s22, $0x38;
	[tilespmem:$0x1A000] =	vst v63  }
0x4d5: {  	s23 =	simm.s32 $0xE800;
	s21 =	sadd.s32 $0x2000, s1  }
0x4d6: {  	[hbm4b:s21+s22] =	stream.strided.scatter [tilespmem:s23], [sflag:$0x1], $0x400, s20, s22, $0x38;
	[tilespmem:$0x1A000] =	vst v63  }
0x4d7: {  	s25 =	simm.s32 $0xEC00;
	s24 =	sadd.s32 $0x2080, s1  }
0x4d8: {  	[hbm4b:s24+s22] =	stream.strided.scatter [tilespmem:s25], [sflag:$0x1], $0x400, s20, s22, $0x38;
	[tilespmem:$0x1A000] =	vst v63  }
0x4d9: {  	s6 =	simm.s32 $0xF000;
	s4 =	sadd.s32 $0x4000, s1  }
0x4da: {  	[hbm4b:s4+s22] =	stream.strided.scatter [tilespmem:s6], [sflag:$0x1], $0x400, s20, s22, $0x38;
	[tilespmem:$0x1A000] =	vst v63  }
0x4db: {  	s15 =	sadd.s32 $0x4080, s1;
	s16 =	simm.s32 $0xF400  }
0x4dc: {  	[hbm4b:s15+s22] =	stream.strided.scatter [tilespmem:s16], [sflag:$0x1], $0x400, s20, s22, $0x38;
	[tilespmem:$0x1A000] =	vst v63  }
0x4dd: {  	s17 =	sadd.s32 $0x6000, s1;
	s19 =	simm.s32 $0xF800  }
0x4de: {  	[hbm4b:s17+s22] =	stream.strided.scatter [tilespmem:s19], [sflag:$0x1], $0x400, s20, s22, $0x38;
	[tilespmem:$0x1A000] =	vst v63  }
0x4df: {  	s1 =	sadd.s32 $0x6080, s1;
	s21 =	simm.s32 $0xFC00  }
0x4e0: {  	[hbm4b:s1+s22] =	stream.strided.scatter [tilespmem:s21], [sflag:$0x1], $0x400, s20, s22, $0x38;
	[tilespmem:$0x1A000] =	vst v63  }
0x4e1: {  	_ =	swait.ge [sflag:s18], $0x2000  }
0x4e2: {  	[sflag:s18] =	ssyncset.done $0x0  }
0x4e3: {  	s23 =	simm.s32 $0x10000;
	s1 =	sadd.s32 s0, s10;
	[sflag:s18] =	ssyncadd.s32 $0xFFFFE000  }
0x4e4: {  	[hbm4b:s1+s22] =	stream.strided.scatter [tilespmem:s23], [sflag:$0x1], $0x400, s20, s22, $0x38;
	[tilespmem:$0x1A000] =	vst v63  }
0x4e5: {  	s25 =	simm.s32 $0x10400;
	s24 =	sadd.s32 $0x80, s1  }
0x4e6: {  	[hbm4b:s24+s22] =	stream.strided.scatter [tilespmem:s25], [sflag:$0x1], $0x400, s20, s22, $0x38;
	[tilespmem:$0x1A000] =	vst v63  }
0x4e7: {  	s4 =	simm.s32 $0x10800;
	s3 =	sadd.s32 $0x2000, s1  }
0x4e8: {  	[hbm4b:s3+s22] =	stream.strided.scatter [tilespmem:s4], [sflag:$0x1], $0x400, s20, s22, $0x38;
	[tilespmem:$0x1A000] =	vst v63  }
0x4e9: {  	s15 =	simm.s32 $0x10C00;
	s6 =	sadd.s32 $0x2080, s1  }
0x4ea: {  	[hbm4b:s6+s22] =	stream.strided.scatter [tilespmem:s15], [sflag:$0x1], $0x400, s20, s22, $0x38;
	[tilespmem:$0x1A000] =	vst v63  }
0x4eb: {  	s17 =	simm.s32 $0x11000;
	s16 =	sadd.s32 $0x4000, s1  }
0x4ec: {  	[hbm4b:s16+s22] =	stream.strided.scatter [tilespmem:s17], [sflag:$0x1], $0x400, s20, s22, $0x38;
	[tilespmem:$0x1A000] =	vst v63  }
0x4ed: {  	s21 =	simm.s32 $0x11400;
	s19 =	sadd.s32 $0x4080, s1  }
0x4ee: {  	[hbm4b:s19+s22] =	stream.strided.scatter [tilespmem:s21], [sflag:$0x1], $0x400, s20, s22, $0x38;
	[tilespmem:$0x1A000] =	vst v63  }
0x4ef: {  	s23 =	sadd.s32 $0x6000, s1;
	s24 =	simm.s32 $0x11800  }
0x4f0: {  	[hbm4b:s23+s22] =	stream.strided.scatter [tilespmem:s24], [sflag:$0x1], $0x400, s20, s22, $0x38;
	[tilespmem:$0x1A000] =	vst v63  }
0x4f1: {  	s1 =	sadd.s32 $0x6080, s1;
	s25 =	simm.s32 $0x11C00  }
0x4f2: {  	[hbm4b:s1+s22] =	stream.strided.scatter [tilespmem:s25], [sflag:$0x1], $0x400, s20, s22, $0x38;
	[tilespmem:$0x1A000] =	vst v63  }
0x4f3: {  	_ =	swait.ge [sflag:s18], $0x2000  }
0x4f4: {  	[sflag:s18] =	ssyncset.done $0x0  }
0x4f5: {  	s3 =	simm.s32 $0x12000;
	s1 =	sadd.s32 s0, s11;
	[sflag:s18] =	ssyncadd.s32 $0xFFFFE000  }
0x4f6: {  	[hbm4b:s1+s22] =	stream.strided.scatter [tilespmem:s3], [sflag:$0x1], $0x400, s20, s22, $0x38;
	[tilespmem:$0x1A000] =	vst v63  }
0x4f7: {  	s6 =	simm.s32 $0x12400;
	s4 =	sadd.s32 $0x80, s1  }
0x4f8: {  	[hbm4b:s4+s22] =	stream.strided.scatter [tilespmem:s6], [sflag:$0x1], $0x400, s20, s22, $0x38;
	[tilespmem:$0x1A000] =	vst v63  }
0x4f9: {  	s16 =	simm.s32 $0x12800;
	s15 =	sadd.s32 $0x2000, s1  }
0x4fa: {  	[hbm4b:s15+s22] =	stream.strided.scatter [tilespmem:s16], [sflag:$0x1], $0x400, s20, s22, $0x38;
	[tilespmem:$0x1A000] =	vst v63  }
0x4fb: {  	s19 =	simm.s32 $0x12C00;
	s17 =	sadd.s32 $0x2080, s1  }
0x4fc: {  	[hbm4b:s17+s22] =	stream.strided.scatter [tilespmem:s19], [sflag:$0x1], $0x400, s20, s22, $0x38;
	[tilespmem:$0x1A000] =	vst v63  }
0x4fd: {  	s23 =	simm.s32 $0x13000;
	s21 =	sadd.s32 $0x4000, s1  }
0x4fe: {  	[hbm4b:s21+s22] =	stream.strided.scatter [tilespmem:s23], [sflag:$0x1], $0x400, s20, s22, $0x38;
	[tilespmem:$0x1A000] =	vst v63  }
0x4ff: {  	s25 =	simm.s32 $0x13400;
	s24 =	sadd.s32 $0x4080, s1  }
0x500: {  	[hbm4b:s24+s22] =	stream.strided.scatter [tilespmem:s25], [sflag:$0x1], $0x400, s20, s22, $0x38;
	[tilespmem:$0x1A000] =	vst v63  }
0x501: {  	s4 =	sadd.s32 $0x6000, s1;
	s6 =	simm.s32 $0x13800  }
0x502: {  	[hbm4b:s4+s22] =	stream.strided.scatter [tilespmem:s6], [sflag:$0x1], $0x400, s20, s22, $0x38;
	[tilespmem:$0x1A000] =	vst v63  }
0x503: {  	s1 =	sadd.s32 $0x6080, s1;
	s15 =	simm.s32 $0x13C00  }
0x504: {  	[hbm4b:s1+s22] =	stream.strided.scatter [tilespmem:s15], [sflag:$0x1], $0x400, s20, s22, $0x38;
	[tilespmem:$0x1A000] =	vst v63  }
0x505: {  	_ =	swait.ge [sflag:s18], $0x2000  }
0x506: {  	[sflag:s18] =	ssyncset.done $0x0  }
0x507: {  	s16 =	simm.s32 $0x14000;
	s1 =	sadd.s32 s0, s12;
	[sflag:s18] =	ssyncadd.s32 $0xFFFFE000  }
0x508: {  	[hbm4b:s1+s22] =	stream.strided.scatter [tilespmem:s16], [sflag:$0x1], $0x400, s20, s22, $0x38;
	[tilespmem:$0x1A000] =	vst v63  }
0x509: {  	s19 =	simm.s32 $0x14400;
	s17 =	sadd.s32 $0x80, s1  }
0x50a: {  	[hbm4b:s17+s22] =	stream.strided.scatter [tilespmem:s19], [sflag:$0x1], $0x400, s20, s22, $0x38;
	[tilespmem:$0x1A000] =	vst v63  }
0x50b: {  	s23 =	simm.s32 $0x14800;
	s21 =	sadd.s32 $0x2000, s1  }
0x50c: {  	[hbm4b:s21+s22] =	stream.strided.scatter [tilespmem:s23], [sflag:$0x1], $0x400, s20, s22, $0x38;
	[tilespmem:$0x1A000] =	vst v63  }
0x50d: {  	s25 =	simm.s32 $0x14C00;
	s24 =	sadd.s32 $0x2080, s1  }
0x50e: {  	[hbm4b:s24+s22] =	stream.strided.scatter [tilespmem:s25], [sflag:$0x1], $0x400, s20, s22, $0x38;
	[tilespmem:$0x1A000] =	vst v63  }
0x50f: {  	s6 =	simm.s32 $0x15000;
	s4 =	sadd.s32 $0x4000, s1  }
0x510: {  	[hbm4b:s4+s22] =	stream.strided.scatter [tilespmem:s6], [sflag:$0x1], $0x400, s20, s22, $0x38;
	[tilespmem:$0x1A000] =	vst v63  }
0x511: {  	s15 =	sadd.s32 $0x4080, s1;
	s16 =	simm.s32 $0x15400  }
0x512: {  	[hbm4b:s15+s22] =	stream.strided.scatter [tilespmem:s16], [sflag:$0x1], $0x400, s20, s22, $0x38;
	[tilespmem:$0x1A000] =	vst v63  }
0x513: {  	s17 =	sadd.s32 $0x6000, s1;
	s19 =	simm.s32 $0x15800  }
0x514: {  	[hbm4b:s17+s22] =	stream.strided.scatter [tilespmem:s19], [sflag:$0x1], $0x400, s20, s22, $0x38;
	[tilespmem:$0x1A000] =	vst v63  }
0x515: {  	s1 =	sadd.s32 $0x6080, s1;
	s21 =	simm.s32 $0x15C00  }
0x516: {  	[hbm4b:s1+s22] =	stream.strided.scatter [tilespmem:s21], [sflag:$0x1], $0x400, s20, s22, $0x38;
	[tilespmem:$0x1A000] =	vst v63  }
0x517: {  	_ =	swait.ge [sflag:s18], $0x2000  }
0x518: {  	[sflag:s18] =	ssyncset.done $0x0  }
0x519: {  	s23 =	simm.s32 $0x16000;
	s1 =	sadd.s32 s0, s13;
	[sflag:s18] =	ssyncadd.s32 $0xFFFFE000  }
0x51a: {  	[hbm4b:s1+s22] =	stream.strided.scatter [tilespmem:s23], [sflag:$0x1], $0x400, s20, s22, $0x38;
	[tilespmem:$0x1A000] =	vst v63  }
0x51b: {  	s25 =	simm.s32 $0x16400;
	s24 =	sadd.s32 $0x80, s1  }
0x51c: {  	[hbm4b:s24+s22] =	stream.strided.scatter [tilespmem:s25], [sflag:$0x1], $0x400, s20, s22, $0x38;
	[tilespmem:$0x1A000] =	vst v63  }
0x51d: {  	s6 =	simm.s32 $0x16800;
	s4 =	sadd.s32 $0x2000, s1  }
0x51e: {  	[hbm4b:s4+s22] =	stream.strided.scatter [tilespmem:s6], [sflag:$0x1], $0x400, s20, s22, $0x38;
	[tilespmem:$0x1A000] =	vst v63  }
0x51f: {  	s16 =	simm.s32 $0x16C00;
	s15 =	sadd.s32 $0x2080, s1  }
0x520: {  	[hbm4b:s15+s22] =	stream.strided.scatter [tilespmem:s16], [sflag:$0x1], $0x400, s20, s22, $0x38;
	[tilespmem:$0x1A000] =	vst v63  }
0x521: {  	s19 =	simm.s32 $0x17000;
	s17 =	sadd.s32 $0x4000, s1  }
0x522: {  	[hbm4b:s17+s22] =	stream.strided.scatter [tilespmem:s19], [sflag:$0x1], $0x400, s20, s22, $0x38;
	[tilespmem:$0x1A000] =	vst v63  }
0x523: {  	s21 =	sadd.s32 $0x4080, s1;
	s23 =	simm.s32 $0x17400  }
0x524: {  	[hbm4b:s21+s22] =	stream.strided.scatter [tilespmem:s23], [sflag:$0x1], $0x400, s20, s22, $0x38;
	[tilespmem:$0x1A000] =	vst v63  }
0x525: {  	s24 =	sadd.s32 $0x6000, s1;
	s25 =	simm.s32 $0x17800  }
0x526: {  	[hbm4b:s24+s22] =	stream.strided.scatter [tilespmem:s25], [sflag:$0x1], $0x400, s20, s22, $0x38;
	[tilespmem:$0x1A000] =	vst v63  }
0x527: {  	s3 =	simm.s32 $0x17C00;
	s1 =	sadd.s32 $0x6080, s1  }
0x528: {  	[hbm4b:s1+s22] =	stream.strided.scatter [tilespmem:s3], [sflag:$0x1], $0x400, s20, s22, $0x38;
	[tilespmem:$0x1A000] =	vst v63  }
0x529: {  	_ =	swait.ge [sflag:s18], $0x2000  }
0x52a: {  	[sflag:s18] =	ssyncset.done $0x0  }
0x52b: {  	s0 =	sadd.s32 s0, s14;
	s4 =	simm.s32 $0x18000;
	[sflag:s18] =	ssyncadd.s32 $0xFFFFE000  }
0x52c: {  	[hbm4b:s0+s22] =	stream.strided.scatter [tilespmem:s4], [sflag:$0x1], $0x400, s20, s22, $0x38;
	[tilespmem:$0x1A000] =	vst v63  }
0x52d: {  	s6 =	sadd.s32 $0x80, s0;
	s15 =	simm.s32 $0x18400  }
0x52e: {  	[hbm4b:s6+s22] =	stream.strided.scatter [tilespmem:s15], [sflag:$0x1], $0x400, s20, s22, $0x38;
	[tilespmem:$0x1A000] =	vst v63  }
0x52f: {  	s16 =	sadd.s32 $0x2000, s0;
	s17 =	simm.s32 $0x18800  }
0x530: {  	[hbm4b:s16+s22] =	stream.strided.scatter [tilespmem:s17], [sflag:$0x1], $0x400, s20, s22, $0x38;
	[tilespmem:$0x1A000] =	vst v63  }
0x531: {  	s19 =	sadd.s32 $0x2080, s0;
	s21 =	simm.s32 $0x18C00  }
0x532: {  	[hbm4b:s19+s22] =	stream.strided.scatter [tilespmem:s21], [sflag:$0x1], $0x400, s20, s22, $0x38;
	[tilespmem:$0x1A000] =	vst v63  }
0x533: {  	s23 =	sadd.s32 $0x4000, s0  }
0x534: {  	[hbm4b:s23+s22] =	stream.strided.scatter [tilespmem:s26], [sflag:$0x1], $0x400, s20, s22, $0x38;
	[tilespmem:$0x1A000] =	vst v63  }
0x535: {  	s31 =	sadd.s32 $0x1, s31;
	s24 =	sadd.s32 $0x4080, s0  }
0x536: {  	[hbm4b:s24+s22] =	stream.strided.scatter [tilespmem:s28], [sflag:$0x1], $0x400, s20, s22, $0x38;
	[tilespmem:$0x1A000] =	vst v63  }
0x537: {  	p0 =	sne.s32 s31, $0x10;
	s25 =	sadd.s32 $0x6000, s0  }
0x538: {  	[hbm4b:s25+s22] =	stream.strided.scatter [tilespmem:s29], [sflag:$0x1], $0x400, s20, s22, $0x38;
	[tilespmem:$0x1A000] =	vst v63  }
.Ltmp6:
0x539: {  	s0 =	sadd.s32 $0x6080, s0;
	(pc) =	sbr.rel @p0 .LBB2_3-.Ltmp6, $4  }
0x53a: {  	[hbm4b:s0+s22] =	stream.strided.scatter [tilespmem:s30], [sflag:$0x1], $0x400, s20, s22, $0x38;
	[tilespmem:$0x1A000] =	vst v63  }
0x53b: {  	_ =	swait.ge [sflag:s18], $0x2000  }
0x53c: {  	[sflag:s18] =	ssyncset.done $0x0  }
0x53d: {  	[sflag:s18] =	ssyncadd.s32 $0xFFFFE000  }
0x53e: {  	s1 =	rddreg [dreg:$0x6]  }
0x53f: {  	s0 =	rddreg [dreg:$0x5];
	s1 =	sadd.s32 $0x1, s1  }
0x540: {  	p0 =	sne.s32 s1, s0  }
.Ltmp7:
0x541: {  	_ = 	snop;
	(pc) =	sbr.rel @p0 .LBB2_1-.Ltmp7, $1  }
0x542: {  	_ =	sdelay $0x3  }
0x543: {  	_ =	sfence.sel $0x180000  }
0x544: {  	[bflag:$0x0] =	sbarrier.arrive $0xFFFF  }
0x545: {  	_ =	strace $0x90000047  }
0x546: {  	s0 =	stileid.u32;
	[bflag:$0x2] =	sbarrier.arrive $0xFFFF  }
0x547: {  	p0 =	sne.s32 s0, $0x0;
	s0 =	rddreg [dreg:$0x3]  }
0x548: {  	s0 =	sadd.s32 @!p0 $0x100000, s0  }
0x549: {  	[sflag:s0] =	ssyncadd.tile.s32 @!p0 $0x1;
	_ =	shalt  }
.Lfunc_end2:
_tile_overlayer_lowered:
.L_overlay_start_2:
0x54a: {  	(tag) =	ssettag $0x2  }
0x54b: {  	s0 =	rddreg [dreg:$0x0];
	s2 =	stileid.u32  }
0x54c: {  	s1 =	rddreg [dreg:$0x1];
	p0 =	sne.s32 s2, $0x0  }
0x54d: {  	s3 =	rddreg [dreg:$0x2];
	[bflag:$0x3] =	sbarrier.arrive $0xFFFF;
	s2 =	simm.s32 @!p0 $0x1C01  }
0x54e: {  	[timem:s3], [sflag:s2] =	dma.local @!p0 [hbm:s0], s1  }
0x54f: {  	s0 =	simm.s32 @!p0 $0x1  }
0x550: {  	_ =	swait.ge @!p0 [sflag:s0], s1  }
0x551: {  	s1 =	ssub.s32 @!p0 $0x0, s1;
	[sflag:s0] =	ssyncset.done @!p0 $0x0  }
0x552: {  	[sflag:s0] =	ssyncadd.s32 @!p0 s1  }
0x553: {  	[bflag:$0x3] =	sbarrier.arrive $0xFFFF  }
0x554: {  	_ =	shalt  }

</sc_bundles>
